<compile_context>
chip_gen: v7x
topology: tpu7x:2x2x1
jax: 0.10.2.dev20260603
libtpu: 0.0.44.dev20260713+nightly
codegen_flags: <defaults>
</compile_context>

<pallas_src>
import functools

import jax
import jax.numpy as jnp
from jax import lax
from jax.experimental import pallas as pl
from jax.experimental.pallas import tpu as pltpu
from jax.experimental.pallas import tpu_sc as plsc

NUM_PROPOSALS = 1000
NMS_THR = 0.5
SCORE_THR = 0.05
M = 6000
MPAD = 6080
L = 16
UNROLL = 4
NW = 16
B = 64
CPB = B // NW
BPAD = B + L
KSZ = 1088
KOUT = 1024

_GATHER_DNUMS = lax.GatherDimensionNumbers(
    offset_dims=(), collapsed_slice_dims=(0,), start_index_map=(0,)
)


def _broadcast_lane(vec, lane):
    idx = jnp.full((L, 1), lane, jnp.int32)
    return lax.gather(
        vec, idx, _GATHER_DNUMS, (1,),
        mode=lax.GatherScatterMode.PROMISE_IN_BOUNDS,
    )


def _any_hit(acc):
    return plsc.all_reduce_population_count(acc > NMS_THR)[0] > 0


def _nms_body(x1h, y1h, x2h, y2h, ssh,
              ox1h, oy1h, ox2h, oy2h, osch,
              x1v, y1v, x2v, y2v, ssv,
              ox1, oy1, ox2, oy2, osc, kav,
              sbuf, fstage, istage,
              skx1, sky1, skx2, sky2, ska, ssup, smeta):
    cid = lax.axis_index("c")
    wid = lax.axis_index("s")

    @pl.when(cid == 0)
    def _():
        pltpu.sync_copy(x1h, x1v)
        pltpu.sync_copy(y1h, y1v)
        pltpu.sync_copy(x2h, x2v)
        pltpu.sync_copy(y2h, y2v)
        pltpu.sync_copy(ssh, ssv)

        zeros16 = jnp.zeros((L,), jnp.float32)

        def zero_block(c, carry):
            ox1[pl.ds(c * L, L)] = zeros16
            oy1[pl.ds(c * L, L)] = zeros16
            ox2[pl.ds(c * L, L)] = zeros16
            oy2[pl.ds(c * L, L)] = zeros16
            osc[pl.ds(c * L, L)] = zeros16
            kav[pl.ds(c * L, L)] = zeros16
            return carry

        lax.fori_loop(0, KSZ // L, zero_block, 0)

        lane_ids = lax.broadcasted_iota(jnp.int32, (L,), 0)
        mask0 = lane_ids == 0

        def load_cand(i):
            base = (i // L) * L
            lane = i - base
            cx1 = _broadcast_lane(x1v[pl.ds(base, L)], lane)
            cy1 = _broadcast_lane(y1v[pl.ds(base, L)], lane)
            cx2 = _broadcast_lane(x2v[pl.ds(base, L)], lane)
            cy2 = _broadcast_lane(y2v[pl.ds(base, L)], lane)
            ca = jnp.maximum(cx2 - cx1, 0.0) * jnp.maximum(cy2 - cy1, 0.0)
            return cx1, cy1, cx2, cy2, ca

        def append(box, kidx_scalar, score):
            cx1, cy1, cx2, cy2, ca = box
            kidx = jnp.full((L,), kidx_scalar, jnp.int32)
            plsc.store_scatter(ox1, [kidx], cx1, mask=mask0)
            plsc.store_scatter(oy1, [kidx], cy1, mask=mask0)
            plsc.store_scatter(ox2, [kidx], cx2, mask=mask0)
            plsc.store_scatter(oy2, [kidx], cy2, mask=mask0)
            plsc.store_scatter(osc, [kidx], jnp.full((L,), score), mask=mask0)
            plsc.store_scatter(kav, [kidx], ca, mask=mask0)

        def pair_flags(ia, i0, p, k0):
            ax1, ay1, ax2, ay2, aa = load_cand(ia)
            bx1, by1, bx2, by2, ba = load_cand(ia + 1)
            nch = (k0 + (UNROLL * L - 1)) // (UNROLL * L)

            def chunk(c, accs):
                acca, accb = accs
                for u in range(UNROLL):
                    off = c * (UNROLL * L) + u * L
                    kx1 = ox1[pl.ds(off, L)]
                    ky1 = oy1[pl.ds(off, L)]
                    kx2 = ox2[pl.ds(off, L)]
                    ky2 = oy2[pl.ds(off, L)]
                    ka = kav[pl.ds(off, L)]
                    iwa = jnp.maximum(jnp.minimum(ax2, kx2) - jnp.maximum(ax1, kx1), 0.0)
                    iha = jnp.maximum(jnp.minimum(ay2, ky2) - jnp.maximum(ay1, ky1), 0.0)
                    intera = iwa * iha
                    acca = jnp.maximum(acca, intera / jnp.maximum(aa + ka - intera, 1e-9))
                    iwb = jnp.maximum(jnp.minimum(bx2, kx2) - jnp.maximum(bx1, kx1), 0.0)
                    ihb = jnp.maximum(jnp.minimum(by2, ky2) - jnp.maximum(by1, ky1), 0.0)
                    interb = iwb * ihb
                    accb = jnp.maximum(accb, interb / jnp.maximum(ba + ka - interb, 1e-9))
                return acca, accb

            acca, accb = lax.fori_loop(0, nch, chunk, (zeros16, zeros16))

            def inblk(t, accs):
                da, db = accs
                off = i0 + t * L
                kx1 = x1v[pl.ds(off, L)]
                ky1 = y1v[pl.ds(off, L)]
                kx2 = x2v[pl.ds(off, L)]
                ky2 = y2v[pl.ds(off, L)]
                ka = (jnp.maximum(kx2 - kx1, 0.0)
                      * jnp.maximum(ky2 - ky1, 0.0))
                lim = p - t * L
                iwa = jnp.maximum(jnp.minimum(ax2, kx2) - jnp.maximum(ax1, kx1), 0.0)
                iha = jnp.maximum(jnp.minimum(ay2, ky2) - jnp.maximum(ay1, ky1), 0.0)
                intera = iwa * iha
                ioua = intera / jnp.maximum(aa + ka - intera, 1e-9)
                da = jnp.maximum(da, jnp.where(lane_ids < lim, ioua, 0.0))
                iwb = jnp.maximum(jnp.minimum(bx2, kx2) - jnp.maximum(bx1, kx1), 0.0)
                ihb = jnp.maximum(jnp.minimum(by2, ky2) - jnp.maximum(by1, ky1), 0.0)
                interb = iwb * ihb
                ioub = interb / jnp.maximum(ba + ka - interb, 1e-9)
                db = jnp.maximum(db, jnp.where(lane_ids < lim + 1, ioub, 0.0))
                return da, db

            da, db = lax.fori_loop(0, p // L + 1, inblk, (zeros16, zeros16))
            fa = (jnp.where(_any_hit(acca), 2.0, 0.0)
                  + jnp.where(_any_hit(da), 1.0, 0.0))
            fb = (jnp.where(_any_hit(accb), 2.0, 0.0)
                  + jnp.where(_any_hit(db), 1.0, 0.0))
            return fa, fb

        def cond(state):
            b, kept, s = state
            return (b * B < M) & (kept < NUM_PROPOSALS) & (s > SCORE_THR)

        def body(state):
            b, kept, s = state
            i0 = b * B
            k0 = kept
            k0c = k0 // L
            k0a = k0c * L

            flags = zeros16
            for q in range(CPB // 2):
                p = wid * CPB + 2 * q
                fa, fb = pair_flags(i0 + p, i0, p, k0)
                flags = (flags
                         + jnp.where(lane_ids == 2 * q, fa, 0.0)
                         + jnp.where(lane_ids == 2 * q + 1, fb, 0.0))
            fstage[...] = flags
            pltpu.sync_copy(fstage, ssup.at[pl.ds(wid * L, L)])
            plsc.subcore_barrier()

            @pl.when(wid == 0)
            def _serial():
                pltpu.sync_copy(ssup, sbuf)

                def jbody(j, kj):
                    idx = i0 + j
                    base = (idx // L) * L
                    sj = _broadcast_lane(ssv[pl.ds(base, L)], idx - base)[0]
                    w = j // CPB
                    fj = _broadcast_lane(sbuf[pl.ds(w * L, L)], j - w * CPB)[0]
                    alive = ((sj > SCORE_THR) & (fj < 1.5)
                             & (kj < NUM_PROPOSALS))

                    def live():
                        box = load_cand(idx)
                        cx1, cy1, cx2, cy2, ca = box

                        def dirty_test():
                            cend = (kj + (L - 1)) // L

                            def ch1(c, acc):
                                kx1 = ox1[pl.ds(c * L, L)]
                                ky1 = oy1[pl.ds(c * L, L)]
                                kx2 = ox2[pl.ds(c * L, L)]
                                ky2 = oy2[pl.ds(c * L, L)]
                                ka = kav[pl.ds(c * L, L)]
                                iw = jnp.maximum(jnp.minimum(cx2, kx2) - jnp.maximum(cx1, kx1), 0.0)
                                ih = jnp.maximum(jnp.minimum(cy2, ky2) - jnp.maximum(cy1, ky1), 0.0)
                                inter = iw * ih
                                return jnp.maximum(acc, inter / jnp.maximum(ca + ka - inter, 1e-9))

                            acc = lax.fori_loop(k0c, cend, ch1, zeros16)
                            return _any_hit(acc)

                        supp = lax.cond(fj > 0.5, dirty_test,
                                        lambda: jnp.bool_(False))

                        @pl.when(jnp.logical_not(supp))
                        def _():
                            append(box, kj, sj)

                        return kj + jnp.where(supp, 0, 1)

                    return lax.cond(alive, live, lambda: kj)

                kept_new = lax.fori_loop(0, B, jbody, kept)
                pltpu.sync_copy(ox1.at[pl.ds(k0a, BPAD)], skx1.at[pl.ds(k0a, BPAD)])
                pltpu.sync_copy(oy1.at[pl.ds(k0a, BPAD)], sky1.at[pl.ds(k0a, BPAD)])
                pltpu.sync_copy(ox2.at[pl.ds(k0a, BPAD)], skx2.at[pl.ds(k0a, BPAD)])
                pltpu.sync_copy(oy2.at[pl.ds(k0a, BPAD)], sky2.at[pl.ds(k0a, BPAD)])
                pltpu.sync_copy(kav.at[pl.ds(k0a, BPAD)], ska.at[pl.ds(k0a, BPAD)])
                istage[...] = jnp.full((L,), kept_new, jnp.int32)
                pltpu.sync_copy(istage, smeta)

            plsc.subcore_barrier()

            pltpu.sync_copy(smeta, istage)
            kept2 = istage[...][0]

            @pl.when(wid != 0)
            def _pull():
                pltpu.sync_copy(skx1.at[pl.ds(k0a, BPAD)], ox1.at[pl.ds(k0a, BPAD)])
                pltpu.sync_copy(sky1.at[pl.ds(k0a, BPAD)], oy1.at[pl.ds(k0a, BPAD)])
                pltpu.sync_copy(skx2.at[pl.ds(k0a, BPAD)], ox2.at[pl.ds(k0a, BPAD)])
                pltpu.sync_copy(sky2.at[pl.ds(k0a, BPAD)], oy2.at[pl.ds(k0a, BPAD)])
                pltpu.sync_copy(ska.at[pl.ds(k0a, BPAD)], kav.at[pl.ds(k0a, BPAD)])

            b2 = b + 1
            sn = ssv[pl.ds(b2 * B, L)][0]
            return (b2, kept2, sn)

        s0 = ssv[pl.ds(0, L)][0]
        lax.while_loop(cond, body, (jnp.int32(0), jnp.int32(0), s0))

        @pl.when(wid == 0)
        def _out():
            pltpu.sync_copy(ox1.at[pl.ds(0, KOUT)], ox1h)
            pltpu.sync_copy(oy1.at[pl.ds(0, KOUT)], oy1h)
            pltpu.sync_copy(ox2.at[pl.ds(0, KOUT)], ox2h)
            pltpu.sync_copy(oy2.at[pl.ds(0, KOUT)], oy2h)
            pltpu.sync_copy(osc.at[pl.ds(0, KOUT)], osch)


_f32 = jnp.float32
_i32 = jnp.int32
_out1k = jax.ShapeDtypeStruct((KOUT,), _f32)


@functools.cache
def _nms_call():
    return functools.partial(
        pl.kernel,
        out_type=(_out1k,) * 5,
        mesh=plsc.VectorSubcoreMesh(core_axis_name="c", subcore_axis_name="s"),
        scratch_types=(
            [pltpu.VMEM((MPAD,), _f32)] * 5
            + [pltpu.VMEM((KSZ,), _f32)] * 6
            + [pltpu.VMEM((NW * L,), _f32),
               pltpu.VMEM((L,), _f32),
               pltpu.VMEM((L,), _i32)]
            + [pltpu.VMEM_SHARED((KSZ,), _f32)] * 5
            + [pltpu.VMEM_SHARED((NW * L,), _f32),
               pltpu.VMEM_SHARED((L,), _i32)]
        ),
        compiler_params=pltpu.CompilerParams(needs_layout_passes=False),
    )(_nms_body)


@jax.jit
def kernel(cache_boxes, proposal_boxes, proposal_logits):
    scores_new = jax.nn.sigmoid(proposal_logits)
    merged_boxes = jnp.concatenate([cache_boxes[:, :4], proposal_boxes], axis=0)
    merged_scores = jnp.concatenate([cache_boxes[:, 4], scores_new], axis=0)
    eff = jnp.where(merged_scores > SCORE_THR, merged_scores, -jnp.inf)
    order = jnp.argsort(-eff)
    sb = merged_boxes[order]
    ss = eff[order]
    pad = MPAD - M
    x1 = jnp.pad(sb[:, 0], (0, pad))
    y1 = jnp.pad(sb[:, 1], (0, pad))
    x2 = jnp.pad(sb[:, 2], (0, pad))
    y2 = jnp.pad(sb[:, 3], (0, pad))
    ssp = jnp.pad(ss, (0, pad), constant_values=-jnp.inf)
    ox1, oy1, ox2, oy2, osc = _nms_call()(x1, y1, x2, y2, ssp)
    out = jnp.stack([ox1, oy1, ox2, oy2, osc], axis=1)
    return out[:NUM_PROPOSALS]

# --- scband reference (transcript-rebuilt; emitter-appended) ---
"""Pipeline reference for scband-boxes-cache-29661044146320 (READ-ONLY COPY).

The authoritative reference and input builder live on the scoring server;
editing this copy changes nothing except your own understanding.
"""

import jax, jax.numpy as jnp
import numpy as np

NUM_PROPOSALS = 1000
N_NEW = 5000
NMS_THR = 0.5
SCORE_THR = 0.05
IMG = 800.0


def _make_boxes(key, n):
    k1, k2, k3, k4 = jax.random.split(key, 4)
    x1 = jax.random.uniform(k1, (n,)) * (IMG - 64.0)
    y1 = jax.random.uniform(k2, (n,)) * (IMG - 64.0)
    w = jax.random.uniform(k3, (n,)) * 128.0 + 4.0
    h = jax.random.uniform(k4, (n,)) * 128.0 + 4.0
    return jnp.stack([x1, y1, x1 + w, y1 + h], axis=1)


def setup_inputs(seed: int = 0):
    key = jax.random.key(seed)
    ka, kb, kc, kd = jax.random.split(key, 4)
    cache_b = _make_boxes(ka, NUM_PROPOSALS)
    cache_s = jax.random.uniform(kb, (NUM_PROPOSALS,))
    cache_boxes = jnp.concatenate([cache_b, cache_s[:, None]], axis=1)
    proposal_boxes = _make_boxes(kc, N_NEW)
    proposal_logits = jax.random.normal(kd, (N_NEW,))
    return {"cache_boxes": cache_boxes, "proposal_boxes": proposal_boxes, "proposal_logits": proposal_logits}


def _iou_matrix(boxes):
    x1, y1, x2, y2 = boxes[:, 0], boxes[:, 1], boxes[:, 2], boxes[:, 3]
    area = jnp.clip(x2 - x1, 0.0) * jnp.clip(y2 - y1, 0.0)
    iw = jnp.clip(jnp.minimum(x2[:, None], x2[None, :]) - jnp.maximum(x1[:, None], x1[None, :]), 0.0)
    ih = jnp.clip(jnp.minimum(y2[:, None], y2[None, :]) - jnp.maximum(y1[:, None], y1[None, :]), 0.0)
    inter = iw * ih
    union = area[:, None] + area[None, :] - inter
    return inter / jnp.maximum(union, 1e-9)


def _nms_keep(sorted_boxes, sorted_scores, thr):
    M = sorted_boxes.shape[0]
    iou = _iou_matrix(sorted_boxes)
    idx = jnp.arange(M)
    supp0 = jnp.logical_not(sorted_scores > -jnp.inf)

    def body(i, supp):
        cur = supp[i]
        row = (iou[i] > thr) & (idx > i) & jnp.logical_not(cur)
        return supp | row

    supp = jax.lax.fori_loop(0, M, body, supp0)
    return jnp.logical_not(supp)


def _inverse_sigmoid(x, eps=1e-5):
    x = jnp.clip(x, 0.0, 1.0)
    x1 = jnp.clip(x, eps, None)
    x2 = jnp.clip(1.0 - x, eps, None)
    return jnp.log(x1 / x2)


def reference(cache_boxes, proposal_boxes, proposal_logits):
    # BoxesCache.update for one image: merge cached boxes with new proposals,
    # score-threshold, greedy NMS, keep top num_proposals survivors as the new cache row.
    scores_new = jax.nn.sigmoid(proposal_logits)
    merged_boxes = jnp.concatenate([cache_boxes[:, :4], proposal_boxes], axis=0)
    merged_scores = jnp.concatenate([cache_boxes[:, 4], scores_new], axis=0)
    eff = jnp.where(merged_scores > SCORE_THR, merged_scores, -jnp.inf)
    order = jnp.argsort(-eff)
    sb = merged_boxes[order]
    ss = eff[order]
    keep = _nms_keep(sb, ss, NMS_THR)
    kept_eff = jnp.where(keep, ss, -jnp.inf)
    _, topi = jax.lax.top_k(kept_eff, NUM_PROPOSALS)
    valid_sel = keep[topi]
    sel_boxes = sb[topi]
    sel_scores = merged_scores[order][topi]
    updated_cache = jnp.where(valid_sel[:, None], jnp.concatenate([sel_boxes, sel_scores[:, None]], axis=1), 0.0)
    return updated_cache

if __name__ == "__main__":
    import jax
    _d = setup_inputs()
    print(jax.jit(kernel)(*tuple(_d.values())))

</pallas_src>

<mosaic_0001>
#map = affine_map<(d0, d1) -> (0)>
module attributes {stable_mosaic.version = 14 : i64} {
  func.func @_nms_body(%arg0: i32, %arg1: i32, %arg2: memref<6080xf32, #tpu.memory_space<hbm>>, %arg3: memref<6080xf32, #tpu.memory_space<hbm>>, %arg4: memref<6080xf32, #tpu.memory_space<hbm>>, %arg5: memref<6080xf32, #tpu.memory_space<hbm>>, %arg6: memref<6080xf32, #tpu.memory_space<hbm>>, %arg7: memref<1024xf32, #tpu.memory_space<hbm>>, %arg8: memref<1024xf32, #tpu.memory_space<hbm>>, %arg9: memref<1024xf32, #tpu.memory_space<hbm>>, %arg10: memref<1024xf32, #tpu.memory_space<hbm>>, %arg11: memref<1024xf32, #tpu.memory_space<hbm>>, %arg12: memref<6080xf32, #tpu.memory_space<vmem>>, %arg13: memref<6080xf32, #tpu.memory_space<vmem>>, %arg14: memref<6080xf32, #tpu.memory_space<vmem>>, %arg15: memref<6080xf32, #tpu.memory_space<vmem>>, %arg16: memref<6080xf32, #tpu.memory_space<vmem>>, %arg17: memref<1088xf32, #tpu.memory_space<vmem>>, %arg18: memref<1088xf32, #tpu.memory_space<vmem>>, %arg19: memref<1088xf32, #tpu.memory_space<vmem>>, %arg20: memref<1088xf32, #tpu.memory_space<vmem>>, %arg21: memref<1088xf32, #tpu.memory_space<vmem>>, %arg22: memref<1088xf32, #tpu.memory_space<vmem>>, %arg23: memref<256xf32, #tpu.memory_space<vmem>>, %arg24: memref<16xf32, #tpu.memory_space<vmem>>, %arg25: memref<16xi32, #tpu.memory_space<vmem>>, %arg26: memref<1088xf32, #tpu.memory_space<vmem_shared>>, %arg27: memref<1088xf32, #tpu.memory_space<vmem_shared>>, %arg28: memref<1088xf32, #tpu.memory_space<vmem_shared>>, %arg29: memref<1088xf32, #tpu.memory_space<vmem_shared>>, %arg30: memref<1088xf32, #tpu.memory_space<vmem_shared>>, %arg31: memref<256xf32, #tpu.memory_space<vmem_shared>>, %arg32: memref<16xi32, #tpu.memory_space<vmem_shared>>) attributes {dimension_semantics = [#tpu.dimension_semantics<core_parallel>, #tpu.dimension_semantics<subcore_parallel>], iteration_bounds = array<i64: 2, 16>, scalar_prefetch = 0 : i64, scratch_operands = 21 : i64, tpu.core_type = #tpu.core_type<sc_vector_subcore>, window_params = [{transform_indices = #map}, {transform_indices = #map}, {transform_indices = #map}, {transform_indices = #map}, {transform_indices = #map}, {transform_indices = #map}, {transform_indices = #map}, {transform_indices = #map}, {transform_indices = #map}, {transform_indices = #map}]} {
    %eq3A = arith.constant 0 : i32
    %eq3A_0 = arith.cmpi eq, %arg0, %eq3A : i32
    %convert_element_type3A = arith.extui %eq3A_0 : i1 to i32
    %cond3A = arith.constant 0 : i32
    %cond3A_1 = arith.cmpi ne, %convert_element_type3A, %cond3A : i32
    scf.if %cond3A_1 {
      "tpu.region"() ({
        %run_scoped3A = tpu.sem_alloc : memref<!tpu.dma_semaphore, #tpu.memory_space<semaphore_mem>>
        tpu.enqueue_dma source(%arg2 : memref<6080xf32, #tpu.memory_space<hbm>>) target(%arg12 : memref<6080xf32, #tpu.memory_space<vmem>>) target_semaphore(%run_scoped3A : memref<!tpu.dma_semaphore, #tpu.memory_space<semaphore_mem>>)
        tpu.wait_dma2 semaphore(%run_scoped3A : memref<!tpu.dma_semaphore, #tpu.memory_space<semaphore_mem>>) src(%arg2 : memref<6080xf32, #tpu.memory_space<hbm>>) dst(%arg12 : memref<6080xf32, #tpu.memory_space<vmem>>)
        tpu.yield
      }) : () -> ()
      "tpu.region"() ({
        %run_scoped3A = tpu.sem_alloc : memref<!tpu.dma_semaphore, #tpu.memory_space<semaphore_mem>>
        tpu.enqueue_dma source(%arg3 : memref<6080xf32, #tpu.memory_space<hbm>>) target(%arg13 : memref<6080xf32, #tpu.memory_space<vmem>>) target_semaphore(%run_scoped3A : memref<!tpu.dma_semaphore, #tpu.memory_space<semaphore_mem>>)
        tpu.wait_dma2 semaphore(%run_scoped3A : memref<!tpu.dma_semaphore, #tpu.memory_space<semaphore_mem>>) src(%arg3 : memref<6080xf32, #tpu.memory_space<hbm>>) dst(%arg13 : memref<6080xf32, #tpu.memory_space<vmem>>)
        tpu.yield
      }) : () -> ()
      "tpu.region"() ({
        %run_scoped3A = tpu.sem_alloc : memref<!tpu.dma_semaphore, #tpu.memory_space<semaphore_mem>>
        tpu.enqueue_dma source(%arg4 : memref<6080xf32, #tpu.memory_space<hbm>>) target(%arg14 : memref<6080xf32, #tpu.memory_space<vmem>>) target_semaphore(%run_scoped3A : memref<!tpu.dma_semaphore, #tpu.memory_space<semaphore_mem>>)
        tpu.wait_dma2 semaphore(%run_scoped3A : memref<!tpu.dma_semaphore, #tpu.memory_space<semaphore_mem>>) src(%arg4 : memref<6080xf32, #tpu.memory_space<hbm>>) dst(%arg14 : memref<6080xf32, #tpu.memory_space<vmem>>)
        tpu.yield
      }) : () -> ()
      "tpu.region"() ({
        %run_scoped3A = tpu.sem_alloc : memref<!tpu.dma_semaphore, #tpu.memory_space<semaphore_mem>>
        tpu.enqueue_dma source(%arg5 : memref<6080xf32, #tpu.memory_space<hbm>>) target(%arg15 : memref<6080xf32, #tpu.memory_space<vmem>>) target_semaphore(%run_scoped3A : memref<!tpu.dma_semaphore, #tpu.memory_space<semaphore_mem>>)
        tpu.wait_dma2 semaphore(%run_scoped3A : memref<!tpu.dma_semaphore, #tpu.memory_space<semaphore_mem>>) src(%arg5 : memref<6080xf32, #tpu.memory_space<hbm>>) dst(%arg15 : memref<6080xf32, #tpu.memory_space<vmem>>)
        tpu.yield
      }) : () -> ()
      "tpu.region"() ({
        %run_scoped3A = tpu.sem_alloc : memref<!tpu.dma_semaphore, #tpu.memory_space<semaphore_mem>>
        tpu.enqueue_dma source(%arg6 : memref<6080xf32, #tpu.memory_space<hbm>>) target(%arg16 : memref<6080xf32, #tpu.memory_space<vmem>>) target_semaphore(%run_scoped3A : memref<!tpu.dma_semaphore, #tpu.memory_space<semaphore_mem>>)
        tpu.wait_dma2 semaphore(%run_scoped3A : memref<!tpu.dma_semaphore, #tpu.memory_space<semaphore_mem>>) src(%arg6 : memref<6080xf32, #tpu.memory_space<hbm>>) dst(%arg16 : memref<6080xf32, #tpu.memory_space<vmem>>)
        tpu.yield
      }) : () -> ()
      %broadcast_in_dim3A = arith.constant 0.000000e+00 : f32
      %broadcast_in_dim3A_2 = vector.broadcast %broadcast_in_dim3A : f32 to vector<16xf32>
      %scan3A = arith.constant 0 : i32
      %scan3A_3 = arith.constant 0 : i32
      %scan3A_4 = arith.constant 68 : i32
      %scan3A_5 = arith.addi %scan3A_3, %scan3A_4 : i32
      %scan3A_6 = arith.constant 1 : i32
      scf.for %scan3A_19 = %scan3A_3 to %scan3A_5 step %scan3A_6  : i32 {
        %mul3A = arith.constant 16 : i32
        %mul3A_20 = arith.muli %scan3A_19, %mul3A : i32
        %swap3A = arith.index_cast %mul3A_20 : i32 to index
        %swap3A_21 = tpu.vector_load %arg17[%swap3A] {strides = array<i32>} : memref<1088xf32, #tpu.memory_space<vmem>>, vector<16xf32>,
        tpu.vector_store %arg17[%swap3A], %broadcast_in_dim3A_2 {strides = array<i32>} : memref<1088xf32, #tpu.memory_space<vmem>>, vector<16xf32>,
        %mul3A_22 = arith.constant 16 : i32
        %mul3A_23 = arith.muli %scan3A_19, %mul3A_22 : i32
        %swap3A_24 = arith.index_cast %mul3A_23 : i32 to index
        %swap3A_25 = tpu.vector_load %arg18[%swap3A_24] {strides = array<i32>} : memref<1088xf32, #tpu.memory_space<vmem>>, vector<16xf32>,
        tpu.vector_store %arg18[%swap3A_24], %broadcast_in_dim3A_2 {strides = array<i32>} : memref<1088xf32, #tpu.memory_space<vmem>>, vector<16xf32>,
        %mul3A_26 = arith.constant 16 : i32
        %mul3A_27 = arith.muli %scan3A_19, %mul3A_26 : i32
        %swap3A_28 = arith.index_cast %mul3A_27 : i32 to index
        %swap3A_29 = tpu.vector_load %arg19[%swap3A_28] {strides = array<i32>} : memref<1088xf32, #tpu.memory_space<vmem>>, vector<16xf32>,
        tpu.vector_store %arg19[%swap3A_28], %broadcast_in_dim3A_2 {strides = array<i32>} : memref<1088xf32, #tpu.memory_space<vmem>>, vector<16xf32>,
        %mul3A_30 = arith.constant 16 : i32
        %mul3A_31 = arith.muli %scan3A_19, %mul3A_30 : i32
        %swap3A_32 = arith.index_cast %mul3A_31 : i32 to index
        %swap3A_33 = tpu.vector_load %arg20[%swap3A_32] {strides = array<i32>} : memref<1088xf32, #tpu.memory_space<vmem>>, vector<16xf32>,
        tpu.vector_store %arg20[%swap3A_32], %broadcast_in_dim3A_2 {strides = array<i32>} : memref<1088xf32, #tpu.memory_space<vmem>>, vector<16xf32>,
        %mul3A_34 = arith.constant 16 : i32
        %mul3A_35 = arith.muli %scan3A_19, %mul3A_34 : i32
        %swap3A_36 = arith.index_cast %mul3A_35 : i32 to index
        %swap3A_37 = tpu.vector_load %arg21[%swap3A_36] {strides = array<i32>} : memref<1088xf32, #tpu.memory_space<vmem>>, vector<16xf32>,
        tpu.vector_store %arg21[%swap3A_36], %broadcast_in_dim3A_2 {strides = array<i32>} : memref<1088xf32, #tpu.memory_space<vmem>>, vector<16xf32>,
        %mul3A_38 = arith.constant 16 : i32
        %mul3A_39 = arith.muli %scan3A_19, %mul3A_38 : i32
        %swap3A_40 = arith.index_cast %mul3A_39 : i32 to index
        %swap3A_41 = tpu.vector_load %arg22[%swap3A_40] {strides = array<i32>} : memref<1088xf32, #tpu.memory_space<vmem>>, vector<16xf32>,
        tpu.vector_store %arg22[%swap3A_40], %broadcast_in_dim3A_2 {strides = array<i32>} : memref<1088xf32, #tpu.memory_space<vmem>>, vector<16xf32>,
      }
      %scan3A_7 = arith.constant 68 : i32
      %iota3A = tpu.iota {dimensions = array<i32: 0>} : vector<16xi32>
      %eq3A_8 = arith.constant 0 : i32
      %eq3A_9 = vector.broadcast %eq3A_8 : i32 to vector<16xi32>
      %eq3A_10 = arith.cmpi eq, %iota3A, %eq3A_9 : vector<16xi32>
      %get3A = arith.constant 0 : index
      %get3A_11 = tpu.vector_load %arg16[%get3A] {strides = array<i32>} : memref<6080xf32, #tpu.memory_space<vmem>>, vector<16xf32>,
      %slice3A = vector.extract_strided_slice %get3A_11 {offsets = [0], sizes = [1], strides = [1]} : vector<16xf32> to vector<1xf32>
      %squeeze3A = vector.extract %slice3A[0] : f32 from vector<1xf32>
      %while3A = arith.constant 0 : i32
      %while3A_12 = arith.constant 0 : i32
      %while3A_13:3 = scf.while (%while3A_19 = %while3A, %while3A_20 = %while3A_12, %while3A_21 = %squeeze3A) : (i32, i32, f32) -> (i32, i32, f32) {
        %mul3A = arith.constant 64 : i32
        %mul3A_22 = arith.muli %while3A_19, %mul3A : i32
        %lt3A = arith.constant 6000 : i32
        %lt3A_23 = arith.cmpi slt, %mul3A_22, %lt3A : i32
        %lt3A_24 = arith.constant 1000 : i32
        %lt3A_25 = arith.cmpi slt, %while3A_20, %lt3A_24 : i32
        %and3A = arith.andi %lt3A_23, %lt3A_25 : i1
        %gt3A = arith.constant 5.000000e-02 : f32
        %gt3A_26 = arith.cmpf ogt, %while3A_21, %gt3A : f32
        %and3A_27 = arith.andi %and3A, %gt3A_26 : i1
        scf.condition(%and3A_27) %while3A_19, %while3A_20, %while3A_21 : i32, i32, f32
      } do {
      ^bb0(%while3A_19: i32, %while3A_20: i32, %while3A_21: f32):
        %mul3A = arith.constant 64 : i32
        %mul3A_22 = arith.muli %while3A_19, %mul3A : i32
        %jit3A = arith.constant 16 : i32
        %div3A = arith.divsi %while3A_20, %jit3A : i32
        %sign3A = arith.constant 0 : i32
        %sign3A_23 = arith.cmpi sgt, %while3A_20, %sign3A : i32
        %sign3A_24 = arith.extui %sign3A_23 : i1 to i32
        %sign3A_25 = arith.constant 0 : i32
        %sign3A_26 = arith.cmpi slt, %while3A_20, %sign3A_25 : i32
        %sign3A_27 = arith.extui %sign3A_26 : i1 to i32
        %sign3A_28 = arith.subi %sign3A_24, %sign3A_27 : i32
        %sign3A_29 = arith.constant 0 : i32
        %sign3A_30 = arith.cmpi sgt, %jit3A, %sign3A_29 : i32
        %sign3A_31 = arith.extui %sign3A_30 : i1 to i32
        %sign3A_32 = arith.constant 0 : i32
        %sign3A_33 = arith.cmpi slt, %jit3A, %sign3A_32 : i32
        %sign3A_34 = arith.extui %sign3A_33 : i1 to i32
        %sign3A_35 = arith.subi %sign3A_31, %sign3A_34 : i32
        %ne3A = arith.cmpi ne, %sign3A_28, %sign3A_35 : i32
        %rem3A = arith.remsi %while3A_20, %jit3A : i32
        %ne3A_36 = arith.constant 0 : i32
        %ne3A_37 = arith.cmpi ne, %rem3A, %ne3A_36 : i32
        %and3A = arith.andi %ne3A, %ne3A_37 : i1
        %sub3A = arith.constant 1 : i32
        %sub3A_38 = arith.subi %div3A, %sub3A : i32
        %select_n3A = arith.select %and3A, %sub3A_38, %div3A : i32
        %mul3A_39 = arith.constant 16 : i32
        %mul3A_40 = arith.muli %select_n3A, %mul3A_39 : i32
        %mul3A_41 = arith.constant 4 : i32
        %mul3A_42 = arith.muli %arg1, %mul3A_41 : i32
        %add3A = arith.constant 0 : i32
        %add3A_43 = arith.addi %mul3A_42, %add3A : i32
        %add3A_44 = arith.addi %mul3A_22, %add3A_43 : i32
        %jit3A_45 = arith.constant 16 : i32
        %div3A_46 = arith.divsi %add3A_44, %jit3A_45 : i32
        %sign3A_47 = arith.constant 0 : i32
        %sign3A_48 = arith.cmpi sgt, %add3A_44, %sign3A_47 : i32
        %sign3A_49 = arith.extui %sign3A_48 : i1 to i32
        %sign3A_50 = arith.constant 0 : i32
        %sign3A_51 = arith.cmpi slt, %add3A_44, %sign3A_50 : i32
        %sign3A_52 = arith.extui %sign3A_51 : i1 to i32
        %sign3A_53 = arith.subi %sign3A_49, %sign3A_52 : i32
        %sign3A_54 = arith.constant 0 : i32
        %sign3A_55 = arith.cmpi sgt, %jit3A_45, %sign3A_54 : i32
        %sign3A_56 = arith.extui %sign3A_55 : i1 to i32
        %sign3A_57 = arith.constant 0 : i32
        %sign3A_58 = arith.cmpi slt, %jit3A_45, %sign3A_57 : i32
        %sign3A_59 = arith.extui %sign3A_58 : i1 to i32
        %sign3A_60 = arith.subi %sign3A_56, %sign3A_59 : i32
        %ne3A_61 = arith.cmpi ne, %sign3A_53, %sign3A_60 : i32
        %rem3A_62 = arith.remsi %add3A_44, %jit3A_45 : i32
        %ne3A_63 = arith.constant 0 : i32
        %ne3A_64 = arith.cmpi ne, %rem3A_62, %ne3A_63 : i32
        %and3A_65 = arith.andi %ne3A_61, %ne3A_64 : i1
        %sub3A_66 = arith.constant 1 : i32
        %sub3A_67 = arith.subi %div3A_46, %sub3A_66 : i32
        %select_n3A_68 = arith.select %and3A_65, %sub3A_67, %div3A_46 : i32
        %mul3A_69 = arith.constant 16 : i32
        %mul3A_70 = arith.muli %select_n3A_68, %mul3A_69 : i32
        %sub3A_71 = arith.subi %add3A_44, %mul3A_70 : i32
        %get3A_72 = arith.index_cast %mul3A_70 : i32 to index
        %get3A_73 = tpu.vector_load %arg12[%get3A_72] {strides = array<i32>} : memref<6080xf32, #tpu.memory_space<vmem>>, vector<16xf32>,
        %broadcast_in_dim3A_74 = vector.broadcast %sub3A_71 : i32 to vector<16x1xi32>
        %gather3A = vector.shape_cast %broadcast_in_dim3A_74 : vector<16x1xi32> to vector<16xi32>
        %gather3A_75 = tpu.dynamic_gather %get3A_73[%gather3A] in [0] : vector<16xf32>, vector<16xi32> -> vector<16xf32>
        %get3A_76 = arith.index_cast %mul3A_70 : i32 to index
        %get3A_77 = tpu.vector_load %arg13[%get3A_76] {strides = array<i32>} : memref<6080xf32, #tpu.memory_space<vmem>>, vector<16xf32>,
        %broadcast_in_dim3A_78 = vector.broadcast %sub3A_71 : i32 to vector<16x1xi32>
        %gather3A_79 = vector.shape_cast %broadcast_in_dim3A_78 : vector<16x1xi32> to vector<16xi32>
        %gather3A_80 = tpu.dynamic_gather %get3A_77[%gather3A_79] in [0] : vector<16xf32>, vector<16xi32> -> vector<16xf32>
        %get3A_81 = arith.index_cast %mul3A_70 : i32 to index
        %get3A_82 = tpu.vector_load %arg14[%get3A_81] {strides = array<i32>} : memref<6080xf32, #tpu.memory_space<vmem>>, vector<16xf32>,
        %broadcast_in_dim3A_83 = vector.broadcast %sub3A_71 : i32 to vector<16x1xi32>
        %gather3A_84 = vector.shape_cast %broadcast_in_dim3A_83 : vector<16x1xi32> to vector<16xi32>
        %gather3A_85 = tpu.dynamic_gather %get3A_82[%gather3A_84] in [0] : vector<16xf32>, vector<16xi32> -> vector<16xf32>
        %get3A_86 = arith.index_cast %mul3A_70 : i32 to index
        %get3A_87 = tpu.vector_load %arg15[%get3A_86] {strides = array<i32>} : memref<6080xf32, #tpu.memory_space<vmem>>, vector<16xf32>,
        %broadcast_in_dim3A_88 = vector.broadcast %sub3A_71 : i32 to vector<16x1xi32>
        %gather3A_89 = vector.shape_cast %broadcast_in_dim3A_88 : vector<16x1xi32> to vector<16xi32>
        %gather3A_90 = tpu.dynamic_gather %get3A_87[%gather3A_89] in [0] : vector<16xf32>, vector<16xi32> -> vector<16xf32>
        %sub3A_91 = arith.subf %gather3A_85, %gather3A_75 : vector<16xf32>
        %max3A = arith.constant 0.000000e+00 : f32
        %max3A_92 = vector.broadcast %max3A : f32 to vector<16xf32>
        %max3A_93 = arith.maximumf %sub3A_91, %max3A_92 : vector<16xf32>
        %sub3A_94 = arith.subf %gather3A_90, %gather3A_80 : vector<16xf32>
        %max3A_95 = arith.constant 0.000000e+00 : f32
        %max3A_96 = vector.broadcast %max3A_95 : f32 to vector<16xf32>
        %max3A_97 = arith.maximumf %sub3A_94, %max3A_96 : vector<16xf32>
        %mul3A_98 = arith.mulf %max3A_93, %max3A_97 : vector<16xf32>
        %add3A_99 = arith.constant 1 : i32
        %add3A_100 = arith.addi %add3A_44, %add3A_99 : i32
        %jit3A_101 = arith.constant 16 : i32
        %div3A_102 = arith.divsi %add3A_100, %jit3A_101 : i32
        %sign3A_103 = arith.constant 0 : i32
        %sign3A_104 = arith.cmpi sgt, %add3A_100, %sign3A_103 : i32
        %sign3A_105 = arith.extui %sign3A_104 : i1 to i32
        %sign3A_106 = arith.constant 0 : i32
        %sign3A_107 = arith.cmpi slt, %add3A_100, %sign3A_106 : i32
        %sign3A_108 = arith.extui %sign3A_107 : i1 to i32
        %sign3A_109 = arith.subi %sign3A_105, %sign3A_108 : i32
        %sign3A_110 = arith.constant 0 : i32
        %sign3A_111 = arith.cmpi sgt, %jit3A_101, %sign3A_110 : i32
        %sign3A_112 = arith.extui %sign3A_111 : i1 to i32
        %sign3A_113 = arith.constant 0 : i32
        %sign3A_114 = arith.cmpi slt, %jit3A_101, %sign3A_113 : i32
        %sign3A_115 = arith.extui %sign3A_114 : i1 to i32
        %sign3A_116 = arith.subi %sign3A_112, %sign3A_115 : i32
        %ne3A_117 = arith.cmpi ne, %sign3A_109, %sign3A_116 : i32
        %rem3A_118 = arith.remsi %add3A_100, %jit3A_101 : i32
        %ne3A_119 = arith.constant 0 : i32
        %ne3A_120 = arith.cmpi ne, %rem3A_118, %ne3A_119 : i32
        %and3A_121 = arith.andi %ne3A_117, %ne3A_120 : i1
        %sub3A_122 = arith.constant 1 : i32
        %sub3A_123 = arith.subi %div3A_102, %sub3A_122 : i32
        %select_n3A_124 = arith.select %and3A_121, %sub3A_123, %div3A_102 : i32
        %mul3A_125 = arith.constant 16 : i32
        %mul3A_126 = arith.muli %select_n3A_124, %mul3A_125 : i32
        %sub3A_127 = arith.subi %add3A_100, %mul3A_126 : i32
        %get3A_128 = arith.index_cast %mul3A_126 : i32 to index
        %get3A_129 = tpu.vector_load %arg12[%get3A_128] {strides = array<i32>} : memref<6080xf32, #tpu.memory_space<vmem>>, vector<16xf32>,
        %broadcast_in_dim3A_130 = vector.broadcast %sub3A_127 : i32 to vector<16x1xi32>
        %gather3A_131 = vector.shape_cast %broadcast_in_dim3A_130 : vector<16x1xi32> to vector<16xi32>
        %gather3A_132 = tpu.dynamic_gather %get3A_129[%gather3A_131] in [0] : vector<16xf32>, vector<16xi32> -> vector<16xf32>
        %get3A_133 = arith.index_cast %mul3A_126 : i32 to index
        %get3A_134 = tpu.vector_load %arg13[%get3A_133] {strides = array<i32>} : memref<6080xf32, #tpu.memory_space<vmem>>, vector<16xf32>,
        %broadcast_in_dim3A_135 = vector.broadcast %sub3A_127 : i32 to vector<16x1xi32>
        %gather3A_136 = vector.shape_cast %broadcast_in_dim3A_135 : vector<16x1xi32> to vector<16xi32>
        %gather3A_137 = tpu.dynamic_gather %get3A_134[%gather3A_136] in [0] : vector<16xf32>, vector<16xi32> -> vector<16xf32>
        %get3A_138 = arith.index_cast %mul3A_126 : i32 to index
        %get3A_139 = tpu.vector_load %arg14[%get3A_138] {strides = array<i32>} : memref<6080xf32, #tpu.memory_space<vmem>>, vector<16xf32>,
        %broadcast_in_dim3A_140 = vector.broadcast %sub3A_127 : i32 to vector<16x1xi32>
        %gather3A_141 = vector.shape_cast %broadcast_in_dim3A_140 : vector<16x1xi32> to vector<16xi32>
        %gather3A_142 = tpu.dynamic_gather %get3A_139[%gather3A_141] in [0] : vector<16xf32>, vector<16xi32> -> vector<16xf32>
        %get3A_143 = arith.index_cast %mul3A_126 : i32 to index
        %get3A_144 = tpu.vector_load %arg15[%get3A_143] {strides = array<i32>} : memref<6080xf32, #tpu.memory_space<vmem>>, vector<16xf32>,
        %broadcast_in_dim3A_145 = vector.broadcast %sub3A_127 : i32 to vector<16x1xi32>
        %gather3A_146 = vector.shape_cast %broadcast_in_dim3A_145 : vector<16x1xi32> to vector<16xi32>
        %gather3A_147 = tpu.dynamic_gather %get3A_144[%gather3A_146] in [0] : vector<16xf32>, vector<16xi32> -> vector<16xf32>
        %sub3A_148 = arith.subf %gather3A_142, %gather3A_132 : vector<16xf32>
        %max3A_149 = arith.constant 0.000000e+00 : f32
        %max3A_150 = vector.broadcast %max3A_149 : f32 to vector<16xf32>
        %max3A_151 = arith.maximumf %sub3A_148, %max3A_150 : vector<16xf32>
        %sub3A_152 = arith.subf %gather3A_147, %gather3A_137 : vector<16xf32>
        %max3A_153 = arith.constant 0.000000e+00 : f32
        %max3A_154 = vector.broadcast %max3A_153 : f32 to vector<16xf32>
        %max3A_155 = arith.maximumf %sub3A_152, %max3A_154 : vector<16xf32>
        %mul3A_156 = arith.mulf %max3A_151, %max3A_155 : vector<16xf32>
        %add3A_157 = arith.constant 63 : i32
        %add3A_158 = arith.addi %while3A_20, %add3A_157 : i32
        %jit3A_159 = arith.constant 64 : i32
        %div3A_160 = arith.divsi %add3A_158, %jit3A_159 : i32
        %sign3A_161 = arith.constant 0 : i32
        %sign3A_162 = arith.cmpi sgt, %add3A_158, %sign3A_161 : i32
        %sign3A_163 = arith.extui %sign3A_162 : i1 to i32
        %sign3A_164 = arith.constant 0 : i32
        %sign3A_165 = arith.cmpi slt, %add3A_158, %sign3A_164 : i32
        %sign3A_166 = arith.extui %sign3A_165 : i1 to i32
        %sign3A_167 = arith.subi %sign3A_163, %sign3A_166 : i32
        %sign3A_168 = arith.constant 0 : i32
        %sign3A_169 = arith.cmpi sgt, %jit3A_159, %sign3A_168 : i32
        %sign3A_170 = arith.extui %sign3A_169 : i1 to i32
        %sign3A_171 = arith.constant 0 : i32
        %sign3A_172 = arith.cmpi slt, %jit3A_159, %sign3A_171 : i32
        %sign3A_173 = arith.extui %sign3A_172 : i1 to i32
        %sign3A_174 = arith.subi %sign3A_170, %sign3A_173 : i32
        %ne3A_175 = arith.cmpi ne, %sign3A_167, %sign3A_174 : i32
        %rem3A_176 = arith.remsi %add3A_158, %jit3A_159 : i32
        %ne3A_177 = arith.constant 0 : i32
        %ne3A_178 = arith.cmpi ne, %rem3A_176, %ne3A_177 : i32
        %and3A_179 = arith.andi %ne3A_175, %ne3A_178 : i1
        %sub3A_180 = arith.constant 1 : i32
        %sub3A_181 = arith.subi %div3A_160, %sub3A_180 : i32
        %select_n3A_182 = arith.select %and3A_179, %sub3A_181, %div3A_160 : i32
        %while3A_183 = arith.constant 0 : i32
        %while3A_184 = arith.subi %select_n3A_182, %while3A_183 : i32
        %while3A_185 = arith.addi %while3A_183, %while3A_184 : i32
        %while3A_186 = arith.constant 1 : i32
        %while3A_187 = arith.divsi %while3A_184, %while3A_186 : i32
        %while3A_188 = arith.muli %while3A_187, %while3A_186 : i32
        %while3A_189 = arith.addi %while3A_183, %while3A_188 : i32
        %while3A_190 = arith.constant 1 : i32
        %while3A_191:2 = scf.for %while3A_572 = %while3A_183 to %while3A_189 step %while3A_190 iter_args(%while3A_573 = %broadcast_in_dim3A_2, %while3A_574 = %broadcast_in_dim3A_2) -> (vector<16xf32>, vector<16xf32>)  : i32 {
          %mul3A_575 = arith.constant 64 : i32
          %mul3A_576 = arith.muli %while3A_572, %mul3A_575 : i32
          %add3A_577 = arith.constant 0 : i32
          %add3A_578 = arith.addi %mul3A_576, %add3A_577 : i32
          %get3A_579 = arith.index_cast %add3A_578 : i32 to index
          %get3A_580 = tpu.vector_load %arg17[%get3A_579] {strides = array<i32>} : memref<1088xf32, #tpu.memory_space<vmem>>, vector<16xf32>,
          %get3A_581 = arith.index_cast %add3A_578 : i32 to index
          %get3A_582 = tpu.vector_load %arg18[%get3A_581] {strides = array<i32>} : memref<1088xf32, #tpu.memory_space<vmem>>, vector<16xf32>,
          %get3A_583 = arith.index_cast %add3A_578 : i32 to index
          %get3A_584 = tpu.vector_load %arg19[%get3A_583] {strides = array<i32>} : memref<1088xf32, #tpu.memory_space<vmem>>, vector<16xf32>,
          %get3A_585 = arith.index_cast %add3A_578 : i32 to index
          %get3A_586 = tpu.vector_load %arg20[%get3A_585] {strides = array<i32>} : memref<1088xf32, #tpu.memory_space<vmem>>, vector<16xf32>,
          %get3A_587 = arith.index_cast %add3A_578 : i32 to index
          %get3A_588 = tpu.vector_load %arg22[%get3A_587] {strides = array<i32>} : memref<1088xf32, #tpu.memory_space<vmem>>, vector<16xf32>,
          %min3A = arith.minimumf %gather3A_85, %get3A_584 : vector<16xf32>
          %max3A_589 = arith.maximumf %gather3A_75, %get3A_580 : vector<16xf32>
          %sub3A_590 = arith.subf %min3A, %max3A_589 : vector<16xf32>
          %max3A_591 = arith.constant 0.000000e+00 : f32
          %max3A_592 = vector.broadcast %max3A_591 : f32 to vector<16xf32>
          %max3A_593 = arith.maximumf %sub3A_590, %max3A_592 : vector<16xf32>
          %min3A_594 = arith.minimumf %gather3A_90, %get3A_586 : vector<16xf32>
          %max3A_595 = arith.maximumf %gather3A_80, %get3A_582 : vector<16xf32>
          %sub3A_596 = arith.subf %min3A_594, %max3A_595 : vector<16xf32>
          %max3A_597 = arith.constant 0.000000e+00 : f32
          %max3A_598 = vector.broadcast %max3A_597 : f32 to vector<16xf32>
          %max3A_599 = arith.maximumf %sub3A_596, %max3A_598 : vector<16xf32>
          %mul3A_600 = arith.mulf %max3A_593, %max3A_599 : vector<16xf32>
          %add3A_601 = arith.addf %mul3A_98, %get3A_588 : vector<16xf32>
          %sub3A_602 = arith.subf %add3A_601, %mul3A_600 : vector<16xf32>
          %max3A_603 = arith.constant 9.99999971E-10 : f32
          %max3A_604 = vector.broadcast %max3A_603 : f32 to vector<16xf32>
          %max3A_605 = arith.maximumf %sub3A_602, %max3A_604 : vector<16xf32>
          %div3A_606 = arith.divf %mul3A_600, %max3A_605 : vector<16xf32>
          %max3A_607 = arith.maximumf %while3A_573, %div3A_606 : vector<16xf32>
          %min3A_608 = arith.minimumf %gather3A_142, %get3A_584 : vector<16xf32>
          %max3A_609 = arith.maximumf %gather3A_132, %get3A_580 : vector<16xf32>
          %sub3A_610 = arith.subf %min3A_608, %max3A_609 : vector<16xf32>
          %max3A_611 = arith.constant 0.000000e+00 : f32
          %max3A_612 = vector.broadcast %max3A_611 : f32 to vector<16xf32>
          %max3A_613 = arith.maximumf %sub3A_610, %max3A_612 : vector<16xf32>
          %min3A_614 = arith.minimumf %gather3A_147, %get3A_586 : vector<16xf32>
          %max3A_615 = arith.maximumf %gather3A_137, %get3A_582 : vector<16xf32>
          %sub3A_616 = arith.subf %min3A_614, %max3A_615 : vector<16xf32>
          %max3A_617 = arith.constant 0.000000e+00 : f32
          %max3A_618 = vector.broadcast %max3A_617 : f32 to vector<16xf32>
          %max3A_619 = arith.maximumf %sub3A_616, %max3A_618 : vector<16xf32>
          %mul3A_620 = arith.mulf %max3A_613, %max3A_619 : vector<16xf32>
          %add3A_621 = arith.addf %mul3A_156, %get3A_588 : vector<16xf32>
          %sub3A_622 = arith.subf %add3A_621, %mul3A_620 : vector<16xf32>
          %max3A_623 = arith.constant 9.99999971E-10 : f32
          %max3A_624 = vector.broadcast %max3A_623 : f32 to vector<16xf32>
          %max3A_625 = arith.maximumf %sub3A_622, %max3A_624 : vector<16xf32>
          %div3A_626 = arith.divf %mul3A_620, %max3A_625 : vector<16xf32>
          %max3A_627 = arith.maximumf %while3A_574, %div3A_626 : vector<16xf32>
          %mul3A_628 = arith.constant 64 : i32
          %mul3A_629 = arith.muli %while3A_572, %mul3A_628 : i32
          %add3A_630 = arith.constant 16 : i32
          %add3A_631 = arith.addi %mul3A_629, %add3A_630 : i32
          %get3A_632 = arith.index_cast %add3A_631 : i32 to index
          %get3A_633 = tpu.vector_load %arg17[%get3A_632] {strides = array<i32>} : memref<1088xf32, #tpu.memory_space<vmem>>, vector<16xf32>,
          %get3A_634 = arith.index_cast %add3A_631 : i32 to index
          %get3A_635 = tpu.vector_load %arg18[%get3A_634] {strides = array<i32>} : memref<1088xf32, #tpu.memory_space<vmem>>, vector<16xf32>,
          %get3A_636 = arith.index_cast %add3A_631 : i32 to index
          %get3A_637 = tpu.vector_load %arg19[%get3A_636] {strides = array<i32>} : memref<1088xf32, #tpu.memory_space<vmem>>, vector<16xf32>,
          %get3A_638 = arith.index_cast %add3A_631 : i32 to index
          %get3A_639 = tpu.vector_load %arg20[%get3A_638] {strides = array<i32>} : memref<1088xf32, #tpu.memory_space<vmem>>, vector<16xf32>,
          %get3A_640 = arith.index_cast %add3A_631 : i32 to index
          %get3A_641 = tpu.vector_load %arg22[%get3A_640] {strides = array<i32>} : memref<1088xf32, #tpu.memory_space<vmem>>, vector<16xf32>,
          %min3A_642 = arith.minimumf %gather3A_85, %get3A_637 : vector<16xf32>
          %max3A_643 = arith.maximumf %gather3A_75, %get3A_633 : vector<16xf32>
          %sub3A_644 = arith.subf %min3A_642, %max3A_643 : vector<16xf32>
          %max3A_645 = arith.constant 0.000000e+00 : f32
          %max3A_646 = vector.broadcast %max3A_645 : f32 to vector<16xf32>
          %max3A_647 = arith.maximumf %sub3A_644, %max3A_646 : vector<16xf32>
          %min3A_648 = arith.minimumf %gather3A_90, %get3A_639 : vector<16xf32>
          %max3A_649 = arith.maximumf %gather3A_80, %get3A_635 : vector<16xf32>
          %sub3A_650 = arith.subf %min3A_648, %max3A_649 : vector<16xf32>
          %max3A_651 = arith.constant 0.000000e+00 : f32
          %max3A_652 = vector.broadcast %max3A_651 : f32 to vector<16xf32>
          %max3A_653 = arith.maximumf %sub3A_650, %max3A_652 : vector<16xf32>
          %mul3A_654 = arith.mulf %max3A_647, %max3A_653 : vector<16xf32>
          %add3A_655 = arith.addf %mul3A_98, %get3A_641 : vector<16xf32>
          %sub3A_656 = arith.subf %add3A_655, %mul3A_654 : vector<16xf32>
          %max3A_657 = arith.constant 9.99999971E-10 : f32
          %max3A_658 = vector.broadcast %max3A_657 : f32 to vector<16xf32>
          %max3A_659 = arith.maximumf %sub3A_656, %max3A_658 : vector<16xf32>
          %div3A_660 = arith.divf %mul3A_654, %max3A_659 : vector<16xf32>
          %max3A_661 = arith.maximumf %max3A_607, %div3A_660 : vector<16xf32>
          %min3A_662 = arith.minimumf %gather3A_142, %get3A_637 : vector<16xf32>
          %max3A_663 = arith.maximumf %gather3A_132, %get3A_633 : vector<16xf32>
          %sub3A_664 = arith.subf %min3A_662, %max3A_663 : vector<16xf32>
          %max3A_665 = arith.constant 0.000000e+00 : f32
          %max3A_666 = vector.broadcast %max3A_665 : f32 to vector<16xf32>
          %max3A_667 = arith.maximumf %sub3A_664, %max3A_666 : vector<16xf32>
          %min3A_668 = arith.minimumf %gather3A_147, %get3A_639 : vector<16xf32>
          %max3A_669 = arith.maximumf %gather3A_137, %get3A_635 : vector<16xf32>
          %sub3A_670 = arith.subf %min3A_668, %max3A_669 : vector<16xf32>
          %max3A_671 = arith.constant 0.000000e+00 : f32
          %max3A_672 = vector.broadcast %max3A_671 : f32 to vector<16xf32>
          %max3A_673 = arith.maximumf %sub3A_670, %max3A_672 : vector<16xf32>
          %mul3A_674 = arith.mulf %max3A_667, %max3A_673 : vector<16xf32>
          %add3A_675 = arith.addf %mul3A_156, %get3A_641 : vector<16xf32>
          %sub3A_676 = arith.subf %add3A_675, %mul3A_674 : vector<16xf32>
          %max3A_677 = arith.constant 9.99999971E-10 : f32
          %max3A_678 = vector.broadcast %max3A_677 : f32 to vector<16xf32>
          %max3A_679 = arith.maximumf %sub3A_676, %max3A_678 : vector<16xf32>
          %div3A_680 = arith.divf %mul3A_674, %max3A_679 : vector<16xf32>
          %max3A_681 = arith.maximumf %max3A_627, %div3A_680 : vector<16xf32>
          %mul3A_682 = arith.constant 64 : i32
          %mul3A_683 = arith.muli %while3A_572, %mul3A_682 : i32
          %add3A_684 = arith.constant 32 : i32
          %add3A_685 = arith.addi %mul3A_683, %add3A_684 : i32
          %get3A_686 = arith.index_cast %add3A_685 : i32 to index
          %get3A_687 = tpu.vector_load %arg17[%get3A_686] {strides = array<i32>} : memref<1088xf32, #tpu.memory_space<vmem>>, vector<16xf32>,
          %get3A_688 = arith.index_cast %add3A_685 : i32 to index
          %get3A_689 = tpu.vector_load %arg18[%get3A_688] {strides = array<i32>} : memref<1088xf32, #tpu.memory_space<vmem>>, vector<16xf32>,
          %get3A_690 = arith.index_cast %add3A_685 : i32 to index
          %get3A_691 = tpu.vector_load %arg19[%get3A_690] {strides = array<i32>} : memref<1088xf32, #tpu.memory_space<vmem>>, vector<16xf32>,
          %get3A_692 = arith.index_cast %add3A_685 : i32 to index
          %get3A_693 = tpu.vector_load %arg20[%get3A_692] {strides = array<i32>} : memref<1088xf32, #tpu.memory_space<vmem>>, vector<16xf32>,
          %get3A_694 = arith.index_cast %add3A_685 : i32 to index
          %get3A_695 = tpu.vector_load %arg22[%get3A_694] {strides = array<i32>} : memref<1088xf32, #tpu.memory_space<vmem>>, vector<16xf32>,
          %min3A_696 = arith.minimumf %gather3A_85, %get3A_691 : vector<16xf32>
          %max3A_697 = arith.maximumf %gather3A_75, %get3A_687 : vector<16xf32>
          %sub3A_698 = arith.subf %min3A_696, %max3A_697 : vector<16xf32>
          %max3A_699 = arith.constant 0.000000e+00 : f32
          %max3A_700 = vector.broadcast %max3A_699 : f32 to vector<16xf32>
          %max3A_701 = arith.maximumf %sub3A_698, %max3A_700 : vector<16xf32>
          %min3A_702 = arith.minimumf %gather3A_90, %get3A_693 : vector<16xf32>
          %max3A_703 = arith.maximumf %gather3A_80, %get3A_689 : vector<16xf32>
          %sub3A_704 = arith.subf %min3A_702, %max3A_703 : vector<16xf32>
          %max3A_705 = arith.constant 0.000000e+00 : f32
          %max3A_706 = vector.broadcast %max3A_705 : f32 to vector<16xf32>
          %max3A_707 = arith.maximumf %sub3A_704, %max3A_706 : vector<16xf32>
          %mul3A_708 = arith.mulf %max3A_701, %max3A_707 : vector<16xf32>
          %add3A_709 = arith.addf %mul3A_98, %get3A_695 : vector<16xf32>
          %sub3A_710 = arith.subf %add3A_709, %mul3A_708 : vector<16xf32>
          %max3A_711 = arith.constant 9.99999971E-10 : f32
          %max3A_712 = vector.broadcast %max3A_711 : f32 to vector<16xf32>
          %max3A_713 = arith.maximumf %sub3A_710, %max3A_712 : vector<16xf32>
          %div3A_714 = arith.divf %mul3A_708, %max3A_713 : vector<16xf32>
          %max3A_715 = arith.maximumf %max3A_661, %div3A_714 : vector<16xf32>
          %min3A_716 = arith.minimumf %gather3A_142, %get3A_691 : vector<16xf32>
          %max3A_717 = arith.maximumf %gather3A_132, %get3A_687 : vector<16xf32>
          %sub3A_718 = arith.subf %min3A_716, %max3A_717 : vector<16xf32>
          %max3A_719 = arith.constant 0.000000e+00 : f32
          %max3A_720 = vector.broadcast %max3A_719 : f32 to vector<16xf32>
          %max3A_721 = arith.maximumf %sub3A_718, %max3A_720 : vector<16xf32>
          %min3A_722 = arith.minimumf %gather3A_147, %get3A_693 : vector<16xf32>
          %max3A_723 = arith.maximumf %gather3A_137, %get3A_689 : vector<16xf32>
          %sub3A_724 = arith.subf %min3A_722, %max3A_723 : vector<16xf32>
          %max3A_725 = arith.constant 0.000000e+00 : f32
          %max3A_726 = vector.broadcast %max3A_725 : f32 to vector<16xf32>
          %max3A_727 = arith.maximumf %sub3A_724, %max3A_726 : vector<16xf32>
          %mul3A_728 = arith.mulf %max3A_721, %max3A_727 : vector<16xf32>
          %add3A_729 = arith.addf %mul3A_156, %get3A_695 : vector<16xf32>
          %sub3A_730 = arith.subf %add3A_729, %mul3A_728 : vector<16xf32>
          %max3A_731 = arith.constant 9.99999971E-10 : f32
          %max3A_732 = vector.broadcast %max3A_731 : f32 to vector<16xf32>
          %max3A_733 = arith.maximumf %sub3A_730, %max3A_732 : vector<16xf32>
          %div3A_734 = arith.divf %mul3A_728, %max3A_733 : vector<16xf32>
          %max3A_735 = arith.maximumf %max3A_681, %div3A_734 : vector<16xf32>
          %mul3A_736 = arith.constant 64 : i32
          %mul3A_737 = arith.muli %while3A_572, %mul3A_736 : i32
          %add3A_738 = arith.constant 48 : i32
          %add3A_739 = arith.addi %mul3A_737, %add3A_738 : i32
          %get3A_740 = arith.index_cast %add3A_739 : i32 to index
          %get3A_741 = tpu.vector_load %arg17[%get3A_740] {strides = array<i32>} : memref<1088xf32, #tpu.memory_space<vmem>>, vector<16xf32>,
          %get3A_742 = arith.index_cast %add3A_739 : i32 to index
          %get3A_743 = tpu.vector_load %arg18[%get3A_742] {strides = array<i32>} : memref<1088xf32, #tpu.memory_space<vmem>>, vector<16xf32>,
          %get3A_744 = arith.index_cast %add3A_739 : i32 to index
          %get3A_745 = tpu.vector_load %arg19[%get3A_744] {strides = array<i32>} : memref<1088xf32, #tpu.memory_space<vmem>>, vector<16xf32>,
          %get3A_746 = arith.index_cast %add3A_739 : i32 to index
          %get3A_747 = tpu.vector_load %arg20[%get3A_746] {strides = array<i32>} : memref<1088xf32, #tpu.memory_space<vmem>>, vector<16xf32>,
          %get3A_748 = arith.index_cast %add3A_739 : i32 to index
          %get3A_749 = tpu.vector_load %arg22[%get3A_748] {strides = array<i32>} : memref<1088xf32, #tpu.memory_space<vmem>>, vector<16xf32>,
          %min3A_750 = arith.minimumf %gather3A_85, %get3A_745 : vector<16xf32>
          %max3A_751 = arith.maximumf %gather3A_75, %get3A_741 : vector<16xf32>
          %sub3A_752 = arith.subf %min3A_750, %max3A_751 : vector<16xf32>
          %max3A_753 = arith.constant 0.000000e+00 : f32
          %max3A_754 = vector.broadcast %max3A_753 : f32 to vector<16xf32>
          %max3A_755 = arith.maximumf %sub3A_752, %max3A_754 : vector<16xf32>
          %min3A_756 = arith.minimumf %gather3A_90, %get3A_747 : vector<16xf32>
          %max3A_757 = arith.maximumf %gather3A_80, %get3A_743 : vector<16xf32>
          %sub3A_758 = arith.subf %min3A_756, %max3A_757 : vector<16xf32>
          %max3A_759 = arith.constant 0.000000e+00 : f32
          %max3A_760 = vector.broadcast %max3A_759 : f32 to vector<16xf32>
          %max3A_761 = arith.maximumf %sub3A_758, %max3A_760 : vector<16xf32>
          %mul3A_762 = arith.mulf %max3A_755, %max3A_761 : vector<16xf32>
          %add3A_763 = arith.addf %mul3A_98, %get3A_749 : vector<16xf32>
          %sub3A_764 = arith.subf %add3A_763, %mul3A_762 : vector<16xf32>
          %max3A_765 = arith.constant 9.99999971E-10 : f32
          %max3A_766 = vector.broadcast %max3A_765 : f32 to vector<16xf32>
          %max3A_767 = arith.maximumf %sub3A_764, %max3A_766 : vector<16xf32>
          %div3A_768 = arith.divf %mul3A_762, %max3A_767 : vector<16xf32>
          %max3A_769 = arith.maximumf %max3A_715, %div3A_768 : vector<16xf32>
          %min3A_770 = arith.minimumf %gather3A_142, %get3A_745 : vector<16xf32>
          %max3A_771 = arith.maximumf %gather3A_132, %get3A_741 : vector<16xf32>
          %sub3A_772 = arith.subf %min3A_770, %max3A_771 : vector<16xf32>
          %max3A_773 = arith.constant 0.000000e+00 : f32
          %max3A_774 = vector.broadcast %max3A_773 : f32 to vector<16xf32>
          %max3A_775 = arith.maximumf %sub3A_772, %max3A_774 : vector<16xf32>
          %min3A_776 = arith.minimumf %gather3A_147, %get3A_747 : vector<16xf32>
          %max3A_777 = arith.maximumf %gather3A_137, %get3A_743 : vector<16xf32>
          %sub3A_778 = arith.subf %min3A_776, %max3A_777 : vector<16xf32>
          %max3A_779 = arith.constant 0.000000e+00 : f32
          %max3A_780 = vector.broadcast %max3A_779 : f32 to vector<16xf32>
          %max3A_781 = arith.maximumf %sub3A_778, %max3A_780 : vector<16xf32>
          %mul3A_782 = arith.mulf %max3A_775, %max3A_781 : vector<16xf32>
          %add3A_783 = arith.addf %mul3A_156, %get3A_749 : vector<16xf32>
          %sub3A_784 = arith.subf %add3A_783, %mul3A_782 : vector<16xf32>
          %max3A_785 = arith.constant 9.99999971E-10 : f32
          %max3A_786 = vector.broadcast %max3A_785 : f32 to vector<16xf32>
          %max3A_787 = arith.maximumf %sub3A_784, %max3A_786 : vector<16xf32>
          %div3A_788 = arith.divf %mul3A_782, %max3A_787 : vector<16xf32>
          %max3A_789 = arith.maximumf %max3A_735, %div3A_788 : vector<16xf32>
          scf.yield %max3A_769, %max3A_789 : vector<16xf32>, vector<16xf32>
        }
        %while3A_192 = arith.constant 1 : i32
        %while3A_193:2 = scf.for %while3A_572 = %while3A_189 to %while3A_185 step %while3A_192 iter_args(%while3A_573 = %while3A_191#0, %while3A_574 = %while3A_191#1) -> (vector<16xf32>, vector<16xf32>)  : i32 {
          %mul3A_575 = arith.constant 64 : i32
          %mul3A_576 = arith.muli %while3A_572, %mul3A_575 : i32
          %add3A_577 = arith.constant 0 : i32
          %add3A_578 = arith.addi %mul3A_576, %add3A_577 : i32
          %get3A_579 = arith.index_cast %add3A_578 : i32 to index
          %get3A_580 = tpu.vector_load %arg17[%get3A_579] {strides = array<i32>} : memref<1088xf32, #tpu.memory_space<vmem>>, vector<16xf32>,
          %get3A_581 = arith.index_cast %add3A_578 : i32 to index
          %get3A_582 = tpu.vector_load %arg18[%get3A_581] {strides = array<i32>} : memref<1088xf32, #tpu.memory_space<vmem>>, vector<16xf32>,
          %get3A_583 = arith.index_cast %add3A_578 : i32 to index
          %get3A_584 = tpu.vector_load %arg19[%get3A_583] {strides = array<i32>} : memref<1088xf32, #tpu.memory_space<vmem>>, vector<16xf32>,
          %get3A_585 = arith.index_cast %add3A_578 : i32 to index
          %get3A_586 = tpu.vector_load %arg20[%get3A_585] {strides = array<i32>} : memref<1088xf32, #tpu.memory_space<vmem>>, vector<16xf32>,
          %get3A_587 = arith.index_cast %add3A_578 : i32 to index
          %get3A_588 = tpu.vector_load %arg22[%get3A_587] {strides = array<i32>} : memref<1088xf32, #tpu.memory_space<vmem>>, vector<16xf32>,
          %min3A = arith.minimumf %gather3A_85, %get3A_584 : vector<16xf32>
          %max3A_589 = arith.maximumf %gather3A_75, %get3A_580 : vector<16xf32>
          %sub3A_590 = arith.subf %min3A, %max3A_589 : vector<16xf32>
          %max3A_591 = arith.constant 0.000000e+00 : f32
          %max3A_592 = vector.broadcast %max3A_591 : f32 to vector<16xf32>
          %max3A_593 = arith.maximumf %sub3A_590, %max3A_592 : vector<16xf32>
          %min3A_594 = arith.minimumf %gather3A_90, %get3A_586 : vector<16xf32>
          %max3A_595 = arith.maximumf %gather3A_80, %get3A_582 : vector<16xf32>
          %sub3A_596 = arith.subf %min3A_594, %max3A_595 : vector<16xf32>
          %max3A_597 = arith.constant 0.000000e+00 : f32
          %max3A_598 = vector.broadcast %max3A_597 : f32 to vector<16xf32>
          %max3A_599 = arith.maximumf %sub3A_596, %max3A_598 : vector<16xf32>
          %mul3A_600 = arith.mulf %max3A_593, %max3A_599 : vector<16xf32>
          %add3A_601 = arith.addf %mul3A_98, %get3A_588 : vector<16xf32>
          %sub3A_602 = arith.subf %add3A_601, %mul3A_600 : vector<16xf32>
          %max3A_603 = arith.constant 9.99999971E-10 : f32
          %max3A_604 = vector.broadcast %max3A_603 : f32 to vector<16xf32>
          %max3A_605 = arith.maximumf %sub3A_602, %max3A_604 : vector<16xf32>
          %div3A_606 = arith.divf %mul3A_600, %max3A_605 : vector<16xf32>
          %max3A_607 = arith.maximumf %while3A_573, %div3A_606 : vector<16xf32>
          %min3A_608 = arith.minimumf %gather3A_142, %get3A_584 : vector<16xf32>
          %max3A_609 = arith.maximumf %gather3A_132, %get3A_580 : vector<16xf32>
          %sub3A_610 = arith.subf %min3A_608, %max3A_609 : vector<16xf32>
          %max3A_611 = arith.constant 0.000000e+00 : f32
          %max3A_612 = vector.broadcast %max3A_611 : f32 to vector<16xf32>
          %max3A_613 = arith.maximumf %sub3A_610, %max3A_612 : vector<16xf32>
          %min3A_614 = arith.minimumf %gather3A_147, %get3A_586 : vector<16xf32>
          %max3A_615 = arith.maximumf %gather3A_137, %get3A_582 : vector<16xf32>
          %sub3A_616 = arith.subf %min3A_614, %max3A_615 : vector<16xf32>
          %max3A_617 = arith.constant 0.000000e+00 : f32
          %max3A_618 = vector.broadcast %max3A_617 : f32 to vector<16xf32>
          %max3A_619 = arith.maximumf %sub3A_616, %max3A_618 : vector<16xf32>
          %mul3A_620 = arith.mulf %max3A_613, %max3A_619 : vector<16xf32>
          %add3A_621 = arith.addf %mul3A_156, %get3A_588 : vector<16xf32>
          %sub3A_622 = arith.subf %add3A_621, %mul3A_620 : vector<16xf32>
          %max3A_623 = arith.constant 9.99999971E-10 : f32
          %max3A_624 = vector.broadcast %max3A_623 : f32 to vector<16xf32>
          %max3A_625 = arith.maximumf %sub3A_622, %max3A_624 : vector<16xf32>
          %div3A_626 = arith.divf %mul3A_620, %max3A_625 : vector<16xf32>
          %max3A_627 = arith.maximumf %while3A_574, %div3A_626 : vector<16xf32>
          %mul3A_628 = arith.constant 64 : i32
          %mul3A_629 = arith.muli %while3A_572, %mul3A_628 : i32
          %add3A_630 = arith.constant 16 : i32
          %add3A_631 = arith.addi %mul3A_629, %add3A_630 : i32
          %get3A_632 = arith.index_cast %add3A_631 : i32 to index
          %get3A_633 = tpu.vector_load %arg17[%get3A_632] {strides = array<i32>} : memref<1088xf32, #tpu.memory_space<vmem>>, vector<16xf32>,
          %get3A_634 = arith.index_cast %add3A_631 : i32 to index
          %get3A_635 = tpu.vector_load %arg18[%get3A_634] {strides = array<i32>} : memref<1088xf32, #tpu.memory_space<vmem>>, vector<16xf32>,
          %get3A_636 = arith.index_cast %add3A_631 : i32 to index
          %get3A_637 = tpu.vector_load %arg19[%get3A_636] {strides = array<i32>} : memref<1088xf32, #tpu.memory_space<vmem>>, vector<16xf32>,
          %get3A_638 = arith.index_cast %add3A_631 : i32 to index
          %get3A_639 = tpu.vector_load %arg20[%get3A_638] {strides = array<i32>} : memref<1088xf32, #tpu.memory_space<vmem>>, vector<16xf32>,
          %get3A_640 = arith.index_cast %add3A_631 : i32 to index
          %get3A_641 = tpu.vector_load %arg22[%get3A_640] {strides = array<i32>} : memref<1088xf32, #tpu.memory_space<vmem>>, vector<16xf32>,
          %min3A_642 = arith.minimumf %gather3A_85, %get3A_637 : vector<16xf32>
          %max3A_643 = arith.maximumf %gather3A_75, %get3A_633 : vector<16xf32>
          %sub3A_644 = arith.subf %min3A_642, %max3A_643 : vector<16xf32>
          %max3A_645 = arith.constant 0.000000e+00 : f32
          %max3A_646 = vector.broadcast %max3A_645 : f32 to vector<16xf32>
          %max3A_647 = arith.maximumf %sub3A_644, %max3A_646 : vector<16xf32>
          %min3A_648 = arith.minimumf %gather3A_90, %get3A_639 : vector<16xf32>
          %max3A_649 = arith.maximumf %gather3A_80, %get3A_635 : vector<16xf32>
          %sub3A_650 = arith.subf %min3A_648, %max3A_649 : vector<16xf32>
          %max3A_651 = arith.constant 0.000000e+00 : f32
          %max3A_652 = vector.broadcast %max3A_651 : f32 to vector<16xf32>
          %max3A_653 = arith.maximumf %sub3A_650, %max3A_652 : vector<16xf32>
          %mul3A_654 = arith.mulf %max3A_647, %max3A_653 : vector<16xf32>
          %add3A_655 = arith.addf %mul3A_98, %get3A_641 : vector<16xf32>
          %sub3A_656 = arith.subf %add3A_655, %mul3A_654 : vector<16xf32>
          %max3A_657 = arith.constant 9.99999971E-10 : f32
          %max3A_658 = vector.broadcast %max3A_657 : f32 to vector<16xf32>
          %max3A_659 = arith.maximumf %sub3A_656, %max3A_658 : vector<16xf32>
          %div3A_660 = arith.divf %mul3A_654, %max3A_659 : vector<16xf32>
          %max3A_661 = arith.maximumf %max3A_607, %div3A_660 : vector<16xf32>
          %min3A_662 = arith.minimumf %gather3A_142, %get3A_637 : vector<16xf32>
          %max3A_663 = arith.maximumf %gather3A_132, %get3A_633 : vector<16xf32>
          %sub3A_664 = arith.subf %min3A_662, %max3A_663 : vector<16xf32>
          %max3A_665 = arith.constant 0.000000e+00 : f32
          %max3A_666 = vector.broadcast %max3A_665 : f32 to vector<16xf32>
          %max3A_667 = arith.maximumf %sub3A_664, %max3A_666 : vector<16xf32>
          %min3A_668 = arith.minimumf %gather3A_147, %get3A_639 : vector<16xf32>
          %max3A_669 = arith.maximumf %gather3A_137, %get3A_635 : vector<16xf32>
          %sub3A_670 = arith.subf %min3A_668, %max3A_669 : vector<16xf32>
          %max3A_671 = arith.constant 0.000000e+00 : f32
          %max3A_672 = vector.broadcast %max3A_671 : f32 to vector<16xf32>
          %max3A_673 = arith.maximumf %sub3A_670, %max3A_672 : vector<16xf32>
          %mul3A_674 = arith.mulf %max3A_667, %max3A_673 : vector<16xf32>
          %add3A_675 = arith.addf %mul3A_156, %get3A_641 : vector<16xf32>
          %sub3A_676 = arith.subf %add3A_675, %mul3A_674 : vector<16xf32>
          %max3A_677 = arith.constant 9.99999971E-10 : f32
          %max3A_678 = vector.broadcast %max3A_677 : f32 to vector<16xf32>
          %max3A_679 = arith.maximumf %sub3A_676, %max3A_678 : vector<16xf32>
          %div3A_680 = arith.divf %mul3A_674, %max3A_679 : vector<16xf32>
          %max3A_681 = arith.maximumf %max3A_627, %div3A_680 : vector<16xf32>
          %mul3A_682 = arith.constant 64 : i32
          %mul3A_683 = arith.muli %while3A_572, %mul3A_682 : i32
          %add3A_684 = arith.constant 32 : i32
          %add3A_685 = arith.addi %mul3A_683, %add3A_684 : i32
          %get3A_686 = arith.index_cast %add3A_685 : i32 to index
          %get3A_687 = tpu.vector_load %arg17[%get3A_686] {strides = array<i32>} : memref<1088xf32, #tpu.memory_space<vmem>>, vector<16xf32>,
          %get3A_688 = arith.index_cast %add3A_685 : i32 to index
          %get3A_689 = tpu.vector_load %arg18[%get3A_688] {strides = array<i32>} : memref<1088xf32, #tpu.memory_space<vmem>>, vector<16xf32>,
          %get3A_690 = arith.index_cast %add3A_685 : i32 to index
          %get3A_691 = tpu.vector_load %arg19[%get3A_690] {strides = array<i32>} : memref<1088xf32, #tpu.memory_space<vmem>>, vector<16xf32>,
          %get3A_692 = arith.index_cast %add3A_685 : i32 to index
          %get3A_693 = tpu.vector_load %arg20[%get3A_692] {strides = array<i32>} : memref<1088xf32, #tpu.memory_space<vmem>>, vector<16xf32>,
          %get3A_694 = arith.index_cast %add3A_685 : i32 to index
          %get3A_695 = tpu.vector_load %arg22[%get3A_694] {strides = array<i32>} : memref<1088xf32, #tpu.memory_space<vmem>>, vector<16xf32>,
          %min3A_696 = arith.minimumf %gather3A_85, %get3A_691 : vector<16xf32>
          %max3A_697 = arith.maximumf %gather3A_75, %get3A_687 : vector<16xf32>
          %sub3A_698 = arith.subf %min3A_696, %max3A_697 : vector<16xf32>
          %max3A_699 = arith.constant 0.000000e+00 : f32
          %max3A_700 = vector.broadcast %max3A_699 : f32 to vector<16xf32>
          %max3A_701 = arith.maximumf %sub3A_698, %max3A_700 : vector<16xf32>
          %min3A_702 = arith.minimumf %gather3A_90, %get3A_693 : vector<16xf32>
          %max3A_703 = arith.maximumf %gather3A_80, %get3A_689 : vector<16xf32>
          %sub3A_704 = arith.subf %min3A_702, %max3A_703 : vector<16xf32>
          %max3A_705 = arith.constant 0.000000e+00 : f32
          %max3A_706 = vector.broadcast %max3A_705 : f32 to vector<16xf32>
          %max3A_707 = arith.maximumf %sub3A_704, %max3A_706 : vector<16xf32>
          %mul3A_708 = arith.mulf %max3A_701, %max3A_707 : vector<16xf32>
          %add3A_709 = arith.addf %mul3A_98, %get3A_695 : vector<16xf32>
          %sub3A_710 = arith.subf %add3A_709, %mul3A_708 : vector<16xf32>
          %max3A_711 = arith.constant 9.99999971E-10 : f32
          %max3A_712 = vector.broadcast %max3A_711 : f32 to vector<16xf32>
          %max3A_713 = arith.maximumf %sub3A_710, %max3A_712 : vector<16xf32>
          %div3A_714 = arith.divf %mul3A_708, %max3A_713 : vector<16xf32>
          %max3A_715 = arith.maximumf %max3A_661, %div3A_714 : vector<16xf32>
          %min3A_716 = arith.minimumf %gather3A_142, %get3A_691 : vector<16xf32>
          %max3A_717 = arith.maximumf %gather3A_132, %get3A_687 : vector<16xf32>
          %sub3A_718 = arith.subf %min3A_716, %max3A_717 : vector<16xf32>
          %max3A_719 = arith.constant 0.000000e+00 : f32
          %max3A_720 = vector.broadcast %max3A_719 : f32 to vector<16xf32>
          %max3A_721 = arith.maximumf %sub3A_718, %max3A_720 : vector<16xf32>
          %min3A_722 = arith.minimumf %gather3A_147, %get3A_693 : vector<16xf32>
          %max3A_723 = arith.maximumf %gather3A_137, %get3A_689 : vector<16xf32>
          %sub3A_724 = arith.subf %min3A_722, %max3A_723 : vector<16xf32>
          %max3A_725 = arith.constant 0.000000e+00 : f32
          %max3A_726 = vector.broadcast %max3A_725 : f32 to vector<16xf32>
          %max3A_727 = arith.maximumf %sub3A_724, %max3A_726 : vector<16xf32>
          %mul3A_728 = arith.mulf %max3A_721, %max3A_727 : vector<16xf32>
          %add3A_729 = arith.addf %mul3A_156, %get3A_695 : vector<16xf32>
          %sub3A_730 = arith.subf %add3A_729, %mul3A_728 : vector<16xf32>
          %max3A_731 = arith.constant 9.99999971E-10 : f32
          %max3A_732 = vector.broadcast %max3A_731 : f32 to vector<16xf32>
          %max3A_733 = arith.maximumf %sub3A_730, %max3A_732 : vector<16xf32>
          %div3A_734 = arith.divf %mul3A_728, %max3A_733 : vector<16xf32>
          %max3A_735 = arith.maximumf %max3A_681, %div3A_734 : vector<16xf32>
          %mul3A_736 = arith.constant 64 : i32
          %mul3A_737 = arith.muli %while3A_572, %mul3A_736 : i32
          %add3A_738 = arith.constant 48 : i32
          %add3A_739 = arith.addi %mul3A_737, %add3A_738 : i32
          %get3A_740 = arith.index_cast %add3A_739 : i32 to index
          %get3A_741 = tpu.vector_load %arg17[%get3A_740] {strides = array<i32>} : memref<1088xf32, #tpu.memory_space<vmem>>, vector<16xf32>,
          %get3A_742 = arith.index_cast %add3A_739 : i32 to index
          %get3A_743 = tpu.vector_load %arg18[%get3A_742] {strides = array<i32>} : memref<1088xf32, #tpu.memory_space<vmem>>, vector<16xf32>,
          %get3A_744 = arith.index_cast %add3A_739 : i32 to index
          %get3A_745 = tpu.vector_load %arg19[%get3A_744] {strides = array<i32>} : memref<1088xf32, #tpu.memory_space<vmem>>, vector<16xf32>,
          %get3A_746 = arith.index_cast %add3A_739 : i32 to index
          %get3A_747 = tpu.vector_load %arg20[%get3A_746] {strides = array<i32>} : memref<1088xf32, #tpu.memory_space<vmem>>, vector<16xf32>,
          %get3A_748 = arith.index_cast %add3A_739 : i32 to index
          %get3A_749 = tpu.vector_load %arg22[%get3A_748] {strides = array<i32>} : memref<1088xf32, #tpu.memory_space<vmem>>, vector<16xf32>,
          %min3A_750 = arith.minimumf %gather3A_85, %get3A_745 : vector<16xf32>
          %max3A_751 = arith.maximumf %gather3A_75, %get3A_741 : vector<16xf32>
          %sub3A_752 = arith.subf %min3A_750, %max3A_751 : vector<16xf32>
          %max3A_753 = arith.constant 0.000000e+00 : f32
          %max3A_754 = vector.broadcast %max3A_753 : f32 to vector<16xf32>
          %max3A_755 = arith.maximumf %sub3A_752, %max3A_754 : vector<16xf32>
          %min3A_756 = arith.minimumf %gather3A_90, %get3A_747 : vector<16xf32>
          %max3A_757 = arith.maximumf %gather3A_80, %get3A_743 : vector<16xf32>
          %sub3A_758 = arith.subf %min3A_756, %max3A_757 : vector<16xf32>
          %max3A_759 = arith.constant 0.000000e+00 : f32
          %max3A_760 = vector.broadcast %max3A_759 : f32 to vector<16xf32>
          %max3A_761 = arith.maximumf %sub3A_758, %max3A_760 : vector<16xf32>
          %mul3A_762 = arith.mulf %max3A_755, %max3A_761 : vector<16xf32>
          %add3A_763 = arith.addf %mul3A_98, %get3A_749 : vector<16xf32>
          %sub3A_764 = arith.subf %add3A_763, %mul3A_762 : vector<16xf32>
          %max3A_765 = arith.constant 9.99999971E-10 : f32
          %max3A_766 = vector.broadcast %max3A_765 : f32 to vector<16xf32>
          %max3A_767 = arith.maximumf %sub3A_764, %max3A_766 : vector<16xf32>
          %div3A_768 = arith.divf %mul3A_762, %max3A_767 : vector<16xf32>
          %max3A_769 = arith.maximumf %max3A_715, %div3A_768 : vector<16xf32>
          %min3A_770 = arith.minimumf %gather3A_142, %get3A_745 : vector<16xf32>
          %max3A_771 = arith.maximumf %gather3A_132, %get3A_741 : vector<16xf32>
          %sub3A_772 = arith.subf %min3A_770, %max3A_771 : vector<16xf32>
          %max3A_773 = arith.constant 0.000000e+00 : f32
          %max3A_774 = vector.broadcast %max3A_773 : f32 to vector<16xf32>
          %max3A_775 = arith.maximumf %sub3A_772, %max3A_774 : vector<16xf32>
          %min3A_776 = arith.minimumf %gather3A_147, %get3A_747 : vector<16xf32>
          %max3A_777 = arith.maximumf %gather3A_137, %get3A_743 : vector<16xf32>
          %sub3A_778 = arith.subf %min3A_776, %max3A_777 : vector<16xf32>
          %max3A_779 = arith.constant 0.000000e+00 : f32
          %max3A_780 = vector.broadcast %max3A_779 : f32 to vector<16xf32>
          %max3A_781 = arith.maximumf %sub3A_778, %max3A_780 : vector<16xf32>
          %mul3A_782 = arith.mulf %max3A_775, %max3A_781 : vector<16xf32>
          %add3A_783 = arith.addf %mul3A_156, %get3A_749 : vector<16xf32>
          %sub3A_784 = arith.subf %add3A_783, %mul3A_782 : vector<16xf32>
          %max3A_785 = arith.constant 9.99999971E-10 : f32
          %max3A_786 = vector.broadcast %max3A_785 : f32 to vector<16xf32>
          %max3A_787 = arith.maximumf %sub3A_784, %max3A_786 : vector<16xf32>
          %div3A_788 = arith.divf %mul3A_782, %max3A_787 : vector<16xf32>
          %max3A_789 = arith.maximumf %max3A_735, %div3A_788 : vector<16xf32>
          scf.yield %max3A_769, %max3A_789 : vector<16xf32>, vector<16xf32>
        }
        %jit3A_194 = arith.constant 16 : i32
        %div3A_195 = arith.divsi %add3A_43, %jit3A_194 : i32
        %sign3A_196 = arith.constant 0 : i32
        %sign3A_197 = arith.cmpi sgt, %add3A_43, %sign3A_196 : i32
        %sign3A_198 = arith.extui %sign3A_197 : i1 to i32
        %sign3A_199 = arith.constant 0 : i32
        %sign3A_200 = arith.cmpi slt, %add3A_43, %sign3A_199 : i32
        %sign3A_201 = arith.extui %sign3A_200 : i1 to i32
        %sign3A_202 = arith.subi %sign3A_198, %sign3A_201 : i32
        %sign3A_203 = arith.constant 0 : i32
        %sign3A_204 = arith.cmpi sgt, %jit3A_194, %sign3A_203 : i32
        %sign3A_205 = arith.extui %sign3A_204 : i1 to i32
        %sign3A_206 = arith.constant 0 : i32
        %sign3A_207 = arith.cmpi slt, %jit3A_194, %sign3A_206 : i32
        %sign3A_208 = arith.extui %sign3A_207 : i1 to i32
        %sign3A_209 = arith.subi %sign3A_205, %sign3A_208 : i32
        %ne3A_210 = arith.cmpi ne, %sign3A_202, %sign3A_209 : i32
        %rem3A_211 = arith.remsi %add3A_43, %jit3A_194 : i32
        %ne3A_212 = arith.constant 0 : i32
        %ne3A_213 = arith.cmpi ne, %rem3A_211, %ne3A_212 : i32
        %and3A_214 = arith.andi %ne3A_210, %ne3A_213 : i1
        %sub3A_215 = arith.constant 1 : i32
        %sub3A_216 = arith.subi %div3A_195, %sub3A_215 : i32
        %select_n3A_217 = arith.select %and3A_214, %sub3A_216, %div3A_195 : i32
        %add3A_218 = arith.constant 1 : i32
        %add3A_219 = arith.addi %select_n3A_217, %add3A_218 : i32
        %while3A_220 = arith.constant 0 : i32
        %while3A_221 = arith.subi %add3A_219, %while3A_220 : i32
        %while3A_222 = arith.addi %while3A_220, %while3A_221 : i32
        %while3A_223 = arith.constant 1 : i32
        %while3A_224 = arith.divsi %while3A_221, %while3A_223 : i32
        %while3A_225 = arith.muli %while3A_224, %while3A_223 : i32
        %while3A_226 = arith.addi %while3A_220, %while3A_225 : i32
        %while3A_227 = arith.constant 1 : i32
        %while3A_228:2 = scf.for %while3A_572 = %while3A_220 to %while3A_226 step %while3A_227 iter_args(%while3A_573 = %broadcast_in_dim3A_2, %while3A_574 = %broadcast_in_dim3A_2) -> (vector<16xf32>, vector<16xf32>)  : i32 {
          %mul3A_575 = arith.constant 16 : i32
          %mul3A_576 = arith.muli %while3A_572, %mul3A_575 : i32
          %add3A_577 = arith.addi %mul3A_22, %mul3A_576 : i32
          %get3A_578 = arith.index_cast %add3A_577 : i32 to index
          %get3A_579 = tpu.vector_load %arg12[%get3A_578] {strides = array<i32>} : memref<6080xf32, #tpu.memory_space<vmem>>, vector<16xf32>,
          %get3A_580 = arith.index_cast %add3A_577 : i32 to index
          %get3A_581 = tpu.vector_load %arg13[%get3A_580] {strides = array<i32>} : memref<6080xf32, #tpu.memory_space<vmem>>, vector<16xf32>,
          %get3A_582 = arith.index_cast %add3A_577 : i32 to index
          %get3A_583 = tpu.vector_load %arg14[%get3A_582] {strides = array<i32>} : memref<6080xf32, #tpu.memory_space<vmem>>, vector<16xf32>,
          %get3A_584 = arith.index_cast %add3A_577 : i32 to index
          %get3A_585 = tpu.vector_load %arg15[%get3A_584] {strides = array<i32>} : memref<6080xf32, #tpu.memory_space<vmem>>, vector<16xf32>,
          %sub3A_586 = arith.subf %get3A_583, %get3A_579 : vector<16xf32>
          %max3A_587 = arith.constant 0.000000e+00 : f32
          %max3A_588 = vector.broadcast %max3A_587 : f32 to vector<16xf32>
          %max3A_589 = arith.maximumf %sub3A_586, %max3A_588 : vector<16xf32>
          %sub3A_590 = arith.subf %get3A_585, %get3A_581 : vector<16xf32>
          %max3A_591 = arith.constant 0.000000e+00 : f32
          %max3A_592 = vector.broadcast %max3A_591 : f32 to vector<16xf32>
          %max3A_593 = arith.maximumf %sub3A_590, %max3A_592 : vector<16xf32>
          %mul3A_594 = arith.mulf %max3A_589, %max3A_593 : vector<16xf32>
          %mul3A_595 = arith.constant 16 : i32
          %mul3A_596 = arith.muli %while3A_572, %mul3A_595 : i32
          %sub3A_597 = arith.subi %add3A_43, %mul3A_596 : i32
          %min3A = arith.minimumf %gather3A_85, %get3A_583 : vector<16xf32>
          %max3A_598 = arith.maximumf %gather3A_75, %get3A_579 : vector<16xf32>
          %sub3A_599 = arith.subf %min3A, %max3A_598 : vector<16xf32>
          %max3A_600 = arith.constant 0.000000e+00 : f32
          %max3A_601 = vector.broadcast %max3A_600 : f32 to vector<16xf32>
          %max3A_602 = arith.maximumf %sub3A_599, %max3A_601 : vector<16xf32>
          %min3A_603 = arith.minimumf %gather3A_90, %get3A_585 : vector<16xf32>
          %max3A_604 = arith.maximumf %gather3A_80, %get3A_581 : vector<16xf32>
          %sub3A_605 = arith.subf %min3A_603, %max3A_604 : vector<16xf32>
          %max3A_606 = arith.constant 0.000000e+00 : f32
          %max3A_607 = vector.broadcast %max3A_606 : f32 to vector<16xf32>
          %max3A_608 = arith.maximumf %sub3A_605, %max3A_607 : vector<16xf32>
          %mul3A_609 = arith.mulf %max3A_602, %max3A_608 : vector<16xf32>
          %add3A_610 = arith.addf %mul3A_98, %mul3A_594 : vector<16xf32>
          %sub3A_611 = arith.subf %add3A_610, %mul3A_609 : vector<16xf32>
          %max3A_612 = arith.constant 9.99999971E-10 : f32
          %max3A_613 = vector.broadcast %max3A_612 : f32 to vector<16xf32>
          %max3A_614 = arith.maximumf %sub3A_611, %max3A_613 : vector<16xf32>
          %div3A_615 = arith.divf %mul3A_609, %max3A_614 : vector<16xf32>
          %lt3A = vector.broadcast %sub3A_597 : i32 to vector<16xi32>
          %lt3A_616 = arith.cmpi slt, %iota3A, %lt3A : vector<16xi32>
          %jit3A_617 = arith.constant 0.000000e+00 : f32
          %broadcast_in_dim3A_618 = vector.broadcast %jit3A_617 : f32 to vector<16xf32>
          %select_n3A_619 = arith.select %lt3A_616, %div3A_615, %broadcast_in_dim3A_618 : vector<16xi1>, vector<16xf32>
          %max3A_620 = arith.maximumf %while3A_573, %select_n3A_619 : vector<16xf32>
          %min3A_621 = arith.minimumf %gather3A_142, %get3A_583 : vector<16xf32>
          %max3A_622 = arith.maximumf %gather3A_132, %get3A_579 : vector<16xf32>
          %sub3A_623 = arith.subf %min3A_621, %max3A_622 : vector<16xf32>
          %max3A_624 = arith.constant 0.000000e+00 : f32
          %max3A_625 = vector.broadcast %max3A_624 : f32 to vector<16xf32>
          %max3A_626 = arith.maximumf %sub3A_623, %max3A_625 : vector<16xf32>
          %min3A_627 = arith.minimumf %gather3A_147, %get3A_585 : vector<16xf32>
          %max3A_628 = arith.maximumf %gather3A_137, %get3A_581 : vector<16xf32>
          %sub3A_629 = arith.subf %min3A_627, %max3A_628 : vector<16xf32>
          %max3A_630 = arith.constant 0.000000e+00 : f32
          %max3A_631 = vector.broadcast %max3A_630 : f32 to vector<16xf32>
          %max3A_632 = arith.maximumf %sub3A_629, %max3A_631 : vector<16xf32>
          %mul3A_633 = arith.mulf %max3A_626, %max3A_632 : vector<16xf32>
          %add3A_634 = arith.addf %mul3A_156, %mul3A_594 : vector<16xf32>
          %sub3A_635 = arith.subf %add3A_634, %mul3A_633 : vector<16xf32>
          %max3A_636 = arith.constant 9.99999971E-10 : f32
          %max3A_637 = vector.broadcast %max3A_636 : f32 to vector<16xf32>
          %max3A_638 = arith.maximumf %sub3A_635, %max3A_637 : vector<16xf32>
          %div3A_639 = arith.divf %mul3A_633, %max3A_638 : vector<16xf32>
          %add3A_640 = arith.constant 1 : i32
          %add3A_641 = arith.addi %sub3A_597, %add3A_640 : i32
          %lt3A_642 = vector.broadcast %add3A_641 : i32 to vector<16xi32>
          %lt3A_643 = arith.cmpi slt, %iota3A, %lt3A_642 : vector<16xi32>
          %jit3A_644 = arith.constant 0.000000e+00 : f32
          %broadcast_in_dim3A_645 = vector.broadcast %jit3A_644 : f32 to vector<16xf32>
          %select_n3A_646 = arith.select %lt3A_643, %div3A_639, %broadcast_in_dim3A_645 : vector<16xi1>, vector<16xf32>
          %max3A_647 = arith.maximumf %while3A_574, %select_n3A_646 : vector<16xf32>
          scf.yield %max3A_620, %max3A_647 : vector<16xf32>, vector<16xf32>
        }
        %while3A_229 = arith.constant 1 : i32
        %while3A_230:2 = scf.for %while3A_572 = %while3A_226 to %while3A_222 step %while3A_229 iter_args(%while3A_573 = %while3A_228#0, %while3A_574 = %while3A_228#1) -> (vector<16xf32>, vector<16xf32>)  : i32 {
          %mul3A_575 = arith.constant 16 : i32
          %mul3A_576 = arith.muli %while3A_572, %mul3A_575 : i32
          %add3A_577 = arith.addi %mul3A_22, %mul3A_576 : i32
          %get3A_578 = arith.index_cast %add3A_577 : i32 to index
          %get3A_579 = tpu.vector_load %arg12[%get3A_578] {strides = array<i32>} : memref<6080xf32, #tpu.memory_space<vmem>>, vector<16xf32>,
          %get3A_580 = arith.index_cast %add3A_577 : i32 to index
          %get3A_581 = tpu.vector_load %arg13[%get3A_580] {strides = array<i32>} : memref<6080xf32, #tpu.memory_space<vmem>>, vector<16xf32>,
          %get3A_582 = arith.index_cast %add3A_577 : i32 to index
          %get3A_583 = tpu.vector_load %arg14[%get3A_582] {strides = array<i32>} : memref<6080xf32, #tpu.memory_space<vmem>>, vector<16xf32>,
          %get3A_584 = arith.index_cast %add3A_577 : i32 to index
          %get3A_585 = tpu.vector_load %arg15[%get3A_584] {strides = array<i32>} : memref<6080xf32, #tpu.memory_space<vmem>>, vector<16xf32>,
          %sub3A_586 = arith.subf %get3A_583, %get3A_579 : vector<16xf32>
          %max3A_587 = arith.constant 0.000000e+00 : f32
          %max3A_588 = vector.broadcast %max3A_587 : f32 to vector<16xf32>
          %max3A_589 = arith.maximumf %sub3A_586, %max3A_588 : vector<16xf32>
          %sub3A_590 = arith.subf %get3A_585, %get3A_581 : vector<16xf32>
          %max3A_591 = arith.constant 0.000000e+00 : f32
          %max3A_592 = vector.broadcast %max3A_591 : f32 to vector<16xf32>
          %max3A_593 = arith.maximumf %sub3A_590, %max3A_592 : vector<16xf32>
          %mul3A_594 = arith.mulf %max3A_589, %max3A_593 : vector<16xf32>
          %mul3A_595 = arith.constant 16 : i32
          %mul3A_596 = arith.muli %while3A_572, %mul3A_595 : i32
          %sub3A_597 = arith.subi %add3A_43, %mul3A_596 : i32
          %min3A = arith.minimumf %gather3A_85, %get3A_583 : vector<16xf32>
          %max3A_598 = arith.maximumf %gather3A_75, %get3A_579 : vector<16xf32>
          %sub3A_599 = arith.subf %min3A, %max3A_598 : vector<16xf32>
          %max3A_600 = arith.constant 0.000000e+00 : f32
          %max3A_601 = vector.broadcast %max3A_600 : f32 to vector<16xf32>
          %max3A_602 = arith.maximumf %sub3A_599, %max3A_601 : vector<16xf32>
          %min3A_603 = arith.minimumf %gather3A_90, %get3A_585 : vector<16xf32>
          %max3A_604 = arith.maximumf %gather3A_80, %get3A_581 : vector<16xf32>
          %sub3A_605 = arith.subf %min3A_603, %max3A_604 : vector<16xf32>
          %max3A_606 = arith.constant 0.000000e+00 : f32
          %max3A_607 = vector.broadcast %max3A_606 : f32 to vector<16xf32>
          %max3A_608 = arith.maximumf %sub3A_605, %max3A_607 : vector<16xf32>
          %mul3A_609 = arith.mulf %max3A_602, %max3A_608 : vector<16xf32>
          %add3A_610 = arith.addf %mul3A_98, %mul3A_594 : vector<16xf32>
          %sub3A_611 = arith.subf %add3A_610, %mul3A_609 : vector<16xf32>
          %max3A_612 = arith.constant 9.99999971E-10 : f32
          %max3A_613 = vector.broadcast %max3A_612 : f32 to vector<16xf32>
          %max3A_614 = arith.maximumf %sub3A_611, %max3A_613 : vector<16xf32>
          %div3A_615 = arith.divf %mul3A_609, %max3A_614 : vector<16xf32>
          %lt3A = vector.broadcast %sub3A_597 : i32 to vector<16xi32>
          %lt3A_616 = arith.cmpi slt, %iota3A, %lt3A : vector<16xi32>
          %jit3A_617 = arith.constant 0.000000e+00 : f32
          %broadcast_in_dim3A_618 = vector.broadcast %jit3A_617 : f32 to vector<16xf32>
          %select_n3A_619 = arith.select %lt3A_616, %div3A_615, %broadcast_in_dim3A_618 : vector<16xi1>, vector<16xf32>
          %max3A_620 = arith.maximumf %while3A_573, %select_n3A_619 : vector<16xf32>
          %min3A_621 = arith.minimumf %gather3A_142, %get3A_583 : vector<16xf32>
          %max3A_622 = arith.maximumf %gather3A_132, %get3A_579 : vector<16xf32>
          %sub3A_623 = arith.subf %min3A_621, %max3A_622 : vector<16xf32>
          %max3A_624 = arith.constant 0.000000e+00 : f32
          %max3A_625 = vector.broadcast %max3A_624 : f32 to vector<16xf32>
          %max3A_626 = arith.maximumf %sub3A_623, %max3A_625 : vector<16xf32>
          %min3A_627 = arith.minimumf %gather3A_147, %get3A_585 : vector<16xf32>
          %max3A_628 = arith.maximumf %gather3A_137, %get3A_581 : vector<16xf32>
          %sub3A_629 = arith.subf %min3A_627, %max3A_628 : vector<16xf32>
          %max3A_630 = arith.constant 0.000000e+00 : f32
          %max3A_631 = vector.broadcast %max3A_630 : f32 to vector<16xf32>
          %max3A_632 = arith.maximumf %sub3A_629, %max3A_631 : vector<16xf32>
          %mul3A_633 = arith.mulf %max3A_626, %max3A_632 : vector<16xf32>
          %add3A_634 = arith.addf %mul3A_156, %mul3A_594 : vector<16xf32>
          %sub3A_635 = arith.subf %add3A_634, %mul3A_633 : vector<16xf32>
          %max3A_636 = arith.constant 9.99999971E-10 : f32
          %max3A_637 = vector.broadcast %max3A_636 : f32 to vector<16xf32>
          %max3A_638 = arith.maximumf %sub3A_635, %max3A_637 : vector<16xf32>
          %div3A_639 = arith.divf %mul3A_633, %max3A_638 : vector<16xf32>
          %add3A_640 = arith.constant 1 : i32
          %add3A_641 = arith.addi %sub3A_597, %add3A_640 : i32
          %lt3A_642 = vector.broadcast %add3A_641 : i32 to vector<16xi32>
          %lt3A_643 = arith.cmpi slt, %iota3A, %lt3A_642 : vector<16xi32>
          %jit3A_644 = arith.constant 0.000000e+00 : f32
          %broadcast_in_dim3A_645 = vector.broadcast %jit3A_644 : f32 to vector<16xf32>
          %select_n3A_646 = arith.select %lt3A_643, %div3A_639, %broadcast_in_dim3A_645 : vector<16xi1>, vector<16xf32>
          %max3A_647 = arith.maximumf %while3A_574, %select_n3A_646 : vector<16xf32>
          scf.yield %max3A_620, %max3A_647 : vector<16xf32>, vector<16xf32>
        }
        %gt3A = arith.constant 5.000000e-01 : f32
        %gt3A_231 = vector.broadcast %gt3A : f32 to vector<16xf32>
        %gt3A_232 = arith.cmpf ogt, %while3A_193#0, %gt3A_231 : vector<16xf32>
        %all_reduce_population_count3A = tpu.all_reduce %gt3A_232 {dim = 0 : i64, kind = #tpu.reduction_kind<sum>} : vector<16xi1> -> vector<16xi32>
        %slice3A_233 = vector.extract_strided_slice %all_reduce_population_count3A {offsets = [0], sizes = [1], strides = [1]} : vector<16xi32> to vector<1xi32>
        %squeeze3A_234 = vector.extract %slice3A_233[0] : i32 from vector<1xi32>
        %gt3A_235 = arith.constant 0 : i32
        %gt3A_236 = arith.cmpi sgt, %squeeze3A_234, %gt3A_235 : i32
        %jit3A_237 = arith.constant 2.000000e+00 : f32
        %jit3A_238 = arith.constant 0.000000e+00 : f32
        %select_n3A_239 = arith.select %gt3A_236, %jit3A_237, %jit3A_238 : f32
        %gt3A_240 = arith.constant 5.000000e-01 : f32
        %gt3A_241 = vector.broadcast %gt3A_240 : f32 to vector<16xf32>
        %gt3A_242 = arith.cmpf ogt, %while3A_230#0, %gt3A_241 : vector<16xf32>
        %all_reduce_population_count3A_243 = tpu.all_reduce %gt3A_242 {dim = 0 : i64, kind = #tpu.reduction_kind<sum>} : vector<16xi1> -> vector<16xi32>
        %slice3A_244 = vector.extract_strided_slice %all_reduce_population_count3A_243 {offsets = [0], sizes = [1], strides = [1]} : vector<16xi32> to vector<1xi32>
        %squeeze3A_245 = vector.extract %slice3A_244[0] : i32 from vector<1xi32>
        %gt3A_246 = arith.constant 0 : i32
        %gt3A_247 = arith.cmpi sgt, %squeeze3A_245, %gt3A_246 : i32
        %jit3A_248 = arith.constant 1.000000e+00 : f32
        %jit3A_249 = arith.constant 0.000000e+00 : f32
        %select_n3A_250 = arith.select %gt3A_247, %jit3A_248, %jit3A_249 : f32
        %add3A_251 = arith.addf %select_n3A_239, %select_n3A_250 : f32
        %gt3A_252 = arith.constant 5.000000e-01 : f32
        %gt3A_253 = vector.broadcast %gt3A_252 : f32 to vector<16xf32>
        %gt3A_254 = arith.cmpf ogt, %while3A_193#1, %gt3A_253 : vector<16xf32>
        %all_reduce_population_count3A_255 = tpu.all_reduce %gt3A_254 {dim = 0 : i64, kind = #tpu.reduction_kind<sum>} : vector<16xi1> -> vector<16xi32>
        %slice3A_256 = vector.extract_strided_slice %all_reduce_population_count3A_255 {offsets = [0], sizes = [1], strides = [1]} : vector<16xi32> to vector<1xi32>
        %squeeze3A_257 = vector.extract %slice3A_256[0] : i32 from vector<1xi32>
        %gt3A_258 = arith.constant 0 : i32
        %gt3A_259 = arith.cmpi sgt, %squeeze3A_257, %gt3A_258 : i32
        %jit3A_260 = arith.constant 2.000000e+00 : f32
        %jit3A_261 = arith.constant 0.000000e+00 : f32
        %select_n3A_262 = arith.select %gt3A_259, %jit3A_260, %jit3A_261 : f32
        %gt3A_263 = arith.constant 5.000000e-01 : f32
        %gt3A_264 = vector.broadcast %gt3A_263 : f32 to vector<16xf32>
        %gt3A_265 = arith.cmpf ogt, %while3A_230#1, %gt3A_264 : vector<16xf32>
        %all_reduce_population_count3A_266 = tpu.all_reduce %gt3A_265 {dim = 0 : i64, kind = #tpu.reduction_kind<sum>} : vector<16xi1> -> vector<16xi32>
        %slice3A_267 = vector.extract_strided_slice %all_reduce_population_count3A_266 {offsets = [0], sizes = [1], strides = [1]} : vector<16xi32> to vector<1xi32>
        %squeeze3A_268 = vector.extract %slice3A_267[0] : i32 from vector<1xi32>
        %gt3A_269 = arith.constant 0 : i32
        %gt3A_270 = arith.cmpi sgt, %squeeze3A_268, %gt3A_269 : i32
        %jit3A_271 = arith.constant 1.000000e+00 : f32
        %jit3A_272 = arith.constant 0.000000e+00 : f32
        %select_n3A_273 = arith.select %gt3A_270, %jit3A_271, %jit3A_272 : f32
        %add3A_274 = arith.addf %select_n3A_262, %select_n3A_273 : f32
        %eq3A_275 = arith.constant 0 : i32
        %eq3A_276 = vector.broadcast %eq3A_275 : i32 to vector<16xi32>
        %eq3A_277 = arith.cmpi eq, %iota3A, %eq3A_276 : vector<16xi32>
        %jit3A_278 = arith.constant 0.000000e+00 : f32
        %broadcast_in_dim3A_279 = vector.broadcast %add3A_251 : f32 to vector<16xf32>
        %broadcast_in_dim3A_280 = vector.broadcast %jit3A_278 : f32 to vector<16xf32>
        %select_n3A_281 = arith.select %eq3A_277, %broadcast_in_dim3A_279, %broadcast_in_dim3A_280 : vector<16xi1>, vector<16xf32>
        %add3A_282 = arith.addf %broadcast_in_dim3A_2, %select_n3A_281 : vector<16xf32>
        %eq3A_283 = arith.constant 1 : i32
        %eq3A_284 = vector.broadcast %eq3A_283 : i32 to vector<16xi32>
        %eq3A_285 = arith.cmpi eq, %iota3A, %eq3A_284 : vector<16xi32>
        %jit3A_286 = arith.constant 0.000000e+00 : f32
        %broadcast_in_dim3A_287 = vector.broadcast %add3A_274 : f32 to vector<16xf32>
        %broadcast_in_dim3A_288 = vector.broadcast %jit3A_286 : f32 to vector<16xf32>
        %select_n3A_289 = arith.select %eq3A_285, %broadcast_in_dim3A_287, %broadcast_in_dim3A_288 : vector<16xi1>, vector<16xf32>
        %add3A_290 = arith.addf %add3A_282, %select_n3A_289 : vector<16xf32>
        %mul3A_291 = arith.constant 4 : i32
        %mul3A_292 = arith.muli %arg1, %mul3A_291 : i32
        %add3A_293 = arith.constant 2 : i32
        %add3A_294 = arith.addi %mul3A_292, %add3A_293 : i32
        %add3A_295 = arith.addi %mul3A_22, %add3A_294 : i32
        %jit3A_296 = arith.constant 16 : i32
        %div3A_297 = arith.divsi %add3A_295, %jit3A_296 : i32
        %sign3A_298 = arith.constant 0 : i32
        %sign3A_299 = arith.cmpi sgt, %add3A_295, %sign3A_298 : i32
        %sign3A_300 = arith.extui %sign3A_299 : i1 to i32
        %sign3A_301 = arith.constant 0 : i32
        %sign3A_302 = arith.cmpi slt, %add3A_295, %sign3A_301 : i32
        %sign3A_303 = arith.extui %sign3A_302 : i1 to i32
        %sign3A_304 = arith.subi %sign3A_300, %sign3A_303 : i32
        %sign3A_305 = arith.constant 0 : i32
        %sign3A_306 = arith.cmpi sgt, %jit3A_296, %sign3A_305 : i32
        %sign3A_307 = arith.extui %sign3A_306 : i1 to i32
        %sign3A_308 = arith.constant 0 : i32
        %sign3A_309 = arith.cmpi slt, %jit3A_296, %sign3A_308 : i32
        %sign3A_310 = arith.extui %sign3A_309 : i1 to i32
        %sign3A_311 = arith.subi %sign3A_307, %sign3A_310 : i32
        %ne3A_312 = arith.cmpi ne, %sign3A_304, %sign3A_311 : i32
        %rem3A_313 = arith.remsi %add3A_295, %jit3A_296 : i32
        %ne3A_314 = arith.constant 0 : i32
        %ne3A_315 = arith.cmpi ne, %rem3A_313, %ne3A_314 : i32
        %and3A_316 = arith.andi %ne3A_312, %ne3A_315 : i1
        %sub3A_317 = arith.constant 1 : i32
        %sub3A_318 = arith.subi %div3A_297, %sub3A_317 : i32
        %select_n3A_319 = arith.select %and3A_316, %sub3A_318, %div3A_297 : i32
        %mul3A_320 = arith.constant 16 : i32
        %mul3A_321 = arith.muli %select_n3A_319, %mul3A_320 : i32
        %sub3A_322 = arith.subi %add3A_295, %mul3A_321 : i32
        %get3A_323 = arith.index_cast %mul3A_321 : i32 to index
        %get3A_324 = tpu.vector_load %arg12[%get3A_323] {strides = array<i32>} : memref<6080xf32, #tpu.memory_space<vmem>>, vector<16xf32>,
        %broadcast_in_dim3A_325 = vector.broadcast %sub3A_322 : i32 to vector<16x1xi32>
        %gather3A_326 = vector.shape_cast %broadcast_in_dim3A_325 : vector<16x1xi32> to vector<16xi32>
        %gather3A_327 = tpu.dynamic_gather %get3A_324[%gather3A_326] in [0] : vector<16xf32>, vector<16xi32> -> vector<16xf32>
        %get3A_328 = arith.index_cast %mul3A_321 : i32 to index
        %get3A_329 = tpu.vector_load %arg13[%get3A_328] {strides = array<i32>} : memref<6080xf32, #tpu.memory_space<vmem>>, vector<16xf32>,
        %broadcast_in_dim3A_330 = vector.broadcast %sub3A_322 : i32 to vector<16x1xi32>
        %gather3A_331 = vector.shape_cast %broadcast_in_dim3A_330 : vector<16x1xi32> to vector<16xi32>
        %gather3A_332 = tpu.dynamic_gather %get3A_329[%gather3A_331] in [0] : vector<16xf32>, vector<16xi32> -> vector<16xf32>
        %get3A_333 = arith.index_cast %mul3A_321 : i32 to index
        %get3A_334 = tpu.vector_load %arg14[%get3A_333] {strides = array<i32>} : memref<6080xf32, #tpu.memory_space<vmem>>, vector<16xf32>,
        %broadcast_in_dim3A_335 = vector.broadcast %sub3A_322 : i32 to vector<16x1xi32>
        %gather3A_336 = vector.shape_cast %broadcast_in_dim3A_335 : vector<16x1xi32> to vector<16xi32>
        %gather3A_337 = tpu.dynamic_gather %get3A_334[%gather3A_336] in [0] : vector<16xf32>, vector<16xi32> -> vector<16xf32>
        %get3A_338 = arith.index_cast %mul3A_321 : i32 to index
        %get3A_339 = tpu.vector_load %arg15[%get3A_338] {strides = array<i32>} : memref<6080xf32, #tpu.memory_space<vmem>>, vector<16xf32>,
        %broadcast_in_dim3A_340 = vector.broadcast %sub3A_322 : i32 to vector<16x1xi32>
        %gather3A_341 = vector.shape_cast %broadcast_in_dim3A_340 : vector<16x1xi32> to vector<16xi32>
        %gather3A_342 = tpu.dynamic_gather %get3A_339[%gather3A_341] in [0] : vector<16xf32>, vector<16xi32> -> vector<16xf32>
        %sub3A_343 = arith.subf %gather3A_337, %gather3A_327 : vector<16xf32>
        %max3A_344 = arith.constant 0.000000e+00 : f32
        %max3A_345 = vector.broadcast %max3A_344 : f32 to vector<16xf32>
        %max3A_346 = arith.maximumf %sub3A_343, %max3A_345 : vector<16xf32>
        %sub3A_347 = arith.subf %gather3A_342, %gather3A_332 : vector<16xf32>
        %max3A_348 = arith.constant 0.000000e+00 : f32
        %max3A_349 = vector.broadcast %max3A_348 : f32 to vector<16xf32>
        %max3A_350 = arith.maximumf %sub3A_347, %max3A_349 : vector<16xf32>
        %mul3A_351 = arith.mulf %max3A_346, %max3A_350 : vector<16xf32>
        %add3A_352 = arith.constant 1 : i32
        %add3A_353 = arith.addi %add3A_295, %add3A_352 : i32
        %jit3A_354 = arith.constant 16 : i32
        %div3A_355 = arith.divsi %add3A_353, %jit3A_354 : i32
        %sign3A_356 = arith.constant 0 : i32
        %sign3A_357 = arith.cmpi sgt, %add3A_353, %sign3A_356 : i32
        %sign3A_358 = arith.extui %sign3A_357 : i1 to i32
        %sign3A_359 = arith.constant 0 : i32
        %sign3A_360 = arith.cmpi slt, %add3A_353, %sign3A_359 : i32
        %sign3A_361 = arith.extui %sign3A_360 : i1 to i32
        %sign3A_362 = arith.subi %sign3A_358, %sign3A_361 : i32
        %sign3A_363 = arith.constant 0 : i32
        %sign3A_364 = arith.cmpi sgt, %jit3A_354, %sign3A_363 : i32
        %sign3A_365 = arith.extui %sign3A_364 : i1 to i32
        %sign3A_366 = arith.constant 0 : i32
        %sign3A_367 = arith.cmpi slt, %jit3A_354, %sign3A_366 : i32
        %sign3A_368 = arith.extui %sign3A_367 : i1 to i32
        %sign3A_369 = arith.subi %sign3A_365, %sign3A_368 : i32
        %ne3A_370 = arith.cmpi ne, %sign3A_362, %sign3A_369 : i32
        %rem3A_371 = arith.remsi %add3A_353, %jit3A_354 : i32
        %ne3A_372 = arith.constant 0 : i32
        %ne3A_373 = arith.cmpi ne, %rem3A_371, %ne3A_372 : i32
        %and3A_374 = arith.andi %ne3A_370, %ne3A_373 : i1
        %sub3A_375 = arith.constant 1 : i32
        %sub3A_376 = arith.subi %div3A_355, %sub3A_375 : i32
        %select_n3A_377 = arith.select %and3A_374, %sub3A_376, %div3A_355 : i32
        %mul3A_378 = arith.constant 16 : i32
        %mul3A_379 = arith.muli %select_n3A_377, %mul3A_378 : i32
        %sub3A_380 = arith.subi %add3A_353, %mul3A_379 : i32
        %get3A_381 = arith.index_cast %mul3A_379 : i32 to index
        %get3A_382 = tpu.vector_load %arg12[%get3A_381] {strides = array<i32>} : memref<6080xf32, #tpu.memory_space<vmem>>, vector<16xf32>,
        %broadcast_in_dim3A_383 = vector.broadcast %sub3A_380 : i32 to vector<16x1xi32>
        %gather3A_384 = vector.shape_cast %broadcast_in_dim3A_383 : vector<16x1xi32> to vector<16xi32>
        %gather3A_385 = tpu.dynamic_gather %get3A_382[%gather3A_384] in [0] : vector<16xf32>, vector<16xi32> -> vector<16xf32>
        %get3A_386 = arith.index_cast %mul3A_379 : i32 to index
        %get3A_387 = tpu.vector_load %arg13[%get3A_386] {strides = array<i32>} : memref<6080xf32, #tpu.memory_space<vmem>>, vector<16xf32>,
        %broadcast_in_dim3A_388 = vector.broadcast %sub3A_380 : i32 to vector<16x1xi32>
        %gather3A_389 = vector.shape_cast %broadcast_in_dim3A_388 : vector<16x1xi32> to vector<16xi32>
        %gather3A_390 = tpu.dynamic_gather %get3A_387[%gather3A_389] in [0] : vector<16xf32>, vector<16xi32> -> vector<16xf32>
        %get3A_391 = arith.index_cast %mul3A_379 : i32 to index
        %get3A_392 = tpu.vector_load %arg14[%get3A_391] {strides = array<i32>} : memref<6080xf32, #tpu.memory_space<vmem>>, vector<16xf32>,
        %broadcast_in_dim3A_393 = vector.broadcast %sub3A_380 : i32 to vector<16x1xi32>
        %gather3A_394 = vector.shape_cast %broadcast_in_dim3A_393 : vector<16x1xi32> to vector<16xi32>
        %gather3A_395 = tpu.dynamic_gather %get3A_392[%gather3A_394] in [0] : vector<16xf32>, vector<16xi32> -> vector<16xf32>
        %get3A_396 = arith.index_cast %mul3A_379 : i32 to index
        %get3A_397 = tpu.vector_load %arg15[%get3A_396] {strides = array<i32>} : memref<6080xf32, #tpu.memory_space<vmem>>, vector<16xf32>,
        %broadcast_in_dim3A_398 = vector.broadcast %sub3A_380 : i32 to vector<16x1xi32>
        %gather3A_399 = vector.shape_cast %broadcast_in_dim3A_398 : vector<16x1xi32> to vector<16xi32>
        %gather3A_400 = tpu.dynamic_gather %get3A_397[%gather3A_399] in [0] : vector<16xf32>, vector<16xi32> -> vector<16xf32>
        %sub3A_401 = arith.subf %gather3A_395, %gather3A_385 : vector<16xf32>
        %max3A_402 = arith.constant 0.000000e+00 : f32
        %max3A_403 = vector.broadcast %max3A_402 : f32 to vector<16xf32>
        %max3A_404 = arith.maximumf %sub3A_401, %max3A_403 : vector<16xf32>
        %sub3A_405 = arith.subf %gather3A_400, %gather3A_390 : vector<16xf32>
        %max3A_406 = arith.constant 0.000000e+00 : f32
        %max3A_407 = vector.broadcast %max3A_406 : f32 to vector<16xf32>
        %max3A_408 = arith.maximumf %sub3A_405, %max3A_407 : vector<16xf32>
        %mul3A_409 = arith.mulf %max3A_404, %max3A_408 : vector<16xf32>
        %add3A_410 = arith.constant 63 : i32
        %add3A_411 = arith.addi %while3A_20, %add3A_410 : i32
        %jit3A_412 = arith.constant 64 : i32
        %div3A_413 = arith.divsi %add3A_411, %jit3A_412 : i32
        %sign3A_414 = arith.constant 0 : i32
        %sign3A_415 = arith.cmpi sgt, %add3A_411, %sign3A_414 : i32
        %sign3A_416 = arith.extui %sign3A_415 : i1 to i32
        %sign3A_417 = arith.constant 0 : i32
        %sign3A_418 = arith.cmpi slt, %add3A_411, %sign3A_417 : i32
        %sign3A_419 = arith.extui %sign3A_418 : i1 to i32
        %sign3A_420 = arith.subi %sign3A_416, %sign3A_419 : i32
        %sign3A_421 = arith.constant 0 : i32
        %sign3A_422 = arith.cmpi sgt, %jit3A_412, %sign3A_421 : i32
        %sign3A_423 = arith.extui %sign3A_422 : i1 to i32
        %sign3A_424 = arith.constant 0 : i32
        %sign3A_425 = arith.cmpi slt, %jit3A_412, %sign3A_424 : i32
        %sign3A_426 = arith.extui %sign3A_425 : i1 to i32
        %sign3A_427 = arith.subi %sign3A_423, %sign3A_426 : i32
        %ne3A_428 = arith.cmpi ne, %sign3A_420, %sign3A_427 : i32
        %rem3A_429 = arith.remsi %add3A_411, %jit3A_412 : i32
        %ne3A_430 = arith.constant 0 : i32
        %ne3A_431 = arith.cmpi ne, %rem3A_429, %ne3A_430 : i32
        %and3A_432 = arith.andi %ne3A_428, %ne3A_431 : i1
        %sub3A_433 = arith.constant 1 : i32
        %sub3A_434 = arith.subi %div3A_413, %sub3A_433 : i32
        %select_n3A_435 = arith.select %and3A_432, %sub3A_434, %div3A_413 : i32
        %while3A_436 = arith.constant 0 : i32
        %while3A_437 = arith.subi %select_n3A_435, %while3A_436 : i32
        %while3A_438 = arith.addi %while3A_436, %while3A_437 : i32
        %while3A_439 = arith.constant 1 : i32
        %while3A_440 = arith.divsi %while3A_437, %while3A_439 : i32
        %while3A_441 = arith.muli %while3A_440, %while3A_439 : i32
        %while3A_442 = arith.addi %while3A_436, %while3A_441 : i32
        %while3A_443 = arith.constant 1 : i32
        %while3A_444:2 = scf.for %while3A_572 = %while3A_436 to %while3A_442 step %while3A_443 iter_args(%while3A_573 = %broadcast_in_dim3A_2, %while3A_574 = %broadcast_in_dim3A_2) -> (vector<16xf32>, vector<16xf32>)  : i32 {
          %mul3A_575 = arith.constant 64 : i32
          %mul3A_576 = arith.muli %while3A_572, %mul3A_575 : i32
          %add3A_577 = arith.constant 0 : i32
          %add3A_578 = arith.addi %mul3A_576, %add3A_577 : i32
          %get3A_579 = arith.index_cast %add3A_578 : i32 to index
          %get3A_580 = tpu.vector_load %arg17[%get3A_579] {strides = array<i32>} : memref<1088xf32, #tpu.memory_space<vmem>>, vector<16xf32>,
          %get3A_581 = arith.index_cast %add3A_578 : i32 to index
          %get3A_582 = tpu.vector_load %arg18[%get3A_581] {strides = array<i32>} : memref<1088xf32, #tpu.memory_space<vmem>>, vector<16xf32>,
          %get3A_583 = arith.index_cast %add3A_578 : i32 to index
          %get3A_584 = tpu.vector_load %arg19[%get3A_583] {strides = array<i32>} : memref<1088xf32, #tpu.memory_space<vmem>>, vector<16xf32>,
          %get3A_585 = arith.index_cast %add3A_578 : i32 to index
          %get3A_586 = tpu.vector_load %arg20[%get3A_585] {strides = array<i32>} : memref<1088xf32, #tpu.memory_space<vmem>>, vector<16xf32>,
          %get3A_587 = arith.index_cast %add3A_578 : i32 to index
          %get3A_588 = tpu.vector_load %arg22[%get3A_587] {strides = array<i32>} : memref<1088xf32, #tpu.memory_space<vmem>>, vector<16xf32>,
          %min3A = arith.minimumf %gather3A_337, %get3A_584 : vector<16xf32>
          %max3A_589 = arith.maximumf %gather3A_327, %get3A_580 : vector<16xf32>
          %sub3A_590 = arith.subf %min3A, %max3A_589 : vector<16xf32>
          %max3A_591 = arith.constant 0.000000e+00 : f32
          %max3A_592 = vector.broadcast %max3A_591 : f32 to vector<16xf32>
          %max3A_593 = arith.maximumf %sub3A_590, %max3A_592 : vector<16xf32>
          %min3A_594 = arith.minimumf %gather3A_342, %get3A_586 : vector<16xf32>
          %max3A_595 = arith.maximumf %gather3A_332, %get3A_582 : vector<16xf32>
          %sub3A_596 = arith.subf %min3A_594, %max3A_595 : vector<16xf32>
          %max3A_597 = arith.constant 0.000000e+00 : f32
          %max3A_598 = vector.broadcast %max3A_597 : f32 to vector<16xf32>
          %max3A_599 = arith.maximumf %sub3A_596, %max3A_598 : vector<16xf32>
          %mul3A_600 = arith.mulf %max3A_593, %max3A_599 : vector<16xf32>
          %add3A_601 = arith.addf %mul3A_351, %get3A_588 : vector<16xf32>
          %sub3A_602 = arith.subf %add3A_601, %mul3A_600 : vector<16xf32>
          %max3A_603 = arith.constant 9.99999971E-10 : f32
          %max3A_604 = vector.broadcast %max3A_603 : f32 to vector<16xf32>
          %max3A_605 = arith.maximumf %sub3A_602, %max3A_604 : vector<16xf32>
          %div3A_606 = arith.divf %mul3A_600, %max3A_605 : vector<16xf32>
          %max3A_607 = arith.maximumf %while3A_573, %div3A_606 : vector<16xf32>
          %min3A_608 = arith.minimumf %gather3A_395, %get3A_584 : vector<16xf32>
          %max3A_609 = arith.maximumf %gather3A_385, %get3A_580 : vector<16xf32>
          %sub3A_610 = arith.subf %min3A_608, %max3A_609 : vector<16xf32>
          %max3A_611 = arith.constant 0.000000e+00 : f32
          %max3A_612 = vector.broadcast %max3A_611 : f32 to vector<16xf32>
          %max3A_613 = arith.maximumf %sub3A_610, %max3A_612 : vector<16xf32>
          %min3A_614 = arith.minimumf %gather3A_400, %get3A_586 : vector<16xf32>
          %max3A_615 = arith.maximumf %gather3A_390, %get3A_582 : vector<16xf32>
          %sub3A_616 = arith.subf %min3A_614, %max3A_615 : vector<16xf32>
          %max3A_617 = arith.constant 0.000000e+00 : f32
          %max3A_618 = vector.broadcast %max3A_617 : f32 to vector<16xf32>
          %max3A_619 = arith.maximumf %sub3A_616, %max3A_618 : vector<16xf32>
          %mul3A_620 = arith.mulf %max3A_613, %max3A_619 : vector<16xf32>
          %add3A_621 = arith.addf %mul3A_409, %get3A_588 : vector<16xf32>
          %sub3A_622 = arith.subf %add3A_621, %mul3A_620 : vector<16xf32>
          %max3A_623 = arith.constant 9.99999971E-10 : f32
          %max3A_624 = vector.broadcast %max3A_623 : f32 to vector<16xf32>
          %max3A_625 = arith.maximumf %sub3A_622, %max3A_624 : vector<16xf32>
          %div3A_626 = arith.divf %mul3A_620, %max3A_625 : vector<16xf32>
          %max3A_627 = arith.maximumf %while3A_574, %div3A_626 : vector<16xf32>
          %mul3A_628 = arith.constant 64 : i32
          %mul3A_629 = arith.muli %while3A_572, %mul3A_628 : i32
          %add3A_630 = arith.constant 16 : i32
          %add3A_631 = arith.addi %mul3A_629, %add3A_630 : i32
          %get3A_632 = arith.index_cast %add3A_631 : i32 to index
          %get3A_633 = tpu.vector_load %arg17[%get3A_632] {strides = array<i32>} : memref<1088xf32, #tpu.memory_space<vmem>>, vector<16xf32>,
          %get3A_634 = arith.index_cast %add3A_631 : i32 to index
          %get3A_635 = tpu.vector_load %arg18[%get3A_634] {strides = array<i32>} : memref<1088xf32, #tpu.memory_space<vmem>>, vector<16xf32>,
          %get3A_636 = arith.index_cast %add3A_631 : i32 to index
          %get3A_637 = tpu.vector_load %arg19[%get3A_636] {strides = array<i32>} : memref<1088xf32, #tpu.memory_space<vmem>>, vector<16xf32>,
          %get3A_638 = arith.index_cast %add3A_631 : i32 to index
          %get3A_639 = tpu.vector_load %arg20[%get3A_638] {strides = array<i32>} : memref<1088xf32, #tpu.memory_space<vmem>>, vector<16xf32>,
          %get3A_640 = arith.index_cast %add3A_631 : i32 to index
          %get3A_641 = tpu.vector_load %arg22[%get3A_640] {strides = array<i32>} : memref<1088xf32, #tpu.memory_space<vmem>>, vector<16xf32>,
          %min3A_642 = arith.minimumf %gather3A_337, %get3A_637 : vector<16xf32>
          %max3A_643 = arith.maximumf %gather3A_327, %get3A_633 : vector<16xf32>
          %sub3A_644 = arith.subf %min3A_642, %max3A_643 : vector<16xf32>
          %max3A_645 = arith.constant 0.000000e+00 : f32
          %max3A_646 = vector.broadcast %max3A_645 : f32 to vector<16xf32>
          %max3A_647 = arith.maximumf %sub3A_644, %max3A_646 : vector<16xf32>
          %min3A_648 = arith.minimumf %gather3A_342, %get3A_639 : vector<16xf32>
          %max3A_649 = arith.maximumf %gather3A_332, %get3A_635 : vector<16xf32>
          %sub3A_650 = arith.subf %min3A_648, %max3A_649 : vector<16xf32>
          %max3A_651 = arith.constant 0.000000e+00 : f32
          %max3A_652 = vector.broadcast %max3A_651 : f32 to vector<16xf32>
          %max3A_653 = arith.maximumf %sub3A_650, %max3A_652 : vector<16xf32>
          %mul3A_654 = arith.mulf %max3A_647, %max3A_653 : vector<16xf32>
          %add3A_655 = arith.addf %mul3A_351, %get3A_641 : vector<16xf32>
          %sub3A_656 = arith.subf %add3A_655, %mul3A_654 : vector<16xf32>
          %max3A_657 = arith.constant 9.99999971E-10 : f32
          %max3A_658 = vector.broadcast %max3A_657 : f32 to vector<16xf32>
          %max3A_659 = arith.maximumf %sub3A_656, %max3A_658 : vector<16xf32>
          %div3A_660 = arith.divf %mul3A_654, %max3A_659 : vector<16xf32>
          %max3A_661 = arith.maximumf %max3A_607, %div3A_660 : vector<16xf32>
          %min3A_662 = arith.minimumf %gather3A_395, %get3A_637 : vector<16xf32>
          %max3A_663 = arith.maximumf %gather3A_385, %get3A_633 : vector<16xf32>
          %sub3A_664 = arith.subf %min3A_662, %max3A_663 : vector<16xf32>
          %max3A_665 = arith.constant 0.000000e+00 : f32
          %max3A_666 = vector.broadcast %max3A_665 : f32 to vector<16xf32>
          %max3A_667 = arith.maximumf %sub3A_664, %max3A_666 : vector<16xf32>
          %min3A_668 = arith.minimumf %gather3A_400, %get3A_639 : vector<16xf32>
          %max3A_669 = arith.maximumf %gather3A_390, %get3A_635 : vector<16xf32>
          %sub3A_670 = arith.subf %min3A_668, %max3A_669 : vector<16xf32>
          %max3A_671 = arith.constant 0.000000e+00 : f32
          %max3A_672 = vector.broadcast %max3A_671 : f32 to vector<16xf32>
          %max3A_673 = arith.maximumf %sub3A_670, %max3A_672 : vector<16xf32>
          %mul3A_674 = arith.mulf %max3A_667, %max3A_673 : vector<16xf32>
          %add3A_675 = arith.addf %mul3A_409, %get3A_641 : vector<16xf32>
          %sub3A_676 = arith.subf %add3A_675, %mul3A_674 : vector<16xf32>
          %max3A_677 = arith.constant 9.99999971E-10 : f32
          %max3A_678 = vector.broadcast %max3A_677 : f32 to vector<16xf32>
          %max3A_679 = arith.maximumf %sub3A_676, %max3A_678 : vector<16xf32>
          %div3A_680 = arith.divf %mul3A_674, %max3A_679 : vector<16xf32>
          %max3A_681 = arith.maximumf %max3A_627, %div3A_680 : vector<16xf32>
          %mul3A_682 = arith.constant 64 : i32
          %mul3A_683 = arith.muli %while3A_572, %mul3A_682 : i32
          %add3A_684 = arith.constant 32 : i32
          %add3A_685 = arith.addi %mul3A_683, %add3A_684 : i32
          %get3A_686 = arith.index_cast %add3A_685 : i32 to index
          %get3A_687 = tpu.vector_load %arg17[%get3A_686] {strides = array<i32>} : memref<1088xf32, #tpu.memory_space<vmem>>, vector<16xf32>,
          %get3A_688 = arith.index_cast %add3A_685 : i32 to index
          %get3A_689 = tpu.vector_load %arg18[%get3A_688] {strides = array<i32>} : memref<1088xf32, #tpu.memory_space<vmem>>, vector<16xf32>,
          %get3A_690 = arith.index_cast %add3A_685 : i32 to index
          %get3A_691 = tpu.vector_load %arg19[%get3A_690] {strides = array<i32>} : memref<1088xf32, #tpu.memory_space<vmem>>, vector<16xf32>,
          %get3A_692 = arith.index_cast %add3A_685 : i32 to index
          %get3A_693 = tpu.vector_load %arg20[%get3A_692] {strides = array<i32>} : memref<1088xf32, #tpu.memory_space<vmem>>, vector<16xf32>,
          %get3A_694 = arith.index_cast %add3A_685 : i32 to index
          %get3A_695 = tpu.vector_load %arg22[%get3A_694] {strides = array<i32>} : memref<1088xf32, #tpu.memory_space<vmem>>, vector<16xf32>,
          %min3A_696 = arith.minimumf %gather3A_337, %get3A_691 : vector<16xf32>
          %max3A_697 = arith.maximumf %gather3A_327, %get3A_687 : vector<16xf32>
          %sub3A_698 = arith.subf %min3A_696, %max3A_697 : vector<16xf32>
          %max3A_699 = arith.constant 0.000000e+00 : f32
          %max3A_700 = vector.broadcast %max3A_699 : f32 to vector<16xf32>
          %max3A_701 = arith.maximumf %sub3A_698, %max3A_700 : vector<16xf32>
          %min3A_702 = arith.minimumf %gather3A_342, %get3A_693 : vector<16xf32>
          %max3A_703 = arith.maximumf %gather3A_332, %get3A_689 : vector<16xf32>
          %sub3A_704 = arith.subf %min3A_702, %max3A_703 : vector<16xf32>
          %max3A_705 = arith.constant 0.000000e+00 : f32
          %max3A_706 = vector.broadcast %max3A_705 : f32 to vector<16xf32>
          %max3A_707 = arith.maximumf %sub3A_704, %max3A_706 : vector<16xf32>
          %mul3A_708 = arith.mulf %max3A_701, %max3A_707 : vector<16xf32>
          %add3A_709 = arith.addf %mul3A_351, %get3A_695 : vector<16xf32>
          %sub3A_710 = arith.subf %add3A_709, %mul3A_708 : vector<16xf32>
          %max3A_711 = arith.constant 9.99999971E-10 : f32
          %max3A_712 = vector.broadcast %max3A_711 : f32 to vector<16xf32>
          %max3A_713 = arith.maximumf %sub3A_710, %max3A_712 : vector<16xf32>
          %div3A_714 = arith.divf %mul3A_708, %max3A_713 : vector<16xf32>
          %max3A_715 = arith.maximumf %max3A_661, %div3A_714 : vector<16xf32>
          %min3A_716 = arith.minimumf %gather3A_395, %get3A_691 : vector<16xf32>
          %max3A_717 = arith.maximumf %gather3A_385, %get3A_687 : vector<16xf32>
          %sub3A_718 = arith.subf %min3A_716, %max3A_717 : vector<16xf32>
          %max3A_719 = arith.constant 0.000000e+00 : f32
          %max3A_720 = vector.broadcast %max3A_719 : f32 to vector<16xf32>
          %max3A_721 = arith.maximumf %sub3A_718, %max3A_720 : vector<16xf32>
          %min3A_722 = arith.minimumf %gather3A_400, %get3A_693 : vector<16xf32>
          %max3A_723 = arith.maximumf %gather3A_390, %get3A_689 : vector<16xf32>
          %sub3A_724 = arith.subf %min3A_722, %max3A_723 : vector<16xf32>
          %max3A_725 = arith.constant 0.000000e+00 : f32
          %max3A_726 = vector.broadcast %max3A_725 : f32 to vector<16xf32>
          %max3A_727 = arith.maximumf %sub3A_724, %max3A_726 : vector<16xf32>
          %mul3A_728 = arith.mulf %max3A_721, %max3A_727 : vector<16xf32>
          %add3A_729 = arith.addf %mul3A_409, %get3A_695 : vector<16xf32>
          %sub3A_730 = arith.subf %add3A_729, %mul3A_728 : vector<16xf32>
          %max3A_731 = arith.constant 9.99999971E-10 : f32
          %max3A_732 = vector.broadcast %max3A_731 : f32 to vector<16xf32>
          %max3A_733 = arith.maximumf %sub3A_730, %max3A_732 : vector<16xf32>
          %div3A_734 = arith.divf %mul3A_728, %max3A_733 : vector<16xf32>
          %max3A_735 = arith.maximumf %max3A_681, %div3A_734 : vector<16xf32>
          %mul3A_736 = arith.constant 64 : i32
          %mul3A_737 = arith.muli %while3A_572, %mul3A_736 : i32
          %add3A_738 = arith.constant 48 : i32
          %add3A_739 = arith.addi %mul3A_737, %add3A_738 : i32
          %get3A_740 = arith.index_cast %add3A_739 : i32 to index
          %get3A_741 = tpu.vector_load %arg17[%get3A_740] {strides = array<i32>} : memref<1088xf32, #tpu.memory_space<vmem>>, vector<16xf32>,
          %get3A_742 = arith.index_cast %add3A_739 : i32 to index
          %get3A_743 = tpu.vector_load %arg18[%get3A_742] {strides = array<i32>} : memref<1088xf32, #tpu.memory_space<vmem>>, vector<16xf32>,
          %get3A_744 = arith.index_cast %add3A_739 : i32 to index
          %get3A_745 = tpu.vector_load %arg19[%get3A_744] {strides = array<i32>} : memref<1088xf32, #tpu.memory_space<vmem>>, vector<16xf32>,
          %get3A_746 = arith.index_cast %add3A_739 : i32 to index
          %get3A_747 = tpu.vector_load %arg20[%get3A_746] {strides = array<i32>} : memref<1088xf32, #tpu.memory_space<vmem>>, vector<16xf32>,
          %get3A_748 = arith.index_cast %add3A_739 : i32 to index
          %get3A_749 = tpu.vector_load %arg22[%get3A_748] {strides = array<i32>} : memref<1088xf32, #tpu.memory_space<vmem>>, vector<16xf32>,
          %min3A_750 = arith.minimumf %gather3A_337, %get3A_745 : vector<16xf32>
          %max3A_751 = arith.maximumf %gather3A_327, %get3A_741 : vector<16xf32>
          %sub3A_752 = arith.subf %min3A_750, %max3A_751 : vector<16xf32>
          %max3A_753 = arith.constant 0.000000e+00 : f32
          %max3A_754 = vector.broadcast %max3A_753 : f32 to vector<16xf32>
          %max3A_755 = arith.maximumf %sub3A_752, %max3A_754 : vector<16xf32>
          %min3A_756 = arith.minimumf %gather3A_342, %get3A_747 : vector<16xf32>
          %max3A_757 = arith.maximumf %gather3A_332, %get3A_743 : vector<16xf32>
          %sub3A_758 = arith.subf %min3A_756, %max3A_757 : vector<16xf32>
          %max3A_759 = arith.constant 0.000000e+00 : f32
          %max3A_760 = vector.broadcast %max3A_759 : f32 to vector<16xf32>
          %max3A_761 = arith.maximumf %sub3A_758, %max3A_760 : vector<16xf32>
          %mul3A_762 = arith.mulf %max3A_755, %max3A_761 : vector<16xf32>
          %add3A_763 = arith.addf %mul3A_351, %get3A_749 : vector<16xf32>
          %sub3A_764 = arith.subf %add3A_763, %mul3A_762 : vector<16xf32>
          %max3A_765 = arith.constant 9.99999971E-10 : f32
          %max3A_766 = vector.broadcast %max3A_765 : f32 to vector<16xf32>
          %max3A_767 = arith.maximumf %sub3A_764, %max3A_766 : vector<16xf32>
          %div3A_768 = arith.divf %mul3A_762, %max3A_767 : vector<16xf32>
          %max3A_769 = arith.maximumf %max3A_715, %div3A_768 : vector<16xf32>
          %min3A_770 = arith.minimumf %gather3A_395, %get3A_745 : vector<16xf32>
          %max3A_771 = arith.maximumf %gather3A_385, %get3A_741 : vector<16xf32>
          %sub3A_772 = arith.subf %min3A_770, %max3A_771 : vector<16xf32>
          %max3A_773 = arith.constant 0.000000e+00 : f32
          %max3A_774 = vector.broadcast %max3A_773 : f32 to vector<16xf32>
          %max3A_775 = arith.maximumf %sub3A_772, %max3A_774 : vector<16xf32>
          %min3A_776 = arith.minimumf %gather3A_400, %get3A_747 : vector<16xf32>
          %max3A_777 = arith.maximumf %gather3A_390, %get3A_743 : vector<16xf32>
          %sub3A_778 = arith.subf %min3A_776, %max3A_777 : vector<16xf32>
          %max3A_779 = arith.constant 0.000000e+00 : f32
          %max3A_780 = vector.broadcast %max3A_779 : f32 to vector<16xf32>
          %max3A_781 = arith.maximumf %sub3A_778, %max3A_780 : vector<16xf32>
          %mul3A_782 = arith.mulf %max3A_775, %max3A_781 : vector<16xf32>
          %add3A_783 = arith.addf %mul3A_409, %get3A_749 : vector<16xf32>
          %sub3A_784 = arith.subf %add3A_783, %mul3A_782 : vector<16xf32>
          %max3A_785 = arith.constant 9.99999971E-10 : f32
          %max3A_786 = vector.broadcast %max3A_785 : f32 to vector<16xf32>
          %max3A_787 = arith.maximumf %sub3A_784, %max3A_786 : vector<16xf32>
          %div3A_788 = arith.divf %mul3A_782, %max3A_787 : vector<16xf32>
          %max3A_789 = arith.maximumf %max3A_735, %div3A_788 : vector<16xf32>
          scf.yield %max3A_769, %max3A_789 : vector<16xf32>, vector<16xf32>
        }
        %while3A_445 = arith.constant 1 : i32
        %while3A_446:2 = scf.for %while3A_572 = %while3A_442 to %while3A_438 step %while3A_445 iter_args(%while3A_573 = %while3A_444#0, %while3A_574 = %while3A_444#1) -> (vector<16xf32>, vector<16xf32>)  : i32 {
          %mul3A_575 = arith.constant 64 : i32
          %mul3A_576 = arith.muli %while3A_572, %mul3A_575 : i32
          %add3A_577 = arith.constant 0 : i32
          %add3A_578 = arith.addi %mul3A_576, %add3A_577 : i32
          %get3A_579 = arith.index_cast %add3A_578 : i32 to index
          %get3A_580 = tpu.vector_load %arg17[%get3A_579] {strides = array<i32>} : memref<1088xf32, #tpu.memory_space<vmem>>, vector<16xf32>,
          %get3A_581 = arith.index_cast %add3A_578 : i32 to index
          %get3A_582 = tpu.vector_load %arg18[%get3A_581] {strides = array<i32>} : memref<1088xf32, #tpu.memory_space<vmem>>, vector<16xf32>,
          %get3A_583 = arith.index_cast %add3A_578 : i32 to index
          %get3A_584 = tpu.vector_load %arg19[%get3A_583] {strides = array<i32>} : memref<1088xf32, #tpu.memory_space<vmem>>, vector<16xf32>,
          %get3A_585 = arith.index_cast %add3A_578 : i32 to index
          %get3A_586 = tpu.vector_load %arg20[%get3A_585] {strides = array<i32>} : memref<1088xf32, #tpu.memory_space<vmem>>, vector<16xf32>,
          %get3A_587 = arith.index_cast %add3A_578 : i32 to index
          %get3A_588 = tpu.vector_load %arg22[%get3A_587] {strides = array<i32>} : memref<1088xf32, #tpu.memory_space<vmem>>, vector<16xf32>,
          %min3A = arith.minimumf %gather3A_337, %get3A_584 : vector<16xf32>
          %max3A_589 = arith.maximumf %gather3A_327, %get3A_580 : vector<16xf32>
          %sub3A_590 = arith.subf %min3A, %max3A_589 : vector<16xf32>
          %max3A_591 = arith.constant 0.000000e+00 : f32
          %max3A_592 = vector.broadcast %max3A_591 : f32 to vector<16xf32>
          %max3A_593 = arith.maximumf %sub3A_590, %max3A_592 : vector<16xf32>
          %min3A_594 = arith.minimumf %gather3A_342, %get3A_586 : vector<16xf32>
          %max3A_595 = arith.maximumf %gather3A_332, %get3A_582 : vector<16xf32>
          %sub3A_596 = arith.subf %min3A_594, %max3A_595 : vector<16xf32>
          %max3A_597 = arith.constant 0.000000e+00 : f32
          %max3A_598 = vector.broadcast %max3A_597 : f32 to vector<16xf32>
          %max3A_599 = arith.maximumf %sub3A_596, %max3A_598 : vector<16xf32>
          %mul3A_600 = arith.mulf %max3A_593, %max3A_599 : vector<16xf32>
          %add3A_601 = arith.addf %mul3A_351, %get3A_588 : vector<16xf32>
          %sub3A_602 = arith.subf %add3A_601, %mul3A_600 : vector<16xf32>
          %max3A_603 = arith.constant 9.99999971E-10 : f32
          %max3A_604 = vector.broadcast %max3A_603 : f32 to vector<16xf32>
          %max3A_605 = arith.maximumf %sub3A_602, %max3A_604 : vector<16xf32>
          %div3A_606 = arith.divf %mul3A_600, %max3A_605 : vector<16xf32>
          %max3A_607 = arith.maximumf %while3A_573, %div3A_606 : vector<16xf32>
          %min3A_608 = arith.minimumf %gather3A_395, %get3A_584 : vector<16xf32>
          %max3A_609 = arith.maximumf %gather3A_385, %get3A_580 : vector<16xf32>
          %sub3A_610 = arith.subf %min3A_608, %max3A_609 : vector<16xf32>
          %max3A_611 = arith.constant 0.000000e+00 : f32
          %max3A_612 = vector.broadcast %max3A_611 : f32 to vector<16xf32>
          %max3A_613 = arith.maximumf %sub3A_610, %max3A_612 : vector<16xf32>
          %min3A_614 = arith.minimumf %gather3A_400, %get3A_586 : vector<16xf32>
          %max3A_615 = arith.maximumf %gather3A_390, %get3A_582 : vector<16xf32>
          %sub3A_616 = arith.subf %min3A_614, %max3A_615 : vector<16xf32>
          %max3A_617 = arith.constant 0.000000e+00 : f32
          %max3A_618 = vector.broadcast %max3A_617 : f32 to vector<16xf32>
          %max3A_619 = arith.maximumf %sub3A_616, %max3A_618 : vector<16xf32>
          %mul3A_620 = arith.mulf %max3A_613, %max3A_619 : vector<16xf32>
          %add3A_621 = arith.addf %mul3A_409, %get3A_588 : vector<16xf32>
          %sub3A_622 = arith.subf %add3A_621, %mul3A_620 : vector<16xf32>
          %max3A_623 = arith.constant 9.99999971E-10 : f32
          %max3A_624 = vector.broadcast %max3A_623 : f32 to vector<16xf32>
          %max3A_625 = arith.maximumf %sub3A_622, %max3A_624 : vector<16xf32>
          %div3A_626 = arith.divf %mul3A_620, %max3A_625 : vector<16xf32>
          %max3A_627 = arith.maximumf %while3A_574, %div3A_626 : vector<16xf32>
          %mul3A_628 = arith.constant 64 : i32
          %mul3A_629 = arith.muli %while3A_572, %mul3A_628 : i32
          %add3A_630 = arith.constant 16 : i32
          %add3A_631 = arith.addi %mul3A_629, %add3A_630 : i32
          %get3A_632 = arith.index_cast %add3A_631 : i32 to index
          %get3A_633 = tpu.vector_load %arg17[%get3A_632] {strides = array<i32>} : memref<1088xf32, #tpu.memory_space<vmem>>, vector<16xf32>,
          %get3A_634 = arith.index_cast %add3A_631 : i32 to index
          %get3A_635 = tpu.vector_load %arg18[%get3A_634] {strides = array<i32>} : memref<1088xf32, #tpu.memory_space<vmem>>, vector<16xf32>,
          %get3A_636 = arith.index_cast %add3A_631 : i32 to index
          %get3A_637 = tpu.vector_load %arg19[%get3A_636] {strides = array<i32>} : memref<1088xf32, #tpu.memory_space<vmem>>, vector<16xf32>,
          %get3A_638 = arith.index_cast %add3A_631 : i32 to index
          %get3A_639 = tpu.vector_load %arg20[%get3A_638] {strides = array<i32>} : memref<1088xf32, #tpu.memory_space<vmem>>, vector<16xf32>,
          %get3A_640 = arith.index_cast %add3A_631 : i32 to index
          %get3A_641 = tpu.vector_load %arg22[%get3A_640] {strides = array<i32>} : memref<1088xf32, #tpu.memory_space<vmem>>, vector<16xf32>,
          %min3A_642 = arith.minimumf %gather3A_337, %get3A_637 : vector<16xf32>
          %max3A_643 = arith.maximumf %gather3A_327, %get3A_633 : vector<16xf32>
          %sub3A_644 = arith.subf %min3A_642, %max3A_643 : vector<16xf32>
          %max3A_645 = arith.constant 0.000000e+00 : f32
          %max3A_646 = vector.broadcast %max3A_645 : f32 to vector<16xf32>
          %max3A_647 = arith.maximumf %sub3A_644, %max3A_646 : vector<16xf32>
          %min3A_648 = arith.minimumf %gather3A_342, %get3A_639 : vector<16xf32>
          %max3A_649 = arith.maximumf %gather3A_332, %get3A_635 : vector<16xf32>
          %sub3A_650 = arith.subf %min3A_648, %max3A_649 : vector<16xf32>
          %max3A_651 = arith.constant 0.000000e+00 : f32
          %max3A_652 = vector.broadcast %max3A_651 : f32 to vector<16xf32>
          %max3A_653 = arith.maximumf %sub3A_650, %max3A_652 : vector<16xf32>
          %mul3A_654 = arith.mulf %max3A_647, %max3A_653 : vector<16xf32>
          %add3A_655 = arith.addf %mul3A_351, %get3A_641 : vector<16xf32>
          %sub3A_656 = arith.subf %add3A_655, %mul3A_654 : vector<16xf32>
          %max3A_657 = arith.constant 9.99999971E-10 : f32
          %max3A_658 = vector.broadcast %max3A_657 : f32 to vector<16xf32>
          %max3A_659 = arith.maximumf %sub3A_656, %max3A_658 : vector<16xf32>
          %div3A_660 = arith.divf %mul3A_654, %max3A_659 : vector<16xf32>
          %max3A_661 = arith.maximumf %max3A_607, %div3A_660 : vector<16xf32>
          %min3A_662 = arith.minimumf %gather3A_395, %get3A_637 : vector<16xf32>
          %max3A_663 = arith.maximumf %gather3A_385, %get3A_633 : vector<16xf32>
          %sub3A_664 = arith.subf %min3A_662, %max3A_663 : vector<16xf32>
          %max3A_665 = arith.constant 0.000000e+00 : f32
          %max3A_666 = vector.broadcast %max3A_665 : f32 to vector<16xf32>
          %max3A_667 = arith.maximumf %sub3A_664, %max3A_666 : vector<16xf32>
          %min3A_668 = arith.minimumf %gather3A_400, %get3A_639 : vector<16xf32>
          %max3A_669 = arith.maximumf %gather3A_390, %get3A_635 : vector<16xf32>
          %sub3A_670 = arith.subf %min3A_668, %max3A_669 : vector<16xf32>
          %max3A_671 = arith.constant 0.000000e+00 : f32
          %max3A_672 = vector.broadcast %max3A_671 : f32 to vector<16xf32>
          %max3A_673 = arith.maximumf %sub3A_670, %max3A_672 : vector<16xf32>
          %mul3A_674 = arith.mulf %max3A_667, %max3A_673 : vector<16xf32>
          %add3A_675 = arith.addf %mul3A_409, %get3A_641 : vector<16xf32>
          %sub3A_676 = arith.subf %add3A_675, %mul3A_674 : vector<16xf32>
          %max3A_677 = arith.constant 9.99999971E-10 : f32
          %max3A_678 = vector.broadcast %max3A_677 : f32 to vector<16xf32>
          %max3A_679 = arith.maximumf %sub3A_676, %max3A_678 : vector<16xf32>
          %div3A_680 = arith.divf %mul3A_674, %max3A_679 : vector<16xf32>
          %max3A_681 = arith.maximumf %max3A_627, %div3A_680 : vector<16xf32>
          %mul3A_682 = arith.constant 64 : i32
          %mul3A_683 = arith.muli %while3A_572, %mul3A_682 : i32
          %add3A_684 = arith.constant 32 : i32
          %add3A_685 = arith.addi %mul3A_683, %add3A_684 : i32
          %get3A_686 = arith.index_cast %add3A_685 : i32 to index
          %get3A_687 = tpu.vector_load %arg17[%get3A_686] {strides = array<i32>} : memref<1088xf32, #tpu.memory_space<vmem>>, vector<16xf32>,
          %get3A_688 = arith.index_cast %add3A_685 : i32 to index
          %get3A_689 = tpu.vector_load %arg18[%get3A_688] {strides = array<i32>} : memref<1088xf32, #tpu.memory_space<vmem>>, vector<16xf32>,
          %get3A_690 = arith.index_cast %add3A_685 : i32 to index
          %get3A_691 = tpu.vector_load %arg19[%get3A_690] {strides = array<i32>} : memref<1088xf32, #tpu.memory_space<vmem>>, vector<16xf32>,
          %get3A_692 = arith.index_cast %add3A_685 : i32 to index
          %get3A_693 = tpu.vector_load %arg20[%get3A_692] {strides = array<i32>} : memref<1088xf32, #tpu.memory_space<vmem>>, vector<16xf32>,
          %get3A_694 = arith.index_cast %add3A_685 : i32 to index
          %get3A_695 = tpu.vector_load %arg22[%get3A_694] {strides = array<i32>} : memref<1088xf32, #tpu.memory_space<vmem>>, vector<16xf32>,
          %min3A_696 = arith.minimumf %gather3A_337, %get3A_691 : vector<16xf32>
          %max3A_697 = arith.maximumf %gather3A_327, %get3A_687 : vector<16xf32>
          %sub3A_698 = arith.subf %min3A_696, %max3A_697 : vector<16xf32>
          %max3A_699 = arith.constant 0.000000e+00 : f32
          %max3A_700 = vector.broadcast %max3A_699 : f32 to vector<16xf32>
          %max3A_701 = arith.maximumf %sub3A_698, %max3A_700 : vector<16xf32>
          %min3A_702 = arith.minimumf %gather3A_342, %get3A_693 : vector<16xf32>
          %max3A_703 = arith.maximumf %gather3A_332, %get3A_689 : vector<16xf32>
          %sub3A_704 = arith.subf %min3A_702, %max3A_703 : vector<16xf32>
          %max3A_705 = arith.constant 0.000000e+00 : f32
          %max3A_706 = vector.broadcast %max3A_705 : f32 to vector<16xf32>
          %max3A_707 = arith.maximumf %sub3A_704, %max3A_706 : vector<16xf32>
          %mul3A_708 = arith.mulf %max3A_701, %max3A_707 : vector<16xf32>
          %add3A_709 = arith.addf %mul3A_351, %get3A_695 : vector<16xf32>
          %sub3A_710 = arith.subf %add3A_709, %mul3A_708 : vector<16xf32>
          %max3A_711 = arith.constant 9.99999971E-10 : f32
          %max3A_712 = vector.broadcast %max3A_711 : f32 to vector<16xf32>
          %max3A_713 = arith.maximumf %sub3A_710, %max3A_712 : vector<16xf32>
          %div3A_714 = arith.divf %mul3A_708, %max3A_713 : vector<16xf32>
          %max3A_715 = arith.maximumf %max3A_661, %div3A_714 : vector<16xf32>
          %min3A_716 = arith.minimumf %gather3A_395, %get3A_691 : vector<16xf32>
          %max3A_717 = arith.maximumf %gather3A_385, %get3A_687 : vector<16xf32>
          %sub3A_718 = arith.subf %min3A_716, %max3A_717 : vector<16xf32>
          %max3A_719 = arith.constant 0.000000e+00 : f32
          %max3A_720 = vector.broadcast %max3A_719 : f32 to vector<16xf32>
          %max3A_721 = arith.maximumf %sub3A_718, %max3A_720 : vector<16xf32>
          %min3A_722 = arith.minimumf %gather3A_400, %get3A_693 : vector<16xf32>
          %max3A_723 = arith.maximumf %gather3A_390, %get3A_689 : vector<16xf32>
          %sub3A_724 = arith.subf %min3A_722, %max3A_723 : vector<16xf32>
          %max3A_725 = arith.constant 0.000000e+00 : f32
          %max3A_726 = vector.broadcast %max3A_725 : f32 to vector<16xf32>
          %max3A_727 = arith.maximumf %sub3A_724, %max3A_726 : vector<16xf32>
          %mul3A_728 = arith.mulf %max3A_721, %max3A_727 : vector<16xf32>
          %add3A_729 = arith.addf %mul3A_409, %get3A_695 : vector<16xf32>
          %sub3A_730 = arith.subf %add3A_729, %mul3A_728 : vector<16xf32>
          %max3A_731 = arith.constant 9.99999971E-10 : f32
          %max3A_732 = vector.broadcast %max3A_731 : f32 to vector<16xf32>
          %max3A_733 = arith.maximumf %sub3A_730, %max3A_732 : vector<16xf32>
          %div3A_734 = arith.divf %mul3A_728, %max3A_733 : vector<16xf32>
          %max3A_735 = arith.maximumf %max3A_681, %div3A_734 : vector<16xf32>
          %mul3A_736 = arith.constant 64 : i32
          %mul3A_737 = arith.muli %while3A_572, %mul3A_736 : i32
          %add3A_738 = arith.constant 48 : i32
          %add3A_739 = arith.addi %mul3A_737, %add3A_738 : i32
          %get3A_740 = arith.index_cast %add3A_739 : i32 to index
          %get3A_741 = tpu.vector_load %arg17[%get3A_740] {strides = array<i32>} : memref<1088xf32, #tpu.memory_space<vmem>>, vector<16xf32>,
          %get3A_742 = arith.index_cast %add3A_739 : i32 to index
          %get3A_743 = tpu.vector_load %arg18[%get3A_742] {strides = array<i32>} : memref<1088xf32, #tpu.memory_space<vmem>>, vector<16xf32>,
          %get3A_744 = arith.index_cast %add3A_739 : i32 to index
          %get3A_745 = tpu.vector_load %arg19[%get3A_744] {strides = array<i32>} : memref<1088xf32, #tpu.memory_space<vmem>>, vector<16xf32>,
          %get3A_746 = arith.index_cast %add3A_739 : i32 to index
          %get3A_747 = tpu.vector_load %arg20[%get3A_746] {strides = array<i32>} : memref<1088xf32, #tpu.memory_space<vmem>>, vector<16xf32>,
          %get3A_748 = arith.index_cast %add3A_739 : i32 to index
          %get3A_749 = tpu.vector_load %arg22[%get3A_748] {strides = array<i32>} : memref<1088xf32, #tpu.memory_space<vmem>>, vector<16xf32>,
          %min3A_750 = arith.minimumf %gather3A_337, %get3A_745 : vector<16xf32>
          %max3A_751 = arith.maximumf %gather3A_327, %get3A_741 : vector<16xf32>
          %sub3A_752 = arith.subf %min3A_750, %max3A_751 : vector<16xf32>
          %max3A_753 = arith.constant 0.000000e+00 : f32
          %max3A_754 = vector.broadcast %max3A_753 : f32 to vector<16xf32>
          %max3A_755 = arith.maximumf %sub3A_752, %max3A_754 : vector<16xf32>
          %min3A_756 = arith.minimumf %gather3A_342, %get3A_747 : vector<16xf32>
          %max3A_757 = arith.maximumf %gather3A_332, %get3A_743 : vector<16xf32>
          %sub3A_758 = arith.subf %min3A_756, %max3A_757 : vector<16xf32>
          %max3A_759 = arith.constant 0.000000e+00 : f32
          %max3A_760 = vector.broadcast %max3A_759 : f32 to vector<16xf32>
          %max3A_761 = arith.maximumf %sub3A_758, %max3A_760 : vector<16xf32>
          %mul3A_762 = arith.mulf %max3A_755, %max3A_761 : vector<16xf32>
          %add3A_763 = arith.addf %mul3A_351, %get3A_749 : vector<16xf32>
          %sub3A_764 = arith.subf %add3A_763, %mul3A_762 : vector<16xf32>
          %max3A_765 = arith.constant 9.99999971E-10 : f32
          %max3A_766 = vector.broadcast %max3A_765 : f32 to vector<16xf32>
          %max3A_767 = arith.maximumf %sub3A_764, %max3A_766 : vector<16xf32>
          %div3A_768 = arith.divf %mul3A_762, %max3A_767 : vector<16xf32>
          %max3A_769 = arith.maximumf %max3A_715, %div3A_768 : vector<16xf32>
          %min3A_770 = arith.minimumf %gather3A_395, %get3A_745 : vector<16xf32>
          %max3A_771 = arith.maximumf %gather3A_385, %get3A_741 : vector<16xf32>
          %sub3A_772 = arith.subf %min3A_770, %max3A_771 : vector<16xf32>
          %max3A_773 = arith.constant 0.000000e+00 : f32
          %max3A_774 = vector.broadcast %max3A_773 : f32 to vector<16xf32>
          %max3A_775 = arith.maximumf %sub3A_772, %max3A_774 : vector<16xf32>
          %min3A_776 = arith.minimumf %gather3A_400, %get3A_747 : vector<16xf32>
          %max3A_777 = arith.maximumf %gather3A_390, %get3A_743 : vector<16xf32>
          %sub3A_778 = arith.subf %min3A_776, %max3A_777 : vector<16xf32>
          %max3A_779 = arith.constant 0.000000e+00 : f32
          %max3A_780 = vector.broadcast %max3A_779 : f32 to vector<16xf32>
          %max3A_781 = arith.maximumf %sub3A_778, %max3A_780 : vector<16xf32>
          %mul3A_782 = arith.mulf %max3A_775, %max3A_781 : vector<16xf32>
          %add3A_783 = arith.addf %mul3A_409, %get3A_749 : vector<16xf32>
          %sub3A_784 = arith.subf %add3A_783, %mul3A_782 : vector<16xf32>
          %max3A_785 = arith.constant 9.99999971E-10 : f32
          %max3A_786 = vector.broadcast %max3A_785 : f32 to vector<16xf32>
          %max3A_787 = arith.maximumf %sub3A_784, %max3A_786 : vector<16xf32>
          %div3A_788 = arith.divf %mul3A_782, %max3A_787 : vector<16xf32>
          %max3A_789 = arith.maximumf %max3A_735, %div3A_788 : vector<16xf32>
          scf.yield %max3A_769, %max3A_789 : vector<16xf32>, vector<16xf32>
        }
        %jit3A_447 = arith.constant 16 : i32
        %div3A_448 = arith.divsi %add3A_294, %jit3A_447 : i32
        %sign3A_449 = arith.constant 0 : i32
        %sign3A_450 = arith.cmpi sgt, %add3A_294, %sign3A_449 : i32
        %sign3A_451 = arith.extui %sign3A_450 : i1 to i32
        %sign3A_452 = arith.constant 0 : i32
        %sign3A_453 = arith.cmpi slt, %add3A_294, %sign3A_452 : i32
        %sign3A_454 = arith.extui %sign3A_453 : i1 to i32
        %sign3A_455 = arith.subi %sign3A_451, %sign3A_454 : i32
        %sign3A_456 = arith.constant 0 : i32
        %sign3A_457 = arith.cmpi sgt, %jit3A_447, %sign3A_456 : i32
        %sign3A_458 = arith.extui %sign3A_457 : i1 to i32
        %sign3A_459 = arith.constant 0 : i32
        %sign3A_460 = arith.cmpi slt, %jit3A_447, %sign3A_459 : i32
        %sign3A_461 = arith.extui %sign3A_460 : i1 to i32
        %sign3A_462 = arith.subi %sign3A_458, %sign3A_461 : i32
        %ne3A_463 = arith.cmpi ne, %sign3A_455, %sign3A_462 : i32
        %rem3A_464 = arith.remsi %add3A_294, %jit3A_447 : i32
        %ne3A_465 = arith.constant 0 : i32
        %ne3A_466 = arith.cmpi ne, %rem3A_464, %ne3A_465 : i32
        %and3A_467 = arith.andi %ne3A_463, %ne3A_466 : i1
        %sub3A_468 = arith.constant 1 : i32
        %sub3A_469 = arith.subi %div3A_448, %sub3A_468 : i32
        %select_n3A_470 = arith.select %and3A_467, %sub3A_469, %div3A_448 : i32
        %add3A_471 = arith.constant 1 : i32
        %add3A_472 = arith.addi %select_n3A_470, %add3A_471 : i32
        %while3A_473 = arith.constant 0 : i32
        %while3A_474 = arith.subi %add3A_472, %while3A_473 : i32
        %while3A_475 = arith.addi %while3A_473, %while3A_474 : i32
        %while3A_476 = arith.constant 1 : i32
        %while3A_477 = arith.divsi %while3A_474, %while3A_476 : i32
        %while3A_478 = arith.muli %while3A_477, %while3A_476 : i32
        %while3A_479 = arith.addi %while3A_473, %while3A_478 : i32
        %while3A_480 = arith.constant 1 : i32
        %while3A_481:2 = scf.for %while3A_572 = %while3A_473 to %while3A_479 step %while3A_480 iter_args(%while3A_573 = %broadcast_in_dim3A_2, %while3A_574 = %broadcast_in_dim3A_2) -> (vector<16xf32>, vector<16xf32>)  : i32 {
          %mul3A_575 = arith.constant 16 : i32
          %mul3A_576 = arith.muli %while3A_572, %mul3A_575 : i32
          %add3A_577 = arith.addi %mul3A_22, %mul3A_576 : i32
          %get3A_578 = arith.index_cast %add3A_577 : i32 to index
          %get3A_579 = tpu.vector_load %arg12[%get3A_578] {strides = array<i32>} : memref<6080xf32, #tpu.memory_space<vmem>>, vector<16xf32>,
          %get3A_580 = arith.index_cast %add3A_577 : i32 to index
          %get3A_581 = tpu.vector_load %arg13[%get3A_580] {strides = array<i32>} : memref<6080xf32, #tpu.memory_space<vmem>>, vector<16xf32>,
          %get3A_582 = arith.index_cast %add3A_577 : i32 to index
          %get3A_583 = tpu.vector_load %arg14[%get3A_582] {strides = array<i32>} : memref<6080xf32, #tpu.memory_space<vmem>>, vector<16xf32>,
          %get3A_584 = arith.index_cast %add3A_577 : i32 to index
          %get3A_585 = tpu.vector_load %arg15[%get3A_584] {strides = array<i32>} : memref<6080xf32, #tpu.memory_space<vmem>>, vector<16xf32>,
          %sub3A_586 = arith.subf %get3A_583, %get3A_579 : vector<16xf32>
          %max3A_587 = arith.constant 0.000000e+00 : f32
          %max3A_588 = vector.broadcast %max3A_587 : f32 to vector<16xf32>
          %max3A_589 = arith.maximumf %sub3A_586, %max3A_588 : vector<16xf32>
          %sub3A_590 = arith.subf %get3A_585, %get3A_581 : vector<16xf32>
          %max3A_591 = arith.constant 0.000000e+00 : f32
          %max3A_592 = vector.broadcast %max3A_591 : f32 to vector<16xf32>
          %max3A_593 = arith.maximumf %sub3A_590, %max3A_592 : vector<16xf32>
          %mul3A_594 = arith.mulf %max3A_589, %max3A_593 : vector<16xf32>
          %mul3A_595 = arith.constant 16 : i32
          %mul3A_596 = arith.muli %while3A_572, %mul3A_595 : i32
          %sub3A_597 = arith.subi %add3A_294, %mul3A_596 : i32
          %min3A = arith.minimumf %gather3A_337, %get3A_583 : vector<16xf32>
          %max3A_598 = arith.maximumf %gather3A_327, %get3A_579 : vector<16xf32>
          %sub3A_599 = arith.subf %min3A, %max3A_598 : vector<16xf32>
          %max3A_600 = arith.constant 0.000000e+00 : f32
          %max3A_601 = vector.broadcast %max3A_600 : f32 to vector<16xf32>
          %max3A_602 = arith.maximumf %sub3A_599, %max3A_601 : vector<16xf32>
          %min3A_603 = arith.minimumf %gather3A_342, %get3A_585 : vector<16xf32>
          %max3A_604 = arith.maximumf %gather3A_332, %get3A_581 : vector<16xf32>
          %sub3A_605 = arith.subf %min3A_603, %max3A_604 : vector<16xf32>
          %max3A_606 = arith.constant 0.000000e+00 : f32
          %max3A_607 = vector.broadcast %max3A_606 : f32 to vector<16xf32>
          %max3A_608 = arith.maximumf %sub3A_605, %max3A_607 : vector<16xf32>
          %mul3A_609 = arith.mulf %max3A_602, %max3A_608 : vector<16xf32>
          %add3A_610 = arith.addf %mul3A_351, %mul3A_594 : vector<16xf32>
          %sub3A_611 = arith.subf %add3A_610, %mul3A_609 : vector<16xf32>
          %max3A_612 = arith.constant 9.99999971E-10 : f32
          %max3A_613 = vector.broadcast %max3A_612 : f32 to vector<16xf32>
          %max3A_614 = arith.maximumf %sub3A_611, %max3A_613 : vector<16xf32>
          %div3A_615 = arith.divf %mul3A_609, %max3A_614 : vector<16xf32>
          %lt3A = vector.broadcast %sub3A_597 : i32 to vector<16xi32>
          %lt3A_616 = arith.cmpi slt, %iota3A, %lt3A : vector<16xi32>
          %jit3A_617 = arith.constant 0.000000e+00 : f32
          %broadcast_in_dim3A_618 = vector.broadcast %jit3A_617 : f32 to vector<16xf32>
          %select_n3A_619 = arith.select %lt3A_616, %div3A_615, %broadcast_in_dim3A_618 : vector<16xi1>, vector<16xf32>
          %max3A_620 = arith.maximumf %while3A_573, %select_n3A_619 : vector<16xf32>
          %min3A_621 = arith.minimumf %gather3A_395, %get3A_583 : vector<16xf32>
          %max3A_622 = arith.maximumf %gather3A_385, %get3A_579 : vector<16xf32>
          %sub3A_623 = arith.subf %min3A_621, %max3A_622 : vector<16xf32>
          %max3A_624 = arith.constant 0.000000e+00 : f32
          %max3A_625 = vector.broadcast %max3A_624 : f32 to vector<16xf32>
          %max3A_626 = arith.maximumf %sub3A_623, %max3A_625 : vector<16xf32>
          %min3A_627 = arith.minimumf %gather3A_400, %get3A_585 : vector<16xf32>
          %max3A_628 = arith.maximumf %gather3A_390, %get3A_581 : vector<16xf32>
          %sub3A_629 = arith.subf %min3A_627, %max3A_628 : vector<16xf32>
          %max3A_630 = arith.constant 0.000000e+00 : f32
          %max3A_631 = vector.broadcast %max3A_630 : f32 to vector<16xf32>
          %max3A_632 = arith.maximumf %sub3A_629, %max3A_631 : vector<16xf32>
          %mul3A_633 = arith.mulf %max3A_626, %max3A_632 : vector<16xf32>
          %add3A_634 = arith.addf %mul3A_409, %mul3A_594 : vector<16xf32>
          %sub3A_635 = arith.subf %add3A_634, %mul3A_633 : vector<16xf32>
          %max3A_636 = arith.constant 9.99999971E-10 : f32
          %max3A_637 = vector.broadcast %max3A_636 : f32 to vector<16xf32>
          %max3A_638 = arith.maximumf %sub3A_635, %max3A_637 : vector<16xf32>
          %div3A_639 = arith.divf %mul3A_633, %max3A_638 : vector<16xf32>
          %add3A_640 = arith.constant 1 : i32
          %add3A_641 = arith.addi %sub3A_597, %add3A_640 : i32
          %lt3A_642 = vector.broadcast %add3A_641 : i32 to vector<16xi32>
          %lt3A_643 = arith.cmpi slt, %iota3A, %lt3A_642 : vector<16xi32>
          %jit3A_644 = arith.constant 0.000000e+00 : f32
          %broadcast_in_dim3A_645 = vector.broadcast %jit3A_644 : f32 to vector<16xf32>
          %select_n3A_646 = arith.select %lt3A_643, %div3A_639, %broadcast_in_dim3A_645 : vector<16xi1>, vector<16xf32>
          %max3A_647 = arith.maximumf %while3A_574, %select_n3A_646 : vector<16xf32>
          scf.yield %max3A_620, %max3A_647 : vector<16xf32>, vector<16xf32>
        }
        %while3A_482 = arith.constant 1 : i32
        %while3A_483:2 = scf.for %while3A_572 = %while3A_479 to %while3A_475 step %while3A_482 iter_args(%while3A_573 = %while3A_481#0, %while3A_574 = %while3A_481#1) -> (vector<16xf32>, vector<16xf32>)  : i32 {
          %mul3A_575 = arith.constant 16 : i32
          %mul3A_576 = arith.muli %while3A_572, %mul3A_575 : i32
          %add3A_577 = arith.addi %mul3A_22, %mul3A_576 : i32
          %get3A_578 = arith.index_cast %add3A_577 : i32 to index
          %get3A_579 = tpu.vector_load %arg12[%get3A_578] {strides = array<i32>} : memref<6080xf32, #tpu.memory_space<vmem>>, vector<16xf32>,
          %get3A_580 = arith.index_cast %add3A_577 : i32 to index
          %get3A_581 = tpu.vector_load %arg13[%get3A_580] {strides = array<i32>} : memref<6080xf32, #tpu.memory_space<vmem>>, vector<16xf32>,
          %get3A_582 = arith.index_cast %add3A_577 : i32 to index
          %get3A_583 = tpu.vector_load %arg14[%get3A_582] {strides = array<i32>} : memref<6080xf32, #tpu.memory_space<vmem>>, vector<16xf32>,
          %get3A_584 = arith.index_cast %add3A_577 : i32 to index
          %get3A_585 = tpu.vector_load %arg15[%get3A_584] {strides = array<i32>} : memref<6080xf32, #tpu.memory_space<vmem>>, vector<16xf32>,
          %sub3A_586 = arith.subf %get3A_583, %get3A_579 : vector<16xf32>
          %max3A_587 = arith.constant 0.000000e+00 : f32
          %max3A_588 = vector.broadcast %max3A_587 : f32 to vector<16xf32>
          %max3A_589 = arith.maximumf %sub3A_586, %max3A_588 : vector<16xf32>
          %sub3A_590 = arith.subf %get3A_585, %get3A_581 : vector<16xf32>
          %max3A_591 = arith.constant 0.000000e+00 : f32
          %max3A_592 = vector.broadcast %max3A_591 : f32 to vector<16xf32>
          %max3A_593 = arith.maximumf %sub3A_590, %max3A_592 : vector<16xf32>
          %mul3A_594 = arith.mulf %max3A_589, %max3A_593 : vector<16xf32>
          %mul3A_595 = arith.constant 16 : i32
          %mul3A_596 = arith.muli %while3A_572, %mul3A_595 : i32
          %sub3A_597 = arith.subi %add3A_294, %mul3A_596 : i32
          %min3A = arith.minimumf %gather3A_337, %get3A_583 : vector<16xf32>
          %max3A_598 = arith.maximumf %gather3A_327, %get3A_579 : vector<16xf32>
          %sub3A_599 = arith.subf %min3A, %max3A_598 : vector<16xf32>
          %max3A_600 = arith.constant 0.000000e+00 : f32
          %max3A_601 = vector.broadcast %max3A_600 : f32 to vector<16xf32>
          %max3A_602 = arith.maximumf %sub3A_599, %max3A_601 : vector<16xf32>
          %min3A_603 = arith.minimumf %gather3A_342, %get3A_585 : vector<16xf32>
          %max3A_604 = arith.maximumf %gather3A_332, %get3A_581 : vector<16xf32>
          %sub3A_605 = arith.subf %min3A_603, %max3A_604 : vector<16xf32>
          %max3A_606 = arith.constant 0.000000e+00 : f32
          %max3A_607 = vector.broadcast %max3A_606 : f32 to vector<16xf32>
          %max3A_608 = arith.maximumf %sub3A_605, %max3A_607 : vector<16xf32>
          %mul3A_609 = arith.mulf %max3A_602, %max3A_608 : vector<16xf32>
          %add3A_610 = arith.addf %mul3A_351, %mul3A_594 : vector<16xf32>
          %sub3A_611 = arith.subf %add3A_610, %mul3A_609 : vector<16xf32>
          %max3A_612 = arith.constant 9.99999971E-10 : f32
          %max3A_613 = vector.broadcast %max3A_612 : f32 to vector<16xf32>
          %max3A_614 = arith.maximumf %sub3A_611, %max3A_613 : vector<16xf32>
          %div3A_615 = arith.divf %mul3A_609, %max3A_614 : vector<16xf32>
          %lt3A = vector.broadcast %sub3A_597 : i32 to vector<16xi32>
          %lt3A_616 = arith.cmpi slt, %iota3A, %lt3A : vector<16xi32>
          %jit3A_617 = arith.constant 0.000000e+00 : f32
          %broadcast_in_dim3A_618 = vector.broadcast %jit3A_617 : f32 to vector<16xf32>
          %select_n3A_619 = arith.select %lt3A_616, %div3A_615, %broadcast_in_dim3A_618 : vector<16xi1>, vector<16xf32>
          %max3A_620 = arith.maximumf %while3A_573, %select_n3A_619 : vector<16xf32>
          %min3A_621 = arith.minimumf %gather3A_395, %get3A_583 : vector<16xf32>
          %max3A_622 = arith.maximumf %gather3A_385, %get3A_579 : vector<16xf32>
          %sub3A_623 = arith.subf %min3A_621, %max3A_622 : vector<16xf32>
          %max3A_624 = arith.constant 0.000000e+00 : f32
          %max3A_625 = vector.broadcast %max3A_624 : f32 to vector<16xf32>
          %max3A_626 = arith.maximumf %sub3A_623, %max3A_625 : vector<16xf32>
          %min3A_627 = arith.minimumf %gather3A_400, %get3A_585 : vector<16xf32>
          %max3A_628 = arith.maximumf %gather3A_390, %get3A_581 : vector<16xf32>
          %sub3A_629 = arith.subf %min3A_627, %max3A_628 : vector<16xf32>
          %max3A_630 = arith.constant 0.000000e+00 : f32
          %max3A_631 = vector.broadcast %max3A_630 : f32 to vector<16xf32>
          %max3A_632 = arith.maximumf %sub3A_629, %max3A_631 : vector<16xf32>
          %mul3A_633 = arith.mulf %max3A_626, %max3A_632 : vector<16xf32>
          %add3A_634 = arith.addf %mul3A_409, %mul3A_594 : vector<16xf32>
          %sub3A_635 = arith.subf %add3A_634, %mul3A_633 : vector<16xf32>
          %max3A_636 = arith.constant 9.99999971E-10 : f32
          %max3A_637 = vector.broadcast %max3A_636 : f32 to vector<16xf32>
          %max3A_638 = arith.maximumf %sub3A_635, %max3A_637 : vector<16xf32>
          %div3A_639 = arith.divf %mul3A_633, %max3A_638 : vector<16xf32>
          %add3A_640 = arith.constant 1 : i32
          %add3A_641 = arith.addi %sub3A_597, %add3A_640 : i32
          %lt3A_642 = vector.broadcast %add3A_641 : i32 to vector<16xi32>
          %lt3A_643 = arith.cmpi slt, %iota3A, %lt3A_642 : vector<16xi32>
          %jit3A_644 = arith.constant 0.000000e+00 : f32
          %broadcast_in_dim3A_645 = vector.broadcast %jit3A_644 : f32 to vector<16xf32>
          %select_n3A_646 = arith.select %lt3A_643, %div3A_639, %broadcast_in_dim3A_645 : vector<16xi1>, vector<16xf32>
          %max3A_647 = arith.maximumf %while3A_574, %select_n3A_646 : vector<16xf32>
          scf.yield %max3A_620, %max3A_647 : vector<16xf32>, vector<16xf32>
        }
        %gt3A_484 = arith.constant 5.000000e-01 : f32
        %gt3A_485 = vector.broadcast %gt3A_484 : f32 to vector<16xf32>
        %gt3A_486 = arith.cmpf ogt, %while3A_446#0, %gt3A_485 : vector<16xf32>
        %all_reduce_population_count3A_487 = tpu.all_reduce %gt3A_486 {dim = 0 : i64, kind = #tpu.reduction_kind<sum>} : vector<16xi1> -> vector<16xi32>
        %slice3A_488 = vector.extract_strided_slice %all_reduce_population_count3A_487 {offsets = [0], sizes = [1], strides = [1]} : vector<16xi32> to vector<1xi32>
        %squeeze3A_489 = vector.extract %slice3A_488[0] : i32 from vector<1xi32>
        %gt3A_490 = arith.constant 0 : i32
        %gt3A_491 = arith.cmpi sgt, %squeeze3A_489, %gt3A_490 : i32
        %jit3A_492 = arith.constant 2.000000e+00 : f32
        %jit3A_493 = arith.constant 0.000000e+00 : f32
        %select_n3A_494 = arith.select %gt3A_491, %jit3A_492, %jit3A_493 : f32
        %gt3A_495 = arith.constant 5.000000e-01 : f32
        %gt3A_496 = vector.broadcast %gt3A_495 : f32 to vector<16xf32>
        %gt3A_497 = arith.cmpf ogt, %while3A_483#0, %gt3A_496 : vector<16xf32>
        %all_reduce_population_count3A_498 = tpu.all_reduce %gt3A_497 {dim = 0 : i64, kind = #tpu.reduction_kind<sum>} : vector<16xi1> -> vector<16xi32>
        %slice3A_499 = vector.extract_strided_slice %all_reduce_population_count3A_498 {offsets = [0], sizes = [1], strides = [1]} : vector<16xi32> to vector<1xi32>
        %squeeze3A_500 = vector.extract %slice3A_499[0] : i32 from vector<1xi32>
        %gt3A_501 = arith.constant 0 : i32
        %gt3A_502 = arith.cmpi sgt, %squeeze3A_500, %gt3A_501 : i32
        %jit3A_503 = arith.constant 1.000000e+00 : f32
        %jit3A_504 = arith.constant 0.000000e+00 : f32
        %select_n3A_505 = arith.select %gt3A_502, %jit3A_503, %jit3A_504 : f32
        %add3A_506 = arith.addf %select_n3A_494, %select_n3A_505 : f32
        %gt3A_507 = arith.constant 5.000000e-01 : f32
        %gt3A_508 = vector.broadcast %gt3A_507 : f32 to vector<16xf32>
        %gt3A_509 = arith.cmpf ogt, %while3A_446#1, %gt3A_508 : vector<16xf32>
        %all_reduce_population_count3A_510 = tpu.all_reduce %gt3A_509 {dim = 0 : i64, kind = #tpu.reduction_kind<sum>} : vector<16xi1> -> vector<16xi32>
        %slice3A_511 = vector.extract_strided_slice %all_reduce_population_count3A_510 {offsets = [0], sizes = [1], strides = [1]} : vector<16xi32> to vector<1xi32>
        %squeeze3A_512 = vector.extract %slice3A_511[0] : i32 from vector<1xi32>
        %gt3A_513 = arith.constant 0 : i32
        %gt3A_514 = arith.cmpi sgt, %squeeze3A_512, %gt3A_513 : i32
        %jit3A_515 = arith.constant 2.000000e+00 : f32
        %jit3A_516 = arith.constant 0.000000e+00 : f32
        %select_n3A_517 = arith.select %gt3A_514, %jit3A_515, %jit3A_516 : f32
        %gt3A_518 = arith.constant 5.000000e-01 : f32
        %gt3A_519 = vector.broadcast %gt3A_518 : f32 to vector<16xf32>
        %gt3A_520 = arith.cmpf ogt, %while3A_483#1, %gt3A_519 : vector<16xf32>
        %all_reduce_population_count3A_521 = tpu.all_reduce %gt3A_520 {dim = 0 : i64, kind = #tpu.reduction_kind<sum>} : vector<16xi1> -> vector<16xi32>
        %slice3A_522 = vector.extract_strided_slice %all_reduce_population_count3A_521 {offsets = [0], sizes = [1], strides = [1]} : vector<16xi32> to vector<1xi32>
        %squeeze3A_523 = vector.extract %slice3A_522[0] : i32 from vector<1xi32>
        %gt3A_524 = arith.constant 0 : i32
        %gt3A_525 = arith.cmpi sgt, %squeeze3A_523, %gt3A_524 : i32
        %jit3A_526 = arith.constant 1.000000e+00 : f32
        %jit3A_527 = arith.constant 0.000000e+00 : f32
        %select_n3A_528 = arith.select %gt3A_525, %jit3A_526, %jit3A_527 : f32
        %add3A_529 = arith.addf %select_n3A_517, %select_n3A_528 : f32
        %eq3A_530 = arith.constant 2 : i32
        %eq3A_531 = vector.broadcast %eq3A_530 : i32 to vector<16xi32>
        %eq3A_532 = arith.cmpi eq, %iota3A, %eq3A_531 : vector<16xi32>
        %jit3A_533 = arith.constant 0.000000e+00 : f32
        %broadcast_in_dim3A_534 = vector.broadcast %add3A_506 : f32 to vector<16xf32>
        %broadcast_in_dim3A_535 = vector.broadcast %jit3A_533 : f32 to vector<16xf32>
        %select_n3A_536 = arith.select %eq3A_532, %broadcast_in_dim3A_534, %broadcast_in_dim3A_535 : vector<16xi1>, vector<16xf32>
        %add3A_537 = arith.addf %add3A_290, %select_n3A_536 : vector<16xf32>
        %eq3A_538 = arith.constant 3 : i32
        %eq3A_539 = vector.broadcast %eq3A_538 : i32 to vector<16xi32>
        %eq3A_540 = arith.cmpi eq, %iota3A, %eq3A_539 : vector<16xi32>
        %jit3A_541 = arith.constant 0.000000e+00 : f32
        %broadcast_in_dim3A_542 = vector.broadcast %add3A_529 : f32 to vector<16xf32>
        %broadcast_in_dim3A_543 = vector.broadcast %jit3A_541 : f32 to vector<16xf32>
        %select_n3A_544 = arith.select %eq3A_540, %broadcast_in_dim3A_542, %broadcast_in_dim3A_543 : vector<16xi1>, vector<16xf32>
        %add3A_545 = arith.addf %add3A_537, %select_n3A_544 : vector<16xf32>
        %swap3A = arith.constant 0 : index
        %swap3A_546 = tpu.vector_load %arg24[%swap3A] {strides = array<i32>} : memref<16xf32, #tpu.memory_space<vmem>>, vector<16xf32>,
        tpu.vector_store %arg24[%swap3A], %add3A_545 {strides = array<i32>} : memref<16xf32, #tpu.memory_space<vmem>>, vector<16xf32>,
        %mul3A_547 = arith.constant 16 : i32
        %mul3A_548 = arith.muli %arg1, %mul3A_547 : i32
        "tpu.region"() ({
          %run_scoped3A = tpu.sem_alloc : memref<!tpu.dma_semaphore, #tpu.memory_space<semaphore_mem>>
          %dma_start3A = tpu.memref_slice %arg31[%mul3A_548] : memref<256xf32, #tpu.memory_space<vmem_shared>> -> memref<16xf32, #tpu.memory_space<vmem_shared>>
          %dma_start3A_572 = tpu.memref_slice %arg31[%mul3A_548] : memref<256xf32, #tpu.memory_space<vmem_shared>> -> memref<16xf32, #tpu.memory_space<vmem_shared>>
          tpu.enqueue_dma source(%arg24 : memref<16xf32, #tpu.memory_space<vmem>>) target(%dma_start3A_572 : memref<16xf32, #tpu.memory_space<vmem_shared>>) target_semaphore(%run_scoped3A : memref<!tpu.dma_semaphore, #tpu.memory_space<semaphore_mem>>)
          %dma_wait3A = tpu.memref_slice %arg31[%mul3A_548] : memref<256xf32, #tpu.memory_space<vmem_shared>> -> memref<16xf32, #tpu.memory_space<vmem_shared>>
          %dma_wait3A_573 = tpu.memref_slice %arg31[%mul3A_548] : memref<256xf32, #tpu.memory_space<vmem_shared>> -> memref<16xf32, #tpu.memory_space<vmem_shared>>
          tpu.wait_dma2 semaphore(%run_scoped3A : memref<!tpu.dma_semaphore, #tpu.memory_space<semaphore_mem>>) src(%arg24 : memref<16xf32, #tpu.memory_space<vmem>>) dst(%dma_wait3A_573 : memref<16xf32, #tpu.memory_space<vmem_shared>>)
          tpu.yield
        }) : () -> ()
        %barrier3A = arith.constant 0 : index
        tpu.barrier barrier_id(%barrier3A)
        %eq3A_549 = arith.constant 0 : i32
        %eq3A_550 = arith.cmpi eq, %arg1, %eq3A_549 : i32
        %convert_element_type3A_551 = arith.extui %eq3A_550 : i1 to i32
        %cond3A_552 = arith.constant 0 : i32
        %cond3A_553 = arith.cmpi ne, %convert_element_type3A_551, %cond3A_552 : i32
        scf.if %cond3A_553 {
          "tpu.region"() ({
            %run_scoped3A = tpu.sem_alloc : memref<!tpu.dma_semaphore, #tpu.memory_space<semaphore_mem>>
            tpu.enqueue_dma source(%arg31 : memref<256xf32, #tpu.memory_space<vmem_shared>>) target(%arg23 : memref<256xf32, #tpu.memory_space<vmem>>) target_semaphore(%run_scoped3A : memref<!tpu.dma_semaphore, #tpu.memory_space<semaphore_mem>>)
            tpu.wait_dma2 semaphore(%run_scoped3A : memref<!tpu.dma_semaphore, #tpu.memory_space<semaphore_mem>>) src(%arg31 : memref<256xf32, #tpu.memory_space<vmem_shared>>) dst(%arg23 : memref<256xf32, #tpu.memory_space<vmem>>)
            tpu.yield
          }) : () -> ()
          %scan3A_572 = arith.constant 0 : i32
          %scan3A_573 = arith.constant 64 : i32
          %scan3A_574 = arith.addi %scan3A_572, %scan3A_573 : i32
          %scan3A_575 = arith.constant 1 : i32
          %scan3A_576 = scf.for %scan3A_581 = %scan3A_572 to %scan3A_574 step %scan3A_575 iter_args(%scan3A_582 = %while3A_20) -> (i32)  : i32 {
            %add3A_583 = arith.addi %mul3A_22, %scan3A_581 : i32
            %jit3A_584 = arith.constant 16 : i32
            %div3A_585 = arith.divsi %add3A_583, %jit3A_584 : i32
            %sign3A_586 = arith.constant 0 : i32
            %sign3A_587 = arith.cmpi sgt, %add3A_583, %sign3A_586 : i32
            %sign3A_588 = arith.extui %sign3A_587 : i1 to i32
            %sign3A_589 = arith.constant 0 : i32
            %sign3A_590 = arith.cmpi slt, %add3A_583, %sign3A_589 : i32
            %sign3A_591 = arith.extui %sign3A_590 : i1 to i32
            %sign3A_592 = arith.subi %sign3A_588, %sign3A_591 : i32
            %sign3A_593 = arith.constant 0 : i32
            %sign3A_594 = arith.cmpi sgt, %jit3A_584, %sign3A_593 : i32
            %sign3A_595 = arith.extui %sign3A_594 : i1 to i32
            %sign3A_596 = arith.constant 0 : i32
            %sign3A_597 = arith.cmpi slt, %jit3A_584, %sign3A_596 : i32
            %sign3A_598 = arith.extui %sign3A_597 : i1 to i32
            %sign3A_599 = arith.subi %sign3A_595, %sign3A_598 : i32
            %ne3A_600 = arith.cmpi ne, %sign3A_592, %sign3A_599 : i32
            %rem3A_601 = arith.remsi %add3A_583, %jit3A_584 : i32
            %ne3A_602 = arith.constant 0 : i32
            %ne3A_603 = arith.cmpi ne, %rem3A_601, %ne3A_602 : i32
            %and3A_604 = arith.andi %ne3A_600, %ne3A_603 : i1
            %sub3A_605 = arith.constant 1 : i32
            %sub3A_606 = arith.subi %div3A_585, %sub3A_605 : i32
            %select_n3A_607 = arith.select %and3A_604, %sub3A_606, %div3A_585 : i32
            %mul3A_608 = arith.constant 16 : i32
            %mul3A_609 = arith.muli %select_n3A_607, %mul3A_608 : i32
            %get3A_610 = arith.index_cast %mul3A_609 : i32 to index
            %get3A_611 = tpu.vector_load %arg16[%get3A_610] {strides = array<i32>} : memref<6080xf32, #tpu.memory_space<vmem>>, vector<16xf32>,
            %sub3A_612 = arith.subi %add3A_583, %mul3A_609 : i32
            %broadcast_in_dim3A_613 = vector.broadcast %sub3A_612 : i32 to vector<16x1xi32>
            %gather3A_614 = vector.shape_cast %broadcast_in_dim3A_613 : vector<16x1xi32> to vector<16xi32>
            %gather3A_615 = tpu.dynamic_gather %get3A_611[%gather3A_614] in [0] : vector<16xf32>, vector<16xi32> -> vector<16xf32>
            %slice3A_616 = vector.extract_strided_slice %gather3A_615 {offsets = [0], sizes = [1], strides = [1]} : vector<16xf32> to vector<1xf32>
            %squeeze3A_617 = vector.extract %slice3A_616[0] : f32 from vector<1xf32>
            %jit3A_618 = arith.constant 4 : i32
            %div3A_619 = arith.divsi %scan3A_581, %jit3A_618 : i32
            %sign3A_620 = arith.constant 0 : i32
            %sign3A_621 = arith.cmpi sgt, %scan3A_581, %sign3A_620 : i32
            %sign3A_622 = arith.extui %sign3A_621 : i1 to i32
            %sign3A_623 = arith.constant 0 : i32
            %sign3A_624 = arith.cmpi slt, %scan3A_581, %sign3A_623 : i32
            %sign3A_625 = arith.extui %sign3A_624 : i1 to i32
            %sign3A_626 = arith.subi %sign3A_622, %sign3A_625 : i32
            %sign3A_627 = arith.constant 0 : i32
            %sign3A_628 = arith.cmpi sgt, %jit3A_618, %sign3A_627 : i32
            %sign3A_629 = arith.extui %sign3A_628 : i1 to i32
            %sign3A_630 = arith.constant 0 : i32
            %sign3A_631 = arith.cmpi slt, %jit3A_618, %sign3A_630 : i32
            %sign3A_632 = arith.extui %sign3A_631 : i1 to i32
            %sign3A_633 = arith.subi %sign3A_629, %sign3A_632 : i32
            %ne3A_634 = arith.cmpi ne, %sign3A_626, %sign3A_633 : i32
            %rem3A_635 = arith.remsi %scan3A_581, %jit3A_618 : i32
            %ne3A_636 = arith.constant 0 : i32
            %ne3A_637 = arith.cmpi ne, %rem3A_635, %ne3A_636 : i32
            %and3A_638 = arith.andi %ne3A_634, %ne3A_637 : i1
            %sub3A_639 = arith.constant 1 : i32
            %sub3A_640 = arith.subi %div3A_619, %sub3A_639 : i32
            %select_n3A_641 = arith.select %and3A_638, %sub3A_640, %div3A_619 : i32
            %mul3A_642 = arith.constant 16 : i32
            %mul3A_643 = arith.muli %select_n3A_641, %mul3A_642 : i32
            %get3A_644 = arith.index_cast %mul3A_643 : i32 to index
            %get3A_645 = tpu.vector_load %arg23[%get3A_644] {strides = array<i32>} : memref<256xf32, #tpu.memory_space<vmem>>, vector<16xf32>,
            %mul3A_646 = arith.constant 4 : i32
            %mul3A_647 = arith.muli %select_n3A_641, %mul3A_646 : i32
            %sub3A_648 = arith.subi %scan3A_581, %mul3A_647 : i32
            %broadcast_in_dim3A_649 = vector.broadcast %sub3A_648 : i32 to vector<16x1xi32>
            %gather3A_650 = vector.shape_cast %broadcast_in_dim3A_649 : vector<16x1xi32> to vector<16xi32>
            %gather3A_651 = tpu.dynamic_gather %get3A_645[%gather3A_650] in [0] : vector<16xf32>, vector<16xi32> -> vector<16xf32>
            %slice3A_652 = vector.extract_strided_slice %gather3A_651 {offsets = [0], sizes = [1], strides = [1]} : vector<16xf32> to vector<1xf32>
            %squeeze3A_653 = vector.extract %slice3A_652[0] : f32 from vector<1xf32>
            %gt3A_654 = arith.constant 5.000000e-02 : f32
            %gt3A_655 = arith.cmpf ogt, %squeeze3A_617, %gt3A_654 : f32
            %lt3A = arith.constant 1.500000e+00 : f32
            %lt3A_656 = arith.cmpf olt, %squeeze3A_653, %lt3A : f32
            %and3A_657 = arith.andi %gt3A_655, %lt3A_656 : i1
            %lt3A_658 = arith.constant 1000 : i32
            %lt3A_659 = arith.cmpi slt, %scan3A_582, %lt3A_658 : i32
            %and3A_660 = arith.andi %and3A_657, %lt3A_659 : i1
            %convert_element_type3A_661 = arith.extui %and3A_660 : i1 to i32
            %cond3A_662 = arith.constant 0 : i32
            %cond3A_663 = arith.cmpi ne, %convert_element_type3A_661, %cond3A_662 : i32
            %cond3A_664 = scf.if %cond3A_663 -> (i32) {
              %jit3A_665 = arith.constant 16 : i32
              %div3A_666 = arith.divsi %add3A_583, %jit3A_665 : i32
              %sign3A_667 = arith.constant 0 : i32
              %sign3A_668 = arith.cmpi sgt, %add3A_583, %sign3A_667 : i32
              %sign3A_669 = arith.extui %sign3A_668 : i1 to i32
              %sign3A_670 = arith.constant 0 : i32
              %sign3A_671 = arith.cmpi slt, %add3A_583, %sign3A_670 : i32
              %sign3A_672 = arith.extui %sign3A_671 : i1 to i32
              %sign3A_673 = arith.subi %sign3A_669, %sign3A_672 : i32
              %sign3A_674 = arith.constant 0 : i32
              %sign3A_675 = arith.cmpi sgt, %jit3A_665, %sign3A_674 : i32
              %sign3A_676 = arith.extui %sign3A_675 : i1 to i32
              %sign3A_677 = arith.constant 0 : i32
              %sign3A_678 = arith.cmpi slt, %jit3A_665, %sign3A_677 : i32
              %sign3A_679 = arith.extui %sign3A_678 : i1 to i32
              %sign3A_680 = arith.subi %sign3A_676, %sign3A_679 : i32
              %ne3A_681 = arith.cmpi ne, %sign3A_673, %sign3A_680 : i32
              %rem3A_682 = arith.remsi %add3A_583, %jit3A_665 : i32
              %ne3A_683 = arith.constant 0 : i32
              %ne3A_684 = arith.cmpi ne, %rem3A_682, %ne3A_683 : i32
              %and3A_685 = arith.andi %ne3A_681, %ne3A_684 : i1
              %sub3A_686 = arith.constant 1 : i32
              %sub3A_687 = arith.subi %div3A_666, %sub3A_686 : i32
              %select_n3A_688 = arith.select %and3A_685, %sub3A_687, %div3A_666 : i32
              %mul3A_689 = arith.constant 16 : i32
              %mul3A_690 = arith.muli %select_n3A_688, %mul3A_689 : i32
              %sub3A_691 = arith.subi %add3A_583, %mul3A_690 : i32
              %get3A_692 = arith.index_cast %mul3A_690 : i32 to index
              %get3A_693 = tpu.vector_load %arg12[%get3A_692] {strides = array<i32>} : memref<6080xf32, #tpu.memory_space<vmem>>, vector<16xf32>,
              %broadcast_in_dim3A_694 = vector.broadcast %sub3A_691 : i32 to vector<16x1xi32>
              %gather3A_695 = vector.shape_cast %broadcast_in_dim3A_694 : vector<16x1xi32> to vector<16xi32>
              %gather3A_696 = tpu.dynamic_gather %get3A_693[%gather3A_695] in [0] : vector<16xf32>, vector<16xi32> -> vector<16xf32>
              %get3A_697 = arith.index_cast %mul3A_690 : i32 to index
              %get3A_698 = tpu.vector_load %arg13[%get3A_697] {strides = array<i32>} : memref<6080xf32, #tpu.memory_space<vmem>>, vector<16xf32>,
              %broadcast_in_dim3A_699 = vector.broadcast %sub3A_691 : i32 to vector<16x1xi32>
              %gather3A_700 = vector.shape_cast %broadcast_in_dim3A_699 : vector<16x1xi32> to vector<16xi32>
              %gather3A_701 = tpu.dynamic_gather %get3A_698[%gather3A_700] in [0] : vector<16xf32>, vector<16xi32> -> vector<16xf32>
              %get3A_702 = arith.index_cast %mul3A_690 : i32 to index
              %get3A_703 = tpu.vector_load %arg14[%get3A_702] {strides = array<i32>} : memref<6080xf32, #tpu.memory_space<vmem>>, vector<16xf32>,
              %broadcast_in_dim3A_704 = vector.broadcast %sub3A_691 : i32 to vector<16x1xi32>
              %gather3A_705 = vector.shape_cast %broadcast_in_dim3A_704 : vector<16x1xi32> to vector<16xi32>
              %gather3A_706 = tpu.dynamic_gather %get3A_703[%gather3A_705] in [0] : vector<16xf32>, vector<16xi32> -> vector<16xf32>
              %get3A_707 = arith.index_cast %mul3A_690 : i32 to index
              %get3A_708 = tpu.vector_load %arg15[%get3A_707] {strides = array<i32>} : memref<6080xf32, #tpu.memory_space<vmem>>, vector<16xf32>,
              %broadcast_in_dim3A_709 = vector.broadcast %sub3A_691 : i32 to vector<16x1xi32>
              %gather3A_710 = vector.shape_cast %broadcast_in_dim3A_709 : vector<16x1xi32> to vector<16xi32>
              %gather3A_711 = tpu.dynamic_gather %get3A_708[%gather3A_710] in [0] : vector<16xf32>, vector<16xi32> -> vector<16xf32>
              %sub3A_712 = arith.subf %gather3A_706, %gather3A_696 : vector<16xf32>
              %max3A_713 = arith.constant 0.000000e+00 : f32
              %max3A_714 = vector.broadcast %max3A_713 : f32 to vector<16xf32>
              %max3A_715 = arith.maximumf %sub3A_712, %max3A_714 : vector<16xf32>
              %sub3A_716 = arith.subf %gather3A_711, %gather3A_701 : vector<16xf32>
              %max3A_717 = arith.constant 0.000000e+00 : f32
              %max3A_718 = vector.broadcast %max3A_717 : f32 to vector<16xf32>
              %max3A_719 = arith.maximumf %sub3A_716, %max3A_718 : vector<16xf32>
              %mul3A_720 = arith.mulf %max3A_715, %max3A_719 : vector<16xf32>
              %gt3A_721 = arith.constant 5.000000e-01 : f32
              %gt3A_722 = arith.cmpf ogt, %squeeze3A_653, %gt3A_721 : f32
              %convert_element_type3A_723 = arith.extui %gt3A_722 : i1 to i32
              %cond3A_724 = arith.constant 0 : i32
              %cond3A_725 = arith.cmpi ne, %convert_element_type3A_723, %cond3A_724 : i32
              %cond3A_726 = scf.if %cond3A_725 -> (i1) {
                %add3A_735 = arith.constant 15 : i32
                %add3A_736 = arith.addi %scan3A_582, %add3A_735 : i32
                %jit3A_737 = arith.constant 16 : i32
                %div3A_738 = arith.divsi %add3A_736, %jit3A_737 : i32
                %sign3A_739 = arith.constant 0 : i32
                %sign3A_740 = arith.cmpi sgt, %add3A_736, %sign3A_739 : i32
                %sign3A_741 = arith.extui %sign3A_740 : i1 to i32
                %sign3A_742 = arith.constant 0 : i32
                %sign3A_743 = arith.cmpi slt, %add3A_736, %sign3A_742 : i32
                %sign3A_744 = arith.extui %sign3A_743 : i1 to i32
                %sign3A_745 = arith.subi %sign3A_741, %sign3A_744 : i32
                %sign3A_746 = arith.constant 0 : i32
                %sign3A_747 = arith.cmpi sgt, %jit3A_737, %sign3A_746 : i32
                %sign3A_748 = arith.extui %sign3A_747 : i1 to i32
                %sign3A_749 = arith.constant 0 : i32
                %sign3A_750 = arith.cmpi slt, %jit3A_737, %sign3A_749 : i32
                %sign3A_751 = arith.extui %sign3A_750 : i1 to i32
                %sign3A_752 = arith.subi %sign3A_748, %sign3A_751 : i32
                %ne3A_753 = arith.cmpi ne, %sign3A_745, %sign3A_752 : i32
                %rem3A_754 = arith.remsi %add3A_736, %jit3A_737 : i32
                %ne3A_755 = arith.constant 0 : i32
                %ne3A_756 = arith.cmpi ne, %rem3A_754, %ne3A_755 : i32
                %and3A_757 = arith.andi %ne3A_753, %ne3A_756 : i1
                %sub3A_758 = arith.constant 1 : i32
                %sub3A_759 = arith.subi %div3A_738, %sub3A_758 : i32
                %select_n3A_760 = arith.select %and3A_757, %sub3A_759, %div3A_738 : i32
                %while3A_761 = arith.subi %select_n3A_760, %select_n3A : i32
                %while3A_762 = arith.addi %select_n3A, %while3A_761 : i32
                %while3A_763 = arith.constant 1 : i32
                %while3A_764 = arith.divsi %while3A_761, %while3A_763 : i32
                %while3A_765 = arith.muli %while3A_764, %while3A_763 : i32
                %while3A_766 = arith.addi %select_n3A, %while3A_765 : i32
                %while3A_767 = arith.constant 1 : i32
                %while3A_768 = scf.for %while3A_779 = %select_n3A to %while3A_766 step %while3A_767 iter_args(%while3A_780 = %broadcast_in_dim3A_2) -> (vector<16xf32>)  : i32 {
                  %mul3A_781 = arith.constant 16 : i32
                  %mul3A_782 = arith.muli %while3A_779, %mul3A_781 : i32
                  %get3A_783 = arith.index_cast %mul3A_782 : i32 to index
                  %get3A_784 = tpu.vector_load %arg17[%get3A_783] {strides = array<i32>} : memref<1088xf32, #tpu.memory_space<vmem>>, vector<16xf32>,
                  %mul3A_785 = arith.constant 16 : i32
                  %mul3A_786 = arith.muli %while3A_779, %mul3A_785 : i32
                  %get3A_787 = arith.index_cast %mul3A_786 : i32 to index
                  %get3A_788 = tpu.vector_load %arg18[%get3A_787] {strides = array<i32>} : memref<1088xf32, #tpu.memory_space<vmem>>, vector<16xf32>,
                  %mul3A_789 = arith.constant 16 : i32
                  %mul3A_790 = arith.muli %while3A_779, %mul3A_789 : i32
                  %get3A_791 = arith.index_cast %mul3A_790 : i32 to index
                  %get3A_792 = tpu.vector_load %arg19[%get3A_791] {strides = array<i32>} : memref<1088xf32, #tpu.memory_space<vmem>>, vector<16xf32>,
                  %mul3A_793 = arith.constant 16 : i32
                  %mul3A_794 = arith.muli %while3A_779, %mul3A_793 : i32
                  %get3A_795 = arith.index_cast %mul3A_794 : i32 to index
                  %get3A_796 = tpu.vector_load %arg20[%get3A_795] {strides = array<i32>} : memref<1088xf32, #tpu.memory_space<vmem>>, vector<16xf32>,
                  %mul3A_797 = arith.constant 16 : i32
                  %mul3A_798 = arith.muli %while3A_779, %mul3A_797 : i32
                  %get3A_799 = arith.index_cast %mul3A_798 : i32 to index
                  %get3A_800 = tpu.vector_load %arg22[%get3A_799] {strides = array<i32>} : memref<1088xf32, #tpu.memory_space<vmem>>, vector<16xf32>,
                  %min3A = arith.minimumf %gather3A_706, %get3A_792 : vector<16xf32>
                  %max3A_801 = arith.maximumf %gather3A_696, %get3A_784 : vector<16xf32>
                  %sub3A_802 = arith.subf %min3A, %max3A_801 : vector<16xf32>
                  %max3A_803 = arith.constant 0.000000e+00 : f32
                  %max3A_804 = vector.broadcast %max3A_803 : f32 to vector<16xf32>
                  %max3A_805 = arith.maximumf %sub3A_802, %max3A_804 : vector<16xf32>
                  %min3A_806 = arith.minimumf %gather3A_711, %get3A_796 : vector<16xf32>
                  %max3A_807 = arith.maximumf %gather3A_701, %get3A_788 : vector<16xf32>
                  %sub3A_808 = arith.subf %min3A_806, %max3A_807 : vector<16xf32>
                  %max3A_809 = arith.constant 0.000000e+00 : f32
                  %max3A_810 = vector.broadcast %max3A_809 : f32 to vector<16xf32>
                  %max3A_811 = arith.maximumf %sub3A_808, %max3A_810 : vector<16xf32>
                  %mul3A_812 = arith.mulf %max3A_805, %max3A_811 : vector<16xf32>
                  %add3A_813 = arith.addf %mul3A_720, %get3A_800 : vector<16xf32>
                  %sub3A_814 = arith.subf %add3A_813, %mul3A_812 : vector<16xf32>
                  %max3A_815 = arith.constant 9.99999971E-10 : f32
                  %max3A_816 = vector.broadcast %max3A_815 : f32 to vector<16xf32>
                  %max3A_817 = arith.maximumf %sub3A_814, %max3A_816 : vector<16xf32>
                  %div3A_818 = arith.divf %mul3A_812, %max3A_817 : vector<16xf32>
                  %max3A_819 = arith.maximumf %while3A_780, %div3A_818 : vector<16xf32>
                  scf.yield %max3A_819 : vector<16xf32>
                }
                %while3A_769 = arith.constant 1 : i32
                %while3A_770 = scf.for %while3A_779 = %while3A_766 to %while3A_762 step %while3A_769 iter_args(%while3A_780 = %while3A_768) -> (vector<16xf32>)  : i32 {
                  %mul3A_781 = arith.constant 16 : i32
                  %mul3A_782 = arith.muli %while3A_779, %mul3A_781 : i32
                  %get3A_783 = arith.index_cast %mul3A_782 : i32 to index
                  %get3A_784 = tpu.vector_load %arg17[%get3A_783] {strides = array<i32>} : memref<1088xf32, #tpu.memory_space<vmem>>, vector<16xf32>,
                  %mul3A_785 = arith.constant 16 : i32
                  %mul3A_786 = arith.muli %while3A_779, %mul3A_785 : i32
                  %get3A_787 = arith.index_cast %mul3A_786 : i32 to index
                  %get3A_788 = tpu.vector_load %arg18[%get3A_787] {strides = array<i32>} : memref<1088xf32, #tpu.memory_space<vmem>>, vector<16xf32>,
                  %mul3A_789 = arith.constant 16 : i32
                  %mul3A_790 = arith.muli %while3A_779, %mul3A_789 : i32
                  %get3A_791 = arith.index_cast %mul3A_790 : i32 to index
                  %get3A_792 = tpu.vector_load %arg19[%get3A_791] {strides = array<i32>} : memref<1088xf32, #tpu.memory_space<vmem>>, vector<16xf32>,
                  %mul3A_793 = arith.constant 16 : i32
                  %mul3A_794 = arith.muli %while3A_779, %mul3A_793 : i32
                  %get3A_795 = arith.index_cast %mul3A_794 : i32 to index
                  %get3A_796 = tpu.vector_load %arg20[%get3A_795] {strides = array<i32>} : memref<1088xf32, #tpu.memory_space<vmem>>, vector<16xf32>,
                  %mul3A_797 = arith.constant 16 : i32
                  %mul3A_798 = arith.muli %while3A_779, %mul3A_797 : i32
                  %get3A_799 = arith.index_cast %mul3A_798 : i32 to index
                  %get3A_800 = tpu.vector_load %arg22[%get3A_799] {strides = array<i32>} : memref<1088xf32, #tpu.memory_space<vmem>>, vector<16xf32>,
                  %min3A = arith.minimumf %gather3A_706, %get3A_792 : vector<16xf32>
                  %max3A_801 = arith.maximumf %gather3A_696, %get3A_784 : vector<16xf32>
                  %sub3A_802 = arith.subf %min3A, %max3A_801 : vector<16xf32>
                  %max3A_803 = arith.constant 0.000000e+00 : f32
                  %max3A_804 = vector.broadcast %max3A_803 : f32 to vector<16xf32>
                  %max3A_805 = arith.maximumf %sub3A_802, %max3A_804 : vector<16xf32>
                  %min3A_806 = arith.minimumf %gather3A_711, %get3A_796 : vector<16xf32>
                  %max3A_807 = arith.maximumf %gather3A_701, %get3A_788 : vector<16xf32>
                  %sub3A_808 = arith.subf %min3A_806, %max3A_807 : vector<16xf32>
                  %max3A_809 = arith.constant 0.000000e+00 : f32
                  %max3A_810 = vector.broadcast %max3A_809 : f32 to vector<16xf32>
                  %max3A_811 = arith.maximumf %sub3A_808, %max3A_810 : vector<16xf32>
                  %mul3A_812 = arith.mulf %max3A_805, %max3A_811 : vector<16xf32>
                  %add3A_813 = arith.addf %mul3A_720, %get3A_800 : vector<16xf32>
                  %sub3A_814 = arith.subf %add3A_813, %mul3A_812 : vector<16xf32>
                  %max3A_815 = arith.constant 9.99999971E-10 : f32
                  %max3A_816 = vector.broadcast %max3A_815 : f32 to vector<16xf32>
                  %max3A_817 = arith.maximumf %sub3A_814, %max3A_816 : vector<16xf32>
                  %div3A_818 = arith.divf %mul3A_812, %max3A_817 : vector<16xf32>
                  %max3A_819 = arith.maximumf %while3A_780, %div3A_818 : vector<16xf32>
                  scf.yield %max3A_819 : vector<16xf32>
                }
                %gt3A_771 = arith.constant 5.000000e-01 : f32
                %gt3A_772 = vector.broadcast %gt3A_771 : f32 to vector<16xf32>
                %gt3A_773 = arith.cmpf ogt, %while3A_770, %gt3A_772 : vector<16xf32>
                %all_reduce_population_count3A_774 = tpu.all_reduce %gt3A_773 {dim = 0 : i64, kind = #tpu.reduction_kind<sum>} : vector<16xi1> -> vector<16xi32>
                %slice3A_775 = vector.extract_strided_slice %all_reduce_population_count3A_774 {offsets = [0], sizes = [1], strides = [1]} : vector<16xi32> to vector<1xi32>
                %squeeze3A_776 = vector.extract %slice3A_775[0] : i32 from vector<1xi32>
                %gt3A_777 = arith.constant 0 : i32
                %gt3A_778 = arith.cmpi sgt, %squeeze3A_776, %gt3A_777 : i32
                scf.yield %gt3A_778 : i1
              } else {
                %cond3A_735 = arith.constant false
                scf.yield %cond3A_735 : i1
              }
              %not3A = arith.constant true
              %not3A_727 = arith.xori %cond3A_726, %not3A : i1
              %convert_element_type3A_728 = arith.extui %not3A_727 : i1 to i32
              %cond3A_729 = arith.constant 0 : i32
              %cond3A_730 = arith.cmpi ne, %convert_element_type3A_728, %cond3A_729 : i32
              scf.if %cond3A_730 {
                %broadcast_in_dim3A_735 = vector.broadcast %scan3A_582 : i32 to vector<16xi32>
                tpu.vector_store_idx %arg17[%broadcast_in_dim3A_735], %gather3A_696 masked %eq3A_10 : memref<1088xf32, #tpu.memory_space<vmem>>[vector<16xi32>], vector<16xf32>, vector<16xi1>
                tpu.vector_store_idx %arg18[%broadcast_in_dim3A_735], %gather3A_701 masked %eq3A_10 : memref<1088xf32, #tpu.memory_space<vmem>>[vector<16xi32>], vector<16xf32>, vector<16xi1>
                tpu.vector_store_idx %arg19[%broadcast_in_dim3A_735], %gather3A_706 masked %eq3A_10 : memref<1088xf32, #tpu.memory_space<vmem>>[vector<16xi32>], vector<16xf32>, vector<16xi1>
                tpu.vector_store_idx %arg20[%broadcast_in_dim3A_735], %gather3A_711 masked %eq3A_10 : memref<1088xf32, #tpu.memory_space<vmem>>[vector<16xi32>], vector<16xf32>, vector<16xi1>
                %broadcast_in_dim3A_736 = vector.broadcast %squeeze3A_617 : f32 to vector<16xf32>
                tpu.vector_store_idx %arg21[%broadcast_in_dim3A_735], %broadcast_in_dim3A_736 masked %eq3A_10 : memref<1088xf32, #tpu.memory_space<vmem>>[vector<16xi32>], vector<16xf32>, vector<16xi1>
                tpu.vector_store_idx %arg22[%broadcast_in_dim3A_735], %mul3A_720 masked %eq3A_10 : memref<1088xf32, #tpu.memory_space<vmem>>[vector<16xi32>], vector<16xf32>, vector<16xi1>
              } else {
              }
              %jit3A_731 = arith.constant 0 : i32
              %jit3A_732 = arith.constant 1 : i32
              %select_n3A_733 = arith.select %cond3A_726, %jit3A_731, %jit3A_732 : i32
              %add3A_734 = arith.addi %scan3A_582, %select_n3A_733 : i32
              scf.yield %add3A_734 : i32
            } else {
              scf.yield %scan3A_582 : i32
            }
            scf.yield %cond3A_664 : i32
          }
          %scan3A_577 = arith.constant 64 : i32
          "tpu.region"() ({
            %run_scoped3A = tpu.sem_alloc : memref<!tpu.dma_semaphore, #tpu.memory_space<semaphore_mem>>
            %dma_start3A = tpu.memref_slice %arg17[%mul3A_40] : memref<1088xf32, #tpu.memory_space<vmem>> -> memref<80xf32, #tpu.memory_space<vmem>>
            %dma_start3A_581 = tpu.memref_slice %arg26[%mul3A_40] : memref<1088xf32, #tpu.memory_space<vmem_shared>> -> memref<80xf32, #tpu.memory_space<vmem_shared>>
            %dma_start3A_582 = tpu.memref_slice %arg26[%mul3A_40] : memref<1088xf32, #tpu.memory_space<vmem_shared>> -> memref<80xf32, #tpu.memory_space<vmem_shared>>
            %dma_start3A_583 = tpu.memref_slice %arg17[%mul3A_40] : memref<1088xf32, #tpu.memory_space<vmem>> -> memref<80xf32, #tpu.memory_space<vmem>>
            tpu.enqueue_dma source(%dma_start3A_583 : memref<80xf32, #tpu.memory_space<vmem>>) target(%dma_start3A_582 : memref<80xf32, #tpu.memory_space<vmem_shared>>) target_semaphore(%run_scoped3A : memref<!tpu.dma_semaphore, #tpu.memory_space<semaphore_mem>>)
            %dma_wait3A = tpu.memref_slice %arg17[%mul3A_40] : memref<1088xf32, #tpu.memory_space<vmem>> -> memref<80xf32, #tpu.memory_space<vmem>>
            %dma_wait3A_584 = tpu.memref_slice %arg26[%mul3A_40] : memref<1088xf32, #tpu.memory_space<vmem_shared>> -> memref<80xf32, #tpu.memory_space<vmem_shared>>
            %dma_wait3A_585 = tpu.memref_slice %arg26[%mul3A_40] : memref<1088xf32, #tpu.memory_space<vmem_shared>> -> memref<80xf32, #tpu.memory_space<vmem_shared>>
            %dma_wait3A_586 = tpu.memref_slice %arg17[%mul3A_40] : memref<1088xf32, #tpu.memory_space<vmem>> -> memref<80xf32, #tpu.memory_space<vmem>>
            tpu.wait_dma2 semaphore(%run_scoped3A : memref<!tpu.dma_semaphore, #tpu.memory_space<semaphore_mem>>) src(%dma_wait3A_586 : memref<80xf32, #tpu.memory_space<vmem>>) dst(%dma_wait3A_585 : memref<80xf32, #tpu.memory_space<vmem_shared>>)
            tpu.yield
          }) : () -> ()
          "tpu.region"() ({
            %run_scoped3A = tpu.sem_alloc : memref<!tpu.dma_semaphore, #tpu.memory_space<semaphore_mem>>
            %dma_start3A = tpu.memref_slice %arg18[%mul3A_40] : memref<1088xf32, #tpu.memory_space<vmem>> -> memref<80xf32, #tpu.memory_space<vmem>>
            %dma_start3A_581 = tpu.memref_slice %arg27[%mul3A_40] : memref<1088xf32, #tpu.memory_space<vmem_shared>> -> memref<80xf32, #tpu.memory_space<vmem_shared>>
            %dma_start3A_582 = tpu.memref_slice %arg27[%mul3A_40] : memref<1088xf32, #tpu.memory_space<vmem_shared>> -> memref<80xf32, #tpu.memory_space<vmem_shared>>
            %dma_start3A_583 = tpu.memref_slice %arg18[%mul3A_40] : memref<1088xf32, #tpu.memory_space<vmem>> -> memref<80xf32, #tpu.memory_space<vmem>>
            tpu.enqueue_dma source(%dma_start3A_583 : memref<80xf32, #tpu.memory_space<vmem>>) target(%dma_start3A_582 : memref<80xf32, #tpu.memory_space<vmem_shared>>) target_semaphore(%run_scoped3A : memref<!tpu.dma_semaphore, #tpu.memory_space<semaphore_mem>>)
            %dma_wait3A = tpu.memref_slice %arg18[%mul3A_40] : memref<1088xf32, #tpu.memory_space<vmem>> -> memref<80xf32, #tpu.memory_space<vmem>>
            %dma_wait3A_584 = tpu.memref_slice %arg27[%mul3A_40] : memref<1088xf32, #tpu.memory_space<vmem_shared>> -> memref<80xf32, #tpu.memory_space<vmem_shared>>
            %dma_wait3A_585 = tpu.memref_slice %arg27[%mul3A_40] : memref<1088xf32, #tpu.memory_space<vmem_shared>> -> memref<80xf32, #tpu.memory_space<vmem_shared>>
            %dma_wait3A_586 = tpu.memref_slice %arg18[%mul3A_40] : memref<1088xf32, #tpu.memory_space<vmem>> -> memref<80xf32, #tpu.memory_space<vmem>>
            tpu.wait_dma2 semaphore(%run_scoped3A : memref<!tpu.dma_semaphore, #tpu.memory_space<semaphore_mem>>) src(%dma_wait3A_586 : memref<80xf32, #tpu.memory_space<vmem>>) dst(%dma_wait3A_585 : memref<80xf32, #tpu.memory_space<vmem_shared>>)
            tpu.yield
          }) : () -> ()
          "tpu.region"() ({
            %run_scoped3A = tpu.sem_alloc : memref<!tpu.dma_semaphore, #tpu.memory_space<semaphore_mem>>
            %dma_start3A = tpu.memref_slice %arg19[%mul3A_40] : memref<1088xf32, #tpu.memory_space<vmem>> -> memref<80xf32, #tpu.memory_space<vmem>>
            %dma_start3A_581 = tpu.memref_slice %arg28[%mul3A_40] : memref<1088xf32, #tpu.memory_space<vmem_shared>> -> memref<80xf32, #tpu.memory_space<vmem_shared>>
            %dma_start3A_582 = tpu.memref_slice %arg28[%mul3A_40] : memref<1088xf32, #tpu.memory_space<vmem_shared>> -> memref<80xf32, #tpu.memory_space<vmem_shared>>
            %dma_start3A_583 = tpu.memref_slice %arg19[%mul3A_40] : memref<1088xf32, #tpu.memory_space<vmem>> -> memref<80xf32, #tpu.memory_space<vmem>>
            tpu.enqueue_dma source(%dma_start3A_583 : memref<80xf32, #tpu.memory_space<vmem>>) target(%dma_start3A_582 : memref<80xf32, #tpu.memory_space<vmem_shared>>) target_semaphore(%run_scoped3A : memref<!tpu.dma_semaphore, #tpu.memory_space<semaphore_mem>>)
            %dma_wait3A = tpu.memref_slice %arg19[%mul3A_40] : memref<1088xf32, #tpu.memory_space<vmem>> -> memref<80xf32, #tpu.memory_space<vmem>>
            %dma_wait3A_584 = tpu.memref_slice %arg28[%mul3A_40] : memref<1088xf32, #tpu.memory_space<vmem_shared>> -> memref<80xf32, #tpu.memory_space<vmem_shared>>
            %dma_wait3A_585 = tpu.memref_slice %arg28[%mul3A_40] : memref<1088xf32, #tpu.memory_space<vmem_shared>> -> memref<80xf32, #tpu.memory_space<vmem_shared>>
            %dma_wait3A_586 = tpu.memref_slice %arg19[%mul3A_40] : memref<1088xf32, #tpu.memory_space<vmem>> -> memref<80xf32, #tpu.memory_space<vmem>>
            tpu.wait_dma2 semaphore(%run_scoped3A : memref<!tpu.dma_semaphore, #tpu.memory_space<semaphore_mem>>) src(%dma_wait3A_586 : memref<80xf32, #tpu.memory_space<vmem>>) dst(%dma_wait3A_585 : memref<80xf32, #tpu.memory_space<vmem_shared>>)
            tpu.yield
          }) : () -> ()
          "tpu.region"() ({
            %run_scoped3A = tpu.sem_alloc : memref<!tpu.dma_semaphore, #tpu.memory_space<semaphore_mem>>
            %dma_start3A = tpu.memref_slice %arg20[%mul3A_40] : memref<1088xf32, #tpu.memory_space<vmem>> -> memref<80xf32, #tpu.memory_space<vmem>>
            %dma_start3A_581 = tpu.memref_slice %arg29[%mul3A_40] : memref<1088xf32, #tpu.memory_space<vmem_shared>> -> memref<80xf32, #tpu.memory_space<vmem_shared>>
            %dma_start3A_582 = tpu.memref_slice %arg29[%mul3A_40] : memref<1088xf32, #tpu.memory_space<vmem_shared>> -> memref<80xf32, #tpu.memory_space<vmem_shared>>
            %dma_start3A_583 = tpu.memref_slice %arg20[%mul3A_40] : memref<1088xf32, #tpu.memory_space<vmem>> -> memref<80xf32, #tpu.memory_space<vmem>>
            tpu.enqueue_dma source(%dma_start3A_583 : memref<80xf32, #tpu.memory_space<vmem>>) target(%dma_start3A_582 : memref<80xf32, #tpu.memory_space<vmem_shared>>) target_semaphore(%run_scoped3A : memref<!tpu.dma_semaphore, #tpu.memory_space<semaphore_mem>>)
            %dma_wait3A = tpu.memref_slice %arg20[%mul3A_40] : memref<1088xf32, #tpu.memory_space<vmem>> -> memref<80xf32, #tpu.memory_space<vmem>>
            %dma_wait3A_584 = tpu.memref_slice %arg29[%mul3A_40] : memref<1088xf32, #tpu.memory_space<vmem_shared>> -> memref<80xf32, #tpu.memory_space<vmem_shared>>
            %dma_wait3A_585 = tpu.memref_slice %arg29[%mul3A_40] : memref<1088xf32, #tpu.memory_space<vmem_shared>> -> memref<80xf32, #tpu.memory_space<vmem_shared>>
            %dma_wait3A_586 = tpu.memref_slice %arg20[%mul3A_40] : memref<1088xf32, #tpu.memory_space<vmem>> -> memref<80xf32, #tpu.memory_space<vmem>>
            tpu.wait_dma2 semaphore(%run_scoped3A : memref<!tpu.dma_semaphore, #tpu.memory_space<semaphore_mem>>) src(%dma_wait3A_586 : memref<80xf32, #tpu.memory_space<vmem>>) dst(%dma_wait3A_585 : memref<80xf32, #tpu.memory_space<vmem_shared>>)
            tpu.yield
          }) : () -> ()
          "tpu.region"() ({
            %run_scoped3A = tpu.sem_alloc : memref<!tpu.dma_semaphore, #tpu.memory_space<semaphore_mem>>
            %dma_start3A = tpu.memref_slice %arg22[%mul3A_40] : memref<1088xf32, #tpu.memory_space<vmem>> -> memref<80xf32, #tpu.memory_space<vmem>>
            %dma_start3A_581 = tpu.memref_slice %arg30[%mul3A_40] : memref<1088xf32, #tpu.memory_space<vmem_shared>> -> memref<80xf32, #tpu.memory_space<vmem_shared>>
            %dma_start3A_582 = tpu.memref_slice %arg30[%mul3A_40] : memref<1088xf32, #tpu.memory_space<vmem_shared>> -> memref<80xf32, #tpu.memory_space<vmem_shared>>
            %dma_start3A_583 = tpu.memref_slice %arg22[%mul3A_40] : memref<1088xf32, #tpu.memory_space<vmem>> -> memref<80xf32, #tpu.memory_space<vmem>>
            tpu.enqueue_dma source(%dma_start3A_583 : memref<80xf32, #tpu.memory_space<vmem>>) target(%dma_start3A_582 : memref<80xf32, #tpu.memory_space<vmem_shared>>) target_semaphore(%run_scoped3A : memref<!tpu.dma_semaphore, #tpu.memory_space<semaphore_mem>>)
            %dma_wait3A = tpu.memref_slice %arg22[%mul3A_40] : memref<1088xf32, #tpu.memory_space<vmem>> -> memref<80xf32, #tpu.memory_space<vmem>>
            %dma_wait3A_584 = tpu.memref_slice %arg30[%mul3A_40] : memref<1088xf32, #tpu.memory_space<vmem_shared>> -> memref<80xf32, #tpu.memory_space<vmem_shared>>
            %dma_wait3A_585 = tpu.memref_slice %arg30[%mul3A_40] : memref<1088xf32, #tpu.memory_space<vmem_shared>> -> memref<80xf32, #tpu.memory_space<vmem_shared>>
            %dma_wait3A_586 = tpu.memref_slice %arg22[%mul3A_40] : memref<1088xf32, #tpu.memory_space<vmem>> -> memref<80xf32, #tpu.memory_space<vmem>>
            tpu.wait_dma2 semaphore(%run_scoped3A : memref<!tpu.dma_semaphore, #tpu.memory_space<semaphore_mem>>) src(%dma_wait3A_586 : memref<80xf32, #tpu.memory_space<vmem>>) dst(%dma_wait3A_585 : memref<80xf32, #tpu.memory_space<vmem_shared>>)
            tpu.yield
          }) : () -> ()
          %broadcast_in_dim3A_578 = vector.broadcast %scan3A_576 : i32 to vector<16xi32>
          %swap3A_579 = arith.constant 0 : index
          %swap3A_580 = tpu.vector_load %arg25[%swap3A_579] {strides = array<i32>} : memref<16xi32, #tpu.memory_space<vmem>>, vector<16xi32>,
          tpu.vector_store %arg25[%swap3A_579], %broadcast_in_dim3A_578 {strides = array<i32>} : memref<16xi32, #tpu.memory_space<vmem>>, vector<16xi32>,
          "tpu.region"() ({
            %run_scoped3A = tpu.sem_alloc : memref<!tpu.dma_semaphore, #tpu.memory_space<semaphore_mem>>
            tpu.enqueue_dma source(%arg25 : memref<16xi32, #tpu.memory_space<vmem>>) target(%arg32 : memref<16xi32, #tpu.memory_space<vmem_shared>>) target_semaphore(%run_scoped3A : memref<!tpu.dma_semaphore, #tpu.memory_space<semaphore_mem>>)
            tpu.wait_dma2 semaphore(%run_scoped3A : memref<!tpu.dma_semaphore, #tpu.memory_space<semaphore_mem>>) src(%arg25 : memref<16xi32, #tpu.memory_space<vmem>>) dst(%arg32 : memref<16xi32, #tpu.memory_space<vmem_shared>>)
            tpu.yield
          }) : () -> ()
        } else {
        }
        %barrier3A_554 = arith.constant 0 : index
        tpu.barrier barrier_id(%barrier3A_554)
        "tpu.region"() ({
          %run_scoped3A = tpu.sem_alloc : memref<!tpu.dma_semaphore, #tpu.memory_space<semaphore_mem>>
          tpu.enqueue_dma source(%arg32 : memref<16xi32, #tpu.memory_space<vmem_shared>>) target(%arg25 : memref<16xi32, #tpu.memory_space<vmem>>) target_semaphore(%run_scoped3A : memref<!tpu.dma_semaphore, #tpu.memory_space<semaphore_mem>>)
          tpu.wait_dma2 semaphore(%run_scoped3A : memref<!tpu.dma_semaphore, #tpu.memory_space<semaphore_mem>>) src(%arg32 : memref<16xi32, #tpu.memory_space<vmem_shared>>) dst(%arg25 : memref<16xi32, #tpu.memory_space<vmem>>)
          tpu.yield
        }) : () -> ()
        %get3A_555 = arith.constant 0 : index
        %get3A_556 = tpu.vector_load %arg25[%get3A_555] {strides = array<i32>} : memref<16xi32, #tpu.memory_space<vmem>>, vector<16xi32>,
        %slice3A_557 = vector.extract_strided_slice %get3A_556 {offsets = [0], sizes = [1], strides = [1]} : vector<16xi32> to vector<1xi32>
        %squeeze3A_558 = vector.extract %slice3A_557[0] : i32 from vector<1xi32>
        %ne3A_559 = arith.constant 0 : i32
        %ne3A_560 = arith.cmpi ne, %arg1, %ne3A_559 : i32
        %convert_element_type3A_561 = arith.extui %ne3A_560 : i1 to i32
        %cond3A_562 = arith.constant 0 : i32
        %cond3A_563 = arith.cmpi ne, %convert_element_type3A_561, %cond3A_562 : i32
        scf.if %cond3A_563 {
          "tpu.region"() ({
            %run_scoped3A = tpu.sem_alloc : memref<!tpu.dma_semaphore, #tpu.memory_space<semaphore_mem>>
            %dma_start3A = tpu.memref_slice %arg17[%mul3A_40] : memref<1088xf32, #tpu.memory_space<vmem>> -> memref<80xf32, #tpu.memory_space<vmem>>
            %dma_start3A_572 = tpu.memref_slice %arg26[%mul3A_40] : memref<1088xf32, #tpu.memory_space<vmem_shared>> -> memref<80xf32, #tpu.memory_space<vmem_shared>>
            %dma_start3A_573 = tpu.memref_slice %arg17[%mul3A_40] : memref<1088xf32, #tpu.memory_space<vmem>> -> memref<80xf32, #tpu.memory_space<vmem>>
            %dma_start3A_574 = tpu.memref_slice %arg26[%mul3A_40] : memref<1088xf32, #tpu.memory_space<vmem_shared>> -> memref<80xf32, #tpu.memory_space<vmem_shared>>
            tpu.enqueue_dma source(%dma_start3A_574 : memref<80xf32, #tpu.memory_space<vmem_shared>>) target(%dma_start3A_573 : memref<80xf32, #tpu.memory_space<vmem>>) target_semaphore(%run_scoped3A : memref<!tpu.dma_semaphore, #tpu.memory_space<semaphore_mem>>)
            %dma_wait3A = tpu.memref_slice %arg17[%mul3A_40] : memref<1088xf32, #tpu.memory_space<vmem>> -> memref<80xf32, #tpu.memory_space<vmem>>
            %dma_wait3A_575 = tpu.memref_slice %arg26[%mul3A_40] : memref<1088xf32, #tpu.memory_space<vmem_shared>> -> memref<80xf32, #tpu.memory_space<vmem_shared>>
            %dma_wait3A_576 = tpu.memref_slice %arg17[%mul3A_40] : memref<1088xf32, #tpu.memory_space<vmem>> -> memref<80xf32, #tpu.memory_space<vmem>>
            %dma_wait3A_577 = tpu.memref_slice %arg26[%mul3A_40] : memref<1088xf32, #tpu.memory_space<vmem_shared>> -> memref<80xf32, #tpu.memory_space<vmem_shared>>
            tpu.wait_dma2 semaphore(%run_scoped3A : memref<!tpu.dma_semaphore, #tpu.memory_space<semaphore_mem>>) src(%dma_wait3A_577 : memref<80xf32, #tpu.memory_space<vmem_shared>>) dst(%dma_wait3A_576 : memref<80xf32, #tpu.memory_space<vmem>>)
            tpu.yield
          }) : () -> ()
          "tpu.region"() ({
            %run_scoped3A = tpu.sem_alloc : memref<!tpu.dma_semaphore, #tpu.memory_space<semaphore_mem>>
            %dma_start3A = tpu.memref_slice %arg18[%mul3A_40] : memref<1088xf32, #tpu.memory_space<vmem>> -> memref<80xf32, #tpu.memory_space<vmem>>
            %dma_start3A_572 = tpu.memref_slice %arg27[%mul3A_40] : memref<1088xf32, #tpu.memory_space<vmem_shared>> -> memref<80xf32, #tpu.memory_space<vmem_shared>>
            %dma_start3A_573 = tpu.memref_slice %arg18[%mul3A_40] : memref<1088xf32, #tpu.memory_space<vmem>> -> memref<80xf32, #tpu.memory_space<vmem>>
            %dma_start3A_574 = tpu.memref_slice %arg27[%mul3A_40] : memref<1088xf32, #tpu.memory_space<vmem_shared>> -> memref<80xf32, #tpu.memory_space<vmem_shared>>
            tpu.enqueue_dma source(%dma_start3A_574 : memref<80xf32, #tpu.memory_space<vmem_shared>>) target(%dma_start3A_573 : memref<80xf32, #tpu.memory_space<vmem>>) target_semaphore(%run_scoped3A : memref<!tpu.dma_semaphore, #tpu.memory_space<semaphore_mem>>)
            %dma_wait3A = tpu.memref_slice %arg18[%mul3A_40] : memref<1088xf32, #tpu.memory_space<vmem>> -> memref<80xf32, #tpu.memory_space<vmem>>
            %dma_wait3A_575 = tpu.memref_slice %arg27[%mul3A_40] : memref<1088xf32, #tpu.memory_space<vmem_shared>> -> memref<80xf32, #tpu.memory_space<vmem_shared>>
            %dma_wait3A_576 = tpu.memref_slice %arg18[%mul3A_40] : memref<1088xf32, #tpu.memory_space<vmem>> -> memref<80xf32, #tpu.memory_space<vmem>>
            %dma_wait3A_577 = tpu.memref_slice %arg27[%mul3A_40] : memref<1088xf32, #tpu.memory_space<vmem_shared>> -> memref<80xf32, #tpu.memory_space<vmem_shared>>
            tpu.wait_dma2 semaphore(%run_scoped3A : memref<!tpu.dma_semaphore, #tpu.memory_space<semaphore_mem>>) src(%dma_wait3A_577 : memref<80xf32, #tpu.memory_space<vmem_shared>>) dst(%dma_wait3A_576 : memref<80xf32, #tpu.memory_space<vmem>>)
            tpu.yield
          }) : () -> ()
          "tpu.region"() ({
            %run_scoped3A = tpu.sem_alloc : memref<!tpu.dma_semaphore, #tpu.memory_space<semaphore_mem>>
            %dma_start3A = tpu.memref_slice %arg19[%mul3A_40] : memref<1088xf32, #tpu.memory_space<vmem>> -> memref<80xf32, #tpu.memory_space<vmem>>
            %dma_start3A_572 = tpu.memref_slice %arg28[%mul3A_40] : memref<1088xf32, #tpu.memory_space<vmem_shared>> -> memref<80xf32, #tpu.memory_space<vmem_shared>>
            %dma_start3A_573 = tpu.memref_slice %arg19[%mul3A_40] : memref<1088xf32, #tpu.memory_space<vmem>> -> memref<80xf32, #tpu.memory_space<vmem>>
            %dma_start3A_574 = tpu.memref_slice %arg28[%mul3A_40] : memref<1088xf32, #tpu.memory_space<vmem_shared>> -> memref<80xf32, #tpu.memory_space<vmem_shared>>
            tpu.enqueue_dma source(%dma_start3A_574 : memref<80xf32, #tpu.memory_space<vmem_shared>>) target(%dma_start3A_573 : memref<80xf32, #tpu.memory_space<vmem>>) target_semaphore(%run_scoped3A : memref<!tpu.dma_semaphore, #tpu.memory_space<semaphore_mem>>)
            %dma_wait3A = tpu.memref_slice %arg19[%mul3A_40] : memref<1088xf32, #tpu.memory_space<vmem>> -> memref<80xf32, #tpu.memory_space<vmem>>
            %dma_wait3A_575 = tpu.memref_slice %arg28[%mul3A_40] : memref<1088xf32, #tpu.memory_space<vmem_shared>> -> memref<80xf32, #tpu.memory_space<vmem_shared>>
            %dma_wait3A_576 = tpu.memref_slice %arg19[%mul3A_40] : memref<1088xf32, #tpu.memory_space<vmem>> -> memref<80xf32, #tpu.memory_space<vmem>>
            %dma_wait3A_577 = tpu.memref_slice %arg28[%mul3A_40] : memref<1088xf32, #tpu.memory_space<vmem_shared>> -> memref<80xf32, #tpu.memory_space<vmem_shared>>
            tpu.wait_dma2 semaphore(%run_scoped3A : memref<!tpu.dma_semaphore, #tpu.memory_space<semaphore_mem>>) src(%dma_wait3A_577 : memref<80xf32, #tpu.memory_space<vmem_shared>>) dst(%dma_wait3A_576 : memref<80xf32, #tpu.memory_space<vmem>>)
            tpu.yield
          }) : () -> ()
          "tpu.region"() ({
            %run_scoped3A = tpu.sem_alloc : memref<!tpu.dma_semaphore, #tpu.memory_space<semaphore_mem>>
            %dma_start3A = tpu.memref_slice %arg20[%mul3A_40] : memref<1088xf32, #tpu.memory_space<vmem>> -> memref<80xf32, #tpu.memory_space<vmem>>
            %dma_start3A_572 = tpu.memref_slice %arg29[%mul3A_40] : memref<1088xf32, #tpu.memory_space<vmem_shared>> -> memref<80xf32, #tpu.memory_space<vmem_shared>>
            %dma_start3A_573 = tpu.memref_slice %arg20[%mul3A_40] : memref<1088xf32, #tpu.memory_space<vmem>> -> memref<80xf32, #tpu.memory_space<vmem>>
            %dma_start3A_574 = tpu.memref_slice %arg29[%mul3A_40] : memref<1088xf32, #tpu.memory_space<vmem_shared>> -> memref<80xf32, #tpu.memory_space<vmem_shared>>
            tpu.enqueue_dma source(%dma_start3A_574 : memref<80xf32, #tpu.memory_space<vmem_shared>>) target(%dma_start3A_573 : memref<80xf32, #tpu.memory_space<vmem>>) target_semaphore(%run_scoped3A : memref<!tpu.dma_semaphore, #tpu.memory_space<semaphore_mem>>)
            %dma_wait3A = tpu.memref_slice %arg20[%mul3A_40] : memref<1088xf32, #tpu.memory_space<vmem>> -> memref<80xf32, #tpu.memory_space<vmem>>
            %dma_wait3A_575 = tpu.memref_slice %arg29[%mul3A_40] : memref<1088xf32, #tpu.memory_space<vmem_shared>> -> memref<80xf32, #tpu.memory_space<vmem_shared>>
            %dma_wait3A_576 = tpu.memref_slice %arg20[%mul3A_40] : memref<1088xf32, #tpu.memory_space<vmem>> -> memref<80xf32, #tpu.memory_space<vmem>>
            %dma_wait3A_577 = tpu.memref_slice %arg29[%mul3A_40] : memref<1088xf32, #tpu.memory_space<vmem_shared>> -> memref<80xf32, #tpu.memory_space<vmem_shared>>
            tpu.wait_dma2 semaphore(%run_scoped3A : memref<!tpu.dma_semaphore, #tpu.memory_space<semaphore_mem>>) src(%dma_wait3A_577 : memref<80xf32, #tpu.memory_space<vmem_shared>>) dst(%dma_wait3A_576 : memref<80xf32, #tpu.memory_space<vmem>>)
            tpu.yield
          }) : () -> ()
          "tpu.region"() ({
            %run_scoped3A = tpu.sem_alloc : memref<!tpu.dma_semaphore, #tpu.memory_space<semaphore_mem>>
            %dma_start3A = tpu.memref_slice %arg22[%mul3A_40] : memref<1088xf32, #tpu.memory_space<vmem>> -> memref<80xf32, #tpu.memory_space<vmem>>
            %dma_start3A_572 = tpu.memref_slice %arg30[%mul3A_40] : memref<1088xf32, #tpu.memory_space<vmem_shared>> -> memref<80xf32, #tpu.memory_space<vmem_shared>>
            %dma_start3A_573 = tpu.memref_slice %arg22[%mul3A_40] : memref<1088xf32, #tpu.memory_space<vmem>> -> memref<80xf32, #tpu.memory_space<vmem>>
            %dma_start3A_574 = tpu.memref_slice %arg30[%mul3A_40] : memref<1088xf32, #tpu.memory_space<vmem_shared>> -> memref<80xf32, #tpu.memory_space<vmem_shared>>
            tpu.enqueue_dma source(%dma_start3A_574 : memref<80xf32, #tpu.memory_space<vmem_shared>>) target(%dma_start3A_573 : memref<80xf32, #tpu.memory_space<vmem>>) target_semaphore(%run_scoped3A : memref<!tpu.dma_semaphore, #tpu.memory_space<semaphore_mem>>)
            %dma_wait3A = tpu.memref_slice %arg22[%mul3A_40] : memref<1088xf32, #tpu.memory_space<vmem>> -> memref<80xf32, #tpu.memory_space<vmem>>
            %dma_wait3A_575 = tpu.memref_slice %arg30[%mul3A_40] : memref<1088xf32, #tpu.memory_space<vmem_shared>> -> memref<80xf32, #tpu.memory_space<vmem_shared>>
            %dma_wait3A_576 = tpu.memref_slice %arg22[%mul3A_40] : memref<1088xf32, #tpu.memory_space<vmem>> -> memref<80xf32, #tpu.memory_space<vmem>>
            %dma_wait3A_577 = tpu.memref_slice %arg30[%mul3A_40] : memref<1088xf32, #tpu.memory_space<vmem_shared>> -> memref<80xf32, #tpu.memory_space<vmem_shared>>
            tpu.wait_dma2 semaphore(%run_scoped3A : memref<!tpu.dma_semaphore, #tpu.memory_space<semaphore_mem>>) src(%dma_wait3A_577 : memref<80xf32, #tpu.memory_space<vmem_shared>>) dst(%dma_wait3A_576 : memref<80xf32, #tpu.memory_space<vmem>>)
            tpu.yield
          }) : () -> ()
        } else {
        }
        %add3A_564 = arith.constant 1 : i32
        %add3A_565 = arith.addi %while3A_19, %add3A_564 : i32
        %mul3A_566 = arith.constant 64 : i32
        %mul3A_567 = arith.muli %add3A_565, %mul3A_566 : i32
        %get3A_568 = arith.index_cast %mul3A_567 : i32 to index
        %get3A_569 = tpu.vector_load %arg16[%get3A_568] {strides = array<i32>} : memref<6080xf32, #tpu.memory_space<vmem>>, vector<16xf32>,
        %slice3A_570 = vector.extract_strided_slice %get3A_569 {offsets = [0], sizes = [1], strides = [1]} : vector<16xf32> to vector<1xf32>
        %squeeze3A_571 = vector.extract %slice3A_570[0] : f32 from vector<1xf32>
        scf.yield %add3A_565, %squeeze3A_558, %squeeze3A_571 : i32, i32, f32
      }
      %eq3A_14 = arith.constant 0 : i32
      %eq3A_15 = arith.cmpi eq, %arg1, %eq3A_14 : i32
      %convert_element_type3A_16 = arith.extui %eq3A_15 : i1 to i32
      %cond3A_17 = arith.constant 0 : i32
      %cond3A_18 = arith.cmpi ne, %convert_element_type3A_16, %cond3A_17 : i32
      scf.if %cond3A_18 {
        "tpu.region"() ({
          %run_scoped3A = tpu.sem_alloc : memref<!tpu.dma_semaphore, #tpu.memory_space<semaphore_mem>>
          %dma_start3A = arith.constant 0 : i32
          %dma_start3A_19 = tpu.memref_slice %arg17[%dma_start3A] : memref<1088xf32, #tpu.memory_space<vmem>> -> memref<1024xf32, #tpu.memory_space<vmem>>
          %dma_start3A_20 = arith.constant 0 : i32
          %dma_start3A_21 = tpu.memref_slice %arg17[%dma_start3A_20] : memref<1088xf32, #tpu.memory_space<vmem>> -> memref<1024xf32, #tpu.memory_space<vmem>>
          tpu.enqueue_dma source(%dma_start3A_21 : memref<1024xf32, #tpu.memory_space<vmem>>) target(%arg7 : memref<1024xf32, #tpu.memory_space<hbm>>) target_semaphore(%run_scoped3A : memref<!tpu.dma_semaphore, #tpu.memory_space<semaphore_mem>>)
          %dma_wait3A = arith.constant 0 : i32
          %dma_wait3A_22 = tpu.memref_slice %arg17[%dma_wait3A] : memref<1088xf32, #tpu.memory_space<vmem>> -> memref<1024xf32, #tpu.memory_space<vmem>>
          %dma_wait3A_23 = arith.constant 0 : i32
          %dma_wait3A_24 = tpu.memref_slice %arg17[%dma_wait3A_23] : memref<1088xf32, #tpu.memory_space<vmem>> -> memref<1024xf32, #tpu.memory_space<vmem>>
          tpu.wait_dma2 semaphore(%run_scoped3A : memref<!tpu.dma_semaphore, #tpu.memory_space<semaphore_mem>>) src(%dma_wait3A_24 : memref<1024xf32, #tpu.memory_space<vmem>>) dst(%arg7 : memref<1024xf32, #tpu.memory_space<hbm>>)
          tpu.yield
        }) : () -> ()
        "tpu.region"() ({
          %run_scoped3A = tpu.sem_alloc : memref<!tpu.dma_semaphore, #tpu.memory_space<semaphore_mem>>
          %dma_start3A = arith.constant 0 : i32
          %dma_start3A_19 = tpu.memref_slice %arg18[%dma_start3A] : memref<1088xf32, #tpu.memory_space<vmem>> -> memref<1024xf32, #tpu.memory_space<vmem>>
          %dma_start3A_20 = arith.constant 0 : i32
          %dma_start3A_21 = tpu.memref_slice %arg18[%dma_start3A_20] : memref<1088xf32, #tpu.memory_space<vmem>> -> memref<1024xf32, #tpu.memory_space<vmem>>
          tpu.enqueue_dma source(%dma_start3A_21 : memref<1024xf32, #tpu.memory_space<vmem>>) target(%arg8 : memref<1024xf32, #tpu.memory_space<hbm>>) target_semaphore(%run_scoped3A : memref<!tpu.dma_semaphore, #tpu.memory_space<semaphore_mem>>)
          %dma_wait3A = arith.constant 0 : i32
          %dma_wait3A_22 = tpu.memref_slice %arg18[%dma_wait3A] : memref<1088xf32, #tpu.memory_space<vmem>> -> memref<1024xf32, #tpu.memory_space<vmem>>
          %dma_wait3A_23 = arith.constant 0 : i32
          %dma_wait3A_24 = tpu.memref_slice %arg18[%dma_wait3A_23] : memref<1088xf32, #tpu.memory_space<vmem>> -> memref<1024xf32, #tpu.memory_space<vmem>>
          tpu.wait_dma2 semaphore(%run_scoped3A : memref<!tpu.dma_semaphore, #tpu.memory_space<semaphore_mem>>) src(%dma_wait3A_24 : memref<1024xf32, #tpu.memory_space<vmem>>) dst(%arg8 : memref<1024xf32, #tpu.memory_space<hbm>>)
          tpu.yield
        }) : () -> ()
        "tpu.region"() ({
          %run_scoped3A = tpu.sem_alloc : memref<!tpu.dma_semaphore, #tpu.memory_space<semaphore_mem>>
          %dma_start3A = arith.constant 0 : i32
          %dma_start3A_19 = tpu.memref_slice %arg19[%dma_start3A] : memref<1088xf32, #tpu.memory_space<vmem>> -> memref<1024xf32, #tpu.memory_space<vmem>>
          %dma_start3A_20 = arith.constant 0 : i32
          %dma_start3A_21 = tpu.memref_slice %arg19[%dma_start3A_20] : memref<1088xf32, #tpu.memory_space<vmem>> -> memref<1024xf32, #tpu.memory_space<vmem>>
          tpu.enqueue_dma source(%dma_start3A_21 : memref<1024xf32, #tpu.memory_space<vmem>>) target(%arg9 : memref<1024xf32, #tpu.memory_space<hbm>>) target_semaphore(%run_scoped3A : memref<!tpu.dma_semaphore, #tpu.memory_space<semaphore_mem>>)
          %dma_wait3A = arith.constant 0 : i32
          %dma_wait3A_22 = tpu.memref_slice %arg19[%dma_wait3A] : memref<1088xf32, #tpu.memory_space<vmem>> -> memref<1024xf32, #tpu.memory_space<vmem>>
          %dma_wait3A_23 = arith.constant 0 : i32
          %dma_wait3A_24 = tpu.memref_slice %arg19[%dma_wait3A_23] : memref<1088xf32, #tpu.memory_space<vmem>> -> memref<1024xf32, #tpu.memory_space<vmem>>
          tpu.wait_dma2 semaphore(%run_scoped3A : memref<!tpu.dma_semaphore, #tpu.memory_space<semaphore_mem>>) src(%dma_wait3A_24 : memref<1024xf32, #tpu.memory_space<vmem>>) dst(%arg9 : memref<1024xf32, #tpu.memory_space<hbm>>)
          tpu.yield
        }) : () -> ()
        "tpu.region"() ({
          %run_scoped3A = tpu.sem_alloc : memref<!tpu.dma_semaphore, #tpu.memory_space<semaphore_mem>>
          %dma_start3A = arith.constant 0 : i32
          %dma_start3A_19 = tpu.memref_slice %arg20[%dma_start3A] : memref<1088xf32, #tpu.memory_space<vmem>> -> memref<1024xf32, #tpu.memory_space<vmem>>
          %dma_start3A_20 = arith.constant 0 : i32
          %dma_start3A_21 = tpu.memref_slice %arg20[%dma_start3A_20] : memref<1088xf32, #tpu.memory_space<vmem>> -> memref<1024xf32, #tpu.memory_space<vmem>>
          tpu.enqueue_dma source(%dma_start3A_21 : memref<1024xf32, #tpu.memory_space<vmem>>) target(%arg10 : memref<1024xf32, #tpu.memory_space<hbm>>) target_semaphore(%run_scoped3A : memref<!tpu.dma_semaphore, #tpu.memory_space<semaphore_mem>>)
          %dma_wait3A = arith.constant 0 : i32
          %dma_wait3A_22 = tpu.memref_slice %arg20[%dma_wait3A] : memref<1088xf32, #tpu.memory_space<vmem>> -> memref<1024xf32, #tpu.memory_space<vmem>>
          %dma_wait3A_23 = arith.constant 0 : i32
          %dma_wait3A_24 = tpu.memref_slice %arg20[%dma_wait3A_23] : memref<1088xf32, #tpu.memory_space<vmem>> -> memref<1024xf32, #tpu.memory_space<vmem>>
          tpu.wait_dma2 semaphore(%run_scoped3A : memref<!tpu.dma_semaphore, #tpu.memory_space<semaphore_mem>>) src(%dma_wait3A_24 : memref<1024xf32, #tpu.memory_space<vmem>>) dst(%arg10 : memref<1024xf32, #tpu.memory_space<hbm>>)
          tpu.yield
        }) : () -> ()
        "tpu.region"() ({
          %run_scoped3A = tpu.sem_alloc : memref<!tpu.dma_semaphore, #tpu.memory_space<semaphore_mem>>
          %dma_start3A = arith.constant 0 : i32
          %dma_start3A_19 = tpu.memref_slice %arg21[%dma_start3A] : memref<1088xf32, #tpu.memory_space<vmem>> -> memref<1024xf32, #tpu.memory_space<vmem>>
          %dma_start3A_20 = arith.constant 0 : i32
          %dma_start3A_21 = tpu.memref_slice %arg21[%dma_start3A_20] : memref<1088xf32, #tpu.memory_space<vmem>> -> memref<1024xf32, #tpu.memory_space<vmem>>
          tpu.enqueue_dma source(%dma_start3A_21 : memref<1024xf32, #tpu.memory_space<vmem>>) target(%arg11 : memref<1024xf32, #tpu.memory_space<hbm>>) target_semaphore(%run_scoped3A : memref<!tpu.dma_semaphore, #tpu.memory_space<semaphore_mem>>)
          %dma_wait3A = arith.constant 0 : i32
          %dma_wait3A_22 = tpu.memref_slice %arg21[%dma_wait3A] : memref<1088xf32, #tpu.memory_space<vmem>> -> memref<1024xf32, #tpu.memory_space<vmem>>
          %dma_wait3A_23 = arith.constant 0 : i32
          %dma_wait3A_24 = tpu.memref_slice %arg21[%dma_wait3A_23] : memref<1088xf32, #tpu.memory_space<vmem>> -> memref<1024xf32, #tpu.memory_space<vmem>>
          tpu.wait_dma2 semaphore(%run_scoped3A : memref<!tpu.dma_semaphore, #tpu.memory_space<semaphore_mem>>) src(%dma_wait3A_24 : memref<1024xf32, #tpu.memory_space<vmem>>) dst(%arg11 : memref<1024xf32, #tpu.memory_space<hbm>>)
          tpu.yield
        }) : () -> ()
      } else {
      }
    } else {
    }
    return
  }
}

</mosaic_0001>

<sc_bundles>
// kernel: gather_offload_async_start.1
scs
__scs_entry_jumppad:
0x0: {  	(pc) =	sbr.rel $0x88, $3  }
0x1: {  	(tag) =	ssettag $0x0;
	lr =	simm.s32 $0x1  }
0x2: {  	[smem:$0x3F9E] =	sst lr;
	_ =	strace $0xD0000000  }
0x3: {  	_ = 	snop  }
0x4: {  	_ = 	snop  }
0x5: {  	_ = 	snop  }
0x6: {  	_ = 	snop  }
0x7: {  	_ = 	snop  }
__scs_overlays_trampoline_lowered:
0x8: {  	[smem:$0x3FAD] =	sst s0  }
0x9: {  	[smem:$0x3FAE] =	sst s1  }
0xa: {  	[smem:$0x3FAF] =	sst s2  }
0xb: {  	[smem:$0x3FB0] =	sst s3  }
0xc: {  	[smem:$0x3FB1] =	sst s4  }
0xd: {  	[smem:$0x3FB2] =	sst s5  }
0xe: {  	[smem:$0x3FB3] =	sst s6  }
0xf: {  	[smem:$0x3FB4] =	sst s7  }
0x10: {  	[smem:$0x3FB5] =	sst s8  }
0x11: {  	[smem:$0x3FB6] =	sst s9;
	s0 =	simm.s32 @!p0 $0x0  }
0x12: {  	s1 =	sld [smem:$0x3F9C];
	s0 =	simm.s32 @p0 $0x1  }
0x13: {  	[smem:$0x3FB7] =	sst s0;
	s0 =	simm.s32 @!p1 $0x0  }
0x14: {  	s2 =	sld [smem:$0x3F9B];
	s0 =	simm.s32 @p1 $0x1  }
0x15: {  	[smem:$0x3FB8] =	sst s0;
	s0 =	simm.s32 @!p2 $0x0  }
0x16: {  	s3 =	sld [smem:$0x3FDB];
	s0 =	simm.s32 @p2 $0x1  }
0x17: {  	s4 =	simm.s32 $0x1BF5;
	[smem:$0x3FBA] =	sst s0  }
0x18: {  	s0 =	sld [smem:$0x3F9D];
	_ =	swait.ge [sflag:s4], $0x0  }
0x19: {  	s7 =	sld [smem:$0x3F9E]  }
0x1a: {  	s8 =	sadd.s32 $0xFFFFE003, lr  }
0x1b: {  	s9 =	sadd.s32 $0xFFFFFEF7, lr;
	s5 =	simm.s32 $0xFFFFFFFF;
	p2 =	slt.u32 s8, $0xFFFFF086  }
0x1c: {  	p1 =	slt.u32 s9, $0xF7A;
	s5 =	simm.s32 @!p2 $0x0  }
0x1d: {  	s5 =	simm.s32 @p1 $0x1;
	p0 =	seq.s32 s7, s2  }
0x1e: {  	s7 =	smul.u32 @!p0 $0xF7A, s2;
	p2 =	seq.s32 @!p0 s5, $0x0  }
0x1f: {  	s9 =	smul.u32 $0xF7A, s1;
	s8 =	simm.s32 @!p0 $0x1BF5;
	p2 =	por !p2, p0  }
0x20: {  	[sflag:s8] =	ssyncset.s32 @!p0 $0xFFFFF086;
	s6 =	sadd.s32 @!p0 s3, s7;
	s7 =	simm.s32 @!p0 $0x108  }
0x21: {  	s3 =	sadd.s32 s3, s9;
	s6 =	sadd.s32 @!p0 $0x88, s6;
	s7 =	simm.s32 @p2 $0x1082  }
0x22: {  	[simem:s7], [sflag:s8] =	dma.local @!p0 [hbm:s6], $0xF7A  }
0x23: {  	s9 =	sor.u32 $0xD0000000, s2;
	s6 =	simm.s32 $0x108;
	_ =	swait.ge @!p0 [sflag:s8], $0x0  }
0x24: {  	s3 =	sadd.s32 $0x88, s3;
	s6 =	simm.s32 @!p1 $0x1082;
	[sflag:s4] =	ssyncset.s32 $0xFFFFF086  }
0x25: {  	[simem:s6], [sflag:s4] =	dma.local [hbm:s3], $0xF7A  }
0x26: {  	[smem:$0x3F9E] =	sst s1;
	(tag) =	ssettag s2;
	_ =	strace s9  }
0x27: {  	s1 =	sld [smem:$0x3FAE]  }
0x28: {  	s2 =	sld [smem:$0x3FAF]  }
0x29: {  	s4 =	sld [smem:$0x3FB1]  }
0x2a: {  	p0 =	seq.s32 s5, $0x0;
	s5 =	sld [smem:$0x3FB2]  }
0x2b: {  	s6 =	sld [smem:$0x3FB3]  }
0x2c: {  	s7 =	sld [smem:$0x3FB4]  }
0x2d: {  	s3 =	simm.s32 $0x108;
	s8 =	sld [smem:$0x3FB5]  }
0x2e: {  	s3 =	simm.s32 @!p0 $0x1082;
	s9 =	sld [smem:$0x3FB6]  }
0x2f: {  	lr =	sadd.s32 s0, s3;
	s0 =	sld [smem:$0x3FAD]  }
0x30: {  	s3 =	sld [smem:$0x3FB0]  }
0x31: {  	[smem:$0x3FB9] =	sst s10  }
0x32: {  	s10 =	sld [smem:$0x3FB7];
	_ =	sdelay $0x3  }
0x33: {  	p0 =	seq.s32 s10, $0x1;
	s10 =	sld [smem:$0x3FB9];
	_ =	sdelay $0x3  }
0x34: {  	[smem:$0x3FB9] =	sst s10  }
0x35: {  	s10 =	sld [smem:$0x3FB8];
	_ =	sdelay $0x3  }
0x36: {  	p1 =	seq.s32 s10, $0x1;
	s10 =	sld [smem:$0x3FB9];
	_ =	sdelay $0x3  }
0x37: {  	[smem:$0x3FB9] =	sst s10  }
0x38: {  	s10 =	sld [smem:$0x3FBA]  }
0x39: {  	_ = 	snop;
	(pc) =	sbr.ind lr, $3  }
0x3a: {  	_ = 	snop  }
0x3b: {  	_ = 	snop  }
0x3c: {  	p2 =	seq.s32 s10, $0x1;
	s10 =	sld [smem:$0x3FB9]  }
0x3d: {  	_ =	shalt  }
0x3e: {  	_ =	shalt  }
0x3f: {  	_ =	shalt  }
0x40: {  	_ =	shalt  }
0x41: {  	_ =	shalt  }
0x42: {  	_ =	shalt  }
0x43: {  	_ =	shalt  }
0x44: {  	_ =	shalt  }
0x45: {  	_ =	shalt  }
0x46: {  	_ =	shalt  }
0x47: {  	_ =	shalt  }
0x48: {  	_ =	shalt  }
0x49: {  	_ =	shalt  }
0x4a: {  	_ =	shalt  }
0x4b: {  	_ =	shalt  }
0x4c: {  	_ =	shalt  }
0x4d: {  	_ =	shalt  }
0x4e: {  	_ =	shalt  }
0x4f: {  	_ =	shalt  }
0x50: {  	_ =	shalt  }
0x51: {  	_ =	shalt  }
0x52: {  	_ =	shalt  }
0x53: {  	_ =	shalt  }
0x54: {  	_ =	shalt  }
0x55: {  	_ =	shalt  }
0x56: {  	_ =	shalt  }
0x57: {  	_ =	shalt  }
0x58: {  	_ =	shalt  }
0x59: {  	_ =	shalt  }
0x5a: {  	_ =	shalt  }
0x5b: {  	_ =	shalt  }
0x5c: {  	_ =	shalt  }
0x5d: {  	_ =	shalt  }
0x5e: {  	_ =	shalt  }
0x5f: {  	_ =	shalt  }
0x60: {  	_ =	shalt  }
0x61: {  	_ =	shalt  }
0x62: {  	_ =	shalt  }
0x63: {  	_ =	shalt  }
0x64: {  	_ =	shalt  }
0x65: {  	_ =	shalt  }
0x66: {  	_ =	shalt  }
0x67: {  	_ =	shalt  }
0x68: {  	_ =	shalt  }
0x69: {  	_ =	shalt  }
0x6a: {  	_ =	shalt  }
0x6b: {  	_ =	shalt  }
0x6c: {  	_ =	shalt  }
0x6d: {  	_ =	shalt  }
0x6e: {  	_ =	shalt  }
0x6f: {  	_ =	shalt  }
0x70: {  	_ =	shalt  }
0x71: {  	_ =	shalt  }
0x72: {  	_ =	shalt  }
0x73: {  	_ =	shalt  }
0x74: {  	_ =	shalt  }
0x75: {  	_ =	shalt  }
0x76: {  	_ =	shalt  }
0x77: {  	_ =	shalt  }
0x78: {  	_ =	shalt  }
0x79: {  	_ =	shalt  }
0x7a: {  	_ =	shalt  }
0x7b: {  	_ =	shalt  }
0x7c: {  	_ =	shalt  }
0x7d: {  	_ =	shalt  }
0x7e: {  	_ =	shalt  }
0x7f: {  	_ =	shalt  }
0x80: {  	_ =	shalt  }
0x81: {  	_ =	shalt  }
0x82: {  	_ =	shalt  }
0x83: {  	_ =	shalt  }
0x84: {  	_ =	shalt  }
0x85: {  	_ =	shalt  }
0x86: {  	_ =	shalt  }
0x87: {  	_ =	shalt  }
.Lfunc_end0:
.L_simem_size_0:
called_computation.1_lowered:
.L_overlay_start_0:
0x88: {  	s0 =	sld [smem:$0x3FD9]  }
0x89: {  	s1 =	sld [smem:$0x3FFE];
	_ =	sdelay $0x3  }
0x8a: {  	s0 =	sadd.s32 s1, s0  }
0x8b: {  	[smem:$0x3FC5] =	sst s0  }
0x8c: {  	_ = 	snop  }
0x8d: {  	s0 =	sld [smem:$0x3FD0];
	(tm) =	ssettm $0x1  }
0x8e: {  	s16 =	sld [smem:$0x3FFB];
	_ =	sdelay $0x3  }
0x8f: {  	_ =	strace s16  }
0x90: {  	s1 =	sld [smem:$0x3FFC];
	_ =	sdelay $0x3  }
0x91: {  	_ =	strace s1  }
0x92: {  	s1 =	sld [smem:$0x3FFD];
	_ =	sdelay $0x3  }
0x93: {  	_ =	strace s1  }
0x94: {  	_ =	strace $0x8FFFFFFF  }
0x95: {  	s17 =	sld [smem:$0x3FDB];
	_ =	sdelay $0x1  }
0x96: {  	s2 =	simm.s32 $_scs_section_size  }
0x97: {  	s3 =	simm.s32 $_size__tile_overlayer_lowered;
	s4 =	simm.s32 $_tile_overlayer_lowered  }
0x98: {  	s20 =	simm.s32 $0x1BFF;
	s19 =	sshll.u32 s4, $0x1;
	s1 =	sadd.s32 s2, s17  }
0x99: {  	s5 =	simm.s32 $0x0;
	s18 =	sshll.u32 s3, $0x1;
	s3 =	sadd.s32 s19, s1  }
0x9a: {  	[timem:s5], [sflag:s20] =	dma.local [hbm:s3], s18  }
0x9b: {  	_ =	swait.ge [sflag:s20], s18  }
0x9c: {  	s2 =	ssub.s32 $0x0, s18;
	[sflag:s20] =	ssyncset.done $0x0  }
0x9d: {  	[sflag:s20] =	ssyncadd.s32 s2;
	_ =	sdelay $0x1  }
0x9e: {  	s21 =	simm.s32 $0x1B8B  }
0x9f: {  	_ =	swait.ge [sflag:s21], $0x1  }
0xa0: {  	[sflag:s21] =	ssyncset.done $0x0  }
0xa1: {  	s23 =	simm.s32 $0x1B8E;
	s22 =	sld [smem:$0x3FFE];
	[sflag:s21] =	ssyncadd.s32 $0xFFFFFFFF  }
0xa2: {  	s24 =	simm.s32 $execute0_lowered;
	[smem:$0x3FD2] =	sst s23  }
0xa3: {  	s3 =	sshll.u32 s24, $0x1;
	_ =	strace $0x80000046;
	[dreg:$0x1] =	wrdreg $0xFFFFFFFF  }
0xa4: {  	s25 =	simm.s32 $_size_execute0_lowered;
	s1 =	sadd.s32 s1, s3;
	[dreg:$0x0] =	wrdreg $0x0  }
0xa5: {  	s3 =	sshll.u32 s25, $0x1;
	[dreg:$0x2] =	wrdreg s1  }
0xa6: {  	[dreg:$0x3] =	wrdreg s3  }
0xa7: {  	[dreg:$0x4] =	wrdreg $0xC0  }
0xa8: {  	_ =	task [dreg:s5], $0x5FFFF  }
0xa9: {  	[dreg:$0x1] =	wrdreg $0xFFFFFFFF  }
0xaa: {  	[dreg:$0x0] =	wrdreg $0x60  }
0xab: {  	[dreg:$0x2] =	wrdreg s0  }
0xac: {  	[dreg:$0x3] =	wrdreg s22  }
0xad: {  	[dreg:$0x4] =	wrdreg $0xA  }
0xae: {  	_ =	task.clear_ibuf [dreg:s5], $0x5FFFF;
	_ =	strace $0x90000046  }
0xaf: {  	s26 =	simm.s32 $0xA;
	_ =	strace $0x80000048  }
0xb0: {  	_ =	swait.ge [sflag:s26], $0x1  }
0xb1: {  	[sflag:s26] =	ssyncadd.s32 $0xFFFFFFFF  }
0xb2: {  	_ =	strace $0x90000048  }
0xb3: {  	_ =	sfence  }
0xb4: {  	s28 =	sld [smem:$0x0];
	_ =	sdelay $0x1  }
0xb5: {  	s29 =	srdreg.scid  }
0xb6: {  	s30 =	sshll.u32 s29, $0xD;
	s31 =	sshrl.u32 s29, $0x2  }
0xb7: {  	s2 =	sand.u32 $0x4000, s30;
	s1 =	sand.u32 $0x1, s29;
	s0 =	sadd.s32 s31, s28  }
0xb8: {  	s1 =	sor.u32 s2, s1;
	s0 =	sshll.u32 s0, $0x11  }
0xb9: {  	s0 =	sor.u32 s0, s1  }
0xba: {  	s0 =	sadd.s32 $0x8F2B, s0  }
0xbb: {  	[sflag:s0] =	ssyncadd.remote.s32 $0x1  }
0xbc: {  	_ =	sfence.sel $0xFFFF  }
0xbd: {  	[dreg:$0x0] =	wrdreg $0xFFFFFFFF;
	(pc) =	sbr.abs _section_cstart, $3  }
0xbe: {  	[dreg:$0x1] =	wrdreg $0xFFFFFFFF  }
0xbf: {  	_ =	task.clear_ibuf [dreg:s5], $0x2FFFF;
	_ =	strace $0x9FFFFFFF  }
0xc0: {  	(tm) =	ssettm $0x7FFFFFFF  }
0xc1: {  	_ =	shalt  }
tec
execute0_lowered:
.L_overlay_start_1:
0x0: {  	(tag) =	ssettag $0x1  }
0x1: {  	s2 =	rddreg [dreg:$0x0]  }
0x2: {  	s3 =	rddreg [dreg:$0x1]  }
0x3: {  	s0 =	rddreg [dreg:$0x2];
	_ =	strace $0x80000047;
	s4 =	simm.s32 $0x1  }
0x4: {  	s1 =	stileid.u32;
	s7 =	simm.s32 $0x1;
	s8 =	simm.s32 $0x1  }
0x5: {  	s6 =	simm.s32 $0x2;
	s9 =	simm.s32 $0x3;
	s10 =	simm.s32 $0x0  }
.Ltmp0:
0x6: {  	s13 =	simm.s32 $0x0;
	p0 =	slt.u32 s1, $0xA;
	(pc) =	sbr.rel .LBB2_1-.Ltmp0, $4  }
0x7: {  	[sflag:s4] =	ssyncpa.u1 $0x0;
	s7 =	simm.s32 @!p0 $0x0;
	p0 =	sne.s32 s1, $0x9  }
0x8: {  	s5 =	smul.u32 $0xF0, s1;
	[sflag:s6] =	ssyncpa.u1 $0x0;
	s8 =	simm.s32 @!p0 $0x0  }
0x9: {  	s12 =	simm.s32 $0x0;
	[sflag:s9] =	ssyncpa.u1 $0x0;
	s7 =	sadd.s32 s8, s7  }
0xa: {  	vm0 =	vmmov $0xffff;
	s11 =	smov.u32 s5;
	s8 =	sadd.s32 $0x400, s3;
	s9 =	sadd.s32 $0x1, s7  }
.LBB2_4:
0xb: {  	v2 =	vnsel vm1, $0x0, v2  }
0xc: {  	vm1 =	vgt.s32 v0, $0x0;
	v2 =	vmin.u32 v2, $0x176F  }
0xd: {  	v0 =	vnsel vm1, $0x0, v0  }
0xe: {  	v0 =	vmin.u32 v0, $0x176F  }
0xf: {  	[tilespmem:s18], [sflag:$0x1] =	stream.indirect_vreg.gather [hbm4b:s2+s10], $0x1, v1, vm0, $0x4038;
	[tilespmem:$0x3C0] =	vst v63  }
0x10: {  	(ifvalue) =	ssetifvalue $0x7FFFFFFF  }
0x11: {  	[tilespmem:s15], [sflag:$0x1] =	stream.indirect_vreg.gather [hbm4b:s2+s10], $0x1, v2, vm0, $0x4038;
	[tilespmem:$0x3C0] =	vst v63  }
0x12: {  	s29 =	sadd.s32 $0x10, s15;
	(ifvalue) =	ssetifvalue $0x7FFFFFFF  }
0x13: {  	[tilespmem:s29], [sflag:$0x1] =	stream.indirect_vreg.gather [hbm4b:s2+s10], $0x1, v0, vm0, $0x4038;
	[tilespmem:$0x3C0] =	vst v63  }
0x14: {  	_ =	swait.ge [sflag:s4], $0xF0  }
0x15: {  	s30 =	sshrl.u32 s13, $0x3;
	[sflag:s4] =	ssyncset.done $0x0  }
0x16: {  	s31 =	sand.u32 $0x7, s13;
	s15 =	sadd.s32 s8, s30;
	[sflag:s4] =	ssyncadd.s32 $0xFFFFFF10  }
0x17: {  	[hbm4b:s15+s31] =	stream.linear.scatter [tilespmem:s14], [sflag:$0x3], $0xF0, $0x38;
	[tilespmem:$0x3C0] =	vst v63  }
.LBB2_5:
0x18: {  	s15 =	sadd.s32 $0xF00, s11  }
0x19: {  	p1 =	sgt.s32 s15, $0x176F  }
0x1a: {  	s15 =	smov.u32 @p1 s5;
	p1 =	sne.s32 s12, s9  }
.Ltmp1:
0x1b: {  	p0 =	slt.u32 s12, $0x2;
	(pc) =	sbr.rel @!p1 .LBB2_6-.Ltmp1, $4  }
0x1c: {  	s14 =	simm.s32 @!p0 $0x3  }
0x1d: {  	_ =	swait.ge @!p0 [sflag:s14], $0xF0  }
0x1e: {  	s16 =	sadd.s32 $0x1, s12;
	s13 =	smov.u32 s11;
	[sflag:s14] =	ssyncset.done @!p0 $0x0  }
0x1f: {  	s12 =	smov.u32 s16;
	s11 =	smov.u32 s15;
	[sflag:s14] =	ssyncadd.s32 @!p0 $0xFFFFFF10  }
.LBB2_1:
0x20: {  	p0 =	sge.u32 s12, s7  }
0x21: {  	s14 =	sxor.u32 @!p0 $0x1, s12  }
0x22: {  	s14 =	smul.u32 @!p0 $0x3C0, s14  }
0x23: {  	s31 =	sadd.s32 $0xFFFFFFFF, s12;
	s15 =	sshrl.u32 @!p0 s11, $0x3  }
0x24: {  	s16 =	sand.u32 @!p0 $0x7, s11;
	s15 =	sadd.s32 @!p0 s3, s15;
	s14 =	sshra.s32 @!p0 s14, $0x2  }
0x25: {  	[tilespmem:s14], [sflag:$0x2] =	stream.linear.gather @!p0 [hbm4b:s15+s16], $0xF0, $0x38;
	[tilespmem:$0x3C0] =	vst v63  }
0x26: {  	p0 =	sge.u32 s31, s7  }
.Ltmp2:
0x27: {  	_ = 	snop;
	(pc) =	sbr.rel @p0 .LBB2_5-.Ltmp2, $1  }
0x28: {  	_ =	sdelay $0x3  }
0x29: {  	s14 =	sand.u32 $0x1, s12  }
0x2a: {  	_ =	swait.ge [sflag:s6], $0xF0;
	p0 =	seq.s32 s14, $0x1;
	s14 =	simm.s32 $0xF0  }
0x2b: {  	[sflag:s6] =	ssyncset.done $0x0;
	s14 =	simm.s32 @!p0 $0x0  }
0x2c: {  	[sflag:s6] =	ssyncadd.s32 $0xFFFFFF10;
	(ifvalue) =	ssetifvalue $0x7FFFFFFF;
	v0 =	vld.msk [tilespmem:s14+$0x0 ss:$0x1], $0xffff;
	_ =	sdelay $0x4  }
0x2d: {  	s15 =	sadd.s32 $0x10, s14;
	vm1 =	vgt.s32 v0, $0x0  }
0x2e: {  	v2 =	vld.msk [tilespmem:s15+$0x0 ss:$0x1], $0xffff;
	v1 =	vnsel vm1, $0x0, v0  }
0x2f: {  	v1 =	vmin.u32 v1, $0x176F;
	_ =	sdelay $0x2  }
0x30: {  	s17 =	simm.s32 $0x20;
	s14 =	sadd.s32 $0x1E0, s14;
	s16 =	sadd.s32 $0x10, s15  }
0x31: {  	s15 =	sadd.s32 $0x10, s14;
	s18 =	smov.u32 s14;
	v0 =	vld.msk [tilespmem:s16+$0x0 ss:$0x1], $0xffff;
	vm1 =	vgt.s32 v2, $0x0;
	(ifvalue) =	ssetifvalue $0x7FFFFFFF  }
.LBB2_3:
0x32: {  	[tilespmem:s18], [sflag:$0x1] =	stream.indirect_vreg.gather [hbm4b:s2+s10], $0x1, v1, vm0, $0x4038;
	[tilespmem:$0x3C0] =	vst v63  }
0x33: {  	s17 =	sadd.s32 $0x10, s17  }
0x34: {  	v2 =	vnsel vm1, $0x0, v2;
	p0 =	slt.u32 s17, $0xE0  }
.Ltmp3:
0x35: {  	s18 =	smov.u32 s15;
	v1 =	vmin.u32 v2, $0x176F;
	(pc) =	sbr.rel @p0 .LBB2_3-.Ltmp3, $3  }
0x36: {  	_ =	sdelay $0x1  }
0x37: {  	s16 =	sadd.s32 $0x10, s16  }
0x38: {  	vm1 =	vgt.s32 v0, $0x0;
	s15 =	sadd.s32 $0x10, s15;
	v2 =	vmov v0;
	(ifvalue) =	ssetifvalue $0x7FFFFFFF;
	v0 =	vld.msk [tilespmem:s16+$0x0 ss:$0x1], $0xffff  }
.Ltmp4:
0x39: {  	_ = 	snop;
	(pc) =	sbr.rel .LBB2_4-.Ltmp4, $1  }
0x3a: {  	_ =	sdelay $0x3  }
.LBB2_6:
0x3b: {  	_ =	sfence.sel $0x180000  }
0x3c: {  	s2 =	simm.s32 $0x2;
	[bflag:$0x0] =	sbarrier.arrive $0xFFFF  }
0x3d: {  	s30 =	simm.s32 $0x3;
	[sflag:s2] =	ssyncpa.u1 $0x1  }
0x3e: {  	s31 =	simm.s32 $0x1;
	[sflag:s30] =	ssyncpa.u1 $0x1  }
0x3f: {  	[sflag:s31] =	ssyncpa.u1 $0x1  }
0x40: {  	p0 =	sne.s32 s1, $0x0;
	_ =	strace $0x90000047  }
0x41: {  	s0 =	sadd.s32 @!p0 $0x100000, s0;
	[bflag:$0x2] =	sbarrier.arrive $0xFFFF  }
0x42: {  	[sflag:s0] =	ssyncadd.tile.s32 @!p0 $0x1;
	_ =	shalt  }
.Lfunc_end2:
_tile_overlayer_lowered:
.L_overlay_start_2:
0x43: {  	(tag) =	ssettag $0x2  }
0x44: {  	s0 =	rddreg [dreg:$0x0];
	s2 =	stileid.u32  }
0x45: {  	s1 =	rddreg [dreg:$0x1];
	p0 =	sne.s32 s2, $0x0  }
0x46: {  	s3 =	rddreg [dreg:$0x2];
	[bflag:$0x3] =	sbarrier.arrive $0xFFFF;
	s2 =	simm.s32 @!p0 $0x1C01  }
0x47: {  	[timem:s3], [sflag:s2] =	dma.local @!p0 [hbm:s0], s1  }
0x48: {  	s0 =	simm.s32 @!p0 $0x1  }
0x49: {  	_ =	swait.ge @!p0 [sflag:s0], s1  }
0x4a: {  	s1 =	ssub.s32 @!p0 $0x0, s1;
	[sflag:s0] =	ssyncset.done @!p0 $0x0  }
0x4b: {  	[sflag:s0] =	ssyncadd.s32 @!p0 s1  }
0x4c: {  	[bflag:$0x3] =	sbarrier.arrive $0xFFFF  }
0x4d: {  	_ =	shalt  }

// kernel: gather_offload_async_start
scs
__scs_entry_jumppad:
0x0: {  	(pc) =	sbr.rel $0x88, $3  }
0x1: {  	(tag) =	ssettag $0x0;
	lr =	simm.s32 $0x1  }
0x2: {  	[smem:$0x3F9E] =	sst lr;
	_ =	strace $0xD0000000  }
0x3: {  	_ = 	snop  }
0x4: {  	_ = 	snop  }
0x5: {  	_ = 	snop  }
0x6: {  	_ = 	snop  }
0x7: {  	_ = 	snop  }
__scs_overlays_trampoline_lowered:
0x8: {  	[smem:$0x3FAD] =	sst s0  }
0x9: {  	[smem:$0x3FAE] =	sst s1  }
0xa: {  	[smem:$0x3FAF] =	sst s2  }
0xb: {  	[smem:$0x3FB0] =	sst s3  }
0xc: {  	[smem:$0x3FB1] =	sst s4  }
0xd: {  	[smem:$0x3FB2] =	sst s5  }
0xe: {  	[smem:$0x3FB3] =	sst s6  }
0xf: {  	[smem:$0x3FB4] =	sst s7  }
0x10: {  	[smem:$0x3FB5] =	sst s8  }
0x11: {  	[smem:$0x3FB6] =	sst s9;
	s0 =	simm.s32 @!p0 $0x0  }
0x12: {  	s1 =	sld [smem:$0x3F9C];
	s0 =	simm.s32 @p0 $0x1  }
0x13: {  	[smem:$0x3FB7] =	sst s0;
	s0 =	simm.s32 @!p1 $0x0  }
0x14: {  	s2 =	sld [smem:$0x3F9B];
	s0 =	simm.s32 @p1 $0x1  }
0x15: {  	[smem:$0x3FB8] =	sst s0;
	s0 =	simm.s32 @!p2 $0x0  }
0x16: {  	s3 =	sld [smem:$0x3FDB];
	s0 =	simm.s32 @p2 $0x1  }
0x17: {  	s4 =	simm.s32 $0x1BF5;
	[smem:$0x3FBA] =	sst s0  }
0x18: {  	s0 =	sld [smem:$0x3F9D];
	_ =	swait.ge [sflag:s4], $0x0  }
0x19: {  	s7 =	sld [smem:$0x3F9E]  }
0x1a: {  	s8 =	sadd.s32 $0xFFFFE003, lr  }
0x1b: {  	s9 =	sadd.s32 $0xFFFFFEF7, lr;
	s5 =	simm.s32 $0xFFFFFFFF;
	p2 =	slt.u32 s8, $0xFFFFF086  }
0x1c: {  	p1 =	slt.u32 s9, $0xF7A;
	s5 =	simm.s32 @!p2 $0x0  }
0x1d: {  	s5 =	simm.s32 @p1 $0x1;
	p0 =	seq.s32 s7, s2  }
0x1e: {  	s7 =	smul.u32 @!p0 $0xF7A, s2;
	p2 =	seq.s32 @!p0 s5, $0x0  }
0x1f: {  	s9 =	smul.u32 $0xF7A, s1;
	s8 =	simm.s32 @!p0 $0x1BF5;
	p2 =	por !p2, p0  }
0x20: {  	[sflag:s8] =	ssyncset.s32 @!p0 $0xFFFFF086;
	s6 =	sadd.s32 @!p0 s3, s7;
	s7 =	simm.s32 @!p0 $0x108  }
0x21: {  	s3 =	sadd.s32 s3, s9;
	s6 =	sadd.s32 @!p0 $0x88, s6;
	s7 =	simm.s32 @p2 $0x1082  }
0x22: {  	[simem:s7], [sflag:s8] =	dma.local @!p0 [hbm:s6], $0xF7A  }
0x23: {  	s9 =	sor.u32 $0xD0000000, s2;
	s6 =	simm.s32 $0x108;
	_ =	swait.ge @!p0 [sflag:s8], $0x0  }
0x24: {  	s3 =	sadd.s32 $0x88, s3;
	s6 =	simm.s32 @!p1 $0x1082;
	[sflag:s4] =	ssyncset.s32 $0xFFFFF086  }
0x25: {  	[simem:s6], [sflag:s4] =	dma.local [hbm:s3], $0xF7A  }
0x26: {  	[smem:$0x3F9E] =	sst s1;
	(tag) =	ssettag s2;
	_ =	strace s9  }
0x27: {  	s1 =	sld [smem:$0x3FAE]  }
0x28: {  	s2 =	sld [smem:$0x3FAF]  }
0x29: {  	s4 =	sld [smem:$0x3FB1]  }
0x2a: {  	p0 =	seq.s32 s5, $0x0;
	s5 =	sld [smem:$0x3FB2]  }
0x2b: {  	s6 =	sld [smem:$0x3FB3]  }
0x2c: {  	s7 =	sld [smem:$0x3FB4]  }
0x2d: {  	s3 =	simm.s32 $0x108;
	s8 =	sld [smem:$0x3FB5]  }
0x2e: {  	s3 =	simm.s32 @!p0 $0x1082;
	s9 =	sld [smem:$0x3FB6]  }
0x2f: {  	lr =	sadd.s32 s0, s3;
	s0 =	sld [smem:$0x3FAD]  }
0x30: {  	s3 =	sld [smem:$0x3FB0]  }
0x31: {  	[smem:$0x3FB9] =	sst s10  }
0x32: {  	s10 =	sld [smem:$0x3FB7];
	_ =	sdelay $0x3  }
0x33: {  	p0 =	seq.s32 s10, $0x1;
	s10 =	sld [smem:$0x3FB9];
	_ =	sdelay $0x3  }
0x34: {  	[smem:$0x3FB9] =	sst s10  }
0x35: {  	s10 =	sld [smem:$0x3FB8];
	_ =	sdelay $0x3  }
0x36: {  	p1 =	seq.s32 s10, $0x1;
	s10 =	sld [smem:$0x3FB9];
	_ =	sdelay $0x3  }
0x37: {  	[smem:$0x3FB9] =	sst s10  }
0x38: {  	s10 =	sld [smem:$0x3FBA]  }
0x39: {  	_ = 	snop;
	(pc) =	sbr.ind lr, $3  }
0x3a: {  	_ = 	snop  }
0x3b: {  	_ = 	snop  }
0x3c: {  	p2 =	seq.s32 s10, $0x1;
	s10 =	sld [smem:$0x3FB9]  }
0x3d: {  	_ =	shalt  }
0x3e: {  	_ =	shalt  }
0x3f: {  	_ =	shalt  }
0x40: {  	_ =	shalt  }
0x41: {  	_ =	shalt  }
0x42: {  	_ =	shalt  }
0x43: {  	_ =	shalt  }
0x44: {  	_ =	shalt  }
0x45: {  	_ =	shalt  }
0x46: {  	_ =	shalt  }
0x47: {  	_ =	shalt  }
0x48: {  	_ =	shalt  }
0x49: {  	_ =	shalt  }
0x4a: {  	_ =	shalt  }
0x4b: {  	_ =	shalt  }
0x4c: {  	_ =	shalt  }
0x4d: {  	_ =	shalt  }
0x4e: {  	_ =	shalt  }
0x4f: {  	_ =	shalt  }
0x50: {  	_ =	shalt  }
0x51: {  	_ =	shalt  }
0x52: {  	_ =	shalt  }
0x53: {  	_ =	shalt  }
0x54: {  	_ =	shalt  }
0x55: {  	_ =	shalt  }
0x56: {  	_ =	shalt  }
0x57: {  	_ =	shalt  }
0x58: {  	_ =	shalt  }
0x59: {  	_ =	shalt  }
0x5a: {  	_ =	shalt  }
0x5b: {  	_ =	shalt  }
0x5c: {  	_ =	shalt  }
0x5d: {  	_ =	shalt  }
0x5e: {  	_ =	shalt  }
0x5f: {  	_ =	shalt  }
0x60: {  	_ =	shalt  }
0x61: {  	_ =	shalt  }
0x62: {  	_ =	shalt  }
0x63: {  	_ =	shalt  }
0x64: {  	_ =	shalt  }
0x65: {  	_ =	shalt  }
0x66: {  	_ =	shalt  }
0x67: {  	_ =	shalt  }
0x68: {  	_ =	shalt  }
0x69: {  	_ =	shalt  }
0x6a: {  	_ =	shalt  }
0x6b: {  	_ =	shalt  }
0x6c: {  	_ =	shalt  }
0x6d: {  	_ =	shalt  }
0x6e: {  	_ =	shalt  }
0x6f: {  	_ =	shalt  }
0x70: {  	_ =	shalt  }
0x71: {  	_ =	shalt  }
0x72: {  	_ =	shalt  }
0x73: {  	_ =	shalt  }
0x74: {  	_ =	shalt  }
0x75: {  	_ =	shalt  }
0x76: {  	_ =	shalt  }
0x77: {  	_ =	shalt  }
0x78: {  	_ =	shalt  }
0x79: {  	_ =	shalt  }
0x7a: {  	_ =	shalt  }
0x7b: {  	_ =	shalt  }
0x7c: {  	_ =	shalt  }
0x7d: {  	_ =	shalt  }
0x7e: {  	_ =	shalt  }
0x7f: {  	_ =	shalt  }
0x80: {  	_ =	shalt  }
0x81: {  	_ =	shalt  }
0x82: {  	_ =	shalt  }
0x83: {  	_ =	shalt  }
0x84: {  	_ =	shalt  }
0x85: {  	_ =	shalt  }
0x86: {  	_ =	shalt  }
0x87: {  	_ =	shalt  }
.Lfunc_end0:
.L_simem_size_0:
called_computation_lowered:
.L_overlay_start_0:
0x88: {  	s0 =	sld [smem:$0x3FD9]  }
0x89: {  	s1 =	sld [smem:$0x3FFE];
	_ =	sdelay $0x3  }
0x8a: {  	s0 =	sadd.s32 s1, s0  }
0x8b: {  	[smem:$0x3FC5] =	sst s0  }
0x8c: {  	_ = 	snop  }
0x8d: {  	(tm) =	ssettm $0x1  }
0x8e: {  	s15 =	sld [smem:$0x3FFB];
	_ =	sdelay $0x3  }
0x8f: {  	_ =	strace s15  }
0x90: {  	s0 =	sld [smem:$0x3FFC];
	_ =	sdelay $0x3  }
0x91: {  	_ =	strace s0  }
0x92: {  	s0 =	sld [smem:$0x3FFD];
	_ =	sdelay $0x3  }
0x93: {  	_ =	strace s0  }
0x94: {  	_ =	strace $0x8FFFFFFF  }
0x95: {  	s16 =	sld [smem:$0x3FDB];
	_ =	sdelay $0x1  }
0x96: {  	s17 =	simm.s32 $_scs_section_size  }
0x97: {  	s2 =	simm.s32 $_size__tile_overlayer_lowered;
	s3 =	simm.s32 $_tile_overlayer_lowered  }
0x98: {  	s20 =	simm.s32 $0x1BFF;
	s19 =	sshll.u32 s3, $0x1;
	s0 =	sadd.s32 s17, s16  }
0x99: {  	s4 =	simm.s32 $0x0;
	s18 =	sshll.u32 s2, $0x1;
	s2 =	sadd.s32 s19, s0  }
0x9a: {  	[timem:s4], [sflag:s20] =	dma.local [hbm:s2], s18  }
0x9b: {  	_ =	swait.ge [sflag:s20], s18  }
0x9c: {  	s1 =	ssub.s32 $0x0, s18;
	[sflag:s20] =	ssyncset.done $0x0  }
0x9d: {  	[sflag:s20] =	ssyncadd.s32 s1;
	_ =	sdelay $0x1  }
0x9e: {  	s21 =	simm.s32 $0x1B8B  }
0x9f: {  	_ =	swait.ge [sflag:s21], $0x1  }
0xa0: {  	[sflag:s21] =	ssyncset.done $0x0  }
0xa1: {  	s23 =	simm.s32 $0x1B8E;
	s22 =	sld [smem:$0x3FFE];
	[sflag:s21] =	ssyncadd.s32 $0xFFFFFFFF  }
0xa2: {  	s24 =	simm.s32 $execute0_lowered;
	[smem:$0x3FD2] =	sst s23  }
0xa3: {  	s2 =	sshll.u32 s24, $0x1;
	_ =	strace $0x80000049;
	[dreg:$0x1] =	wrdreg $0xFFFFFFFF  }
0xa4: {  	s25 =	simm.s32 $_size_execute0_lowered;
	s0 =	sadd.s32 s0, s2;
	[dreg:$0x0] =	wrdreg $0x0  }
0xa5: {  	s2 =	sshll.u32 s25, $0x1;
	[dreg:$0x2] =	wrdreg s0  }
0xa6: {  	[dreg:$0x3] =	wrdreg s2  }
0xa7: {  	[dreg:$0x4] =	wrdreg $0xC0  }
0xa8: {  	_ =	task [dreg:s4], $0x5FFFF  }
0xa9: {  	[dreg:$0x1] =	wrdreg $0xFFFFFFFF  }
0xaa: {  	[dreg:$0x0] =	wrdreg $0x60  }
0xab: {  	[dreg:$0x2] =	wrdreg s22  }
0xac: {  	[dreg:$0x3] =	wrdreg $0x9  }
0xad: {  	_ =	task.clear_ibuf [dreg:s4], $0x4FFFF;
	_ =	strace $0x90000049  }
0xae: {  	s26 =	simm.s32 $0x9;
	_ =	strace $0x8000004B  }
0xaf: {  	_ =	swait.ge [sflag:s26], $0x1  }
0xb0: {  	[sflag:s26] =	ssyncadd.s32 $0xFFFFFFFF  }
0xb1: {  	_ =	strace $0x9000004B  }
0xb2: {  	_ =	sfence  }
0xb3: {  	s28 =	sld [smem:$0x0];
	_ =	sdelay $0x1  }
0xb4: {  	s29 =	srdreg.scid  }
0xb5: {  	s30 =	sshll.u32 s29, $0xD;
	s31 =	sshrl.u32 s29, $0x2  }
0xb6: {  	s1 =	sand.u32 $0x1, s29;
	s2 =	sand.u32 $0x4000, s30;
	s0 =	sadd.s32 s31, s28  }
0xb7: {  	s1 =	sor.u32 s2, s1;
	s0 =	sshll.u32 s0, $0x11  }
0xb8: {  	s0 =	sor.u32 s0, s1  }
0xb9: {  	s0 =	sadd.s32 $0x8F2B, s0  }
0xba: {  	[sflag:s0] =	ssyncadd.remote.s32 $0x1  }
0xbb: {  	_ =	sfence.sel $0xFFFF  }
0xbc: {  	[dreg:$0x0] =	wrdreg $0xFFFFFFFF;
	(pc) =	sbr.abs _section_cstart, $3  }
0xbd: {  	[dreg:$0x1] =	wrdreg $0xFFFFFFFF  }
0xbe: {  	_ =	task.clear_ibuf [dreg:s4], $0x2FFFF;
	_ =	strace $0x9FFFFFFF  }
0xbf: {  	(tm) =	ssettm $0x7FFFFFFF  }
tec
execute0_lowered:
.L_overlay_start_1:
0x0: {  	(tag) =	ssettag $0x1  }
0x1: {  	s0 =	stileid.u32  }
0x2: {  	s1 =	smin.u32 s0, $0xE  }
0x3: {  	s1 =	sadd.s32 s0, s1  }
0x4: {  	s2 =	simm.s32 $0x190;
	p0 =	slt.u32 s0, $0xE;
	s1 =	smul.u32 $0xC8, s1  }
0x5: {  	s2 =	simm.s32 @!p0 $0xC8  }
0x6: {  	s2 =	sadd.s32 s2, s1  }
0x7: {  	s3 =	smin.u32 s2, $0x1770  }
0x8: {  	s7 =	ssub.s32 s3, s1  }
0x9: {  	p0 =	sgt.s32 s7, $0x0  }
0xa: {  	s7 =	simm.s32 @!p0 $0x0  }
0xb: {  	s31 =	sand.u32 $0xFFF8, s7  }
0xc: {  	s2 =	sshrl.u32 s31, $0x3  }
0xd: {  	s2 =	smul.u32 $0x147B, s2  }
0xe: {  	s4 =	rddreg [dreg:$0x0];
	s6 =	simm.s32 $0x1  }
0xf: {  	s10 =	simm.s32 $0x3;
	s13 =	simm.s32 $0x0;
	s8 =	sshrl.u32 s2, $0x11  }
0x10: {  	s12 =	simm.s32 $0x0;
	s5 =	sadd.s32 $0x800, s4;
	s9 =	smul.u32 $0xC8, s8  }
.Ltmp0:
0x11: {  	s11 =	smov.u32 s1;
	s2 =	rddreg [dreg:$0x1];
	(pc) =	sbr.rel .LBB2_1-.Ltmp0, $4  }
0x12: {  	_ =	strace $0x8000004A;
	p0 =	sne.s32 s7, s9;
	s9 =	simm.s32 $0x1  }
0x13: {  	[sflag:s6] =	ssyncpa.u1 $0x0;
	s7 =	simm.s32 $0x2;
	s9 =	simm.s32 @!p0 $0x0  }
0x14: {  	[sflag:s7] =	ssyncpa.u1 $0x0;
	p0 =	por $0x0, $0x0;
	s8 =	sadd.s32 s8, s9  }
0x15: {  	vm0 =	vmmov $0xff;
	vm1 =	vcmask $0x3F20;
	s9 =	sadd.s32 $0x18000, s4;
	[sflag:s10] =	ssyncpa.u1 $0x0;
	s10 =	sadd.s32 $0x1, s8  }
.LBB2_6:
0x16: {  	[hbm:s17] =	stream.linear.scatter [tilespmem:s14], [sflag:$0x3], $0x400, $0x38;
	[tilespmem:$0xC990] =	vst v63  }
.LBB2_7:
0x17: {  	s13 =	sadd.s32 $0xC8, s11  }
0x18: {  	s15 =	smov.u32 s1;
	p2 =	slt.s32 s13, s3  }
0x19: {  	s15 =	smov.u32 @p2 s13;
	p2 =	sne.s32 s12, s10  }
.Ltmp1:
0x1a: {  	p1 =	slt.u32 s12, $0x2;
	(pc) =	sbr.rel @!p2 .LBB2_8-.Ltmp1, $4  }
0x1b: {  	s14 =	simm.s32 @!p1 $0x3  }
0x1c: {  	s16 =	sadd.s32 $0x1, s12;
	_ =	swait.ge @!p1 [sflag:s14], $0x6400  }
0x1d: {  	p0 =	por !p0, !p0;
	s13 =	smov.u32 s11;
	[sflag:s14] =	ssyncset.done @!p1 $0x0  }
0x1e: {  	s12 =	smov.u32 s16;
	s11 =	smov.u32 s15;
	[sflag:s14] =	ssyncadd.s32 @!p1 $0xFFFF9C00  }
.LBB2_1:
0x1f: {  	p1 =	sge.u32 s12, s8  }
0x20: {  	s14 =	sxor.u32 @!p1 $0xFFFFFFFF, s12  }
0x21: {  	s14 =	sand.u32 @!p1 $0x1, s14  }
0x22: {  	s14 =	smul.u32 @!p1 $0x320, s14  }
0x23: {  	s31 =	sadd.s32 $0xFFFFFFFF, s12;
	s15 =	sshrl.u32 @!p1 s11, $0x3  }
0x24: {  	s16 =	sand.u32 @!p1 $0x7, s11;
	s15 =	sadd.s32 @!p1 s4, s15;
	s14 =	sshrl.u32 @!p1 s14, $0x2  }
0x25: {  	[tilespmem:s14], [sflag:$0x2] =	stream.linear.gather @!p1 [hbm4b:s15+s16], $0xC8, $0x38;
	[tilespmem:$0xC990] =	vst v63  }
0x26: {  	p1 =	sge.u32 s31, s8  }
.Ltmp2:
0x27: {  	_ = 	snop;
	(pc) =	sbr.rel @p1 .LBB2_7-.Ltmp2, $1  }
0x28: {  	_ =	sdelay $0x3  }
0x29: {  	s14 =	simm.s32 $0x1  }
0x2a: {  	s14 =	simm.s32 @!p0 $0x0  }
0x2b: {  	s15 =	smul.u32 $0x320, s14  }
0x2c: {  	_ =	swait.ge [sflag:s7], $0xC8  }
0x2d: {  	[sflag:s7] =	ssyncset.done $0x0;
	s16 =	sshrl.u32 s15, $0x2  }
0x2e: {  	[sflag:s7] =	ssyncadd.s32 $0xFFFFFF38;
	s15 =	sadd.s32 $0x0, s16  }
0x2f: {  	v0 =	vld.msk [tilespmem:s15+$0x0 ss:$0x1], $0xffff;
	_ =	sdelay $0x4  }
0x30: {  	vm2 =	vgt.s32 v0, $0x0  }
0x31: {  	v0 =	vnsel vm2, $0x0, v0  }
0x32: {  	v0 =	vmin.u32 v0, $0x176F  }
0x33: {  	v0 =	vshll.u32 v0, $0x4  }
0x34: {  	s14 =	smul.u32 $0x19000, s14  }
0x35: {  	s31 =	sand.u32 $0x1, s12  }
0x36: {  	s17 =	smul.u32 $0x320, s31;
	s14 =	sshrl.u32 s14, $0x2  }
0x37: {  	s19 =	smul.u32 $0x19000, s31;
	s14 =	sor.u32 $0x190, s14  }
0x38: {  	[tilespmem:s14], [sflag:$0x1] =	stream.indirect_vreg.gather [hbm:s5], $0x80, v0, vm0, $0x38;
	[tilespmem:$0xC990] =	vst v63  }
0x39: {  	s18 =	sshrl.u32 s17, $0x2;
	s20 =	sadd.s32 $0x10, s16;
	s15 =	sadd.s32 $0x400, s14  }
0x3a: {  	[tilespmem:s15], [sflag:$0x1] =	stream.indirect_vreg.gather [hbm:s5], $0x80, v0, vm1, $0x38;
	[tilespmem:$0xC990] =	vst v63  }
0x3b: {  	s17 =	sshrl.u32 s19, $0x2;
	s19 =	smov.u32 s14;
	v0 =	vld.msk [tilespmem:s20+$0x0 ss:$0x1], $0xffff;
	s20 =	simm.s32 $0x80  }
.LBB2_3:
0x3c: {  	p1 =	sne.s32 s20, $0x2C0;
	_ =	sdelay $0x4  }
0x3d: {  	vm2 =	vgt.s32 v0, $0x0  }
0x3e: {  	v0 =	vnsel vm2, $0x0, v0  }
0x3f: {  	v0 =	vmin.u32 v0, $0x176F  }
0x40: {  	v0 =	vshll.u32 v0, $0x4;
	_ =	sdelay $0x3  }
.Ltmp3:
0x41: {  	s21 =	sshra.s32 s20, $0x2;
	s19 =	sadd.s32 $0x800, s19;
	(pc) =	sbr.rel @p1 .LBB2_3-.Ltmp3, $4  }
0x42: {  	[tilespmem:s19], [sflag:$0x1] =	stream.indirect_vreg.gather [hbm:s5], $0x80, v0, vm0, $0x38;
	[tilespmem:$0xC990] =	vst v63  }
0x43: {  	s21 =	sadd.s32 s21, s16;
	s22 =	sadd.s32 $0x400, s19  }
0x44: {  	[tilespmem:s22], [sflag:$0x1] =	stream.indirect_vreg.gather [hbm:s5], $0x80, v0, vm1, $0x38;
	[tilespmem:$0xC990] =	vst v63  }
0x45: {  	s20 =	sadd.s32 $0x40, s20;
	v0 =	vld.msk [tilespmem:s21+$0x0 ss:$0x1], $0xffff  }
0x46: {  	_ =	sdelay $0x3  }
0x47: {  	vm2 =	vgt.s32 v0, $0x0  }
0x48: {  	v0 =	vnsel vm2, $0x0, v0  }
0x49: {  	v0 =	vmin.u32 v0, $0x176F  }
0x4a: {  	v0 =	vshll.u32 v0, $0x4;
	_ =	sdelay $0x3  }
0x4b: {  	s16 =	sadd.s32 $0x800, s19  }
0x4c: {  	[tilespmem:s16], [sflag:$0x1] =	stream.indirect_vreg.gather [hbm:s5], $0x80, v0, vm0, $0x38;
	[tilespmem:$0xC990] =	vst v63  }
0x4d: {  	s16 =	sadd.s32 $0x400, s16  }
0x4e: {  	[tilespmem:s16], [sflag:$0x1] =	stream.indirect_vreg.gather [hbm:s5], $0x80, v0, vm1, $0x38;
	[tilespmem:$0xC990] =	vst v63  }
0x4f: {  	v0 =	vld.msk [tilespmem:s18+$0xC0 ss:$0x1], $0xff;
	_ =	sdelay $0x4  }
0x50: {  	vm2 =	vgt.s32 v0, $0x0  }
0x51: {  	v0 =	vnsel vm2, $0x0, v0  }
0x52: {  	v0 =	vmin.u32 v0, $0x176F  }
0x53: {  	v0 =	vshll.u32 v0, $0x4;
	_ =	sdelay $0x3  }
0x54: {  	s31 =	sadd.s32 $0x6190, s17  }
0x55: {  	[tilespmem:s31], [sflag:$0x1] =	stream.indirect_vreg.gather [hbm:s5], $0x80, v0, vm0, $0x38;
	[tilespmem:$0xC990] =	vst v63  }
0x56: {  	s13 =	sshll.u32 s13, $0x4;
	_ =	swait.ge [sflag:s6], $0x6400  }
0x57: {  	s13 =	sadd.s32 s13, s9;
	[sflag:s6] =	ssyncset.done $0x0  }
0x58: {  	s17 =	sadd.s32 $0x0, s13;
	s16 =	simm.s32 $0x80;
	[sflag:s6] =	ssyncadd.s32 $0xFFFF9C00  }
.LBB2_5:
0x59: {  	[hbm:s17] =	stream.linear.scatter [tilespmem:s14], [sflag:$0x3], $0x400, $0x38;
	[tilespmem:$0xC990] =	vst v63  }
0x5a: {  	s17 =	smov.u32 s16;
	s14 =	smov.u32 s15;
	p1 =	sne.s32 s16, $0xC00  }
.Ltmp4:
0x5b: {  	s16 =	sadd.s32 $0x80, s16;
	(pc) =	sbr.rel @p1 .LBB2_5-.Ltmp4, $2  }
0x5c: {  	_ =	sdelay $0x2  }
0x5d: {  	s15 =	sadd.s32 $0x400, s15;
	s17 =	sadd.s32 s17, s13  }
.Ltmp5:
0x5e: {  	_ = 	snop;
	(pc) =	sbr.rel .LBB2_6-.Ltmp5, $1  }
0x5f: {  	_ =	sdelay $0x3  }
.LBB2_8:
0x60: {  	_ =	sfence.sel $0x180000  }
0x61: {  	s1 =	simm.s32 $0x2;
	[bflag:$0x0] =	sbarrier.arrive $0xFFFF  }
0x62: {  	s30 =	simm.s32 $0x3;
	[sflag:s1] =	ssyncpa.u1 $0x1  }
0x63: {  	s31 =	simm.s32 $0x1;
	[sflag:s30] =	ssyncpa.u1 $0x1  }
0x64: {  	[sflag:s31] =	ssyncpa.u1 $0x1  }
0x65: {  	p0 =	sne.s32 s0, $0x0;
	_ =	strace $0x9000004A  }
0x66: {  	s0 =	sadd.s32 @!p0 $0x100000, s2;
	[bflag:$0x2] =	sbarrier.arrive $0xFFFF  }
0x67: {  	[sflag:s0] =	ssyncadd.tile.s32 @!p0 $0x1;
	_ =	shalt  }
.Lfunc_end2:
_tile_overlayer_lowered:
.L_overlay_start_2:
0x68: {  	(tag) =	ssettag $0x2  }
0x69: {  	s0 =	rddreg [dreg:$0x0];
	s2 =	stileid.u32  }
0x6a: {  	s1 =	rddreg [dreg:$0x1];
	p0 =	sne.s32 s2, $0x0  }
0x6b: {  	s3 =	rddreg [dreg:$0x2];
	[bflag:$0x3] =	sbarrier.arrive $0xFFFF;
	s2 =	simm.s32 @!p0 $0x1C01  }
0x6c: {  	[timem:s3], [sflag:s2] =	dma.local @!p0 [hbm:s0], s1  }
0x6d: {  	s0 =	simm.s32 @!p0 $0x1  }
0x6e: {  	_ =	swait.ge @!p0 [sflag:s0], s1  }
0x6f: {  	s1 =	ssub.s32 @!p0 $0x0, s1;
	[sflag:s0] =	ssyncset.done @!p0 $0x0  }
0x70: {  	[sflag:s0] =	ssyncadd.s32 @!p0 s1  }
0x71: {  	[bflag:$0x3] =	sbarrier.arrive $0xFFFF  }
0x72: {  	_ =	shalt  }

// kernel: kernel.3.cloned.1.call-start
scs
__scs_entry_jumppad:
0x0: {  	(pc) =	sbr.rel $0x88, $3  }
0x1: {  	(tag) =	ssettag $0x0;
	lr =	simm.s32 $0x1  }
0x2: {  	[smem:$0x3F9E] =	sst lr;
	_ =	strace $0xD0000000  }
0x3: {  	_ = 	snop  }
0x4: {  	_ = 	snop  }
0x5: {  	_ = 	snop  }
0x6: {  	_ = 	snop  }
0x7: {  	_ = 	snop  }
__scs_overlays_trampoline_lowered:
0x8: {  	[smem:$0x3FAD] =	sst s0  }
0x9: {  	[smem:$0x3FAE] =	sst s1  }
0xa: {  	[smem:$0x3FAF] =	sst s2  }
0xb: {  	[smem:$0x3FB0] =	sst s3  }
0xc: {  	[smem:$0x3FB1] =	sst s4  }
0xd: {  	[smem:$0x3FB2] =	sst s5  }
0xe: {  	[smem:$0x3FB3] =	sst s6  }
0xf: {  	[smem:$0x3FB4] =	sst s7  }
0x10: {  	[smem:$0x3FB5] =	sst s8  }
0x11: {  	[smem:$0x3FB6] =	sst s9;
	s0 =	simm.s32 @!p0 $0x0  }
0x12: {  	s1 =	sld [smem:$0x3F9C];
	s0 =	simm.s32 @p0 $0x1  }
0x13: {  	[smem:$0x3FB7] =	sst s0;
	s0 =	simm.s32 @!p1 $0x0  }
0x14: {  	s2 =	sld [smem:$0x3F9B];
	s0 =	simm.s32 @p1 $0x1  }
0x15: {  	[smem:$0x3FB8] =	sst s0;
	s0 =	simm.s32 @!p2 $0x0  }
0x16: {  	s3 =	sld [smem:$0x3FDB];
	s0 =	simm.s32 @p2 $0x1  }
0x17: {  	s4 =	simm.s32 $0x1BF5;
	[smem:$0x3FBA] =	sst s0  }
0x18: {  	s0 =	sld [smem:$0x3F9D];
	_ =	swait.ge [sflag:s4], $0x0  }
0x19: {  	s7 =	sld [smem:$0x3F9E]  }
0x1a: {  	s8 =	sadd.s32 $0xFFFFE003, lr  }
0x1b: {  	s9 =	sadd.s32 $0xFFFFFEF7, lr;
	s5 =	simm.s32 $0xFFFFFFFF;
	p2 =	slt.u32 s8, $0xFFFFF086  }
0x1c: {  	p1 =	slt.u32 s9, $0xF7A;
	s5 =	simm.s32 @!p2 $0x0  }
0x1d: {  	s5 =	simm.s32 @p1 $0x1;
	p0 =	seq.s32 s7, s2  }
0x1e: {  	s7 =	smul.u32 @!p0 $0xF7A, s2;
	p2 =	seq.s32 @!p0 s5, $0x0  }
0x1f: {  	s9 =	smul.u32 $0xF7A, s1;
	s8 =	simm.s32 @!p0 $0x1BF5;
	p2 =	por !p2, p0  }
0x20: {  	[sflag:s8] =	ssyncset.s32 @!p0 $0xFFFFF086;
	s6 =	sadd.s32 @!p0 s3, s7;
	s7 =	simm.s32 @!p0 $0x108  }
0x21: {  	s3 =	sadd.s32 s3, s9;
	s6 =	sadd.s32 @!p0 $0x88, s6;
	s7 =	simm.s32 @p2 $0x1082  }
0x22: {  	[simem:s7], [sflag:s8] =	dma.local @!p0 [hbm:s6], $0xF7A  }
0x23: {  	s9 =	sor.u32 $0xD0000000, s2;
	s6 =	simm.s32 $0x108;
	_ =	swait.ge @!p0 [sflag:s8], $0x0  }
0x24: {  	s3 =	sadd.s32 $0x88, s3;
	s6 =	simm.s32 @!p1 $0x1082;
	[sflag:s4] =	ssyncset.s32 $0xFFFFF086  }
0x25: {  	[simem:s6], [sflag:s4] =	dma.local [hbm:s3], $0xF7A  }
0x26: {  	[smem:$0x3F9E] =	sst s1;
	(tag) =	ssettag s2;
	_ =	strace s9  }
0x27: {  	s1 =	sld [smem:$0x3FAE]  }
0x28: {  	s2 =	sld [smem:$0x3FAF]  }
0x29: {  	s4 =	sld [smem:$0x3FB1]  }
0x2a: {  	p0 =	seq.s32 s5, $0x0;
	s5 =	sld [smem:$0x3FB2]  }
0x2b: {  	s6 =	sld [smem:$0x3FB3]  }
0x2c: {  	s7 =	sld [smem:$0x3FB4]  }
0x2d: {  	s3 =	simm.s32 $0x108;
	s8 =	sld [smem:$0x3FB5]  }
0x2e: {  	s3 =	simm.s32 @!p0 $0x1082;
	s9 =	sld [smem:$0x3FB6]  }
0x2f: {  	lr =	sadd.s32 s0, s3;
	s0 =	sld [smem:$0x3FAD]  }
0x30: {  	s3 =	sld [smem:$0x3FB0]  }
0x31: {  	[smem:$0x3FB9] =	sst s10  }
0x32: {  	s10 =	sld [smem:$0x3FB7];
	_ =	sdelay $0x3  }
0x33: {  	p0 =	seq.s32 s10, $0x1;
	s10 =	sld [smem:$0x3FB9];
	_ =	sdelay $0x3  }
0x34: {  	[smem:$0x3FB9] =	sst s10  }
0x35: {  	s10 =	sld [smem:$0x3FB8];
	_ =	sdelay $0x3  }
0x36: {  	p1 =	seq.s32 s10, $0x1;
	s10 =	sld [smem:$0x3FB9];
	_ =	sdelay $0x3  }
0x37: {  	[smem:$0x3FB9] =	sst s10  }
0x38: {  	s10 =	sld [smem:$0x3FBA]  }
0x39: {  	_ = 	snop;
	(pc) =	sbr.ind lr, $3  }
0x3a: {  	_ = 	snop  }
0x3b: {  	_ = 	snop  }
0x3c: {  	p2 =	seq.s32 s10, $0x1;
	s10 =	sld [smem:$0x3FB9]  }
0x3d: {  	_ =	shalt  }
0x3e: {  	_ =	shalt  }
0x3f: {  	_ =	shalt  }
0x40: {  	_ =	shalt  }
0x41: {  	_ =	shalt  }
0x42: {  	_ =	shalt  }
0x43: {  	_ =	shalt  }
0x44: {  	_ =	shalt  }
0x45: {  	_ =	shalt  }
0x46: {  	_ =	shalt  }
0x47: {  	_ =	shalt  }
0x48: {  	_ =	shalt  }
0x49: {  	_ =	shalt  }
0x4a: {  	_ =	shalt  }
0x4b: {  	_ =	shalt  }
0x4c: {  	_ =	shalt  }
0x4d: {  	_ =	shalt  }
0x4e: {  	_ =	shalt  }
0x4f: {  	_ =	shalt  }
0x50: {  	_ =	shalt  }
0x51: {  	_ =	shalt  }
0x52: {  	_ =	shalt  }
0x53: {  	_ =	shalt  }
0x54: {  	_ =	shalt  }
0x55: {  	_ =	shalt  }
0x56: {  	_ =	shalt  }
0x57: {  	_ =	shalt  }
0x58: {  	_ =	shalt  }
0x59: {  	_ =	shalt  }
0x5a: {  	_ =	shalt  }
0x5b: {  	_ =	shalt  }
0x5c: {  	_ =	shalt  }
0x5d: {  	_ =	shalt  }
0x5e: {  	_ =	shalt  }
0x5f: {  	_ =	shalt  }
0x60: {  	_ =	shalt  }
0x61: {  	_ =	shalt  }
0x62: {  	_ =	shalt  }
0x63: {  	_ =	shalt  }
0x64: {  	_ =	shalt  }
0x65: {  	_ =	shalt  }
0x66: {  	_ =	shalt  }
0x67: {  	_ =	shalt  }
0x68: {  	_ =	shalt  }
0x69: {  	_ =	shalt  }
0x6a: {  	_ =	shalt  }
0x6b: {  	_ =	shalt  }
0x6c: {  	_ =	shalt  }
0x6d: {  	_ =	shalt  }
0x6e: {  	_ =	shalt  }
0x6f: {  	_ =	shalt  }
0x70: {  	_ =	shalt  }
0x71: {  	_ =	shalt  }
0x72: {  	_ =	shalt  }
0x73: {  	_ =	shalt  }
0x74: {  	_ =	shalt  }
0x75: {  	_ =	shalt  }
0x76: {  	_ =	shalt  }
0x77: {  	_ =	shalt  }
0x78: {  	_ =	shalt  }
0x79: {  	_ =	shalt  }
0x7a: {  	_ =	shalt  }
0x7b: {  	_ =	shalt  }
0x7c: {  	_ =	shalt  }
0x7d: {  	_ =	shalt  }
0x7e: {  	_ =	shalt  }
0x7f: {  	_ =	shalt  }
0x80: {  	_ =	shalt  }
0x81: {  	_ =	shalt  }
0x82: {  	_ =	shalt  }
0x83: {  	_ =	shalt  }
0x84: {  	_ =	shalt  }
0x85: {  	_ =	shalt  }
0x86: {  	_ =	shalt  }
0x87: {  	_ =	shalt  }
.Lfunc_end0:
.L_simem_size_0:
called_computation.2_lowered:
.L_overlay_start_0:
0x88: {  	s2 =	sld [smem:$0x3FD9]  }
0x89: {  	s3 =	sld [smem:$0x3FFE];
	_ =	sdelay $0x1  }
0x8a: {  	s1 =	srdreg.scid  }
0x8b: {  	s0 =	sand.u32 $0x1, s1  }
0x8c: {  	s17 =	sshll.u32 s0, $0xA;
	s2 =	sadd.s32 s3, s2  }
0x8d: {  	s2 =	sadd.s32 s2, s17  }
0x8e: {  	[smem:$0x3FC5] =	sst s2  }
0x8f: {  	_ = 	snop  }
0x90: {  	s2 =	sld [smem:$0x3FD0];
	(tm) =	ssettm $0x1  }
0x91: {  	s18 =	sld [smem:$0x3FFB];
	_ =	sdelay $0x3  }
0x92: {  	_ =	strace s18  }
0x93: {  	s3 =	sld [smem:$0x3FFC];
	_ =	sdelay $0x3  }
0x94: {  	_ =	strace s3  }
0x95: {  	s3 =	sld [smem:$0x3FFD];
	_ =	sdelay $0x3  }
0x96: {  	_ =	strace s3  }
0x97: {  	_ =	strace $0x8FFFFFFF  }
0x98: {  	s19 =	sld [smem:$0x3FDB];
	_ =	sdelay $0x1  }
0x99: {  	s4 =	simm.s32 $_scs_section_size  }
0x9a: {  	s5 =	simm.s32 $_size__tile_overlayer_lowered;
	s6 =	simm.s32 $_tile_overlayer_lowered  }
0x9b: {  	s22 =	simm.s32 $0x1BFF;
	s21 =	sshll.u32 s6, $0x1;
	s3 =	sadd.s32 s4, s19  }
0x9c: {  	s7 =	simm.s32 $0x0;
	s20 =	sshll.u32 s5, $0x1;
	s5 =	sadd.s32 s21, s3  }
0x9d: {  	[timem:s7], [sflag:s22] =	dma.local [hbm:s5], s20  }
0x9e: {  	_ =	swait.ge [sflag:s22], s20  }
0x9f: {  	s4 =	ssub.s32 $0x0, s20;
	[sflag:s22] =	ssyncset.done $0x0  }
0xa0: {  	[sflag:s22] =	ssyncadd.s32 s4;
	_ =	sdelay $0x1  }
0xa1: {  	s23 =	simm.s32 $0x1B8B  }
0xa2: {  	_ =	swait.ge [sflag:s23], $0x1  }
0xa3: {  	[sflag:s23] =	ssyncset.done $0x0  }
0xa4: {  	s25 =	simm.s32 $0x1B8E;
	s24 =	sld [smem:$0x3FFE];
	[sflag:s23] =	ssyncadd.s32 $0xFFFFFFFF  }
0xa5: {  	s26 =	simm.s32 $execute0_lowered;
	[smem:$0x3FD2] =	sst s25  }
0xa6: {  	s5 =	sshll.u32 s26, $0x1;
	_ =	strace $0x8000004C;
	[dreg:$0x1] =	wrdreg $0xFFFFFFFF  }
0xa7: {  	s28 =	simm.s32 $_size_execute0_lowered;
	s3 =	sadd.s32 s3, s5;
	[dreg:$0x0] =	wrdreg $0x0  }
0xa8: {  	s5 =	sshll.u32 s28, $0x1;
	[dreg:$0x2] =	wrdreg s3  }
0xa9: {  	[dreg:$0x3] =	wrdreg s5  }
0xaa: {  	[dreg:$0x4] =	wrdreg $0xC0  }
0xab: {  	_ =	task [dreg:s7], $0x5FFFF  }
0xac: {  	[dreg:$0x1] =	wrdreg $0xFFFFFFFF  }
0xad: {  	[dreg:$0x0] =	wrdreg $0x60  }
0xae: {  	[dreg:$0x2] =	wrdreg s2  }
0xaf: {  	[dreg:$0x3] =	wrdreg s24  }
0xb0: {  	[dreg:$0x4] =	wrdreg $0x96680  }
0xb1: {  	[dreg:$0x5] =	wrdreg $0x95000  }
0xb2: {  	[dreg:$0x6] =	wrdreg $0x95480  }
0xb3: {  	[dreg:$0x7] =	wrdreg $0x95900  }
0xb4: {  	[dreg:$0x8] =	wrdreg $0x95D80  }
0xb5: {  	[dreg:$0x9] =	wrdreg $0x96200  }
0xb6: {  	[dreg:$0xa] =	wrdreg $0x96780  }
0xb7: {  	[dreg:$0xb] =	wrdreg $0x9  }
0xb8: {  	_ =	task.clear_ibuf [dreg:s7], $0xCFFFF;
	_ =	strace $0x9000004C  }
0xb9: {  	s29 =	simm.s32 $0x9;
	_ =	strace $0x8000004E  }
0xba: {  	_ =	swait.ge [sflag:s29], $0x1  }
0xbb: {  	[sflag:s29] =	ssyncadd.s32 $0xFFFFFFFF  }
0xbc: {  	_ =	strace $0x9000004E  }
0xbd: {  	_ =	sfence  }
0xbe: {  	s30 =	sld [smem:$0x0];
	_ =	sdelay $0x2  }
0xbf: {  	s31 =	sshll.u32 s1, $0xD;
	s1 =	sshrl.u32 s1, $0x2  }
0xc0: {  	s3 =	sand.u32 $0x4000, s31;
	s1 =	sadd.s32 s1, s30  }
0xc1: {  	s0 =	sor.u32 s3, s0;
	s1 =	sshll.u32 s1, $0x11  }
0xc2: {  	s0 =	sor.u32 s1, s0  }
0xc3: {  	s0 =	sadd.s32 $0x8F2B, s0  }
0xc4: {  	[sflag:s0] =	ssyncadd.remote.s32 $0x1  }
0xc5: {  	_ =	sfence.sel $0xFFFF  }
0xc6: {  	[dreg:$0x0] =	wrdreg $0xFFFFFFFF;
	(pc) =	sbr.abs _section_cstart, $3  }
0xc7: {  	[dreg:$0x1] =	wrdreg $0xFFFFFFFF  }
0xc8: {  	_ =	task.clear_ibuf [dreg:s7], $0x2FFFF;
	_ =	strace $0x9FFFFFFF  }
0xc9: {  	(tm) =	ssettm $0x7FFFFFFF  }
tec
execute0_lowered:
.L_overlay_start_1:
0x0: {  	(tag) =	ssettag $0x1  }
0x1: {  	s2 =	srdreg.scid  }
0x2: {  	s2 =	sand.u32 $0x1, s2  }
0x3: {  	p0 =	seq.s32 s2, $0x1  }
.Ltmp0:
0x4: {  	_ = 	snop;
	(pc) =	sbr.rel @p0 .LBB2_55-.Ltmp0, $4  }
0x5: {  	s1 =	rddreg [dreg:$0x0]  }
0x6: {  	s0 =	rddreg [dreg:$0x1]  }
0x7: {  	s6 =	rddreg [dreg:$0x2]  }
0x8: {  	s3 =	rddreg [dreg:$0x9];
	_ =	strace $0x8000004D;
	s5 =	stileid.u32  }
0x9: {  	s2 =	simm.s32 $0x0;
	s18 =	simm.s32 $0x1  }
0xa: {  	[tilespmem:s2], [sflag:$0x1] =	stream.linear.gather [hbm4b:s1+s2], $0x1800, $0x38;
	[tilespmem:$0x9680] =	vst v63  }
0xb: {  	_ =	swait.ge [sflag:s18], $0x1800  }
0xc: {  	[sflag:s18] =	ssyncset.done $0x0  }
0xd: {  	s3 =	sadd.s32 $0x800, s0;
	s4 =	simm.s32 $0x1800;
	[sflag:s18] =	ssyncadd.s32 $0xFFFFE800  }
0xe: {  	[tilespmem:s4], [sflag:$0x1] =	stream.linear.gather [hbm4b:s3+s2], $0x1800, $0x38;
	[tilespmem:$0x9680] =	vst v63  }
0xf: {  	_ =	swait.ge [sflag:s18], $0x1800  }
0x10: {  	[sflag:s18] =	ssyncset.done $0x0  }
0x11: {  	s19 =	sadd.s32 $0x400, s0;
	s20 =	simm.s32 $0x3000;
	[sflag:s18] =	ssyncadd.s32 $0xFFFFE800  }
0x12: {  	[tilespmem:s20], [sflag:$0x1] =	stream.linear.gather [hbm4b:s19+s2], $0x1800, $0x38;
	[tilespmem:$0x9680] =	vst v63  }
0x13: {  	_ =	swait.ge [sflag:s18], $0x1800  }
0x14: {  	[sflag:s18] =	ssyncset.done $0x0  }
0x15: {  	s21 =	simm.s32 $0x4800;
	[sflag:s18] =	ssyncadd.s32 $0xFFFFE800  }
0x16: {  	[tilespmem:s21], [sflag:$0x1] =	stream.linear.gather [hbm4b:s0+s2], $0x1800, $0x38;
	[tilespmem:$0x9680] =	vst v63  }
0x17: {  	_ =	swait.ge [sflag:s18], $0x1800  }
0x18: {  	s22 =	sadd.s32 $0x2F800, s0;
	s23 =	simm.s32 $0x6000;
	[sflag:s18] =	ssyncset.done $0x0  }
0x19: {  	s24 =	sadd.s32 $0xC00, s0;
	s25 =	sadd.s32 $0xE00, s0;
	[sflag:s18] =	ssyncadd.s32 $0xFFFFE800  }
0x1a: {  	[tilespmem:s23], [sflag:$0x1] =	stream.linear.gather [hbm4b:s22+s2], $0x1800, $0x38;
	[tilespmem:$0x9680] =	vst v63  }
0x1b: {  	s26 =	sadd.s32 $0x1000, s0;
	_ =	swait.ge [sflag:s18], $0x1800;
	[dreg:$0xe] =	wrdreg s24  }
0x1c: {  	s28 =	sadd.s32 $0x1200, s0;
	[dreg:$0xd] =	wrdreg s25;
	[sflag:s18] =	ssyncset.done $0x0  }
0x1d: {  	v0 =	vimm.f32 $0.0e+00;
	s1 =	simm.s32 $0x0;
	[dreg:$0xc] =	wrdreg s26;
	[sflag:s18] =	ssyncadd.s32 $0xFFFFE800  }
0x1e: {  	s29 =	sadd.s32 $0x1400, s0;
	[dreg:$0xb] =	wrdreg s28;
	[tilespmem:s1+$0x8E80] =	vst v0  }
0x1f: {  	s30 =	sshll.u32 s5, $0x2;
	[dreg:$0xa] =	wrdreg s29;
	[tilespmem:s1+$0x7800] =	vst v0  }
0x20: {  	s31 =	sshll.u32 s5, $0x4;
	s2 =	sor.u32 $0x2, s30;
	[dreg:$0xf] =	wrdreg s30;
	[tilespmem:s1+$0x7C80] =	vst v0  }
0x21: {  	s3 =	simm.s32 $0x40;
	[dreg:$0x10] =	wrdreg s2;
	s2 =	sadd.s32 s31, s6;
	[tilespmem:s1+$0x8100] =	vst v0  }
0x22: {  	s0 =	sand.u32 $0x3, s5;
	[dreg:$0x11] =	wrdreg s2;
	s2 =	sshrl.u32 s5, $0x2;
	[tilespmem:s1+$0x8580] =	vst v0  }
.LBB2_2:
0x23: {  	p0 =	sne.s32 s3, $0x10C0;
	[tilespmem:s1+$0x8A00] =	vst v0;
	s1 =	sshra.s32 s3, $0x2;
	s3 =	sadd.s32 $0x40, s3  }
.Ltmp1:
0x24: {  	[tilespmem:s1+$0x8E80] =	vst v0;
	(pc) =	sbr.rel @p0 .LBB2_2-.Ltmp1, $4  }
0x25: {  	[tilespmem:s1+$0x7800] =	vst v0  }
0x26: {  	[tilespmem:s1+$0x7C80] =	vst v0  }
0x27: {  	[tilespmem:s1+$0x8100] =	vst v0  }
0x28: {  	[tilespmem:s1+$0x8580] =	vst v0  }
0x29: {  	[tilespmem:s1+$0x8A00] =	vst v0  }
0x2a: {  	v0 =	vld [tilespmem:$0x6000];
	_ =	sdelay $0x4  }
0x2b: {  	(v2sf) =	vpush v0, $0x0;
	_ =	sdelay $0xe  }
0x2c: {  	s31 =	spop (v2sf)  }
0x2d: {  	p0 =	sgt.f32 s31, $5.000000070e-02  }
.Ltmp2:
0x2e: {  	_ = 	snop;
	(pc) =	sbr.rel @!p0 .LBB2_54-.Ltmp2, $1  }
0x2f: {  	_ =	sdelay $0x3  }
0x30: {  	s1 =	sshll.u32 s2, $0x6;
	s25 =	sadd.s32 $0x1, s2  }
0x31: {  	s26 =	rddreg [dreg:$0xf];
	s10 =	simm.s32 $0x0;
	s21 =	simm.s32 $0x1800  }
0x32: {  	s22 =	simm.s32 $0x3000;
	s23 =	simm.s32 $0x4800;
	p0 =	sne.s32 s0, $0x0  }
0x33: {  	s24 =	simm.s32 $0x1;
	s29 =	stileid.u32;
	s17 =	simm.s32 $0x7800  }
0x34: {  	s28 =	simm.s32 $0x7C80;
	s30 =	simm.s32 $0x8100;
	s31 =	simm.s32 $0x8580  }
.Ltmp3:
0x35: {  	s9 =	simm.s32 $0x8E80;
	s12 =	simm.s32 $0x0;
	(pc) =	sbr.rel .LBB2_5-.Ltmp3, $4  }
0x36: {  	s13 =	simm.s32 $0x0;
	[dreg:$0x12] =	wrdreg s25;
	s18 =	sadd.s32 $0x1, s26  }
0x37: {  	s19 =	sadd.s32 $0x40, s1;
	s20 =	sadd.s32 $0x3, s26;
	s0 =	simm.s32 @!p0 $0x0  }
0x38: {  	vm0 =	vmxor vm0, vm0;
	v0 =	vlaneseq.u32;
	vm1 =	vcmask $0x300;
	p1 =	sne.s32 s29, $0x0;
	p2 =	seq.s32 s29, $0x0;
	s0 =	simm.s32 @p0 $0x1  }
0x39: {  	vm2 =	vcmask $0x704;
	vm3 =	vcmask $0xB08;
	vm4 =	vcmask $0xF0C;
	s1 =	simm.s32 $0x0;
	[smem:$0x7FD] =	sst s0;
	s0 =	simm.s32 $0x8A00  }
.LBB2_52:
0x3a: {  	s1 =	rddreg [dreg:$0x3]  }
0x3b: {  	s2 =	sadd.s32 $0x7800, s26;
	s1 =	sadd.s32 s26, s1  }
0x3c: {  	[spmem:s1] =	stream.linear.scatter [tilespmem:s2], [sflag:$0x1], $0x50, $0x38;
	[tilespmem:$0x9680] =	vst v63  }
0x3d: {  	_ =	swait.ge [sflag:s24], $0x50  }
0x3e: {  	[sflag:s24] =	ssyncset.done $0x0  }
0x3f: {  	[sflag:s24] =	ssyncadd.s32 $0xFFFFFFB0  }
0x40: {  	s5 =	rddreg [dreg:$0x4]  }
0x41: {  	s6 =	sadd.s32 $0x7C80, s26;
	s1 =	sadd.s32 s26, s5  }
0x42: {  	[spmem:s1] =	stream.linear.scatter [tilespmem:s6], [sflag:$0x1], $0x50, $0x38;
	[tilespmem:$0x9680] =	vst v63  }
0x43: {  	_ =	swait.ge [sflag:s24], $0x50  }
0x44: {  	[sflag:s24] =	ssyncset.done $0x0  }
0x45: {  	[sflag:s24] =	ssyncadd.s32 $0xFFFFFFB0  }
0x46: {  	s7 =	rddreg [dreg:$0x5]  }
0x47: {  	s8 =	sadd.s32 $0x8100, s26;
	s1 =	sadd.s32 s26, s7  }
0x48: {  	[spmem:s1] =	stream.linear.scatter [tilespmem:s8], [sflag:$0x1], $0x50, $0x38;
	[tilespmem:$0x9680] =	vst v63  }
0x49: {  	_ =	swait.ge [sflag:s24], $0x50  }
0x4a: {  	[sflag:s24] =	ssyncset.done $0x0  }
0x4b: {  	[sflag:s24] =	ssyncadd.s32 $0xFFFFFFB0  }
0x4c: {  	s11 =	rddreg [dreg:$0x6]  }
0x4d: {  	s14 =	sadd.s32 $0x8580, s26;
	s1 =	sadd.s32 s26, s11  }
0x4e: {  	[spmem:s1] =	stream.linear.scatter [tilespmem:s14], [sflag:$0x1], $0x50, $0x38;
	[tilespmem:$0x9680] =	vst v63  }
0x4f: {  	_ =	swait.ge [sflag:s24], $0x50  }
0x50: {  	[sflag:s24] =	ssyncset.done $0x0  }
0x51: {  	[sflag:s24] =	ssyncadd.s32 $0xFFFFFFB0  }
0x52: {  	s15 =	rddreg [dreg:$0x7]  }
0x53: {  	s16 =	sadd.s32 $0x8E80, s26;
	s1 =	sadd.s32 s26, s15  }
0x54: {  	[spmem:s1] =	stream.linear.scatter [tilespmem:s16], [sflag:$0x1], $0x50, $0x38;
	[tilespmem:$0x9680] =	vst v63  }
0x55: {  	_ =	swait.ge [sflag:s24], $0x50  }
0x56: {  	[sflag:s24] =	ssyncset.done $0x0  }
0x57: {  	v1 =	vmov s10;
	[sflag:s24] =	ssyncadd.s32 $0xFFFFFFB0  }
0x58: {  	s29 =	simm.s32 $0x9480;
	[tilespmem:$0x9480] =	vst v1;
	s25 =	rddreg [dreg:$0x8]  }
0x59: {  	[spmem:s25] =	stream.linear.scatter [tilespmem:s29], [sflag:$0x1], $0x80, $0x38;
	[tilespmem:$0x9680] =	vst v63  }
0x5a: {  	_ =	swait.ge [sflag:s24], $0x80  }
0x5b: {  	[sflag:s24] =	ssyncset.done $0x0  }
0x5c: {  	[sflag:s24] =	ssyncadd.s32 $0xFFFFFF80  }
.LBB2_53:
0x5d: {  	[bflag:$0x0] =	sbarrier.arrive $0xFFFF  }
0x5e: {  	s2 =	simm.s32 $0x9480;
	s1 =	rddreg [dreg:$0x8]  }
0x5f: {  	[tilespmem:s2], [sflag:$0x1] =	stream.linear.gather [spmem:s1], $0x80, $0x38;
	[tilespmem:$0x9680] =	vst v63  }
0x60: {  	_ =	swait.ge [sflag:s24], $0x80  }
0x61: {  	[sflag:s24] =	ssyncset.done $0x0  }
0x62: {  	[sflag:s24] =	ssyncadd.s32 $0xFFFFFF80  }
0x63: {  	v1 =	vld [tilespmem:$0x9480];
	_ =	sdelay $0x4  }
0x64: {  	(v2sf) =	vpush v1, $0x0;
	_ =	sdelay $0xb  }
0x65: {  	s2 =	rddreg [dreg:$0x3]  }
0x66: {  	s1 =	sadd.s32 @!p2 $0x7800, s26;
	s2 =	sadd.s32 @!p2 s26, s2  }
0x67: {  	[tilespmem:s1], [sflag:$0x1] =	stream.linear.gather @!p2 [spmem:s2], $0x50, $0x38;
	[tilespmem:$0x9680] =	vst v63  }
0x68: {  	s1 =	simm.s32 @!p2 $0x1;
	s10 =	spop (v2sf)  }
0x69: {  	_ =	swait.ge @!p2 [sflag:s1], $0x50  }
0x6a: {  	[sflag:s1] =	ssyncset.done @!p2 $0x0  }
0x6b: {  	[sflag:s1] =	ssyncadd.s32 @!p2 $0xFFFFFFB0  }
0x6c: {  	s3 =	rddreg [dreg:$0x4]  }
0x6d: {  	s2 =	sadd.s32 @!p2 $0x7C80, s26;
	s3 =	sadd.s32 @!p2 s26, s3  }
0x6e: {  	[tilespmem:s2], [sflag:$0x1] =	stream.linear.gather @!p2 [spmem:s3], $0x50, $0x38;
	[tilespmem:$0x9680] =	vst v63  }
0x6f: {  	_ =	swait.ge @!p2 [sflag:s1], $0x50  }
0x70: {  	[sflag:s1] =	ssyncset.done @!p2 $0x0  }
0x71: {  	[sflag:s1] =	ssyncadd.s32 @!p2 $0xFFFFFFB0  }
0x72: {  	s3 =	rddreg [dreg:$0x5]  }
0x73: {  	s2 =	sadd.s32 @!p2 $0x8100, s26;
	s3 =	sadd.s32 @!p2 s26, s3  }
0x74: {  	[tilespmem:s2], [sflag:$0x1] =	stream.linear.gather @!p2 [spmem:s3], $0x50, $0x38;
	[tilespmem:$0x9680] =	vst v63  }
0x75: {  	_ =	swait.ge @!p2 [sflag:s1], $0x50  }
0x76: {  	[sflag:s1] =	ssyncset.done @!p2 $0x0  }
0x77: {  	[sflag:s1] =	ssyncadd.s32 @!p2 $0xFFFFFFB0  }
0x78: {  	s3 =	rddreg [dreg:$0x6]  }
0x79: {  	s2 =	sadd.s32 @!p2 $0x8580, s26;
	s3 =	sadd.s32 @!p2 s26, s3  }
0x7a: {  	[tilespmem:s2], [sflag:$0x1] =	stream.linear.gather @!p2 [spmem:s3], $0x50, $0x38;
	[tilespmem:$0x9680] =	vst v63  }
0x7b: {  	_ =	swait.ge @!p2 [sflag:s1], $0x50  }
0x7c: {  	[sflag:s1] =	ssyncset.done @!p2 $0x0  }
0x7d: {  	[sflag:s1] =	ssyncadd.s32 @!p2 $0xFFFFFFB0  }
0x7e: {  	s3 =	rddreg [dreg:$0x7]  }
0x7f: {  	s2 =	sadd.s32 @!p2 $0x8E80, s26;
	s3 =	sadd.s32 @!p2 s26, s3  }
0x80: {  	[tilespmem:s2], [sflag:$0x1] =	stream.linear.gather @!p2 [spmem:s3], $0x50, $0x38;
	[tilespmem:$0x9680] =	vst v63  }
0x81: {  	s13 =	sadd.s32 $0x1, s13;
	_ =	swait.ge @!p2 [sflag:s1], $0x50  }
0x82: {  	s26 =	sshll.u32 s13, $0x8;
	[sflag:s1] =	ssyncset.done @!p2 $0x0  }
0x83: {  	s29 =	sshra.s32 s26, $0x2;
	[sflag:s1] =	ssyncadd.s32 @!p2 $0xFFFFFFB0  }
0x84: {  	v1 =	vld [tilespmem:s29+$0x6000];
	_ =	sdelay $0x4  }
0x85: {  	(v2sf) =	vpush v1, $0x0;
	_ =	sdelay $0xb  }
0x86: {  	s1 =	sshll.u32 s13, $0x6  }
0x87: {  	p0 =	sgt.u32 s1, $0x176F  }
0x88: {  	p3 =	sgt.s32 @!p0 s10, $0x3E7  }
0x89: {  	p0 =	por p0, p3;
	s2 =	spop (v2sf)  }
0x8a: {  	p3 =	sgt.f32 @!p0 s2, $5.000000070e-02;
	_ =	sdelay $0x1  }
0x8b: {  	p0 =	por p0, !p3  }
.Ltmp4:
0x8c: {  	_ = 	snop;
	(pc) =	sbr.rel @p0 .LBB2_54-.Ltmp4, $3  }
0x8d: {  	_ =	sdelay $0x1  }
0x8e: {  	s12 =	sadd.s32 $0x40, s12  }
0x8f: {  	s21 =	sadd.s32 $0x40, s21;
	s22 =	sadd.s32 $0x40, s22;
	s23 =	sadd.s32 $0x40, s23  }
.LBB2_5:
0x90: {  	s3 =	sld [smem:$0x7FD]  }
0x91: {  	s2 =	rddreg [dreg:$0xf]  }
0x92: {  	s2 =	sor.u32 s2, s1  }
0x93: {  	p0 =	seq.s32 s2, $0x0;
	p3 =	seq.s32 s3, $0x1  }
0x94: {  	p0 =	por !p3, !p0  }
0x95: {  	s3 =	simm.s32 $0xFFFFFFFF;
	p0 =	por !p0, !p0  }
0x96: {  	s3 =	simm.s32 @!p0 $0x0  }
0x97: {  	s3 =	sshll.u32 s3, $0x4  }
0x98: {  	s4 =	sand.u32 $0xFFFFFFF0, s2;
	s3 =	sadd.s32 s3, s2  }
0x99: {  	v7 =	vld [tilespmem:s4+$0x0];
	s3 =	sand.u32 $0xFFFFFFF0, s3  }
0x9a: {  	v1 =	vld [tilespmem:s3+$0x0]  }
0x9b: {  	v2 =	vld [tilespmem:s3+$0x1800]  }
0x9c: {  	v4 =	vld [tilespmem:s3+$0x3000]  }
0x9d: {  	v6 =	vld [tilespmem:s3+$0x4800]  }
0x9e: {  	s16 =	sadd.s32 $0x3F, s10;
	v8 =	vld [tilespmem:s4+$0x1800]  }
0x9f: {  	p5 =	slt.s32 s10, $0xFFFFFFC2;
	s25 =	sand.u32 $0x3F, s16;
	v9 =	vld [tilespmem:s4+$0x3000];
	s3 =	ssub.s32 s2, s3  }
0xa0: {  	s26 =	sshra.s32 s16, $0x1F;
	p6 =	sne.s32 s25, $0x0;
	v10 =	vld [tilespmem:s4+$0x4800];
	s2 =	sor.u32 $0x1, s2;
	v11 =	vmov s3  }
0xa1: {  	s29 =	sshrl.u32 s26, $0x1A;
	p0 =	por !p5, !p6;
	s2 =	ssub.s32 s2, s4;
	v3 =	vperm.xlane v1, v11;
	v2 =	vperm.xlane v2, v11  }
0xa2: {  	p0 =	por !p0, !p0;
	s3 =	simm.s32 $0x1;
	v5 =	vperm.xlane v4, v11;
	v1 =	vperm.xlane v6, v11;
	v11 =	vmov s2;
	s2 =	sadd.s32 s29, s16  }
0xa3: {  	s3 =	simm.s32 @!p0 $0x0;
	s2 =	sshra.s32 s2, $0x6  }
0xa4: {  	v6 =	vperm.xlane v7, v11;
	v4 =	vperm.xlane v8, v11;
	s25 =	ssub.s32 s2, s3  }
0xa5: {  	v9 =	vperm.xlane v9, v11;
	v7 =	vperm.xlane v10, v11;
	p0 =	slt.s32 s25, $0x1  }
.Ltmp5:
0xa6: {  	v8 =	vsub.f32 v5, v3;
	v10 =	vsub.f32 v1, v2;
	(pc) =	sbr.rel @p0 .LBB2_9-.Ltmp5, $4  }
0xa7: {  	v11 =	vsub.f32 v9, v6;
	v12 =	vsub.f32 v7, v4  }
0xa8: {  	vm6 =	vmmov vm0;
	v8 =	vmax.f32 v8, $0.0e+00  }
0xa9: {  	v10 =	vmax.f32 v10, $0.0e+00;
	v11 =	vmax.f32 v11, $0.0e+00;
	v12 =	vmax.f32 v12, $0.0e+00  }
0xaa: {  	vm5 =	vmmov vm0;
	v8 =	vmul.f32 v10, v8;
	v10 =	vmul.f32 v12, v11  }
0xab: {  	s3 =	simm.s32 $0x8120  }
0xac: {  	s4 =	simm.s32 $0x7820;
	v12 =	vld [tilespmem:s3+$0xFFFFFFE0]  }
0xad: {  	v13 =	vld [tilespmem:s4+$0x10]  }
0xae: {  	s5 =	simm.s32 $0x85A0;
	v14 =	vld [tilespmem:s3+$0x10]  }
0xaf: {  	v15 =	vld [tilespmem:s5+$0x10]  }
0xb0: {  	v17 =	vld [tilespmem:s3+$0x0]  }
0xb1: {  	v18 =	vld [tilespmem:s5+$0x0]  }
0xb2: {  	s6 =	simm.s32 $0x7CA0;
	v19 =	vld [tilespmem:s4+$0x0]  }
0xb3: {  	v20 =	vld [tilespmem:s6+$0x0]  }
0xb4: {  	v25 =	vld [tilespmem:s6+$0xFFFFFFF0]  }
0xb5: {  	s2 =	simm.s32 $0x8EA0;
	v11 =	vimm.f32 $0.0e+00;
	v27 =	vld [tilespmem:s6+$0xFFFFFFE0];
	v23 =	vmin.f32 v5, v12;
	v24 =	vmin.f32 v9, v12  }
0xb6: {  	v39 =	vld [tilespmem:s2+$0xFFFFFFF0];
	v12 =	vmax.f32 v3, v13;
	v13 =	vmax.f32 v6, v13;
	v22 =	vmin.f32 v5, v14  }
0xb7: {  	v33 =	vld [tilespmem:s5+$0xFFFFFFF0];
	v26 =	vmin.f32 v9, v14;
	v14 =	vmin.f32 v7, v15;
	v30 =	vmin.f32 v5, v17  }
0xb8: {  	v16 =	vld [tilespmem:s2+$0xFFFFFFE0];
	v31 =	vmin.f32 v1, v18;
	v17 =	vmin.f32 v9, v17;
	v18 =	vmin.f32 v7, v18  }
0xb9: {  	v32 =	vmax.f32 v4, v20;
	v34 =	vmin.f32 v1, v15;
	v35 =	vmax.f32 v2, v20  }
0xba: {  	v29 =	vld [tilespmem:s5+$0xFFFFFFE0];
	v58 =	vmax.f32 v4, v25;
	v36 =	vmax.f32 v4, v27;
	v37 =	vmax.f32 v3, v19  }
0xbb: {  	v21 =	vld [tilespmem:s3+$0xFFFFFFF0];
	v25 =	vmax.f32 v2, v25;
	v27 =	vmax.f32 v2, v27;
	v60 =	vadd.f32 v39, v8  }
0xbc: {  	v20 =	vld [tilespmem:s4+$0xFFFFFFF0];
	v41 =	vmin.f32 v7, v33;
	v28 =	vsub.f32 v22, v12;
	v13 =	vsub.f32 v26, v13  }
0xbd: {  	v15 =	vld [tilespmem:s2+$0x0];
	v33 =	vmin.f32 v1, v33;
	v12 =	vadd.f32 v16, v10;
	v16 =	vadd.f32 v16, v8  }
0xbe: {  	v26 =	vld [tilespmem:s4+$0xFFFFFFE0];
	v22 =	vmax.f32 v6, v19;
	v18 =	vsub.f32 v18, v32;
	v32 =	vsub.f32 v41, v58  }
0xbf: {  	v19 =	vmin.f32 v1, v29;
	v33 =	vsub.f32 v33, v25;
	v17 =	vsub.f32 v17, v22;
	v22 =	vld [tilespmem:s6+$0x10]  }
0xc0: {  	v38 =	vmin.f32 v5, v21;
	v31 =	vsub.f32 v31, v35;
	v19 =	vsub.f32 v19, v27  }
0xc1: {  	v27 =	vmin.f32 v9, v21;
	v18 =	vmax.f32 v18, $0.0e+00;
	v25 =	vmax.f32 v32, $0.0e+00  }
0xc2: {  	v21 =	vld [tilespmem:s2+$0x10];
	v28 =	vmax.f32 v28, $0.0e+00;
	v44 =	vmax.f32 v19, $0.0e+00;
	v17 =	vmax.f32 v17, $0.0e+00  }
0xc3: {  	v42 =	vmax.f32 v6, v20;
	v43 =	vadd.f32 v15, v10;
	v20 =	vmax.f32 v3, v20  }
0xc4: {  	v19 =	vmul.f32 v18, v17;
	v40 =	vmax.f32 v3, v26;
	v59 =	vmax.f32 v2, v22  }
0xc5: {  	v26 =	vmax.f32 v6, v26;
	v27 =	vsub.f32 v27, v42;
	v18 =	vsub.f32 v34, v59  }
0xc6: {  	v40 =	vsub.f32 v23, v40;
	v23 =	vmin.f32 v7, v29;
	v29 =	vsub.f32 v43, v19  }
0xc7: {  	v61 =	vadd.f32 v21, v8;
	v24 =	vsub.f32 v24, v26;
	v18 =	vmax.f32 v18, $0.0e+00  }
0xc8: {  	v17 =	vmax.f32 v27, $0.0e+00;
	v62 =	vsub.f32 v23, v36;
	v23 =	vmul.f32 v18, v28  }
0xc9: {  	p0 =	sne.s32 s25, $0x1;
	v27 =	vadd.f32 v39, v10;
	v18 =	vmul.f32 v25, v17;
	v17 =	vsub.f32 v38, v20  }
.Ltmp6:
0xca: {  	v26 =	vmax.f32 v29, $9.999999710e-10;
	v29 =	vmax.f32 v24, $0.0e+00;
	v20 =	vsub.f32 v61, v23;
	(pc) =	sbr.rel @!p0 .LBB2_8-.Ltmp6, $4  }
0xcb: {  	v24 =	vmax.f32 v33, $0.0e+00;
	v28 =	vsub.f32 v30, v37;
	v17 =	vmax.f32 v17, $0.0e+00  }
0xcc: {  	v63 =	vmax.f32 v40, $0.0e+00;
	v30 =	vmax.f32 v20, $9.999999710e-10;
	v20 =	vmul.f32 v24, v17  }
0xcd: {  	s7 =	simm.s32 $0x7CE0;
	s3 =	sadd.s32 $0xFFFFFFFF, s25;
	v25 =	vmax.f32 v62, $0.0e+00;
	v28 =	vmax.f32 v28, $0.0e+00;
	(erf) = vrcp.f32 v30  }
0xce: {  	s5 =	simm.s32 $0x85E0;
	s4 =	simm.s32 $0x7860;
	s6 =	simm.s32 $0x8160;
	v24 =	vmul.f32 v44, v63;
	v17 =	vimm.f32 $0.0e+00;
	v30 =	vsub.f32 v60, v20  }
.LBB2_7:
0xcf: {  	v32 =	vld [tilespmem:s6+$0xFFFFFFE0];
	p3 =	sne.s32 s3, $0x1;
	s3 =	sadd.s32 $0xFFFFFFFF, s3;
	v31 =	vmax.f32 v31, $0.0e+00;
	v22 =	vmax.f32 v4, v22;
	s2 =	sadd.s32 $0x40, s2;
	(erf) = vrcp.f32 v26  }
0xd0: {  	v33 =	vld [tilespmem:s4+$0x10];
	v16 =	vsub.f32 v16, v24;
	v30 =	vmax.f32 v30, $9.999999710e-10;
	v14 =	vsub.f32 v14, v22  }
0xd1: {  	v26 =	vmul.f32 v25, v29;
	v25 =	vsub.f32 v27, v18;
	v22 =	vld [tilespmem:s6+$0x10];
	(erf) = vrcp.f32 v30  }
0xd2: {  	v13 =	vmax.f32 v13, $0.0e+00;
	v27 =	vld [tilespmem:s5+$0x10];
	v16 =	vmax.f32 v16, $9.999999710e-10;
	v14 =	vmax.f32 v14, $0.0e+00  }
0xd3: {  	v30 =	vmax.f32 v25, $9.999999710e-10;
	v29 =	vld [tilespmem:s2+$0xFFFFFFF0];
	v34 =	vmul.f32 v14, v13;
	v13 =	vadd.f32 v21, v10  }
0xd4: {  	v36 =	vsub.f32 v12, v26;
	v21 =	vld [tilespmem:s2+$0xFFFFFFE0];
	v35 =	vmin.f32 v5, v32;
	(erf) = vrcp.f32 v16  }
0xd5: {  	v25 =	vmin.f32 v9, v32;
	v32 =	vld [tilespmem:s6+$0x0];
	v12 =	vmax.f32 v3, v33;
	v16 =	vmax.f32 v6, v33  }
0xd6: {  	v37 =	vsub.f32 v13, v34;
	v33 =	vld [tilespmem:s5+$0x0];
	v14 =	vmin.f32 v5, v22;
	v22 =	vmin.f32 v9, v22;
	v38 =	vpop (erf)  }
0xd7: {  	v39 =	vld [tilespmem:s4+$0x0];
	v40 =	vsub.f32 v14, v12;
	v14 =	vmin.f32 v7, v27;
	(erf) = vrcp.f32 v30  }
0xd8: {  	v13 =	vsub.f32 v22, v16;
	v38 =	vmul.f32 v38, v23;
	v23 =	vmax.f32 v37, $9.999999710e-10;
	v30 =	vld [tilespmem:s7+$0x0];
	v16 =	vpop (erf)  }
0xd9: {  	v22 =	vmax.f32 v36, $9.999999710e-10;
	v12 =	vadd.f32 v21, v10;
	v37 =	vld [tilespmem:s6+$0xFFFFFFF0];
	v36 =	vmul.f32 v16, v19  }
0xda: {  	v15 =	vadd.f32 v15, v8;
	v19 =	vld [tilespmem:s7+$0xFFFFFFF0];
	v41 =	vmin.f32 v5, v32;
	(erf) = vrcp.f32 v22;
	v42 =	vpop (erf)  }
0xdb: {  	v28 =	vmul.f32 v31, v28;
	v16 =	vadd.f32 v21, v8;
	v43 =	vld [tilespmem:s7+$0xFFFFFFE0];
	v44 =	vmin.f32 v1, v33  }
0xdc: {  	v22 =	vmin.f32 v9, v32;
	v32 =	vmin.f32 v7, v33;
	v21 =	vld [tilespmem:s4+$0xFFFFFFE0];
	v31 =	vmax.f32 v6, v39  }
0xdd: {  	v46 =	vmin.f32 v1, v27;
	v27 =	vsub.f32 v15, v28;
	v33 =	vld [tilespmem:s5+$0xFFFFFFE0];
	v45 =	vmax.f32 v4, v30;
	v47 =	vpop (erf)  }
0xde: {  	v30 =	vmax.f32 v2, v30;
	v31 =	vsub.f32 v22, v31;
	v48 =	vld [tilespmem:s5+$0xFFFFFFF0];
	v22 =	vsub.f32 v32, v45  }
0xdf: {  	v27 =	vmax.f32 v27, $9.999999710e-10;
	v24 =	vmul.f32 v47, v24;
	v32 =	vmax.f32 v4, v19;
	v15 =	vld [tilespmem:s2+$0x0]  }
0xe0: {  	v39 =	vmax.f32 v3, v39;
	v45 =	vmax.f32 v4, v43;
	v47 =	vld [tilespmem:s4+$0xFFFFFFF0];
	v49 =	vpop (erf);
	(erf) = vrcp.f32 v27  }
0xe1: {  	v27 =	vmax.f32 v2, v19;
	v19 =	vmax.f32 v22, $0.0e+00;
	v49 =	vmul.f32 v49, v18  }
0xe2: {  	v50 =	vmin.f32 v5, v37;
	v18 =	vmin.f32 v1, v33;
	v22 =	vld [tilespmem:s7+$0x10];
	(erf) = vrcp.f32 v23  }
0xe3: {  	v43 =	vmax.f32 v2, v43;
	v23 =	vmax.f32 v3, v21;
	v51 =	vmin.f32 v7, v48;
	v52 =	vpop (erf)  }
0xe4: {  	v37 =	vmin.f32 v9, v37;
	v18 =	vsub.f32 v18, v43;
	v43 =	vmax.f32 v6, v21  }
0xe5: {  	v20 =	vmul.f32 v42, v20;
	v54 =	vadd.f32 v15, v10;
	v53 =	vmax.f32 v6, v47  }
0xe6: {  	v31 =	vmax.f32 v31, $0.0e+00;
	v42 =	vmax.f32 v18, $0.0e+00;
	v18 =	vsub.f32 v51, v32;
	v21 =	vld [tilespmem:s2+$0x10]  }
0xe7: {  	v32 =	vmin.f32 v1, v48;
	v37 =	vsub.f32 v37, v53;
	v48 =	vmax.f32 v2, v22  }
0xe8: {  	v35 =	vsub.f32 v35, v23;
	v23 =	vmax.f32 v3, v47;
	v47 =	vadd.f32 v29, v8  }
0xe9: {  	v19 =	vmul.f32 v19, v31;
	v33 =	vmin.f32 v7, v33;
	v37 =	vmax.f32 v37, $0.0e+00;
	v31 =	vpop (erf)  }
0xea: {  	v32 =	vsub.f32 v32, v27;
	v27 =	vadd.f32 v29, v10;
	v18 =	vmax.f32 v18, $0.0e+00  }
0xeb: {  	v52 =	vmul.f32 v52, v26;
	v29 =	vsub.f32 v54, v19;
	v51 =	vadd.f32 v21, v8;
	v26 =	vpop (erf)  }
0xec: {  	v18 =	vmul.f32 v18, v37;
	v37 =	vsub.f32 v46, v48;
	v28 =	vmul.f32 v31, v28  }
0xed: {  	v31 =	vsub.f32 v33, v45;
	v33 =	vsub.f32 v50, v23;
	v34 =	vmul.f32 v26, v34  }
0xee: {  	v11 =	vmax.f32 v11, v24;
	v23 =	vmax.f32 v40, $0.0e+00;
	v37 =	vmax.f32 v37, $0.0e+00  }
0xef: {  	v11 =	vmax.f32 v11, v20;
	v26 =	vmax.f32 v29, $9.999999710e-10;
	v23 =	vmul.f32 v37, v23  }
0xf0: {  	v20 =	vsub.f32 v25, v43;
	v17 =	vmax.f32 v17, v52;
	v25 =	vmax.f32 v31, $0.0e+00  }
0xf1: {  	v17 =	vmax.f32 v17, v49;
	v11 =	vmax.f32 v11, v28;
	v24 =	vsub.f32 v51, v23  }
.Ltmp7:
0xf2: {  	v29 =	vmax.f32 v20, $0.0e+00;
	v20 =	vmax.f32 v32, $0.0e+00;
	v28 =	vsub.f32 v41, v39;
	(pc) =	sbr.rel @p3 .LBB2_7-.Ltmp7, $4  }
0xf3: {  	v31 =	vmax.f32 v33, $0.0e+00;
	v11 =	vmax.f32 v11, v38;
	v24 =	vmax.f32 v24, $9.999999710e-10  }
0xf4: {  	v17 =	vmax.f32 v17, v36;
	v32 =	vmax.f32 v35, $0.0e+00;
	v20 =	vmul.f32 v20, v31  }
0xf5: {  	s4 =	sadd.s32 $0x40, s4;
	v31 =	vsub.f32 v44, v30;
	v28 =	vmax.f32 v28, $0.0e+00;
	(erf) = vrcp.f32 v24  }
0xf6: {  	s6 =	sadd.s32 $0x40, s6;
	s5 =	sadd.s32 $0x40, s5;
	s7 =	sadd.s32 $0x40, s7;
	v17 =	vmax.f32 v17, v34;
	v30 =	vsub.f32 v47, v20;
	v24 =	vmul.f32 v42, v32  }
.LBB2_8:
0xf7: {  	v31 =	vmax.f32 v31, $0.0e+00  }
0xf8: {  	v22 =	vmax.f32 v4, v22;
	(erf) = vrcp.f32 v26;
	v49 =	vsub.f32 v27, v18  }
0xf9: {  	v25 =	vmul.f32 v25, v29;
	v13 =	vmax.f32 v13, $0.0e+00;
	v15 =	vadd.f32 v15, v8  }
0xfa: {  	v16 =	vsub.f32 v16, v24;
	v48 =	vmax.f32 v30, $9.999999710e-10;
	v14 =	vsub.f32 v14, v22  }
0xfb: {  	v51 =	vadd.f32 v21, v10;
	v50 =	vmul.f32 v31, v28;
	(erf) = vrcp.f32 v48  }
0xfc: {  	v12 =	vsub.f32 v12, v25;
	v16 =	vmax.f32 v16, $9.999999710e-10;
	v14 =	vmax.f32 v14, $0.0e+00  }
0xfd: {  	v22 =	vmax.f32 v49, $9.999999710e-10;
	v13 =	vmul.f32 v14, v13;
	(erf) = vrcp.f32 v16  }
0xfe: {  	v15 =	vsub.f32 v15, v50;
	v12 =	vmax.f32 v12, $9.999999710e-10;
	(erf) = vrcp.f32 v22  }
0xff: {  	v14 =	vsub.f32 v51, v13;
	(erf) = vrcp.f32 v12  }
0x100: {  	v52 =	vmax.f32 v15, $9.999999710e-10  }
0x101: {  	(erf) = vrcp.f32 v52;
	v14 =	vmax.f32 v14, $9.999999710e-10  }
0x102: {  	(erf) = vrcp.f32 v14  }
0x103: {  	v53 =	vpop (erf)  }
0x104: {  	v54 =	vpop (erf)  }
0x105: {  	v55 =	vpop (erf)  }
0x106: {  	v16 =	vpop (erf)  }
0x107: {  	v56 =	vpop (erf)  }
0x108: {  	v12 =	vmul.f32 v53, v23;
	v14 =	vmul.f32 v54, v19;
	v57 =	vpop (erf)  }
0x109: {  	v16 =	vmul.f32 v16, v24;
	v19 =	vmul.f32 v57, v25  }
0x10a: {  	v15 =	vmul.f32 v55, v20;
	v58 =	vmul.f32 v56, v18;
	v59 =	vpop (erf)  }
0x10b: {  	v11 =	vmax.f32 v11, v16;
	v20 =	vmul.f32 v59, v50;
	v60 =	vpop (erf);
	v61 =	vmax.f32 v17, v19  }
0x10c: {  	v11 =	vmax.f32 v11, v15;
	v13 =	vmul.f32 v60, v13;
	v62 =	vmax.f32 v61, v58  }
0x10d: {  	v11 =	vmax.f32 v11, v20;
	v14 =	vmax.f32 v62, v14  }
0x10e: {  	v11 =	vmax.f32 v11, v12;
	v63 =	vmax.f32 v14, v13  }
0x10f: {  	vm6 =	vgt.f32 v11, $5.000000000e-01;
	vm5 =	vgt.f32 v63, $5.000000000e-01  }
.LBB2_9:
0x110: {  	s2 =	sand.u32 $0xF, s10  }
0x111: {  	p0 =	slt.s32 s10, $0x1;
	p3 =	sne.s32 s2, $0x0  }
0x112: {  	s3 =	sshra.s32 s10, $0x1F;
	s29 =	rddreg [dreg:$0x12];
	p0 =	por !p0, !p3  }
0x113: {  	s26 =	sshrl.u32 s3, $0x1C;
	s3 =	simm.s32 $0x1;
	p0 =	por !p0, !p0  }
0x114: {  	s3 =	simm.s32 @!p0 $0x0;
	p0 =	sne.s32 s29, $0x1  }
.Ltmp8:
0x115: {  	_ = 	snop;
	(pc) =	sbr.rel @!p0 .LBB2_10-.Ltmp8, $4  }
0x116: {  	v12 =	vld [tilespmem:s12+$0x0];
	s2 =	sadd.s32 s26, s10  }
0x117: {  	v13 =	vld [tilespmem:s21+$0x0];
	s2 =	sshra.s32 s2, $0x4  }
0x118: {  	v18 =	vld [tilespmem:s22+$0x0];
	p4 =	por $0x0, $0x0;
	s2 =	ssub.s32 s2, s3  }
0x119: {  	v11 =	vimm.f32 $0.0e+00;
	v16 =	vld [tilespmem:s23+$0x0];
	p3 =	por $0x0, $0x0;
	s3 =	sadd.s32 $0xFFFFFFFF, s29;
	s26 =	sshll.u32 s2, $0x4  }
0x11a: {  	_ =	sdelay $0x2  }
0x11b: {  	v19 =	vmax.f32 v6, v12  }
0x11c: {  	v14 =	vmin.f32 v9, v18;
	v15 =	vsub.f32 v18, v12;
	v17 =	vsub.f32 v16, v13  }
0x11d: {  	v20 =	vmax.f32 v4, v13;
	v14 =	vsub.f32 v14, v19;
	v19 =	vmin.f32 v7, v16  }
0x11e: {  	v15 =	vmax.f32 v15, $0.0e+00;
	v19 =	vsub.f32 v19, v20;
	v17 =	vmax.f32 v17, $0.0e+00  }
0x11f: {  	v12 =	vmax.f32 v3, v12;
	v13 =	vmax.f32 v2, v13;
	v15 =	vmul.f32 v17, v15  }
0x120: {  	p0 =	sne.s32 s3, $0x1;
	v14 =	vmax.f32 v14, $0.0e+00;
	v17 =	vmin.f32 v5, v18;
	v18 =	vmax.f32 v19, $0.0e+00  }
.Ltmp9:
0x121: {  	s5 =	sadd.s32 $0x10, s21;
	v16 =	vmin.f32 v1, v16;
	v19 =	vmul.f32 v18, v14;
	v14 =	vadd.f32 v15, v10;
	(pc) =	sbr.rel @!p0 .LBB2_12-.Ltmp9, $4  }
0x122: {  	s4 =	sadd.s32 $0x10, s12;
	v16 =	vsub.f32 v16, v13;
	v13 =	vld [tilespmem:s5+$0x0];
	v17 =	vsub.f32 v17, v12  }
0x123: {  	s6 =	sadd.s32 $0x10, s22;
	v12 =	vld [tilespmem:s4+$0x0];
	v14 =	vsub.f32 v14, v19  }
0x124: {  	s7 =	sadd.s32 $0x10, s23;
	v16 =	vmax.f32 v16, $0.0e+00;
	v18 =	vld [tilespmem:s6+$0x0];
	v17 =	vmax.f32 v17, $0.0e+00  }
0x125: {  	s3 =	sadd.s32 $0xFFFFFFFF, s3;
	p3 =	por $0x1, $0x1;
	v21 =	vadd.f32 v15, v8;
	v17 =	vmul.f32 v16, v17;
	v16 =	vld [tilespmem:s7+$0x0];
	v24 =	vmax.f32 v14, $9.999999710e-10  }
0x126: {  	_ = 	snop  }
0x127: {  	v14 =	vsub.f32 v21, v17  }
0x128: {  	(erf) = vrcp.f32 v24  }
0x129: {  	v20 =	vmax.f32 v2, v13;
	v15 =	vmax.f32 v3, v12;
	v14 =	vmax.f32 v14, $9.999999710e-10  }
0x12a: {  	v21 =	vmin.f32 v5, v18;
	v22 =	vmin.f32 v9, v18;
	(erf) = vrcp.f32 v14  }
0x12b: {  	v14 =	vsub.f32 v18, v12;
	v18 =	vsub.f32 v16, v13;
	v12 =	vmax.f32 v6, v12  }
0x12c: {  	v13 =	vmax.f32 v4, v13;
	v12 =	vsub.f32 v22, v12;
	v22 =	vmin.f32 v7, v16  }
0x12d: {  	v14 =	vmax.f32 v14, $0.0e+00;
	v18 =	vmax.f32 v18, $0.0e+00;
	v13 =	vsub.f32 v22, v13  }
0x12e: {  	v15 =	vsub.f32 v21, v15;
	v14 =	vmul.f32 v18, v14  }
0x12f: {  	v16 =	vmin.f32 v1, v16;
	v12 =	vmax.f32 v12, $0.0e+00;
	v13 =	vmax.f32 v13, $0.0e+00  }
0x130: {  	s8 =	sadd.s32 $0xFFFFFFFF, s18;
	p0 =	sne.s32 s3, $0x1;
	v16 =	vsub.f32 v16, v20;
	v20 =	vmul.f32 v13, v12;
	v13 =	vadd.f32 v14, v10  }
.Ltmp10:
0x131: {  	s4 =	sadd.s32 $0x10, s4;
	v15 =	vmax.f32 v15, $0.0e+00;
	v22 =	vmov s8;
	v18 =	vpop (erf);
	(pc) =	sbr.rel @!p0 .LBB2_14-.Ltmp10, $4  }
0x132: {  	s5 =	sadd.s32 $0x10, s5;
	v12 =	vld [tilespmem:s4+$0x0];
	v23 =	vmul.f32 v18, v19;
	v18 =	vmov s18;
	v24 =	vsub.f32 v13, v20  }
0x133: {  	s6 =	sadd.s32 $0x10, s6;
	v16 =	vmax.f32 v16, $0.0e+00;
	v21 =	vadd.f32 v14, v8;
	v13 =	vld [tilespmem:s5+$0x0];
	vm7 =	vgt.s32 v18, v0  }
0x134: {  	s7 =	sadd.s32 $0x10, s7;
	v19 =	vmul.f32 v16, v15;
	v18 =	vld [tilespmem:s6+$0x0];
	v14 =	vnsel vm7, $0x0, v23;
	v15 =	vpop (erf);
	v24 =	vmax.f32 v24, $9.999999710e-10  }
0x135: {  	p4 =	por $0x1, $0x1;
	s8 =	sadd.s32 $0xFFFFFFFF, s3;
	s3 =	smov.u32 s18;
	v16 =	vld [tilespmem:s7+$0x0];
	v14 =	vmax.f32 v11, v14;
	v23 =	vmul.f32 v15, v17;
	v15 =	vimm.f32 $0.0e+00  }
.LBB2_15:
0x136: {  	p5 =	sne.s32 s8, $0x1;
	v17 =	vsub.f32 v21, v19;
	(erf) = vrcp.f32 v24;
	vm7 =	vgt.s32 v22, v0;
	v25 =	vmovc v19  }
0x137: {  	v19 =	vmax.f32 v3, v12;
	v21 =	vnsel vm7, $0x0, v23  }
0x138: {  	v22 =	vmax.f32 v2, v13;
	v17 =	vmax.f32 v17, $9.999999710e-10;
	v15 =	vmax.f32 v15, v21  }
0x139: {  	v21 =	vmin.f32 v5, v18;
	v23 =	vmin.f32 v9, v18;
	(erf) = vrcp.f32 v17  }
0x13a: {  	v17 =	vsub.f32 v18, v12;
	v12 =	vmax.f32 v6, v12;
	v18 =	vsub.f32 v16, v13  }
0x13b: {  	v12 =	vsub.f32 v23, v12;
	v23 =	vmin.f32 v7, v16;
	v13 =	vmax.f32 v4, v13  }
0x13c: {  	v17 =	vmax.f32 v17, $0.0e+00;
	v23 =	vsub.f32 v23, v13;
	v18 =	vmax.f32 v18, $0.0e+00  }
0x13d: {  	v16 =	vmin.f32 v1, v16;
	v17 =	vmul.f32 v18, v17;
	v18 =	vsub.f32 v21, v19  }
0x13e: {  	v16 =	vsub.f32 v16, v22;
	v12 =	vmax.f32 v12, $0.0e+00;
	v21 =	vmax.f32 v23, $0.0e+00  }
.Ltmp11:
0x13f: {  	s4 =	sadd.s32 $0x10, s4;
	s3 =	sadd.s32 $0xFFFFFFF0, s3;
	v19 =	vmax.f32 v18, $0.0e+00;
	v18 =	vmul.f32 v21, v12;
	v22 =	vadd.f32 v17, v10;
	v13 =	vpop (erf);
	(pc) =	sbr.rel @p5 .LBB2_15-.Ltmp11, $4  }
0x140: {  	s5 =	sadd.s32 $0x10, s5;
	s11 =	sadd.s32 $0xFFFFFFFF, s3;
	v24 =	vmov s3;
	v16 =	vmax.f32 v16, $0.0e+00;
	v12 =	vld [tilespmem:s4+$0x0];
	v27 =	vmul.f32 v13, v20  }
0x141: {  	s6 =	sadd.s32 $0x10, s6;
	vm7 =	vgt.s32 v24, v0;
	v21 =	vadd.f32 v17, v8;
	v13 =	vld [tilespmem:s5+$0x0];
	v17 =	vsub.f32 v22, v18;
	v20 =	vmovc v18  }
0x142: {  	s7 =	sadd.s32 $0x10, s7;
	v19 =	vmul.f32 v16, v19;
	v22 =	vmov s11;
	v18 =	vld [tilespmem:s6+$0x0];
	v26 =	vnsel vm7, $0x0, v27;
	v23 =	vpop (erf)  }
0x143: {  	s8 =	sadd.s32 $0xFFFFFFFF, s8;
	v16 =	vld [tilespmem:s7+$0x0];
	v24 =	vmax.f32 v17, $9.999999710e-10;
	v23 =	vmul.f32 v23, v25;
	v14 =	vmax.f32 v14, v26  }
0x144: {  	v17 =	vmov v19;
	v19 =	vmov v20  }
.LBB2_17:
0x145: {  	_ = 	snop  }
0x146: {  	v3 =	vmax.f32 v3, v12;
	v6 =	vmax.f32 v6, v12;
	v2 =	vmax.f32 v2, v13  }
0x147: {  	v4 =	vmax.f32 v4, v13;
	v9 =	vmin.f32 v9, v18;
	v61 =	vsub.f32 v18, v12  }
0x148: {  	v5 =	vmin.f32 v5, v18;
	v62 =	vsub.f32 v16, v13;
	v6 =	vsub.f32 v9, v6  }
0x149: {  	v7 =	vmin.f32 v7, v16;
	v3 =	vsub.f32 v5, v3;
	v1 =	vmin.f32 v1, v16  }
0x14a: {  	v9 =	vmax.f32 v61, $0.0e+00;
	v4 =	vsub.f32 v7, v4;
	v12 =	vmax.f32 v62, $0.0e+00  }
0x14b: {  	v5 =	vsub.f32 @p3 v21, v17;
	v1 =	vsub.f32 v1, v2;
	v7 =	vmul.f32 v12, v9  }
0x14c: {  	v2 =	vmax.f32 v6, $0.0e+00;
	v3 =	vmax.f32 v3, $0.0e+00;
	v4 =	vmax.f32 v4, $0.0e+00  }
0x14d: {  	v1 =	vmax.f32 v1, $0.0e+00;
	v2 =	vmul.f32 v4, v2;
	v4 =	vadd.f32 v7, v10  }
0x14e: {  	v1 =	vmul.f32 v1, v3;
	v6 =	vadd.f32 v7, v8  }
0x14f: {  	(erf) = vrcp.f32 @p3 v24;
	v3 =	vmax.f32 @p3 v5, $9.999999710e-10;
	v4 =	vsub.f32 v4, v2  }
0x150: {  	(erf) = vrcp.f32 @p3 v3;
	v3 =	vsub.f32 v6, v1  }
0x151: {  	v4 =	vmax.f32 v4, $9.999999710e-10  }
0x152: {  	v3 =	vmax.f32 v3, $9.999999710e-10;
	(erf) = vrcp.f32 v4  }
0x153: {  	(erf) = vrcp.f32 v3;
	_ =	sdelay $0x1  }
0x154: {  	s3 =	sadd.s32 @p4 $0xFFFFFFF0, s3;
	s4 =	smov.u32 s18  }
0x155: {  	s4 =	smov.u32 @p4 s3  }
0x156: {  	vm7 =	vgt.s32 @p4 v22, v0;
	s3 =	sadd.s32 @p3 $0xFFFFFFFF, s4;
	v4 =	vmov @p3 s4  }
0x157: {  	v7 =	vnsel @p4 vm7, $0x0, v23;
	vm7 =	vgt.s32 @p3 v4, v0;
	v4 =	vmov @p3 s3;
	s3 =	sadd.s32 @p3 $0xFFFFFFF0, s4;
	s4 =	smov.u32 s18;
	v3 =	vpop @p3 (erf)  }
0x158: {  	v6 =	vmov @p3 v17;
	v4 =	vpsel p3, v4, v0;
	s4 =	smov.u32 @p3 s3;
	v3 =	vmul.f32 @p3 v3, v19;
	v5 =	vpop @p3 (erf)  }
0x159: {  	s3 =	sadd.s32 $0xFFFFFFFF, s4;
	v5 =	vmul.f32 @p3 v5, v6  }
0x15a: {  	v8 =	vmov s3;
	v3 =	vnsel @p3 vm7, $0x0, v3;
	v6 =	vmax.f32 @p4 v15, v7;
	v7 =	vpop (erf)  }
0x15b: {  	vm7 =	vgt.s32 @p3 v4, v0;
	v3 =	vmax.f32 @p3 v14, v3;
	v5 =	vpsel p3, v5, v0;
	v4 =	vpop (erf)  }
0x15c: {  	v6 =	vpsel p4, v6, v11;
	v5 =	vnsel @p3 vm7, $0x0, v5;
	v1 =	vmul.f32 v4, v1  }
0x15d: {  	vm7 =	vgt.s32 v8, v0;
	v2 =	vmul.f32 v7, v2;
	v4 =	vmax.f32 @p3 v6, v5  }
0x15e: {  	v5 =	vmov s4;
	v4 =	vpsel p3, v4, v11;
	v1 =	vnsel vm7, $0x0, v1  }
0x15f: {  	v3 =	vpsel p3, v3, v11;
	vm7 =	vgt.s32 v5, v0;
	v1 =	vmax.f32 v4, v1  }
0x160: {  	s16 =	rddreg [dreg:$0x10];
	v2 =	vnsel vm7, $0x0, v2;
	v4 =	vmpcnt.ones.xlane vm6;
	vm6 =	vgt.f32 v1, $5.000000000e-01  }
0x161: {  	s15 =	sshrl.u32 s1, $0x1B;
	s4 =	sor.u32 s16, s1;
	v1 =	vmax.f32 v3, v2;
	v2 =	vmpcnt.ones.xlane vm6  }
0x162: {  	s3 =	sand.u32 $0x10, s15;
	s5 =	sand.u32 $0xFFFFFFF0, s4;
	v3 =	vmpcnt.ones.xlane vm5;
	(v2sf) =	vpush v4, $0x0;
	vm5 =	vgt.f32 v1, $5.000000000e-01  }
0x163: {  	s3 =	sadd.s32 s3, s4;
	v7 =	vld [tilespmem:s5+$0x0];
	v1 =	vmpcnt.ones.xlane vm5;
	(v2sf) =	vpush v2, $0x0  }
0x164: {  	s3 =	sand.u32 $0xFFFFFFF0, s3;
	v8 =	vld [tilespmem:s5+$0x1800];
	(v2sf) =	vpush v3, $0x0  }
0x165: {  	v6 =	vld [tilespmem:s3+$0x4800];
	(v2sf) =	vpush v1, $0x0  }
0x166: {  	v4 =	vld [tilespmem:s3+$0x1800]  }
0x167: {  	v2 =	vld [tilespmem:s3+$0x0]  }
0x168: {  	v1 =	vld [tilespmem:s3+$0x3000]  }
0x169: {  	v9 =	vld [tilespmem:s5+$0x3000]  }
0x16a: {  	v10 =	vld [tilespmem:s5+$0x4800];
	s3 =	ssub.s32 s4, s3  }
0x16b: {  	s29 =	sor.u32 $0x1, s4;
	v11 =	vmov s3  }
0x16c: {  	s3 =	ssub.s32 s29, s5;
	v4 =	vperm.xlane v4, v11;
	v6 =	vperm.xlane v6, v11  }
0x16d: {  	v3 =	vperm.xlane v2, v11;
	v5 =	vperm.xlane v1, v11;
	v1 =	vmov s3  }
0x16e: {  	v7 =	vperm.xlane v7, v1;
	v8 =	vperm.xlane v8, v1  }
0x16f: {  	p0 =	sgt.s32 s25, $0x0;
	v9 =	vperm.xlane v9, v1;
	v10 =	vperm.xlane v10, v1  }
.Ltmp12:
0x170: {  	v2 =	vsub.f32 v6, v4;
	v1 =	vsub.f32 v5, v3;
	(pc) =	sbr.rel @!p0 .LBB2_21-.Ltmp12, $4  }
0x171: {  	v11 =	vsub.f32 v9, v7;
	v63 =	vsub.f32 v10, v8;
	s4 =	spop (v2sf)  }
0x172: {  	vm6 =	vmmov vm0;
	v2 =	vmax.f32 v2, $0.0e+00;
	s5 =	spop (v2sf)  }
0x173: {  	v1 =	vmax.f32 v1, $0.0e+00;
	v11 =	vmax.f32 v11, $0.0e+00;
	v12 =	vmax.f32 v63, $0.0e+00;
	s3 =	spop (v2sf)  }
0x174: {  	vm5 =	vmmov vm0;
	v1 =	vmul.f32 v2, v1;
	v2 =	vmul.f32 v12, v11;
	s6 =	spop (v2sf)  }
0x175: {  	s15 =	simm.s32 $0x8120  }
0x176: {  	s11 =	simm.s32 $0x7820;
	v12 =	vld [tilespmem:s15+$0xFFFFFFE0]  }
0x177: {  	v13 =	vld [tilespmem:s11+$0x10]  }
0x178: {  	s14 =	simm.s32 $0x85A0;
	v14 =	vld [tilespmem:s15+$0x10]  }
0x179: {  	v15 =	vld [tilespmem:s14+$0x10]  }
0x17a: {  	v17 =	vld [tilespmem:s15+$0x0]  }
0x17b: {  	v18 =	vld [tilespmem:s14+$0x0]  }
0x17c: {  	s8 =	simm.s32 $0x7CA0;
	v19 =	vld [tilespmem:s11+$0x0]  }
0x17d: {  	v20 =	vld [tilespmem:s8+$0x0]  }
0x17e: {  	v25 =	vld [tilespmem:s8+$0xFFFFFFF0]  }
0x17f: {  	s7 =	simm.s32 $0x8EA0;
	v11 =	vimm.f32 $0.0e+00;
	v27 =	vld [tilespmem:s8+$0xFFFFFFE0];
	v23 =	vmin.f32 v5, v12;
	v24 =	vmin.f32 v9, v12  }
0x180: {  	v39 =	vld [tilespmem:s7+$0xFFFFFFF0];
	v12 =	vmax.f32 v3, v13;
	v13 =	vmax.f32 v7, v13;
	v22 =	vmin.f32 v5, v14  }
0x181: {  	v33 =	vld [tilespmem:s14+$0xFFFFFFF0];
	v26 =	vmin.f32 v9, v14;
	v14 =	vmin.f32 v10, v15;
	v30 =	vmin.f32 v5, v17  }
0x182: {  	v16 =	vld [tilespmem:s7+$0xFFFFFFE0];
	v31 =	vmin.f32 v6, v18;
	v17 =	vmin.f32 v9, v17;
	v18 =	vmin.f32 v10, v18  }
0x183: {  	v32 =	vmax.f32 v8, v20;
	v34 =	vmin.f32 v6, v15;
	v35 =	vmax.f32 v4, v20  }
0x184: {  	v29 =	vld [tilespmem:s14+$0xFFFFFFE0];
	v58 =	vmax.f32 v8, v25;
	v36 =	vmax.f32 v8, v27;
	v37 =	vmax.f32 v3, v19  }
0x185: {  	v21 =	vld [tilespmem:s15+$0xFFFFFFF0];
	v25 =	vmax.f32 v4, v25;
	v27 =	vmax.f32 v4, v27;
	v60 =	vadd.f32 v39, v1  }
0x186: {  	v20 =	vld [tilespmem:s11+$0xFFFFFFF0];
	v41 =	vmin.f32 v10, v33;
	v28 =	vsub.f32 v22, v12;
	v13 =	vsub.f32 v26, v13  }
0x187: {  	v15 =	vld [tilespmem:s7+$0x0];
	v33 =	vmin.f32 v6, v33;
	v12 =	vadd.f32 v16, v2;
	v16 =	vadd.f32 v16, v1  }
0x188: {  	v26 =	vld [tilespmem:s11+$0xFFFFFFE0];
	v22 =	vmax.f32 v7, v19;
	v18 =	vsub.f32 v18, v32;
	v32 =	vsub.f32 v41, v58  }
0x189: {  	v19 =	vmin.f32 v6, v29;
	v33 =	vsub.f32 v33, v25;
	v17 =	vsub.f32 v17, v22;
	v22 =	vld [tilespmem:s8+$0x10]  }
0x18a: {  	v38 =	vmin.f32 v5, v21;
	v31 =	vsub.f32 v31, v35;
	v19 =	vsub.f32 v19, v27  }
0x18b: {  	v27 =	vmin.f32 v9, v21;
	v18 =	vmax.f32 v18, $0.0e+00;
	v25 =	vmax.f32 v32, $0.0e+00  }
0x18c: {  	v21 =	vld [tilespmem:s7+$0x10];
	v28 =	vmax.f32 v28, $0.0e+00;
	v44 =	vmax.f32 v19, $0.0e+00;
	v17 =	vmax.f32 v17, $0.0e+00  }
0x18d: {  	v42 =	vmax.f32 v7, v20;
	v43 =	vadd.f32 v15, v2;
	v20 =	vmax.f32 v3, v20  }
0x18e: {  	v19 =	vmul.f32 v18, v17;
	v40 =	vmax.f32 v3, v26;
	v59 =	vmax.f32 v4, v22  }
0x18f: {  	v26 =	vmax.f32 v7, v26;
	v27 =	vsub.f32 v27, v42;
	v18 =	vsub.f32 v34, v59  }
0x190: {  	v40 =	vsub.f32 v23, v40;
	v23 =	vmin.f32 v10, v29;
	v29 =	vsub.f32 v43, v19  }
0x191: {  	v61 =	vadd.f32 v21, v1;
	v24 =	vsub.f32 v24, v26;
	v18 =	vmax.f32 v18, $0.0e+00  }
0x192: {  	v17 =	vmax.f32 v27, $0.0e+00;
	v62 =	vsub.f32 v23, v36;
	v23 =	vmul.f32 v18, v28  }
0x193: {  	p0 =	seq.s32 s25, $0x1;
	v27 =	vadd.f32 v39, v2;
	v18 =	vmul.f32 v25, v17;
	v17 =	vsub.f32 v38, v20  }
.Ltmp13:
0x194: {  	v26 =	vmax.f32 v29, $9.999999710e-10;
	v29 =	vmax.f32 v24, $0.0e+00;
	v20 =	vsub.f32 v61, v23;
	(pc) =	sbr.rel @p0 .LBB2_20-.Ltmp13, $4  }
0x195: {  	v24 =	vmax.f32 v33, $0.0e+00;
	v28 =	vsub.f32 v30, v37;
	v17 =	vmax.f32 v17, $0.0e+00  }
0x196: {  	v63 =	vmax.f32 v40, $0.0e+00;
	v30 =	vmax.f32 v20, $9.999999710e-10;
	v20 =	vmul.f32 v24, v17  }
0x197: {  	s25 =	sadd.s32 $0xFFFFFFFF, s25;
	s16 =	simm.s32 $0x7CE0;
	v25 =	vmax.f32 v62, $0.0e+00;
	v28 =	vmax.f32 v28, $0.0e+00;
	(erf) = vrcp.f32 v30  }
0x198: {  	s15 =	simm.s32 $0x8160;
	s11 =	simm.s32 $0x85E0;
	s8 =	simm.s32 $0x7860;
	v24 =	vmul.f32 v44, v63;
	v17 =	vimm.f32 $0.0e+00;
	v30 =	vsub.f32 v60, v20  }
.LBB2_19:
0x199: {  	v32 =	vld [tilespmem:s15+$0xFFFFFFE0];
	p3 =	seq.s32 s25, $0x1;
	s25 =	sadd.s32 $0xFFFFFFFF, s25;
	v31 =	vmax.f32 v31, $0.0e+00;
	v22 =	vmax.f32 v8, v22;
	s7 =	sadd.s32 $0x40, s7;
	(erf) = vrcp.f32 v26  }
0x19a: {  	v33 =	vld [tilespmem:s8+$0x10];
	v16 =	vsub.f32 v16, v24;
	v30 =	vmax.f32 v30, $9.999999710e-10;
	v14 =	vsub.f32 v14, v22  }
0x19b: {  	v26 =	vmul.f32 v25, v29;
	v25 =	vsub.f32 v27, v18;
	v22 =	vld [tilespmem:s15+$0x10];
	(erf) = vrcp.f32 v30  }
0x19c: {  	v13 =	vmax.f32 v13, $0.0e+00;
	v27 =	vld [tilespmem:s11+$0x10];
	v16 =	vmax.f32 v16, $9.999999710e-10;
	v14 =	vmax.f32 v14, $0.0e+00  }
0x19d: {  	v30 =	vmax.f32 v25, $9.999999710e-10;
	v29 =	vld [tilespmem:s7+$0xFFFFFFF0];
	v34 =	vmul.f32 v14, v13;
	v13 =	vadd.f32 v21, v2  }
0x19e: {  	v36 =	vsub.f32 v12, v26;
	v21 =	vld [tilespmem:s7+$0xFFFFFFE0];
	v35 =	vmin.f32 v5, v32;
	(erf) = vrcp.f32 v16  }
0x19f: {  	v25 =	vmin.f32 v9, v32;
	v32 =	vld [tilespmem:s15+$0x0];
	v12 =	vmax.f32 v3, v33;
	v16 =	vmax.f32 v7, v33  }
0x1a0: {  	v37 =	vsub.f32 v13, v34;
	v33 =	vld [tilespmem:s11+$0x0];
	v14 =	vmin.f32 v5, v22;
	v22 =	vmin.f32 v9, v22;
	v38 =	vpop (erf)  }
0x1a1: {  	v39 =	vld [tilespmem:s8+$0x0];
	v40 =	vsub.f32 v14, v12;
	v14 =	vmin.f32 v10, v27;
	(erf) = vrcp.f32 v30  }
0x1a2: {  	v13 =	vsub.f32 v22, v16;
	v38 =	vmul.f32 v38, v23;
	v23 =	vmax.f32 v37, $9.999999710e-10;
	v30 =	vld [tilespmem:s16+$0x0];
	v16 =	vpop (erf)  }
0x1a3: {  	v22 =	vmax.f32 v36, $9.999999710e-10;
	v12 =	vadd.f32 v21, v2;
	v37 =	vld [tilespmem:s15+$0xFFFFFFF0];
	v36 =	vmul.f32 v16, v19  }
0x1a4: {  	v15 =	vadd.f32 v15, v1;
	v19 =	vld [tilespmem:s16+$0xFFFFFFF0];
	v41 =	vmin.f32 v5, v32;
	(erf) = vrcp.f32 v22;
	v42 =	vpop (erf)  }
0x1a5: {  	v28 =	vmul.f32 v31, v28;
	v16 =	vadd.f32 v21, v1;
	v43 =	vld [tilespmem:s16+$0xFFFFFFE0];
	v44 =	vmin.f32 v6, v33  }
0x1a6: {  	v22 =	vmin.f32 v9, v32;
	v32 =	vmin.f32 v10, v33;
	v21 =	vld [tilespmem:s8+$0xFFFFFFE0];
	v31 =	vmax.f32 v7, v39  }
0x1a7: {  	v46 =	vmin.f32 v6, v27;
	v27 =	vsub.f32 v15, v28;
	v33 =	vld [tilespmem:s11+$0xFFFFFFE0];
	v45 =	vmax.f32 v8, v30;
	v47 =	vpop (erf)  }
0x1a8: {  	v30 =	vmax.f32 v4, v30;
	v31 =	vsub.f32 v22, v31;
	v48 =	vld [tilespmem:s11+$0xFFFFFFF0];
	v22 =	vsub.f32 v32, v45  }
0x1a9: {  	v27 =	vmax.f32 v27, $9.999999710e-10;
	v24 =	vmul.f32 v47, v24;
	v32 =	vmax.f32 v8, v19;
	v15 =	vld [tilespmem:s7+$0x0]  }
0x1aa: {  	v39 =	vmax.f32 v3, v39;
	v45 =	vmax.f32 v8, v43;
	v47 =	vld [tilespmem:s8+$0xFFFFFFF0];
	v49 =	vpop (erf);
	(erf) = vrcp.f32 v27  }
0x1ab: {  	v27 =	vmax.f32 v4, v19;
	v19 =	vmax.f32 v22, $0.0e+00;
	v49 =	vmul.f32 v49, v18  }
0x1ac: {  	v50 =	vmin.f32 v5, v37;
	v18 =	vmin.f32 v6, v33;
	v22 =	vld [tilespmem:s16+$0x10];
	(erf) = vrcp.f32 v23  }
0x1ad: {  	v43 =	vmax.f32 v4, v43;
	v23 =	vmax.f32 v3, v21;
	v51 =	vmin.f32 v10, v48;
	v52 =	vpop (erf)  }
0x1ae: {  	v37 =	vmin.f32 v9, v37;
	v18 =	vsub.f32 v18, v43;
	v43 =	vmax.f32 v7, v21  }
0x1af: {  	v20 =	vmul.f32 v42, v20;
	v54 =	vadd.f32 v15, v2;
	v53 =	vmax.f32 v7, v47  }
0x1b0: {  	v31 =	vmax.f32 v31, $0.0e+00;
	v42 =	vmax.f32 v18, $0.0e+00;
	v18 =	vsub.f32 v51, v32;
	v21 =	vld [tilespmem:s7+$0x10]  }
0x1b1: {  	v32 =	vmin.f32 v6, v48;
	v37 =	vsub.f32 v37, v53;
	v48 =	vmax.f32 v4, v22  }
0x1b2: {  	v35 =	vsub.f32 v35, v23;
	v23 =	vmax.f32 v3, v47;
	v47 =	vadd.f32 v29, v1  }
0x1b3: {  	v19 =	vmul.f32 v19, v31;
	v33 =	vmin.f32 v10, v33;
	v37 =	vmax.f32 v37, $0.0e+00;
	v31 =	vpop (erf)  }
0x1b4: {  	v32 =	vsub.f32 v32, v27;
	v27 =	vadd.f32 v29, v2;
	v18 =	vmax.f32 v18, $0.0e+00  }
0x1b5: {  	v52 =	vmul.f32 v52, v26;
	v29 =	vsub.f32 v54, v19;
	v51 =	vadd.f32 v21, v1;
	v26 =	vpop (erf)  }
0x1b6: {  	v18 =	vmul.f32 v18, v37;
	v37 =	vsub.f32 v46, v48;
	v28 =	vmul.f32 v31, v28  }
0x1b7: {  	v31 =	vsub.f32 v33, v45;
	v33 =	vsub.f32 v50, v23;
	v34 =	vmul.f32 v26, v34  }
0x1b8: {  	v11 =	vmax.f32 v11, v24;
	v23 =	vmax.f32 v40, $0.0e+00;
	v37 =	vmax.f32 v37, $0.0e+00  }
0x1b9: {  	v11 =	vmax.f32 v11, v20;
	v26 =	vmax.f32 v29, $9.999999710e-10;
	v23 =	vmul.f32 v37, v23  }
0x1ba: {  	v20 =	vsub.f32 v25, v43;
	v17 =	vmax.f32 v17, v52;
	v25 =	vmax.f32 v31, $0.0e+00  }
0x1bb: {  	v17 =	vmax.f32 v17, v49;
	v11 =	vmax.f32 v11, v28;
	v24 =	vsub.f32 v51, v23  }
.Ltmp14:
0x1bc: {  	v29 =	vmax.f32 v20, $0.0e+00;
	v20 =	vmax.f32 v32, $0.0e+00;
	v28 =	vsub.f32 v41, v39;
	(pc) =	sbr.rel @!p3 .LBB2_19-.Ltmp14, $4  }
0x1bd: {  	v31 =	vmax.f32 v33, $0.0e+00;
	v11 =	vmax.f32 v11, v38;
	v24 =	vmax.f32 v24, $9.999999710e-10  }
0x1be: {  	v17 =	vmax.f32 v17, v36;
	v32 =	vmax.f32 v35, $0.0e+00;
	v20 =	vmul.f32 v20, v31  }
0x1bf: {  	s8 =	sadd.s32 $0x40, s8;
	v31 =	vsub.f32 v44, v30;
	v28 =	vmax.f32 v28, $0.0e+00;
	(erf) = vrcp.f32 v24  }
0x1c0: {  	s15 =	sadd.s32 $0x40, s15;
	s11 =	sadd.s32 $0x40, s11;
	s16 =	sadd.s32 $0x40, s16;
	v17 =	vmax.f32 v17, v34;
	v30 =	vsub.f32 v47, v20;
	v24 =	vmul.f32 v42, v32  }
.LBB2_20:
0x1c1: {  	v31 =	vmax.f32 v31, $0.0e+00  }
0x1c2: {  	v22 =	vmax.f32 v8, v22;
	(erf) = vrcp.f32 v26;
	v49 =	vsub.f32 v27, v18  }
0x1c3: {  	v25 =	vmul.f32 v25, v29;
	v13 =	vmax.f32 v13, $0.0e+00;
	v15 =	vadd.f32 v15, v1  }
0x1c4: {  	v16 =	vsub.f32 v16, v24;
	v48 =	vmax.f32 v30, $9.999999710e-10;
	v14 =	vsub.f32 v14, v22  }
0x1c5: {  	v51 =	vadd.f32 v21, v2;
	v50 =	vmul.f32 v31, v28;
	(erf) = vrcp.f32 v48  }
0x1c6: {  	v12 =	vsub.f32 v12, v25;
	v16 =	vmax.f32 v16, $9.999999710e-10;
	v14 =	vmax.f32 v14, $0.0e+00  }
0x1c7: {  	v22 =	vmax.f32 v49, $9.999999710e-10;
	v13 =	vmul.f32 v14, v13;
	(erf) = vrcp.f32 v16  }
0x1c8: {  	v15 =	vsub.f32 v15, v50;
	v12 =	vmax.f32 v12, $9.999999710e-10;
	(erf) = vrcp.f32 v22  }
0x1c9: {  	v14 =	vsub.f32 v51, v13;
	(erf) = vrcp.f32 v12  }
0x1ca: {  	v52 =	vmax.f32 v15, $9.999999710e-10  }
0x1cb: {  	(erf) = vrcp.f32 v52;
	v14 =	vmax.f32 v14, $9.999999710e-10  }
0x1cc: {  	(erf) = vrcp.f32 v14  }
0x1cd: {  	v53 =	vpop (erf)  }
0x1ce: {  	v54 =	vpop (erf)  }
0x1cf: {  	v55 =	vpop (erf)  }
0x1d0: {  	v16 =	vpop (erf)  }
0x1d1: {  	v56 =	vpop (erf)  }
0x1d2: {  	v12 =	vmul.f32 v53, v23;
	v14 =	vmul.f32 v54, v19;
	v57 =	vpop (erf)  }
0x1d3: {  	v16 =	vmul.f32 v16, v24;
	v19 =	vmul.f32 v57, v25  }
0x1d4: {  	v15 =	vmul.f32 v55, v20;
	v58 =	vmul.f32 v56, v18;
	v59 =	vpop (erf)  }
0x1d5: {  	v11 =	vmax.f32 v11, v16;
	v20 =	vmul.f32 v59, v50;
	v60 =	vpop (erf);
	v61 =	vmax.f32 v17, v19  }
0x1d6: {  	v11 =	vmax.f32 v11, v15;
	v13 =	vmul.f32 v60, v13;
	v62 =	vmax.f32 v61, v58  }
0x1d7: {  	v11 =	vmax.f32 v11, v20;
	v14 =	vmax.f32 v62, v14  }
0x1d8: {  	v11 =	vmax.f32 v11, v12;
	v63 =	vmax.f32 v14, v13  }
0x1d9: {  	vm6 =	vgt.f32 v11, $5.000000000e-01;
	vm5 =	vgt.f32 v63, $5.000000000e-01  }
.LBB2_21:
0x1da: {  	v13 =	vmov s12  }
0x1db: {  	v14 =	vmov s21  }
0x1dc: {  	p0 =	sgt.s32 s4, $0x0;
	s4 =	simm.f32 $2.000000000e+00;
	v15 =	vmov s22;
	s29 =	simm.s32 $0x0  }
0x1dd: {  	v16 =	vmov s23;
	s4 =	simm.s32 @!p0 $0x0;
	p0 =	sgt.s32 s5, $0x0;
	s5 =	simm.f32 $1.000000000e+00  }
0x1de: {  	s5 =	simm.s32 @!p0 $0x0;
	p0 =	sgt.s32 s3, $0x0;
	s3 =	simm.f32 $2.000000000e+00  }
0x1df: {  	s3 =	simm.s32 @!p0 $0x0;
	p0 =	sgt.s32 s6, $0x0;
	s6 =	simm.f32 $1.000000000e+00;
	v17 =	vld.idx.msk [tilespmem:v13+s29+$0x0 ss:$0x1], $0xffff  }
0x1e0: {  	s4 =	sadd.f32 s5, s4;
	s6 =	simm.s32 @!p0 $0x0;
	v18 =	vld.idx.msk [tilespmem:v14+s29+$0x0 ss:$0x1], $0xffff  }
0x1e1: {  	s3 =	sadd.f32 s6, s3;
	v20 =	vld.idx.msk [tilespmem:v15+s29+$0x0 ss:$0x1], $0xffff  }
0x1e2: {  	v21 =	vld.idx.msk [tilespmem:v16+s29+$0x0 ss:$0x1], $0xffff  }
0x1e3: {  	v11 =	vmov s4;
	v12 =	vmov s3  }
0x1e4: {  	v11 =	vnsel vm1, $0x0, v11;
	v12 =	vnsel vm2, $0x0, v12  }
0x1e5: {  	p0 =	sne.s32 s19, $0x40;
	v11 =	vadd.f32 v12, v11;
	v12 =	vimm.f32 $0.0e+00;
	v23 =	vmax.f32 v3, v17  }
.Ltmp15:
0x1e6: {  	v19 =	vmax.f32 v4, v18;
	v24 =	vmin.f32 v5, v20;
	v22 =	vmin.f32 v9, v20;
	(pc) =	sbr.rel @!p0 .LBB2_22-.Ltmp15, $4  }
0x1e7: {  	v20 =	vsub.f32 v20, v17;
	v26 =	vsub.f32 v21, v18;
	v17 =	vmax.f32 v7, v17  }
0x1e8: {  	v18 =	vmax.f32 v8, v18;
	v28 =	vmin.f32 v6, v21;
	v25 =	vsub.f32 v22, v17  }
0x1e9: {  	v17 =	vmin.f32 v10, v21;
	v20 =	vmax.f32 v20, $0.0e+00;
	v22 =	vmax.f32 v26, $0.0e+00  }
0x1ea: {  	p3 =	por $0x0, $0x0;
	p4 =	por $0x0, $0x0;
	v27 =	vsub.f32 v17, v18;
	v26 =	vsub.f32 v24, v23;
	v22 =	vmul.f32 v22, v20  }
0x1eb: {  	_ =	sdelay $0x2  }
0x1ec: {  	s3 =	simm.s32 $0x10;
	v17 =	vsub.f32 v28, v19;
	v18 =	vmax.f32 v25, $0.0e+00;
	v19 =	vmax.f32 v27, $0.0e+00  }
0x1ed: {  	v21 =	vld.idx.msk [tilespmem:v14+s3+$0x0 ss:$0x1], $0xffff;
	v23 =	vmul.f32 v19, v18  }
0x1ee: {  	v25 =	vld.idx.msk [tilespmem:v15+s3+$0x0 ss:$0x1], $0xffff;
	v18 =	vadd.f32 v22, v2;
	v19 =	vmax.f32 v26, $0.0e+00;
	v17 =	vmax.f32 v17, $0.0e+00  }
0x1ef: {  	v20 =	vld.idx.msk [tilespmem:v13+s3+$0x0 ss:$0x1], $0xffff;
	v22 =	vadd.f32 v22, v1;
	v24 =	vmul.f32 v17, v19  }
0x1f0: {  	v17 =	vld.idx.msk [tilespmem:v16+s3+$0x0 ss:$0x1], $0xffff;
	v18 =	vsub.f32 v18, v23  }
0x1f1: {  	v22 =	vsub.f32 v22, v24  }
0x1f2: {  	v18 =	vmax.f32 v18, $9.999999710e-10;
	v19 =	vmax.f32 v4, v21  }
0x1f3: {  	p0 =	sne.s32 s19, $0x80;
	v26 =	vmin.f32 v5, v25;
	(erf) = vrcp.f32 v18;
	v22 =	vmax.f32 v22, $9.999999710e-10  }
.Ltmp16:
0x1f4: {  	v27 =	vmin.f32 v9, v25;
	v18 =	vmax.f32 v3, v20;
	(erf) = vrcp.f32 v22;
	(pc) =	sbr.rel @!p0 .LBB2_24-.Ltmp16, $4  }
0x1f5: {  	v22 =	vsub.f32 v25, v20;
	v28 =	vsub.f32 v17, v21;
	v20 =	vmax.f32 v7, v20  }
0x1f6: {  	v21 =	vmax.f32 v8, v21;
	v26 =	vsub.f32 v26, v18;
	v25 =	vsub.f32 v27, v20  }
0x1f7: {  	v20 =	vmin.f32 v10, v17;
	v22 =	vmax.f32 v22, $0.0e+00;
	v28 =	vmax.f32 v28, $0.0e+00  }
0x1f8: {  	p3 =	por $0x1, $0x1;
	v27 =	vsub.f32 v20, v21;
	v22 =	vmul.f32 v28, v22;
	v28 =	vmin.f32 v6, v17  }
0x1f9: {  	_ =	sdelay $0x1  }
0x1fa: {  	v17 =	vsub.f32 v28, v19  }
0x1fb: {  	v18 =	vmax.f32 v25, $0.0e+00;
	s3 =	simm.s32 $0x20;
	v19 =	vmax.f32 v27, $0.0e+00  }
0x1fc: {  	v27 =	vld.idx.msk [tilespmem:v15+s3+$0x0 ss:$0x1], $0xffff;
	v20 =	vmul.f32 v19, v18;
	v18 =	vadd.f32 v22, v2;
	v17 =	vmax.f32 v17, $0.0e+00  }
0x1fd: {  	v21 =	vmax.f32 v26, $0.0e+00;
	v26 =	vmov s20;
	v25 =	vld.idx.msk [tilespmem:v13+s3+$0x0 ss:$0x1], $0xffff  }
0x1fe: {  	s4 =	sadd.s32 $0xFFFFFFFF, s20;
	v22 =	vadd.f32 v22, v1;
	v21 =	vmul.f32 v17, v21;
	v19 =	vpop (erf);
	v18 =	vsub.f32 v18, v20  }
0x1ff: {  	vm7 =	vgt.s32 v26, v0;
	v26 =	vmov s4;
	v28 =	vld.idx.msk [tilespmem:v16+s3+$0x0 ss:$0x1], $0xffff;
	v19 =	vmul.f32 v19, v23;
	v17 =	vpop (erf)  }
0x200: {  	v23 =	vld.idx.msk [tilespmem:v14+s3+$0x0 ss:$0x1], $0xffff;
	v22 =	vsub.f32 v22, v21;
	v18 =	vmax.f32 v18, $9.999999710e-10;
	v24 =	vmul.f32 v17, v24  }
0x201: {  	v29 =	vmin.f32 v9, v27;
	v19 =	vnsel vm7, $0x0, v19;
	(erf) = vrcp.f32 v18  }
0x202: {  	vm7 =	vgt.s32 v26, v0;
	v26 =	vmax.f32 v3, v25;
	v22 =	vmax.f32 v22, $9.999999710e-10  }
0x203: {  	p0 =	sne.s32 s19, $0xC0;
	v17 =	vmax.f32 v12, v19;
	v18 =	vnsel vm7, $0x0, v24;
	v24 =	vmin.f32 v5, v27  }
.Ltmp17:
0x204: {  	(erf) = vrcp.f32 v22;
	v22 =	vsub.f32 v27, v25;
	v25 =	vmax.f32 v7, v25;
	(pc) =	sbr.rel @!p0 .LBB2_26-.Ltmp17, $4  }
0x205: {  	v18 =	vmax.f32 v12, v18;
	v25 =	vsub.f32 v29, v25;
	v27 =	vsub.f32 v28, v23  }
0x206: {  	v29 =	vmin.f32 v10, v28;
	v19 =	vmax.f32 v4, v23;
	v23 =	vmax.f32 v8, v23  }
0x207: {  	v22 =	vmax.f32 v22, $0.0e+00;
	v30 =	vmax.f32 v27, $0.0e+00;
	v27 =	vsub.f32 v29, v23  }
0x208: {  	p4 =	por $0x1, $0x1;
	s4 =	simm.s32 $0xC0;
	s3 =	smov.u32 s20;
	v26 =	vsub.f32 v24, v26;
	v28 =	vmin.f32 v6, v28;
	v22 =	vmul.f32 v30, v22  }
.LBB2_27:
0x209: {  	s5 =	sshra.s32 s4, $0x2;
	v19 =	vsub.f32 v28, v19;
	v23 =	vmax.f32 v25, $0.0e+00;
	v24 =	vmax.f32 v27, $0.0e+00  }
0x20a: {  	s3 =	sadd.s32 $0xFFFFFFF0, s3;
	v25 =	vld.idx.msk [tilespmem:v13+s5+$0x0 ss:$0x1], $0xffff;
	v26 =	vmax.f32 v26, $0.0e+00;
	v23 =	vmul.f32 v24, v23;
	v24 =	vadd.f32 v22, v2;
	v27 =	vpop (erf)  }
0x20b: {  	s6 =	sadd.s32 $0xFFFFFFFF, s3;
	v31 =	vmov s3;
	v28 =	vld.idx.msk [tilespmem:v14+s5+$0x0 ss:$0x1], $0xffff;
	v19 =	vmax.f32 v19, $0.0e+00;
	v32 =	vmul.f32 v27, v20  }
0x20c: {  	s4 =	sadd.s32 $0x40, s4;
	v22 =	vadd.f32 v22, v1;
	vm7 =	vgt.s32 v31, v0;
	v29 =	vld.idx.msk [tilespmem:v15+s5+$0x0 ss:$0x1], $0xffff;
	v24 =	vsub.f32 v24, v23  }
0x20d: {  	p5 =	sne.s32 s19, s4;
	v19 =	vmul.f32 v19, v26;
	v26 =	vmov s6;
	v30 =	vld.idx.msk [tilespmem:v16+s5+$0x0 ss:$0x1], $0xffff;
	v31 =	vnsel vm7, $0x0, v32;
	v27 =	vpop (erf)  }
0x20e: {  	v20 =	vmovc v23;
	v24 =	vmax.f32 v24, $9.999999710e-10;
	v27 =	vmul.f32 v27, v21;
	v17 =	vmax.f32 v17, v31  }
0x20f: {  	vm7 =	vgt.s32 v26, v0;
	v22 =	vsub.f32 v22, v19;
	v21 =	vmovc v19;
	(erf) = vrcp.f32 v24  }
0x210: {  	v23 =	vmax.f32 v3, v25;
	v24 =	vnsel vm7, $0x0, v27  }
0x211: {  	v19 =	vmax.f32 v4, v28;
	v22 =	vmax.f32 v22, $9.999999710e-10;
	v18 =	vmax.f32 v18, v24  }
.Ltmp18:
0x212: {  	v24 =	vmin.f32 v5, v29;
	v26 =	vmin.f32 v9, v29;
	(erf) = vrcp.f32 v22;
	(pc) =	sbr.rel @p5 .LBB2_27-.Ltmp18, $4  }
0x213: {  	v22 =	vsub.f32 v29, v25;
	v27 =	vsub.f32 v30, v28;
	v25 =	vmax.f32 v7, v25  }
0x214: {  	v28 =	vmax.f32 v8, v28;
	v25 =	vsub.f32 v26, v25;
	v26 =	vmin.f32 v10, v30  }
0x215: {  	v22 =	vmax.f32 v22, $0.0e+00;
	v29 =	vmax.f32 v27, $0.0e+00;
	v27 =	vsub.f32 v26, v28  }
0x216: {  	v26 =	vsub.f32 v24, v23;
	v28 =	vmin.f32 v6, v30;
	v22 =	vmul.f32 v29, v22  }
0x217: {  	v23 =	vmov v20;
	v24 =	vmov v21  }
.LBB2_29:
0x218: {  	v3 =	vsub.f32 v28, v19  }
0x219: {  	v4 =	vmax.f32 v25, $0.0e+00;
	v5 =	vmax.f32 v27, $0.0e+00;
	v6 =	vmax.f32 v26, $0.0e+00  }
0x21a: {  	v2 =	vadd.f32 v22, v2;
	v4 =	vmul.f32 v5, v4;
	v3 =	vmax.f32 v3, $0.0e+00  }
0x21b: {  	v1 =	vadd.f32 v22, v1;
	v3 =	vmul.f32 v3, v6  }
0x21c: {  	v2 =	vsub.f32 v2, v4  }
0x21d: {  	v1 =	vsub.f32 v1, v3  }
0x21e: {  	v2 =	vmax.f32 v2, $9.999999710e-10  }
0x21f: {  	(erf) = vrcp.f32 v2;
	v1 =	vmax.f32 v1, $9.999999710e-10  }
0x220: {  	(erf) = vrcp.f32 v1;
	_ =	sdelay $0x3  }
0x221: {  	s3 =	sadd.s32 @p4 $0xFFFFFFF0, s3;
	s4 =	smov.u32 s20  }
0x222: {  	s4 =	smov.u32 @p4 s3  }
0x223: {  	s6 =	smov.u32 s20;
	s5 =	sadd.s32 @p3 $0xFFFFFFF0, s4;
	v1 =	vpop @p3 (erf)  }
0x224: {  	s3 =	sadd.s32 @p3 $0xFFFFFFFF, s4;
	s6 =	smov.u32 @p3 s5;
	v2 =	vpop @p3 (erf)  }
0x225: {  	v5 =	vmov @p3 s3;
	s8 =	sadd.s32 $0xFFFFFFFF, s6;
	v2 =	vmul.f32 @p3 v2, v24;
	v60 =	vpop (erf)  }
0x226: {  	v7 =	vmov @p3 s4;
	vm7 =	vgt.s32 @p3 v5, v0;
	v8 =	vmov s8;
	v61 =	vpop (erf)  }
0x227: {  	v1 =	vmul.f32 @p3 v1, v23;
	v2 =	vnsel @p3 vm7, $0x0, v2;
	v3 =	vmul.f32 v61, v3  }
0x228: {  	vm8 =	vgt.s32 v8, v0;
	vm7 =	vgt.s32 @p3 v7, v0;
	v2 =	vmax.f32 @p3 v18, v2  }
0x229: {  	v1 =	vnsel @p3 vm7, $0x0, v1;
	v2 =	vpsel p3, v2, v12;
	v3 =	vnsel vm8, $0x0, v3  }
0x22a: {  	v4 =	vmul.f32 v60, v4;
	v2 =	vmax.f32 v2, v3;
	v3 =	vmov s6  }
0x22b: {  	v62 =	vmpcnt.ones.xlane vm6;
	v1 =	vmax.f32 @p3 v17, v1;
	vm7 =	vgt.s32 v3, v0  }
0x22c: {  	v1 =	vpsel p3, v1, v12;
	vm6 =	vgt.f32 v2, $5.000000000e-01;
	v3 =	vnsel vm7, $0x0, v4  }
0x22d: {  	v2 =	vmpcnt.ones.xlane vm6;
	v1 =	vmax.f32 v1, v3  }
0x22e: {  	v63 =	vmpcnt.ones.xlane vm5;
	(v2sf) =	vpush v62, $0x0;
	vm5 =	vgt.f32 v1, $5.000000000e-01  }
0x22f: {  	(v2sf) =	vpush v2, $0x0;
	v1 =	vmpcnt.ones.xlane vm5  }
0x230: {  	(v2sf) =	vpush v63, $0x0  }
0x231: {  	(v2sf) =	vpush v1, $0x0;
	_ =	sdelay $0xb  }
0x232: {  	s4 =	simm.f32 $1.000000000e+00;
	s3 =	simm.f32 $2.000000000e+00;
	s11 =	spop (v2sf)  }
0x233: {  	s5 =	simm.f32 $2.000000000e+00;
	p0 =	sgt.s32 s11, $0x0;
	s14 =	spop (v2sf)  }
0x234: {  	s3 =	simm.s32 @!p0 $0x0;
	s15 =	spop (v2sf);
	p3 =	sgt.s32 s14, $0x0  }
0x235: {  	s4 =	simm.s32 @!p3 $0x0;
	p0 =	sgt.s32 s15, $0x0;
	s16 =	spop (v2sf)  }
0x236: {  	s3 =	sadd.f32 s4, s3;
	s4 =	simm.f32 $1.000000000e+00;
	p3 =	sgt.s32 s16, $0x0  }
0x237: {  	s5 =	simm.s32 @!p0 $0x0;
	s4 =	simm.s32 @!p3 $0x0  }
0x238: {  	v1 =	vmov s3;
	s4 =	sadd.f32 s4, s5  }
0x239: {  	v1 =	vnsel vm3, $0x0, v1  }
0x23a: {  	v1 =	vadd.f32 v1, v11;
	v2 =	vmov s4  }
0x23b: {  	v2 =	vnsel vm4, $0x0, v2  }
0x23c: {  	v1 =	vadd.f32 v2, v1;
	_ =	sdelay $0x1  }
0x23d: {  	s25 =	rddreg [dreg:$0x11];
	s29 =	simm.s32 $0x9400;
	[tilespmem:$0x9400] =	vst v1  }
0x23e: {  	[spmem:s25] =	stream.linear.scatter [tilespmem:s29], [sflag:$0x1], $0x10, $0x38;
	[tilespmem:$0x9680] =	vst v63  }
.Ltmp19:
0x23f: {  	_ =	swait.ge [sflag:s24], $0x10;
	(pc) =	sbr.rel @p1 .LBB2_53-.Ltmp19, $3  }
0x240: {  	[sflag:s24] =	ssyncset.done $0x0  }
0x241: {  	[sflag:s24] =	ssyncadd.s32 $0xFFFFFFF0  }
0x242: {  	[bflag:$0x0] =	sbarrier.arrive $0xFFFF;
	_ =	sdelay $0x1  }
0x243: {  	s3 =	rddreg [dreg:$0x2];
	s4 =	simm.s32 $0x9300  }
0x244: {  	[tilespmem:s4], [sflag:$0x1] =	stream.linear.gather [spmem:s3], $0x100, $0x38;
	[tilespmem:$0x9680] =	vst v63  }
.Ltmp20:
0x245: {  	s29 =	sshll.u32 s2, $0x6;
	(pc) =	sbr.rel .LBB2_31-.Ltmp20, $4  }
0x246: {  	s7 =	sshra.s32 s29, $0x2  }
0x247: {  	_ =	swait.ge [sflag:s24], $0x100;
	s3 =	sadd.s32 $0x7800, s7;
	s4 =	sadd.s32 $0x7C80, s7  }
0x248: {  	s5 =	sadd.s32 $0x8100, s7;
	s6 =	sadd.s32 $0x8580, s7;
	[sflag:s24] =	ssyncset.done $0x0  }
0x249: {  	s25 =	sadd.s32 $0x8E80, s7;
	s7 =	simm.s32 $0x0;
	[sflag:s24] =	ssyncadd.s32 $0xFFFFFF00  }
.LBB2_49:
0x24a: {  	v7 =	vmov s10;
	_ =	sdelay $0x4  }
0x24b: {  	[tilespmem:v7+s17+$0x0] =	vst.idx.msk $0x1, v3  }
0x24c: {  	[tilespmem:v7+s28+$0x0] =	vst.idx.msk $0x1, v4  }
0x24d: {  	v1 =	vbroadcast v1, $0x0;
	[tilespmem:v7+s30+$0x0] =	vst.idx.msk $0x1, v5  }
0x24e: {  	[tilespmem:v7+s31+$0x0] =	vst.idx.msk $0x1, v2  }
0x24f: {  	[tilespmem:v7+s0+$0x0] =	vst.idx.msk $0x1, v1  }
0x250: {  	s8 =	simm.s32 $0x1;
	[tilespmem:v7+s9+$0x0] =	vst.idx.msk $0x1, v6  }
.LBB2_50:
0x251: {  	s10 =	sadd.s32 s10, s8  }
.LBB2_51:
0x252: {  	s7 =	sadd.s32 $0x1, s7  }
0x253: {  	p0 =	sne.s32 s7, $0x40  }
.Ltmp21:
0x254: {  	_ = 	snop;
	(pc) =	sbr.rel @!p0 .LBB2_52-.Ltmp21, $1  }
0x255: {  	_ =	sdelay $0x3  }
.LBB2_31:
0x256: {  	s11 =	sor.u32 s1, s7;
	s8 =	sand.u32 $0xF, s7  }
0x257: {  	p0 =	seq.s32 s11, $0x0;
	p3 =	sne.s32 s8, $0x0  }
0x258: {  	p0 =	por !p0, !p3  }
0x259: {  	s8 =	simm.s32 $0xFFFFFFFF;
	p0 =	por !p0, !p0  }
0x25a: {  	s8 =	simm.s32 @!p0 $0x0  }
0x25b: {  	s8 =	sshll.u32 s8, $0x4  }
0x25c: {  	s8 =	sadd.s32 s8, s11  }
0x25d: {  	s8 =	sand.u32 $0xFFFFFFF0, s8  }
0x25e: {  	v1 =	vld [tilespmem:s8+$0x6000]  }
0x25f: {  	s14 =	sshll.u32 s7, $0x2  }
0x260: {  	s14 =	sand.u32 $0xF0, s14  }
0x261: {  	v3 =	vld [tilespmem:s14+$0x9300];
	s11 =	ssub.s32 s11, s8  }
0x262: {  	v2 =	vmov s11  }
0x263: {  	v1 =	vperm.xlane v1, v2  }
0x264: {  	s29 =	sand.u32 $0x3, s7  }
0x265: {  	v4 =	vmov s29;
	(v2sf) =	vpush v1, $0x0  }
0x266: {  	v3 =	vperm.xlane v3, v4;
	_ =	sdelay $0x1  }
0x267: {  	(v2sf) =	vpush v3, $0x0;
	_ =	sdelay $0xb  }
0x268: {  	p0 =	sgt.s32 s10, $0x3E7;
	s11 =	spop (v2sf)  }
0x269: {  	p3 =	sgt.f32 @!p0 s11, $5.000000070e-02;
	_ =	sdelay $0x1  }
0x26a: {  	s11 =	spop (v2sf);
	p3 =	por p0, !p3  }
0x26b: {  	p4 =	slt.f32 @!p3 s11, $1.500000000e+00;
	_ =	sdelay $0x1  }
0x26c: {  	p4 =	por p3, !p4  }
.Ltmp22:
0x26d: {  	_ = 	snop;
	(pc) =	sbr.rel @p4 .LBB2_32-.Ltmp22, $1  }
0x26e: {  	_ =	sdelay $0x3  }
0x26f: {  	v3 =	vld [tilespmem:s8+$0x0]  }
0x270: {  	v4 =	vld [tilespmem:s8+$0x1800]  }
0x271: {  	v5 =	vld [tilespmem:s8+$0x3000]  }
0x272: {  	v6 =	vld [tilespmem:s8+$0x4800];
	_ =	sdelay $0x3  }
0x273: {  	v3 =	vperm.xlane v3, v2;
	v4 =	vperm.xlane v4, v2  }
0x274: {  	p0 =	sgt.f32 s11, $5.000000000e-01;
	v5 =	vperm.xlane v5, v2;
	v2 =	vperm.xlane v6, v2  }
.Ltmp23:
0x275: {  	_ = 	snop;
	(pc) =	sbr.rel @!p0 .LBB2_49-.Ltmp23, $3  }
0x276: {  	v6 =	vsub.f32 v5, v3;
	v7 =	vsub.f32 v2, v4;
	_ =	sdelay $0x1  }
0x277: {  	v6 =	vmax.f32 v6, $0.0e+00;
	v7 =	vmax.f32 v7, $0.0e+00  }
0x278: {  	v6 =	vmul.f32 v7, v6  }
0x279: {  	s8 =	sadd.s32 $0xF, s10  }
0x27a: {  	s11 =	sand.u32 $0xF, s8  }
0x27b: {  	p3 =	slt.s32 s10, $0xFFFFFFF2;
	s29 =	sshra.s32 s8, $0x1F;
	p0 =	sne.s32 s11, $0x0  }
0x27c: {  	s11 =	sshrl.u32 s29, $0x1C;
	p0 =	por !p3, !p0  }
0x27d: {  	s8 =	sadd.s32 s11, s8;
	s11 =	simm.s32 $0x1;
	p0 =	por !p0, !p0  }
0x27e: {  	s8 =	sshra.s32 s8, $0x4;
	s11 =	simm.s32 @!p0 $0x0  }
0x27f: {  	s11 =	ssub.s32 s8, s11  }
0x280: {  	p0 =	sge.s32 s2, s11  }
.Ltmp24:
0x281: {  	_ = 	snop;
	(pc) =	sbr.rel @p0 .LBB2_48-.Ltmp24, $2  }
0x282: {  	_ =	sdelay $0x2  }
0x283: {  	v7 =	vimm.f32 $0.0e+00;
	vm5 =	vmmov vm0  }
0x284: {  	s8 =	sadd.s32 $0x1, s2  }
0x285: {  	p0 =	slt.s32 s8, s11  }
.Ltmp25:
0x286: {  	_ = 	snop;
	(pc) =	sbr.rel @!p0 .LBB2_36-.Ltmp25, $4  }
0x287: {  	v10 =	vld [tilespmem:s3+$0x0]  }
0x288: {  	v9 =	vld [tilespmem:s6+$0x0]  }
0x289: {  	v8 =	vld [tilespmem:s5+$0x0];
	p3 =	por $0x0, $0x0  }
0x28a: {  	v21 =	vld [tilespmem:s4+$0x0];
	p4 =	por $0x0, $0x0;
	p5 =	por $0x0, $0x0;
	p6 =	por $0x0, $0x0  }
0x28b: {  	s17 =	sadd.s32 $0x1, s8  }
0x28c: {  	p0 =	slt.s32 s17, s11  }
.Ltmp26:
0x28d: {  	v15 =	vld [tilespmem:s25+$0x0];
	s14 =	sadd.s32 $0x10, s3;
	(pc) =	sbr.rel @!p0 .LBB2_38-.Ltmp26, $4  }
0x28e: {  	s29 =	sadd.s32 $0x10, s6;
	v18 =	vld [tilespmem:s14+$0x0];
	v10 =	vmax.f32 v3, v10;
	v8 =	vmin.f32 v5, v8  }
0x28f: {  	s16 =	sadd.s32 $0x10, s5;
	v19 =	vld [tilespmem:s29+$0x0];
	v10 =	vsub.f32 v8, v10  }
0x290: {  	s28 =	sadd.s32 $0x10, s4;
	v9 =	vmin.f32 v2, v9;
	v8 =	vld [tilespmem:s16+$0x0];
	v12 =	vmax.f32 v4, v21  }
0x291: {  	s8 =	sadd.s32 $0x10, s25;
	p3 =	por $0x1, $0x1;
	v21 =	vld [tilespmem:s28+$0x0];
	v16 =	vsub.f32 v9, v12;
	v11 =	vmax.f32 v10, $0.0e+00  }
0x292: {  	s17 =	sadd.s32 $0x1, s17  }
0x293: {  	p0 =	slt.s32 s17, s11  }
.Ltmp27:
0x294: {  	v14 =	vld [tilespmem:s8+$0x0];
	s15 =	sadd.s32 $0x10, s14;
	(pc) =	sbr.rel @!p0 .LBB2_40-.Ltmp27, $4  }
0x295: {  	s14 =	sadd.s32 $0x10, s29;
	v10 =	vld [tilespmem:s15+$0x0];
	v9 =	vmax.f32 v16, $0.0e+00;
	v13 =	vmax.f32 v3, v18;
	v8 =	vmin.f32 v5, v8  }
0x296: {  	v15 =	vadd.f32 v15, v6;
	s16 =	sadd.s32 $0x10, s16;
	v12 =	vld [tilespmem:s14+$0x0];
	v9 =	vmul.f32 v9, v11;
	v11 =	vsub.f32 v8, v13  }
0x297: {  	s29 =	sadd.s32 $0x10, s28;
	v8 =	vld [tilespmem:s16+$0x0];
	v13 =	vmin.f32 v2, v19;
	v16 =	vmax.f32 v4, v21  }
0x298: {  	s8 =	sadd.s32 $0x10, s8;
	p4 =	por $0x1, $0x1;
	v21 =	vld [tilespmem:s29+$0x0];
	v17 =	vsub.f32 v15, v9;
	v16 =	vsub.f32 v13, v16;
	v11 =	vmax.f32 v11, $0.0e+00  }
0x299: {  	s17 =	sadd.s32 $0x1, s17  }
0x29a: {  	p0 =	slt.s32 s17, s11  }
.Ltmp28:
0x29b: {  	v15 =	vld [tilespmem:s8+$0x0];
	s15 =	sadd.s32 $0x10, s15;
	v13 =	vadd.f32 v14, v6;
	(pc) =	sbr.rel @!p0 .LBB2_42-.Ltmp28, $4  }
0x29c: {  	s14 =	sadd.s32 $0x10, s14;
	v18 =	vld [tilespmem:s15+$0x0];
	v14 =	vmax.f32 v16, $0.0e+00;
	v16 =	vmax.f32 v3, v10;
	v8 =	vmin.f32 v5, v8  }
0x29d: {  	s28 =	sadd.s32 $0x10, s16;
	v17 =	vmax.f32 v17, $9.999999710e-10;
	v19 =	vld [tilespmem:s14+$0x0];
	v10 =	vmul.f32 v14, v11;
	v11 =	vsub.f32 v8, v16  }
0x29e: {  	s29 =	sadd.s32 $0x10, s29;
	(erf) = vrcp.f32 v17;
	v14 =	vmin.f32 v2, v12;
	v8 =	vld [tilespmem:s28+$0x0];
	v16 =	vmax.f32 v4, v21  }
0x29f: {  	s8 =	sadd.s32 $0x10, s8;
	p5 =	por $0x1, $0x1;
	v21 =	vld [tilespmem:s29+$0x0];
	v12 =	vsub.f32 v13, v10;
	v16 =	vsub.f32 v14, v16;
	v11 =	vmax.f32 v11, $0.0e+00  }
0x2a0: {  	_ =	sdelay $0x1  }
0x2a1: {  	s16 =	sadd.s32 $0x10, s14;
	s14 =	sadd.s32 $0x1, s17  }
0x2a2: {  	v14 =	vadd.f32 v15, v6;
	p0 =	slt.s32 s14, s11  }
.Ltmp29:
0x2a3: {  	v15 =	vld [tilespmem:s8+$0x0];
	s15 =	sadd.s32 $0x10, s15;
	v13 =	vmax.f32 v16, $0.0e+00;
	v16 =	vmax.f32 v3, v18;
	v17 =	vmax.f32 v12, $9.999999710e-10;
	(pc) =	sbr.rel @!p0 .LBB2_44-.Ltmp29, $4  }
0x2a4: {  	v18 =	vld [tilespmem:s15+$0x0];
	v13 =	vmul.f32 v13, v11;
	(erf) = vrcp.f32 v17;
	v8 =	vmin.f32 v5, v8  }
0x2a5: {  	s17 =	sadd.s32 $0x10, s28;
	v23 =	vld [tilespmem:s16+$0x0];
	v11 =	vsub.f32 v8, v16;
	v16 =	vmin.f32 v2, v19;
	v19 =	vmax.f32 v4, v21  }
0x2a6: {  	s28 =	sadd.s32 $0x10, s29;
	v8 =	vld [tilespmem:s17+$0x0];
	v17 =	vsub.f32 v14, v13;
	v16 =	vsub.f32 v16, v19;
	v14 =	vpop (erf)  }
0x2a7: {  	s8 =	sadd.s32 $0x10, s8;
	p6 =	por $0x1, $0x1;
	v22 =	vmovc v10;
	v21 =	vld [tilespmem:s28+$0x0];
	v11 =	vmax.f32 v11, $0.0e+00;
	v20 =	vmul.f32 v14, v9;
	v14 =	vimm.f32 $0.0e+00  }
.LBB2_45:
0x2a8: {  	s14 =	sadd.s32 $0x1, s14  }
0x2a9: {  	s15 =	sadd.s32 $0x10, s15;
	v19 =	vadd.f32 v15, v6;
	v15 =	vld [tilespmem:s8+$0x0];
	v25 =	vmax.f32 v17, $9.999999710e-10;
	v24 =	vmov v18;
	p0 =	slt.s32 s14, s11  }
.Ltmp30:
0x2aa: {  	s16 =	sadd.s32 $0x10, s16;
	v18 =	vld [tilespmem:s15+$0x0];
	v16 =	vmax.f32 v16, $0.0e+00;
	(erf) = vrcp.f32 v25;
	v14 =	vmax.f32 v14, v20;
	v17 =	vmovc v23;
	(pc) =	sbr.rel @p0 .LBB2_45-.Ltmp30, $4  }
0x2ab: {  	s17 =	sadd.s32 $0x10, s17;
	v24 =	vmax.f32 v3, v24;
	v23 =	vld [tilespmem:s16+$0x0];
	v20 =	vmin.f32 v5, v8;
	v25 =	vmul.f32 v16, v11  }
0x2ac: {  	s28 =	sadd.s32 $0x10, s28;
	v16 =	vmin.f32 v2, v17;
	v8 =	vld [tilespmem:s17+$0x0];
	v11 =	vsub.f32 v20, v24  }
0x2ad: {  	v20 =	vmax.f32 v4, v21;
	v21 =	vld [tilespmem:s28+$0x0];
	v17 =	vsub.f32 v19, v25;
	v19 =	vpop (erf)  }
0x2ae: {  	s8 =	sadd.s32 $0x10, s8;
	v16 =	vsub.f32 v16, v20;
	v11 =	vmax.f32 v11, $0.0e+00;
	v20 =	vmul.f32 v19, v22;
	v22 =	vmovc v13;
	v13 =	vmovc v25  }
0x2af: {  	_ = 	snop  }
0x2b0: {  	s17 =	simm.s32 $0x7800;
	s28 =	simm.s32 $0x7C80;
	v19 =	vmov v23  }
.LBB2_47:
0x2b1: {  	v23 =	vld [tilespmem:s8+$0x0];
	v16 =	vmax.f32 @p3 v16, $0.0e+00;
	v8 =	vmin.f32 v5, v8  }
0x2b2: {  	v18 =	vmax.f32 v3, v18;
	v59 =	vmin.f32 v2, v19;
	v60 =	vmax.f32 v4, v21  }
0x2b3: {  	v11 =	vmul.f32 @p3 v16, v11;
	v8 =	vsub.f32 v8, v18;
	v16 =	vsub.f32 v59, v60  }
0x2b4: {  	v15 =	vadd.f32 @p3 v15, v6  }
0x2b5: {  	v8 =	vmax.f32 v8, $0.0e+00;
	v16 =	vmax.f32 v16, $0.0e+00  }
0x2b6: {  	v15 =	vsub.f32 @p3 v15, v11;
	v61 =	vadd.f32 v23, v6;
	v8 =	vmul.f32 v16, v8  }
0x2b7: {  	v17 =	vmax.f32 @p4 v17, $9.999999710e-10  }
0x2b8: {  	(erf) = vrcp.f32 @p4 v17;
	v12 =	vpsel p3, v15, v12;
	v62 =	vsub.f32 v61, v8  }
0x2b9: {  	v12 =	vmax.f32 @p3 v12, $9.999999710e-10  }
0x2ba: {  	(erf) = vrcp.f32 @p3 v12;
	v12 =	vmax.f32 v62, $9.999999710e-10;
	_ =	sdelay $0x2  }
0x2bb: {  	(erf) = vrcp.f32 v12;
	v12 =	vpop @p5 (erf)  }
0x2bc: {  	v12 =	vmul.f32 @p5 v12, v22;
	_ =	sdelay $0x1  }
0x2bd: {  	v12 =	vpsel p5, v12, v0  }
0x2be: {  	v14 =	vmax.f32 @p6 v14, v20;
	v9 =	vpsel p4, v13, v9;
	v15 =	vpop @p4 (erf)  }
0x2bf: {  	v10 =	vpsel p3, v11, v10;
	v11 =	vpsel p6, v14, v7;
	v9 =	vmul.f32 @p4 v15, v9  }
0x2c0: {  	v10 =	vpsel p3, v10, v0;
	v11 =	vmax.f32 @p5 v11, v12;
	v12 =	vpop @p3 (erf)  }
0x2c1: {  	v9 =	vpsel p4, v9, v0;
	v11 =	vpsel p5, v11, v7;
	v10 =	vmul.f32 @p3 v12, v10  }
0x2c2: {  	v9 =	vmax.f32 @p4 v11, v9  }
0x2c3: {  	v9 =	vpsel p4, v9, v7;
	v63 =	vpop (erf);
	v10 =	vpsel p3, v10, v0  }
0x2c4: {  	v8 =	vmul.f32 v63, v8;
	v9 =	vmax.f32 @p3 v9, v10  }
0x2c5: {  	v7 =	vpsel p3, v9, v7  }
0x2c6: {  	v7 =	vmax.f32 v7, v8  }
0x2c7: {  	vm5 =	vgt.f32 v7, $5.000000000e-01  }
.LBB2_48:
0x2c8: {  	v7 =	vmpcnt.ones.xlane vm5;
	_ =	sdelay $0x1  }
0x2c9: {  	(v2sf) =	vpush v7, $0x0;
	_ =	sdelay $0xe  }
0x2ca: {  	s8 =	spop (v2sf)  }
0x2cb: {  	p0 =	sgt.s32 s8, $0x0  }
.Ltmp31:
0x2cc: {  	_ = 	snop;
	(pc) =	sbr.rel @p0 .LBB2_50-.Ltmp31, $4  }
.Ltmp32:
0x2cd: {  	_ = 	snop;
	(pc) =	sbr.rel @!p0 .LBB2_49-.Ltmp32, $4  }
0x2ce: {  	_ = 	snop  }
0x2cf: {  	_ = 	snop  }
0x2d0: {  	s8 =	simm.s32 $0x0  }
0x2d1: {  	_ = 	snop  }
.LBB2_32:
.Ltmp33:
0x2d2: {  	(pc) =	sbr.rel .LBB2_51-.Ltmp33, $4  }
0x2d3: {  	_ = 	snop  }
0x2d4: {  	s8 =	smov.u32 s10  }
0x2d5: {  	s8 =	smov.u32 @p0 s10  }
0x2d6: {  	s10 =	smov.u32 @p3 s8  }
.LBB2_36:
.Ltmp34:
0x2d7: {  	(pc) =	sbr.rel .LBB2_47-.Ltmp34, $2  }
0x2d8: {  	_ =	sdelay $0x2  }
0x2d9: {  	s8 =	smov.u32 s25;
	v14 =	vimm.f32 $0.0e+00;
	v18 =	vmov v10;
	v19 =	vmov v9  }
.LBB2_38:
.Ltmp35:
0x2da: {  	(pc) =	sbr.rel .LBB2_47-.Ltmp35, $2  }
0x2db: {  	_ =	sdelay $0x2  }
0x2dc: {  	v14 =	vimm.f32 $0.0e+00;
	s17 =	simm.s32 $0x7800;
	s28 =	simm.s32 $0x7C80  }
.LBB2_40:
.Ltmp36:
0x2dd: {  	(pc) =	sbr.rel .LBB2_47-.Ltmp36, $2  }
0x2de: {  	_ =	sdelay $0x2  }
0x2df: {  	v13 =	vmovc v9;
	v15 =	vmovc v14;
	v14 =	vimm.f32 $0.0e+00;
	s17 =	simm.s32 $0x7800;
	s28 =	simm.s32 $0x7C80;
	v18 =	vmov v10;
	v19 =	vmov v12  }
.LBB2_42:
.Ltmp37:
0x2e0: {  	(pc) =	sbr.rel .LBB2_47-.Ltmp37, $2  }
0x2e1: {  	_ =	sdelay $0x2  }
0x2e2: {  	v14 =	vimm.f32 $0.0e+00;
	v22 =	vmovc v9;
	v13 =	vmov v10;
	s17 =	simm.s32 $0x7800;
	s28 =	simm.s32 $0x7C80;
	v17 =	vmov v12  }
.LBB2_44:
.Ltmp38:
0x2e3: {  	(pc) =	sbr.rel .LBB2_47-.Ltmp38, $2  }
0x2e4: {  	_ =	sdelay $0x2  }
0x2e5: {  	v14 =	vimm.f32 $0.0e+00;
	v22 =	vmov v10;
	s17 =	simm.s32 $0x7800;
	s28 =	simm.s32 $0x7C80;
	v19 =	vmov v23  }
.LBB2_10:
.Ltmp39:
0x2e6: {  	(pc) =	sbr.rel .LBB2_17-.Ltmp39, $2  }
0x2e7: {  	_ =	sdelay $0x2  }
0x2e8: {  	v15 =	vimm.f32 $0.0e+00;
	s3 =	smov.u32 s18;
	v14 =	vimm.f32 $0.0e+00  }
.LBB2_22:
.Ltmp40:
0x2e9: {  	(pc) =	sbr.rel .LBB2_29-.Ltmp40, $2  }
0x2ea: {  	_ =	sdelay $0x2  }
0x2eb: {  	s3 =	smov.u32 s20;
	v17 =	vimm.f32 $0.0e+00;
	v18 =	vimm.f32 $0.0e+00  }
.LBB2_12:
.Ltmp41:
0x2ec: {  	(pc) =	sbr.rel .LBB2_17-.Ltmp41, $2  }
0x2ed: {  	_ =	sdelay $0x2  }
0x2ee: {  	v15 =	vimm.f32 $0.0e+00;
	s3 =	smov.u32 s18;
	v14 =	vimm.f32 $0.0e+00  }
.LBB2_24:
.Ltmp42:
0x2ef: {  	(pc) =	sbr.rel .LBB2_29-.Ltmp42, $2  }
0x2f0: {  	_ =	sdelay $0x2  }
0x2f1: {  	s3 =	smov.u32 s20;
	v17 =	vimm.f32 $0.0e+00;
	v18 =	vimm.f32 $0.0e+00  }
.LBB2_14:
.Ltmp43:
0x2f2: {  	(pc) =	sbr.rel .LBB2_17-.Ltmp43, $2  }
0x2f3: {  	_ =	sdelay $0x2  }
0x2f4: {  	v17 =	vmov v19;
	v15 =	vimm.f32 $0.0e+00;
	s3 =	smov.u32 s18;
	v19 =	vmov v20  }
.LBB2_26:
.Ltmp44:
0x2f5: {  	(pc) =	sbr.rel .LBB2_29-.Ltmp44, $2  }
0x2f6: {  	_ =	sdelay $0x2  }
0x2f7: {  	s3 =	smov.u32 s20;
	v23 =	vmov v20;
	v24 =	vmov v21  }
.LBB2_54:
0x2f8: {  	s5 =	stileid.u32  }
0x2f9: {  	p0 =	sne.s32 s5, $0x0  }
0x2fa: {  	s2 =	rddreg [dreg:$0xe];
	s0 =	simm.s32 @!p0 $0x0;
	s1 =	simm.s32 @!p0 $0x7800  }
0x2fb: {  	[hbm4b:s2+s0] =	stream.linear.scatter @!p0 [tilespmem:s1], [sflag:$0x1], $0x400, $0x38;
	[tilespmem:$0x9680] =	vst v63  }
0x2fc: {  	s1 =	simm.s32 @!p0 $0x1  }
0x2fd: {  	_ =	swait.ge @!p0 [sflag:s1], $0x400  }
0x2fe: {  	[sflag:s1] =	ssyncset.done @!p0 $0x0  }
0x2ff: {  	s2 =	simm.s32 @!p0 $0x7C80;
	s3 =	rddreg [dreg:$0xd];
	[sflag:s1] =	ssyncadd.s32 @!p0 $0xFFFFFC00  }
0x300: {  	[hbm4b:s3+s0] =	stream.linear.scatter @!p0 [tilespmem:s2], [sflag:$0x1], $0x400, $0x38;
	[tilespmem:$0x9680] =	vst v63  }
0x301: {  	_ =	swait.ge @!p0 [sflag:s1], $0x400  }
0x302: {  	[sflag:s1] =	ssyncset.done @!p0 $0x0  }
0x303: {  	s2 =	simm.s32 @!p0 $0x8100;
	s3 =	rddreg [dreg:$0xc];
	[sflag:s1] =	ssyncadd.s32 @!p0 $0xFFFFFC00  }
0x304: {  	[hbm4b:s3+s0] =	stream.linear.scatter @!p0 [tilespmem:s2], [sflag:$0x1], $0x400, $0x38;
	[tilespmem:$0x9680] =	vst v63  }
0x305: {  	_ =	swait.ge @!p0 [sflag:s1], $0x400  }
0x306: {  	[sflag:s1] =	ssyncset.done @!p0 $0x0  }
0x307: {  	s2 =	simm.s32 @!p0 $0x8580;
	s3 =	rddreg [dreg:$0xb];
	[sflag:s1] =	ssyncadd.s32 @!p0 $0xFFFFFC00  }
0x308: {  	[hbm4b:s3+s0] =	stream.linear.scatter @!p0 [tilespmem:s2], [sflag:$0x1], $0x400, $0x38;
	[tilespmem:$0x9680] =	vst v63  }
0x309: {  	_ =	swait.ge @!p0 [sflag:s1], $0x400  }
0x30a: {  	[sflag:s1] =	ssyncset.done @!p0 $0x0  }
0x30b: {  	s2 =	simm.s32 @!p0 $0x8A00;
	s3 =	rddreg [dreg:$0xa];
	[sflag:s1] =	ssyncadd.s32 @!p0 $0xFFFFFC00  }
0x30c: {  	[hbm4b:s3+s0] =	stream.linear.scatter @!p0 [tilespmem:s2], [sflag:$0x1], $0x400, $0x38;
	[tilespmem:$0x9680] =	vst v63  }
0x30d: {  	_ =	swait.ge @!p0 [sflag:s1], $0x400  }
0x30e: {  	[sflag:s1] =	ssyncset.done @!p0 $0x0  }
0x30f: {  	[sflag:s1] =	ssyncadd.s32 @!p0 $0xFFFFFC00  }
0x310: {  	s3 =	rddreg [dreg:$0x9]  }
.LBB2_55:
0x311: {  	_ =	sfence.sel $0x180000  }
0x312: {  	[bflag:$0x0] =	sbarrier.arrive $0xFFFF  }
0x313: {  	p0 =	sne.s32 s5, $0x0;
	_ =	strace $0x9000004D  }
0x314: {  	s0 =	sadd.s32 @!p0 $0x100000, s3;
	[bflag:$0x2] =	sbarrier.arrive $0xFFFF  }
0x315: {  	[sflag:s0] =	ssyncadd.tile.s32 @!p0 $0x1;
	_ =	shalt  }
.Lfunc_end2:
_tile_overlayer_lowered:
.L_overlay_start_2:
0x316: {  	(tag) =	ssettag $0x2  }
0x317: {  	s0 =	rddreg [dreg:$0x0];
	s2 =	stileid.u32  }
0x318: {  	s1 =	rddreg [dreg:$0x1];
	p0 =	sne.s32 s2, $0x0  }
0x319: {  	s3 =	rddreg [dreg:$0x2];
	[bflag:$0x3] =	sbarrier.arrive $0xFFFF;
	s2 =	simm.s32 @!p0 $0x1C01  }
0x31a: {  	[timem:s3], [sflag:s2] =	dma.local @!p0 [hbm:s0], s1  }
0x31b: {  	s0 =	simm.s32 @!p0 $0x1  }
0x31c: {  	_ =	swait.ge @!p0 [sflag:s0], s1  }
0x31d: {  	s1 =	ssub.s32 @!p0 $0x0, s1;
	[sflag:s0] =	ssyncset.done @!p0 $0x0  }
0x31e: {  	[sflag:s0] =	ssyncadd.s32 @!p0 s1  }
0x31f: {  	[bflag:$0x3] =	sbarrier.arrive $0xFFFF  }
0x320: {  	_ =	shalt  }

</sc_bundles>
